<compile_context>
chip_gen: v7x
topology: tpu7x:2x2x1
jax: 0.10.2.dev20260603
libtpu: 0.0.44.dev20260713+nightly
codegen_flags: <defaults>
</compile_context>

<pallas_src>
import functools

import jax
import jax.numpy as jnp
from jax import lax
from jax.experimental import pallas as pl
from jax.experimental.pallas import tpu as pltpu
from jax.experimental.pallas import tpu_sc as plsc

N = 10000
E = 320000
D_IN = 128
D_H = 256
HALF = 128
N_CLASSES = 10
N_GRAPHS = 64

NC = 2
NS = 16
EPW = E // NS
K = 40
NCHUNK = EPW // K
NBUF = 5
GD = 4
NI = 10
IDL = 8
RPT = 632
RPT_LAST = N - (NS - 1) * RPT

BR = 2000
NBLK = N // BR


def _rowwise_copy(c, s, srcs, dsts, sem=None, mode="sync"):
    base = pl.multiple_of(s * RPT, 8)
    for cid in (0, 1):
        for sz, b in ((RPT, base), (RPT_LAST, (NS - 1) * RPT)):
            is_last = sz == RPT_LAST

            @pl.when((c == cid) & ((s == NS - 1) == is_last))
            def _(cid=cid, sz=sz, b=b):
                if mode == "sync":
                    pltpu.sync_copy(srcs[cid].at[pl.ds(b, sz)],
                                    dsts[cid].at[pl.ds(b, sz)])
                else:
                    d = pltpu.make_async_copy(srcs[cid].at[pl.ds(b, sz)],
                                              dsts[cid].at[pl.ds(b, sz)],
                                              sem)
                    d.start() if mode == "start" else d.wait()


def _sc_segsum_body(hA, hB, src, dst, zA, zB, acc, *bufs):
    rows = bufs[:NBUF]
    sidx = bufs[NBUF:NBUF + NI]
    didx = bufs[NBUF + NI]
    gsem = bufs[NBUF + NI + 1:2 * NBUF + NI + 1]
    ssem = bufs[2 * NBUF + NI + 1:3 * NBUF + NI + 1]
    isem = bufs[3 * NBUF + NI + 1:3 * NBUF + 2 * NI + 1]
    dsem = bufs[3 * NBUF + 2 * NI + 1]
    c = lax.axis_index("c")
    s = lax.axis_index("s")

    def i_descs(jc, bi):
        off = pl.multiple_of(s * EPW + jc * K, 8)
        return (pltpu.make_async_copy(src.at[pl.ds(off, K)], sidx[bi],
                                      isem[bi]),)

    def g_desc(table, jc, b, bi):
        return pltpu.make_async_copy(table.at[sidx[bi]], rows[b], gsem[b])

    def s_desc(jc, b, bi):
        off = pl.multiple_of(jc * K, 8)
        return pltpu.make_async_copy(rows[b], acc.at[didx.at[pl.ds(off, K)]],
                                     ssem[b])

    def issue_gather(jc, b, bi):
        for d in i_descs(jc, bi):
            d.wait()

        @pl.when(c == 0)
        def _():
            g_desc(hA, jc, b, bi).start()

        @pl.when(c == 1)
        def _():
            g_desc(hB, jc, b, bi).start()

    ebase = pl.multiple_of(s * EPW, 8)
    dcp = pltpu.async_copy(dst.at[pl.ds(ebase, EPW)], didx, dsem)
    _rowwise_copy(c, s, (hA, hB), (acc, acc), sem=dsem, mode="start")
    for bi in range(IDL):
        for d in i_descs(bi, bi):
            d.start()
    dcp.wait()
    _rowwise_copy(c, s, (hA, hB), (acc, acc), sem=dsem, mode="wait")
    for b in range(GD):
        issue_gather(b, b, b)

    plsc.subcore_barrier()

    @pl.loop(0, NCHUNK, step=NI)
    def _(j):
        for b0 in range(NI):
            jc = j + b0
            b = b0 % NBUF
            b2 = (b0 + GD) % NBUF
            bi2 = (b0 + GD) % NI
            bi3 = (b0 + IDL) % NI

            @pl.when(jc + GD < NCHUNK)
            def _():
                @pl.when(jc + GD >= NBUF)
                def _():
                    s_desc(jc + GD - NBUF, b2, (b0 + GD - NBUF) % NI).wait()

                issue_gather(jc + GD, b2, bi2)

            g_desc(hA, jc, b, b0).wait()
            s_desc(jc, b, b0).start(add=True)

            @pl.when(jc + IDL < NCHUNK)
            def _():
                for d in i_descs(jc + IDL, bi3):
                    d.start()

    for b0 in range(NBUF):
        jc_last = NCHUNK - NBUF + b0
        s_desc(jc_last, jc_last % NBUF, jc_last % NI).wait()

    plsc.subcore_barrier()

    _rowwise_copy(c, s, (acc, acc), (zA, zB))


@functools.cache
def _sc_segsum_call():
    return pl.kernel(
        _sc_segsum_body,
        out_type=(
            jax.ShapeDtypeStruct((N, HALF), jnp.float32),
            jax.ShapeDtypeStruct((N, HALF), jnp.float32),
        ),
        mesh=plsc.VectorSubcoreMesh(core_axis_name="c", subcore_axis_name="s"),
        scratch_types=(
            [pltpu.VMEM_SHARED((N, HALF), jnp.float32)]
            + [pltpu.VMEM((K, HALF), jnp.float32) for _ in range(NBUF)]
            + [pltpu.VMEM((K,), jnp.int32) for _ in range(NI)]
            + [pltpu.VMEM((EPW,), jnp.int32)]
            + [pltpu.SemaphoreType.DMA for _ in range(2 * NBUF + NI + 1)]
        ),
    )


def _sc_segsum(hA, hB, src, dst):
    return _sc_segsum_call()(hA, hB, src, dst)


def _enc_body(x_ref, w1, b1, w2, b2, oa, ob):
    h = jnp.maximum(jnp.dot(x_ref[...], w1[...],
                            preferred_element_type=jnp.float32) + b1[...], 0.0)
    h = jnp.maximum(jnp.dot(h, w2[...],
                            preferred_element_type=jnp.float32) + b2[...], 0.0)
    oa[...] = h[:, :HALF]
    ob[...] = h[:, HALF:]


def _enc(x, W1, b1, W2, b2):
    return pl.pallas_call(
        _enc_body,
        grid=(NBLK,),
        in_specs=[
            pl.BlockSpec((BR, D_IN), lambda i: (i, 0)),
            pl.BlockSpec((D_IN, D_H), lambda i: (0, 0)),
            pl.BlockSpec((D_H,), lambda i: (0,)),
            pl.BlockSpec((D_H, D_H), lambda i: (0, 0)),
            pl.BlockSpec((D_H,), lambda i: (0,)),
        ],
        out_specs=[
            pl.BlockSpec((BR, HALF), lambda i: (i, 0)),
            pl.BlockSpec((BR, HALF), lambda i: (i, 0)),
        ],
        out_shape=[
            jax.ShapeDtypeStruct((N, HALF), jnp.float32),
            jax.ShapeDtypeStruct((N, HALF), jnp.float32),
        ],
    )(x, W1, b1, W2, b2)


def _mlp_body(za, zb, w1, b1, w2, b2, oa, ob):
    w1v = w1[...]
    t = (jnp.dot(za[...], w1v[:HALF], preferred_element_type=jnp.float32)
         + jnp.dot(zb[...], w1v[HALF:], preferred_element_type=jnp.float32)
         + b1[...])
    t = jnp.maximum(t, 0.0)
    o = jnp.dot(t, w2[...], preferred_element_type=jnp.float32) + b2[...]
    oa[...] = o[:, :HALF]
    ob[...] = o[:, HALF:]


def _mlp(za, zb, W1, b1, W2, b2):
    return pl.pallas_call(
        _mlp_body,
        grid=(NBLK,),
        in_specs=[
            pl.BlockSpec((BR, HALF), lambda i: (i, 0)),
            pl.BlockSpec((BR, HALF), lambda i: (i, 0)),
            pl.BlockSpec((D_H, D_H), lambda i: (0, 0)),
            pl.BlockSpec((D_H,), lambda i: (0,)),
            pl.BlockSpec((D_H, D_H), lambda i: (0, 0)),
            pl.BlockSpec((D_H,), lambda i: (0,)),
        ],
        out_specs=[
            pl.BlockSpec((BR, HALF), lambda i: (i, 0)),
            pl.BlockSpec((BR, HALF), lambda i: (i, 0)),
        ],
        out_shape=[
            jax.ShapeDtypeStruct((N, HALF), jnp.float32),
            jax.ShapeDtypeStruct((N, HALF), jnp.float32),
        ],
    )(za, zb, W1, b1, W2, b2)


def _final_body(za, zb, w1, b1, w2, b2, batch_ref, wl1, bl1, wl2, bl2,
                out_ref, pooled):
    i = pl.program_id(0)
    w1v = w1[...]
    t = (jnp.dot(za[...], w1v[:HALF], preferred_element_type=jnp.float32)
         + jnp.dot(zb[...], w1v[HALF:], preferred_element_type=jnp.float32)
         + b1[...])
    t = jnp.maximum(t, 0.0)
    h3 = jnp.dot(t, w2[...], preferred_element_type=jnp.float32) + b2[...]

    b_ids = batch_ref[0, 0, :]
    gids = lax.broadcasted_iota(jnp.int32, (N_GRAPHS, BR), 0)
    onehot = (b_ids[None, :] == gids).astype(jnp.float32)
    part = jnp.dot(onehot, h3, preferred_element_type=jnp.float32)

    @pl.when(i == 0)
    def _():
        pooled[...] = part

    @pl.when(i > 0)
    def _():
        pooled[...] = pooled[...] + part

    @pl.when(i == NBLK - 1)
    def _():
        p = jnp.maximum(jnp.dot(pooled[...], wl1[...],
                                preferred_element_type=jnp.float32) + bl1[...],
                        0.0)
        out_ref[...] = jnp.dot(p, wl2[...],
                               preferred_element_type=jnp.float32) + bl2[...]


def _final(za, zb, W1, b1, W2, b2, batch3, Wl1, bl1, Wl2, bl2):
    return pl.pallas_call(
        _final_body,
        grid=(NBLK,),
        in_specs=[
            pl.BlockSpec((BR, HALF), lambda i: (i, 0)),
            pl.BlockSpec((BR, HALF), lambda i: (i, 0)),
            pl.BlockSpec((D_H, D_H), lambda i: (0, 0)),
            pl.BlockSpec((D_H,), lambda i: (0,)),
            pl.BlockSpec((D_H, D_H), lambda i: (0, 0)),
            pl.BlockSpec((D_H,), lambda i: (0,)),
            pl.BlockSpec((1, 1, BR), lambda i: (i, 0, 0)),
            pl.BlockSpec((D_H, D_H), lambda i: (0, 0)),
            pl.BlockSpec((D_H,), lambda i: (0,)),
            pl.BlockSpec((D_H, N_CLASSES), lambda i: (0, 0)),
            pl.BlockSpec((N_CLASSES,), lambda i: (0,)),
        ],
        out_specs=pl.BlockSpec((N_GRAPHS, N_CLASSES), lambda i: (0, 0)),
        out_shape=jax.ShapeDtypeStruct((N_GRAPHS, N_CLASSES), jnp.float32),
        scratch_shapes=[pltpu.VMEM((N_GRAPHS, D_H), jnp.float32)],
    )(za, zb, W1, b1, W2, b2, batch3, Wl1, bl1, Wl2, bl2)


def kernel(x, edge_index, batch, We1, be1, We2, be2, Wc0a, bc0a, Wc0b, bc0b,
           Wc1a, bc1a, Wc1b, bc1b, Wl1, bl1, Wl2, bl2):
    src = edge_index[0].astype(jnp.int32)
    dst = edge_index[1].astype(jnp.int32)
    batch3 = batch.astype(jnp.int32).reshape(NBLK, 1, BR)

    hA, hB = _enc(x, We1, be1, We2, be2)
    zA, zB = _sc_segsum(hA, hB, src, dst)
    h2A, h2B = _mlp(zA, zB, Wc0a, bc0a, Wc0b, bc0b)
    z2A, z2B = _sc_segsum(h2A, h2B, src, dst)
    return _final(z2A, z2B, Wc1a, bc1a, Wc1b, bc1b, batch3, Wl1, bl1, Wl2, bl2)

# --- scband reference (transcript-rebuilt; emitter-appended) ---
"""Pipeline reference for scband-csgnn-89635967467764 (READ-ONLY COPY).

The authoritative reference and input builder live on the scoring server;
editing this copy changes nothing except your own understanding.
"""

import jax, jax.numpy as jnp
import numpy as np

N = 10000
E = 320000
D_IN = 128
D_H = 256
N_CLASSES = 10
N_GRAPHS = 64


def _lin_init(key, fan_in, fan_out):
    k1, k2 = jax.random.split(key)
    bound = 1.0 / np.sqrt(fan_in)
    W = jax.random.uniform(k1, (fan_in, fan_out), minval=-bound, maxval=bound, dtype=jnp.float32)
    b = jax.random.uniform(k2, (fan_out,), minval=-bound, maxval=bound, dtype=jnp.float32)
    return W, b


def setup_inputs(seed: int = 0) -> dict:
    key = jax.random.key(seed)
    ks = jax.random.split(key, 16)
    inp = {}
    inp["x"] = jax.random.normal(ks[0], (N, D_IN), dtype=jnp.float32)
    inp["edge_index"] = jax.random.randint(ks[1], (2, E), 0, N)
    inp["batch"] = jnp.sort(jax.random.randint(ks[2], (N,), 0, N_GRAPHS))
    inp["We1"], inp["be1"] = _lin_init(ks[3], D_IN, D_H)
    inp["We2"], inp["be2"] = _lin_init(ks[4], D_H, D_H)
    inp["Wc0a"], inp["bc0a"] = _lin_init(ks[5], D_H, D_H)
    inp["Wc0b"], inp["bc0b"] = _lin_init(ks[6], D_H, D_H)
    inp["Wc1a"], inp["bc1a"] = _lin_init(ks[7], D_H, D_H)
    inp["Wc1b"], inp["bc1b"] = _lin_init(ks[8], D_H, D_H)
    inp["Wl1"], inp["bl1"] = _lin_init(ks[9], D_H, D_H)
    inp["Wl2"], inp["bl2"] = _lin_init(ks[10], D_H, N_CLASSES)
    return inp


def _gin_conv(h, src, dst, W1, b1, W2, b2):
    # GINConv with eps=0: mlp((1+eps)*x_i + sum_{j in N(i)} x_j)
    agg = jax.ops.segment_sum(h[src], dst, num_segments=N)
    z = h + agg
    z = jnp.maximum(z @ W1 + b1, 0.0)
    return z @ W2 + b2


def reference(x, edge_index, batch, We1, be1, We2, be2, Wc0a, bc0a, Wc0b, bc0b, Wc1a, bc1a, Wc1b, bc1b, Wl1, bl1, Wl2, bl2):
    src = edge_index[0]
    dst = edge_index[1]
    # feature_encoder: Linear-ReLU-Linear-ReLU
    h = jnp.maximum(x @ We1 + be1, 0.0)
    h = jnp.maximum(h @ We2 + be2, 0.0)
    # cutoff-1 = 2 GIN layers (data has no pos_i / pos2_i attributes)
    h = _gin_conv(h, src, dst, Wc0a, bc0a, Wc0b, bc0b)
    h = _gin_conv(h, src, dst, Wc1a, bc1a, Wc1b, bc1b)
    # global_add_pool
    pooled = jax.ops.segment_sum(h, batch, num_segments=N_GRAPHS)
    # predict head (dropout is identity in eval)
    h = jnp.maximum(pooled @ Wl1 + bl1, 0.0)
    return h @ Wl2 + bl2

if __name__ == "__main__":
    import jax
    _d = setup_inputs()
    print(jax.jit(kernel)(*tuple(_d.values())))

</pallas_src>

<mosaic_0001>
#map = affine_map<(d0, d1) -> (0, 0)>
#map1 = affine_map<(d0, d1) -> (0)>
module attributes {stable_mosaic.version = 14 : i64} {
  func.func @_sc_segsum_body(%arg0: i32, %arg1: i32, %arg2: memref<10000x128xf32, #tpu.memory_space<hbm>>, %arg3: memref<10000x128xf32, #tpu.memory_space<hbm>>, %arg4: memref<320000xi32, #tpu.memory_space<hbm>>, %arg5: memref<320000xi32, #tpu.memory_space<hbm>>, %arg6: memref<10000x128xf32, #tpu.memory_space<hbm>>, %arg7: memref<10000x128xf32, #tpu.memory_space<hbm>>, %arg8: memref<10000x128xf32, #tpu.memory_space<vmem_shared>>, %arg9: memref<40x128xf32, #tpu.memory_space<vmem>>, %arg10: memref<40x128xf32, #tpu.memory_space<vmem>>, %arg11: memref<40x128xf32, #tpu.memory_space<vmem>>, %arg12: memref<40x128xf32, #tpu.memory_space<vmem>>, %arg13: memref<40x128xf32, #tpu.memory_space<vmem>>, %arg14: memref<40xi32, #tpu.memory_space<vmem>>, %arg15: memref<40xi32, #tpu.memory_space<vmem>>, %arg16: memref<40xi32, #tpu.memory_space<vmem>>, %arg17: memref<40xi32, #tpu.memory_space<vmem>>, %arg18: memref<40xi32, #tpu.memory_space<vmem>>, %arg19: memref<40xi32, #tpu.memory_space<vmem>>, %arg20: memref<40xi32, #tpu.memory_space<vmem>>, %arg21: memref<40xi32, #tpu.memory_space<vmem>>, %arg22: memref<40xi32, #tpu.memory_space<vmem>>, %arg23: memref<40xi32, #tpu.memory_space<vmem>>, %arg24: memref<20000xi32, #tpu.memory_space<vmem>>, %arg25: memref<!tpu.dma_semaphore, #tpu.memory_space<semaphore_mem>>, %arg26: memref<!tpu.dma_semaphore, #tpu.memory_space<semaphore_mem>>, %arg27: memref<!tpu.dma_semaphore, #tpu.memory_space<semaphore_mem>>, %arg28: memref<!tpu.dma_semaphore, #tpu.memory_space<semaphore_mem>>, %arg29: memref<!tpu.dma_semaphore, #tpu.memory_space<semaphore_mem>>, %arg30: memref<!tpu.dma_semaphore, #tpu.memory_space<semaphore_mem>>, %arg31: memref<!tpu.dma_semaphore, #tpu.memory_space<semaphore_mem>>, %arg32: memref<!tpu.dma_semaphore, #tpu.memory_space<semaphore_mem>>, %arg33: memref<!tpu.dma_semaphore, #tpu.memory_space<semaphore_mem>>, %arg34: memref<!tpu.dma_semaphore, #tpu.memory_space<semaphore_mem>>, %arg35: memref<!tpu.dma_semaphore, #tpu.memory_space<semaphore_mem>>, %arg36: memref<!tpu.dma_semaphore, #tpu.memory_space<semaphore_mem>>, %arg37: memref<!tpu.dma_semaphore, #tpu.memory_space<semaphore_mem>>, %arg38: memref<!tpu.dma_semaphore, #tpu.memory_space<semaphore_mem>>, %arg39: memref<!tpu.dma_semaphore, #tpu.memory_space<semaphore_mem>>, %arg40: memref<!tpu.dma_semaphore, #tpu.memory_space<semaphore_mem>>, %arg41: memref<!tpu.dma_semaphore, #tpu.memory_space<semaphore_mem>>, %arg42: memref<!tpu.dma_semaphore, #tpu.memory_space<semaphore_mem>>, %arg43: memref<!tpu.dma_semaphore, #tpu.memory_space<semaphore_mem>>, %arg44: memref<!tpu.dma_semaphore, #tpu.memory_space<semaphore_mem>>, %arg45: memref<!tpu.dma_semaphore, #tpu.memory_space<semaphore_mem>>) attributes {dimension_semantics = [#tpu.dimension_semantics<core_parallel>, #tpu.dimension_semantics<subcore_parallel>], iteration_bounds = array<i64: 2, 16>, scalar_prefetch = 0 : i64, scratch_operands = 38 : i64, tpu.core_type = #tpu.core_type<sc_vector_subcore>, window_params = [{transform_indices = #map}, {transform_indices = #map}, {transform_indices = #map1}, {transform_indices = #map1}, {transform_indices = #map}, {transform_indices = #map}]} {
    %mul3A = arith.constant 20000 : i32
    %mul3A_0 = arith.muli %arg1, %mul3A : i32
    %multiple_of3A = tpu.assume_multiple %mul3A_0, 8 : i32
    %dma_start3A = tpu.memref_slice %arg5[%multiple_of3A] : memref<320000xi32, #tpu.memory_space<hbm>> -> memref<20000xi32, #tpu.memory_space<hbm>>
    %dma_start3A_1 = tpu.memref_slice %arg5[%multiple_of3A] : memref<320000xi32, #tpu.memory_space<hbm>> -> memref<20000xi32, #tpu.memory_space<hbm>>
    tpu.enqueue_dma source(%dma_start3A_1 : memref<20000xi32, #tpu.memory_space<hbm>>) target(%arg24 : memref<20000xi32, #tpu.memory_space<vmem>>) target_semaphore(%arg45 : memref<!tpu.dma_semaphore, #tpu.memory_space<semaphore_mem>>)
    %mul3A_2 = arith.constant 632 : i32
    %mul3A_3 = arith.muli %arg1, %mul3A_2 : i32
    %multiple_of3A_4 = tpu.assume_multiple %mul3A_3, 8 : i32
    %eq3A = arith.constant 0 : i32
    %eq3A_5 = arith.cmpi eq, %arg0, %eq3A : i32
    %eq3A_6 = arith.constant 15 : i32
    %eq3A_7 = arith.cmpi eq, %arg1, %eq3A_6 : i32
    %eq3A_8 = arith.constant false
    %eq3A_9 = arith.xori %eq3A_7, %eq3A_8 : i1
    %eq3A_10 = arith.constant true
    %eq3A_11 = arith.xori %eq3A_9, %eq3A_10 : i1
    %and3A = arith.andi %eq3A_5, %eq3A_11 : i1
    %convert_element_type3A = arith.extui %and3A : i1 to i32
    %cond3A = arith.constant 0 : i32
    %cond3A_12 = arith.cmpi ne, %convert_element_type3A, %cond3A : i32
    scf.if %cond3A_12 {
      %dma_start3A_310 = arith.constant 0 : i32
      %dma_start3A_311 = tpu.memref_slice %arg8[%multiple_of3A_4, %dma_start3A_310] : memref<10000x128xf32, #tpu.memory_space<vmem_shared>> -> memref<632x128xf32, #tpu.memory_space<vmem_shared>>
      %dma_start3A_312 = arith.constant 0 : i32
      %dma_start3A_313 = tpu.memref_slice %arg2[%multiple_of3A_4, %dma_start3A_312] : memref<10000x128xf32, #tpu.memory_space<hbm>> -> memref<632x128xf32, #tpu.memory_space<hbm>>
      tpu.enqueue_dma source(%dma_start3A_313 : memref<632x128xf32, #tpu.memory_space<hbm>>) target(%dma_start3A_311 : memref<632x128xf32, #tpu.memory_space<vmem_shared>>) target_semaphore(%arg45 : memref<!tpu.dma_semaphore, #tpu.memory_space<semaphore_mem>>)
    } else {
    }
    %eq3A_13 = arith.constant 0 : i32
    %eq3A_14 = arith.cmpi eq, %arg0, %eq3A_13 : i32
    %eq3A_15 = arith.constant 15 : i32
    %eq3A_16 = arith.cmpi eq, %arg1, %eq3A_15 : i32
    %eq3A_17 = arith.constant true
    %eq3A_18 = arith.xori %eq3A_16, %eq3A_17 : i1
    %eq3A_19 = arith.constant true
    %eq3A_20 = arith.xori %eq3A_18, %eq3A_19 : i1
    %and3A_21 = arith.andi %eq3A_14, %eq3A_20 : i1
    %convert_element_type3A_22 = arith.extui %and3A_21 : i1 to i32
    %cond3A_23 = arith.constant 0 : i32
    %cond3A_24 = arith.cmpi ne, %convert_element_type3A_22, %cond3A_23 : i32
    scf.if %cond3A_24 {
      %dma_start3A_310 = arith.constant 9480 : i32
      %dma_start3A_311 = arith.constant 0 : i32
      %dma_start3A_312 = tpu.memref_slice %arg8[%dma_start3A_310, %dma_start3A_311] : memref<10000x128xf32, #tpu.memory_space<vmem_shared>> -> memref<520x128xf32, #tpu.memory_space<vmem_shared>>
      %dma_start3A_313 = arith.constant 9480 : i32
      %dma_start3A_314 = arith.constant 0 : i32
      %dma_start3A_315 = tpu.memref_slice %arg2[%dma_start3A_313, %dma_start3A_314] : memref<10000x128xf32, #tpu.memory_space<hbm>> -> memref<520x128xf32, #tpu.memory_space<hbm>>
      tpu.enqueue_dma source(%dma_start3A_315 : memref<520x128xf32, #tpu.memory_space<hbm>>) target(%dma_start3A_312 : memref<520x128xf32, #tpu.memory_space<vmem_shared>>) target_semaphore(%arg45 : memref<!tpu.dma_semaphore, #tpu.memory_space<semaphore_mem>>)
    } else {
    }
    %eq3A_25 = arith.constant 1 : i32
    %eq3A_26 = arith.cmpi eq, %arg0, %eq3A_25 : i32
    %eq3A_27 = arith.constant 15 : i32
    %eq3A_28 = arith.cmpi eq, %arg1, %eq3A_27 : i32
    %eq3A_29 = arith.constant false
    %eq3A_30 = arith.xori %eq3A_28, %eq3A_29 : i1
    %eq3A_31 = arith.constant true
    %eq3A_32 = arith.xori %eq3A_30, %eq3A_31 : i1
    %and3A_33 = arith.andi %eq3A_26, %eq3A_32 : i1
    %convert_element_type3A_34 = arith.extui %and3A_33 : i1 to i32
    %cond3A_35 = arith.constant 0 : i32
    %cond3A_36 = arith.cmpi ne, %convert_element_type3A_34, %cond3A_35 : i32
    scf.if %cond3A_36 {
      %dma_start3A_310 = arith.constant 0 : i32
      %dma_start3A_311 = tpu.memref_slice %arg8[%multiple_of3A_4, %dma_start3A_310] : memref<10000x128xf32, #tpu.memory_space<vmem_shared>> -> memref<632x128xf32, #tpu.memory_space<vmem_shared>>
      %dma_start3A_312 = arith.constant 0 : i32
      %dma_start3A_313 = tpu.memref_slice %arg3[%multiple_of3A_4, %dma_start3A_312] : memref<10000x128xf32, #tpu.memory_space<hbm>> -> memref<632x128xf32, #tpu.memory_space<hbm>>
      tpu.enqueue_dma source(%dma_start3A_313 : memref<632x128xf32, #tpu.memory_space<hbm>>) target(%dma_start3A_311 : memref<632x128xf32, #tpu.memory_space<vmem_shared>>) target_semaphore(%arg45 : memref<!tpu.dma_semaphore, #tpu.memory_space<semaphore_mem>>)
    } else {
    }
    %eq3A_37 = arith.constant 1 : i32
    %eq3A_38 = arith.cmpi eq, %arg0, %eq3A_37 : i32
    %eq3A_39 = arith.constant 15 : i32
    %eq3A_40 = arith.cmpi eq, %arg1, %eq3A_39 : i32
    %eq3A_41 = arith.constant true
    %eq3A_42 = arith.xori %eq3A_40, %eq3A_41 : i1
    %eq3A_43 = arith.constant true
    %eq3A_44 = arith.xori %eq3A_42, %eq3A_43 : i1
    %and3A_45 = arith.andi %eq3A_38, %eq3A_44 : i1
    %convert_element_type3A_46 = arith.extui %and3A_45 : i1 to i32
    %cond3A_47 = arith.constant 0 : i32
    %cond3A_48 = arith.cmpi ne, %convert_element_type3A_46, %cond3A_47 : i32
    scf.if %cond3A_48 {
      %dma_start3A_310 = arith.constant 9480 : i32
      %dma_start3A_311 = arith.constant 0 : i32
      %dma_start3A_312 = tpu.memref_slice %arg8[%dma_start3A_310, %dma_start3A_311] : memref<10000x128xf32, #tpu.memory_space<vmem_shared>> -> memref<520x128xf32, #tpu.memory_space<vmem_shared>>
      %dma_start3A_313 = arith.constant 9480 : i32
      %dma_start3A_314 = arith.constant 0 : i32
      %dma_start3A_315 = tpu.memref_slice %arg3[%dma_start3A_313, %dma_start3A_314] : memref<10000x128xf32, #tpu.memory_space<hbm>> -> memref<520x128xf32, #tpu.memory_space<hbm>>
      tpu.enqueue_dma source(%dma_start3A_315 : memref<520x128xf32, #tpu.memory_space<hbm>>) target(%dma_start3A_312 : memref<520x128xf32, #tpu.memory_space<vmem_shared>>) target_semaphore(%arg45 : memref<!tpu.dma_semaphore, #tpu.memory_space<semaphore_mem>>)
    } else {
    }
    %mul3A_49 = arith.constant 20000 : i32
    %mul3A_50 = arith.muli %arg1, %mul3A_49 : i32
    %add3A = arith.constant 0 : i32
    %add3A_51 = arith.addi %mul3A_50, %add3A : i32
    %multiple_of3A_52 = tpu.assume_multiple %add3A_51, 8 : i32
    %dma_start3A_53 = tpu.memref_slice %arg4[%multiple_of3A_52] : memref<320000xi32, #tpu.memory_space<hbm>> -> memref<40xi32, #tpu.memory_space<hbm>>
    %dma_start3A_54 = tpu.memref_slice %arg4[%multiple_of3A_52] : memref<320000xi32, #tpu.memory_space<hbm>> -> memref<40xi32, #tpu.memory_space<hbm>>
    tpu.enqueue_dma source(%dma_start3A_54 : memref<40xi32, #tpu.memory_space<hbm>>) target(%arg14 : memref<40xi32, #tpu.memory_space<vmem>>) target_semaphore(%arg35 : memref<!tpu.dma_semaphore, #tpu.memory_space<semaphore_mem>>)
    %mul3A_55 = arith.constant 20000 : i32
    %mul3A_56 = arith.muli %arg1, %mul3A_55 : i32
    %add3A_57 = arith.constant 40 : i32
    %add3A_58 = arith.addi %mul3A_56, %add3A_57 : i32
    %multiple_of3A_59 = tpu.assume_multiple %add3A_58, 8 : i32
    %dma_start3A_60 = tpu.memref_slice %arg4[%multiple_of3A_59] : memref<320000xi32, #tpu.memory_space<hbm>> -> memref<40xi32, #tpu.memory_space<hbm>>
    %dma_start3A_61 = tpu.memref_slice %arg4[%multiple_of3A_59] : memref<320000xi32, #tpu.memory_space<hbm>> -> memref<40xi32, #tpu.memory_space<hbm>>
    tpu.enqueue_dma source(%dma_start3A_61 : memref<40xi32, #tpu.memory_space<hbm>>) target(%arg15 : memref<40xi32, #tpu.memory_space<vmem>>) target_semaphore(%arg36 : memref<!tpu.dma_semaphore, #tpu.memory_space<semaphore_mem>>)
    %mul3A_62 = arith.constant 20000 : i32
    %mul3A_63 = arith.muli %arg1, %mul3A_62 : i32
    %add3A_64 = arith.constant 80 : i32
    %add3A_65 = arith.addi %mul3A_63, %add3A_64 : i32
    %multiple_of3A_66 = tpu.assume_multiple %add3A_65, 8 : i32
    %dma_start3A_67 = tpu.memref_slice %arg4[%multiple_of3A_66] : memref<320000xi32, #tpu.memory_space<hbm>> -> memref<40xi32, #tpu.memory_space<hbm>>
    %dma_start3A_68 = tpu.memref_slice %arg4[%multiple_of3A_66] : memref<320000xi32, #tpu.memory_space<hbm>> -> memref<40xi32, #tpu.memory_space<hbm>>
    tpu.enqueue_dma source(%dma_start3A_68 : memref<40xi32, #tpu.memory_space<hbm>>) target(%arg16 : memref<40xi32, #tpu.memory_space<vmem>>) target_semaphore(%arg37 : memref<!tpu.dma_semaphore, #tpu.memory_space<semaphore_mem>>)
    %mul3A_69 = arith.constant 20000 : i32
    %mul3A_70 = arith.muli %arg1, %mul3A_69 : i32
    %add3A_71 = arith.constant 120 : i32
    %add3A_72 = arith.addi %mul3A_70, %add3A_71 : i32
    %multiple_of3A_73 = tpu.assume_multiple %add3A_72, 8 : i32
    %dma_start3A_74 = tpu.memref_slice %arg4[%multiple_of3A_73] : memref<320000xi32, #tpu.memory_space<hbm>> -> memref<40xi32, #tpu.memory_space<hbm>>
    %dma_start3A_75 = tpu.memref_slice %arg4[%multiple_of3A_73] : memref<320000xi32, #tpu.memory_space<hbm>> -> memref<40xi32, #tpu.memory_space<hbm>>
    tpu.enqueue_dma source(%dma_start3A_75 : memref<40xi32, #tpu.memory_space<hbm>>) target(%arg17 : memref<40xi32, #tpu.memory_space<vmem>>) target_semaphore(%arg38 : memref<!tpu.dma_semaphore, #tpu.memory_space<semaphore_mem>>)
    %mul3A_76 = arith.constant 20000 : i32
    %mul3A_77 = arith.muli %arg1, %mul3A_76 : i32
    %add3A_78 = arith.constant 160 : i32
    %add3A_79 = arith.addi %mul3A_77, %add3A_78 : i32
    %multiple_of3A_80 = tpu.assume_multiple %add3A_79, 8 : i32
    %dma_start3A_81 = tpu.memref_slice %arg4[%multiple_of3A_80] : memref<320000xi32, #tpu.memory_space<hbm>> -> memref<40xi32, #tpu.memory_space<hbm>>
    %dma_start3A_82 = tpu.memref_slice %arg4[%multiple_of3A_80] : memref<320000xi32, #tpu.memory_space<hbm>> -> memref<40xi32, #tpu.memory_space<hbm>>
    tpu.enqueue_dma source(%dma_start3A_82 : memref<40xi32, #tpu.memory_space<hbm>>) target(%arg18 : memref<40xi32, #tpu.memory_space<vmem>>) target_semaphore(%arg39 : memref<!tpu.dma_semaphore, #tpu.memory_space<semaphore_mem>>)
    %mul3A_83 = arith.constant 20000 : i32
    %mul3A_84 = arith.muli %arg1, %mul3A_83 : i32
    %add3A_85 = arith.constant 200 : i32
    %add3A_86 = arith.addi %mul3A_84, %add3A_85 : i32
    %multiple_of3A_87 = tpu.assume_multiple %add3A_86, 8 : i32
    %dma_start3A_88 = tpu.memref_slice %arg4[%multiple_of3A_87] : memref<320000xi32, #tpu.memory_space<hbm>> -> memref<40xi32, #tpu.memory_space<hbm>>
    %dma_start3A_89 = tpu.memref_slice %arg4[%multiple_of3A_87] : memref<320000xi32, #tpu.memory_space<hbm>> -> memref<40xi32, #tpu.memory_space<hbm>>
    tpu.enqueue_dma source(%dma_start3A_89 : memref<40xi32, #tpu.memory_space<hbm>>) target(%arg19 : memref<40xi32, #tpu.memory_space<vmem>>) target_semaphore(%arg40 : memref<!tpu.dma_semaphore, #tpu.memory_space<semaphore_mem>>)
    %mul3A_90 = arith.constant 20000 : i32
    %mul3A_91 = arith.muli %arg1, %mul3A_90 : i32
    %add3A_92 = arith.constant 240 : i32
    %add3A_93 = arith.addi %mul3A_91, %add3A_92 : i32
    %multiple_of3A_94 = tpu.assume_multiple %add3A_93, 8 : i32
    %dma_start3A_95 = tpu.memref_slice %arg4[%multiple_of3A_94] : memref<320000xi32, #tpu.memory_space<hbm>> -> memref<40xi32, #tpu.memory_space<hbm>>
    %dma_start3A_96 = tpu.memref_slice %arg4[%multiple_of3A_94] : memref<320000xi32, #tpu.memory_space<hbm>> -> memref<40xi32, #tpu.memory_space<hbm>>
    tpu.enqueue_dma source(%dma_start3A_96 : memref<40xi32, #tpu.memory_space<hbm>>) target(%arg20 : memref<40xi32, #tpu.memory_space<vmem>>) target_semaphore(%arg41 : memref<!tpu.dma_semaphore, #tpu.memory_space<semaphore_mem>>)
    %mul3A_97 = arith.constant 20000 : i32
    %mul3A_98 = arith.muli %arg1, %mul3A_97 : i32
    %add3A_99 = arith.constant 280 : i32
    %add3A_100 = arith.addi %mul3A_98, %add3A_99 : i32
    %multiple_of3A_101 = tpu.assume_multiple %add3A_100, 8 : i32
    %dma_start3A_102 = tpu.memref_slice %arg4[%multiple_of3A_101] : memref<320000xi32, #tpu.memory_space<hbm>> -> memref<40xi32, #tpu.memory_space<hbm>>
    %dma_start3A_103 = tpu.memref_slice %arg4[%multiple_of3A_101] : memref<320000xi32, #tpu.memory_space<hbm>> -> memref<40xi32, #tpu.memory_space<hbm>>
    tpu.enqueue_dma source(%dma_start3A_103 : memref<40xi32, #tpu.memory_space<hbm>>) target(%arg21 : memref<40xi32, #tpu.memory_space<vmem>>) target_semaphore(%arg42 : memref<!tpu.dma_semaphore, #tpu.memory_space<semaphore_mem>>)
    %dma_wait3A = tpu.memref_slice %arg5[%multiple_of3A] : memref<320000xi32, #tpu.memory_space<hbm>> -> memref<20000xi32, #tpu.memory_space<hbm>>
    %dma_wait3A_104 = tpu.memref_slice %arg5[%multiple_of3A] : memref<320000xi32, #tpu.memory_space<hbm>> -> memref<20000xi32, #tpu.memory_space<hbm>>
    tpu.wait_dma2 semaphore(%arg45 : memref<!tpu.dma_semaphore, #tpu.memory_space<semaphore_mem>>) src(%dma_wait3A_104 : memref<20000xi32, #tpu.memory_space<hbm>>) dst(%arg24 : memref<20000xi32, #tpu.memory_space<vmem>>)
    %mul3A_105 = arith.constant 632 : i32
    %mul3A_106 = arith.muli %arg1, %mul3A_105 : i32
    %multiple_of3A_107 = tpu.assume_multiple %mul3A_106, 8 : i32
    %eq3A_108 = arith.constant 0 : i32
    %eq3A_109 = arith.cmpi eq, %arg0, %eq3A_108 : i32
    %eq3A_110 = arith.constant 15 : i32
    %eq3A_111 = arith.cmpi eq, %arg1, %eq3A_110 : i32
    %eq3A_112 = arith.constant false
    %eq3A_113 = arith.xori %eq3A_111, %eq3A_112 : i1
    %eq3A_114 = arith.constant true
    %eq3A_115 = arith.xori %eq3A_113, %eq3A_114 : i1
    %and3A_116 = arith.andi %eq3A_109, %eq3A_115 : i1
    %convert_element_type3A_117 = arith.extui %and3A_116 : i1 to i32
    %cond3A_118 = arith.constant 0 : i32
    %cond3A_119 = arith.cmpi ne, %convert_element_type3A_117, %cond3A_118 : i32
    scf.if %cond3A_119 {
      %dma_wait3A_310 = arith.constant 0 : i32
      %dma_wait3A_311 = tpu.memref_slice %arg8[%multiple_of3A_107, %dma_wait3A_310] : memref<10000x128xf32, #tpu.memory_space<vmem_shared>> -> memref<632x128xf32, #tpu.memory_space<vmem_shared>>
      %dma_wait3A_312 = arith.constant 0 : i32
      %dma_wait3A_313 = tpu.memref_slice %arg2[%multiple_of3A_107, %dma_wait3A_312] : memref<10000x128xf32, #tpu.memory_space<hbm>> -> memref<632x128xf32, #tpu.memory_space<hbm>>
      tpu.wait_dma2 semaphore(%arg45 : memref<!tpu.dma_semaphore, #tpu.memory_space<semaphore_mem>>) src(%dma_wait3A_313 : memref<632x128xf32, #tpu.memory_space<hbm>>) dst(%dma_wait3A_311 : memref<632x128xf32, #tpu.memory_space<vmem_shared>>)
    } else {
    }
    %eq3A_120 = arith.constant 0 : i32
    %eq3A_121 = arith.cmpi eq, %arg0, %eq3A_120 : i32
    %eq3A_122 = arith.constant 15 : i32
    %eq3A_123 = arith.cmpi eq, %arg1, %eq3A_122 : i32
    %eq3A_124 = arith.constant true
    %eq3A_125 = arith.xori %eq3A_123, %eq3A_124 : i1
    %eq3A_126 = arith.constant true
    %eq3A_127 = arith.xori %eq3A_125, %eq3A_126 : i1
    %and3A_128 = arith.andi %eq3A_121, %eq3A_127 : i1
    %convert_element_type3A_129 = arith.extui %and3A_128 : i1 to i32
    %cond3A_130 = arith.constant 0 : i32
    %cond3A_131 = arith.cmpi ne, %convert_element_type3A_129, %cond3A_130 : i32
    scf.if %cond3A_131 {
      %dma_wait3A_310 = arith.constant 9480 : i32
      %dma_wait3A_311 = arith.constant 0 : i32
      %dma_wait3A_312 = tpu.memref_slice %arg8[%dma_wait3A_310, %dma_wait3A_311] : memref<10000x128xf32, #tpu.memory_space<vmem_shared>> -> memref<520x128xf32, #tpu.memory_space<vmem_shared>>
      %dma_wait3A_313 = arith.constant 9480 : i32
      %dma_wait3A_314 = arith.constant 0 : i32
      %dma_wait3A_315 = tpu.memref_slice %arg2[%dma_wait3A_313, %dma_wait3A_314] : memref<10000x128xf32, #tpu.memory_space<hbm>> -> memref<520x128xf32, #tpu.memory_space<hbm>>
      tpu.wait_dma2 semaphore(%arg45 : memref<!tpu.dma_semaphore, #tpu.memory_space<semaphore_mem>>) src(%dma_wait3A_315 : memref<520x128xf32, #tpu.memory_space<hbm>>) dst(%dma_wait3A_312 : memref<520x128xf32, #tpu.memory_space<vmem_shared>>)
    } else {
    }
    %eq3A_132 = arith.constant 1 : i32
    %eq3A_133 = arith.cmpi eq, %arg0, %eq3A_132 : i32
    %eq3A_134 = arith.constant 15 : i32
    %eq3A_135 = arith.cmpi eq, %arg1, %eq3A_134 : i32
    %eq3A_136 = arith.constant false
    %eq3A_137 = arith.xori %eq3A_135, %eq3A_136 : i1
    %eq3A_138 = arith.constant true
    %eq3A_139 = arith.xori %eq3A_137, %eq3A_138 : i1
    %and3A_140 = arith.andi %eq3A_133, %eq3A_139 : i1
    %convert_element_type3A_141 = arith.extui %and3A_140 : i1 to i32
    %cond3A_142 = arith.constant 0 : i32
    %cond3A_143 = arith.cmpi ne, %convert_element_type3A_141, %cond3A_142 : i32
    scf.if %cond3A_143 {
      %dma_wait3A_310 = arith.constant 0 : i32
      %dma_wait3A_311 = tpu.memref_slice %arg8[%multiple_of3A_107, %dma_wait3A_310] : memref<10000x128xf32, #tpu.memory_space<vmem_shared>> -> memref<632x128xf32, #tpu.memory_space<vmem_shared>>
      %dma_wait3A_312 = arith.constant 0 : i32
      %dma_wait3A_313 = tpu.memref_slice %arg3[%multiple_of3A_107, %dma_wait3A_312] : memref<10000x128xf32, #tpu.memory_space<hbm>> -> memref<632x128xf32, #tpu.memory_space<hbm>>
      tpu.wait_dma2 semaphore(%arg45 : memref<!tpu.dma_semaphore, #tpu.memory_space<semaphore_mem>>) src(%dma_wait3A_313 : memref<632x128xf32, #tpu.memory_space<hbm>>) dst(%dma_wait3A_311 : memref<632x128xf32, #tpu.memory_space<vmem_shared>>)
    } else {
    }
    %eq3A_144 = arith.constant 1 : i32
    %eq3A_145 = arith.cmpi eq, %arg0, %eq3A_144 : i32
    %eq3A_146 = arith.constant 15 : i32
    %eq3A_147 = arith.cmpi eq, %arg1, %eq3A_146 : i32
    %eq3A_148 = arith.constant true
    %eq3A_149 = arith.xori %eq3A_147, %eq3A_148 : i1
    %eq3A_150 = arith.constant true
    %eq3A_151 = arith.xori %eq3A_149, %eq3A_150 : i1
    %and3A_152 = arith.andi %eq3A_145, %eq3A_151 : i1
    %convert_element_type3A_153 = arith.extui %and3A_152 : i1 to i32
    %cond3A_154 = arith.constant 0 : i32
    %cond3A_155 = arith.cmpi ne, %convert_element_type3A_153, %cond3A_154 : i32
    scf.if %cond3A_155 {
      %dma_wait3A_310 = arith.constant 9480 : i32
      %dma_wait3A_311 = arith.constant 0 : i32
      %dma_wait3A_312 = tpu.memref_slice %arg8[%dma_wait3A_310, %dma_wait3A_311] : memref<10000x128xf32, #tpu.memory_space<vmem_shared>> -> memref<520x128xf32, #tpu.memory_space<vmem_shared>>
      %dma_wait3A_313 = arith.constant 9480 : i32
      %dma_wait3A_314 = arith.constant 0 : i32
      %dma_wait3A_315 = tpu.memref_slice %arg3[%dma_wait3A_313, %dma_wait3A_314] : memref<10000x128xf32, #tpu.memory_space<hbm>> -> memref<520x128xf32, #tpu.memory_space<hbm>>
      tpu.wait_dma2 semaphore(%arg45 : memref<!tpu.dma_semaphore, #tpu.memory_space<semaphore_mem>>) src(%dma_wait3A_315 : memref<520x128xf32, #tpu.memory_space<hbm>>) dst(%dma_wait3A_312 : memref<520x128xf32, #tpu.memory_space<vmem_shared>>)
    } else {
    }
    %mul3A_156 = arith.constant 20000 : i32
    %mul3A_157 = arith.muli %arg1, %mul3A_156 : i32
    %add3A_158 = arith.constant 0 : i32
    %add3A_159 = arith.addi %mul3A_157, %add3A_158 : i32
    %multiple_of3A_160 = tpu.assume_multiple %add3A_159, 8 : i32
    %dma_wait3A_161 = tpu.memref_slice %arg4[%multiple_of3A_160] : memref<320000xi32, #tpu.memory_space<hbm>> -> memref<40xi32, #tpu.memory_space<hbm>>
    %dma_wait3A_162 = tpu.memref_slice %arg4[%multiple_of3A_160] : memref<320000xi32, #tpu.memory_space<hbm>> -> memref<40xi32, #tpu.memory_space<hbm>>
    tpu.wait_dma2 semaphore(%arg35 : memref<!tpu.dma_semaphore, #tpu.memory_space<semaphore_mem>>) src(%dma_wait3A_162 : memref<40xi32, #tpu.memory_space<hbm>>) dst(%arg14 : memref<40xi32, #tpu.memory_space<vmem>>)
    %eq3A_163 = arith.constant 0 : i32
    %eq3A_164 = arith.cmpi eq, %arg0, %eq3A_163 : i32
    %convert_element_type3A_165 = arith.extui %eq3A_164 : i1 to i32
    %cond3A_166 = arith.constant 0 : i32
    %cond3A_167 = arith.cmpi ne, %convert_element_type3A_165, %cond3A_166 : i32
    scf.if %cond3A_167 {
      %dma_start3A_310 = arith.constant 0 : i32
      %dma_start3A_311 = arith.constant 0 : i32
      %dma_start3A_312 = tpu.memref_slice %arg2[%dma_start3A_310, %dma_start3A_311] : memref<10000x128xf32, #tpu.memory_space<hbm>> -> memref<10000x128xf32, #tpu.memory_space<hbm>>
      tpu.enqueue_indirect_dma source(%dma_start3A_312 : memref<10000x128xf32, #tpu.memory_space<hbm>>) target(%arg9 : memref<40x128xf32, #tpu.memory_space<vmem>>) offsets(%arg14 : memref<40xi32, #tpu.memory_space<vmem>>) semaphore(%arg25 : memref<!tpu.dma_semaphore, #tpu.memory_space<semaphore_mem>>)
    } else {
    }
    %eq3A_168 = arith.constant 1 : i32
    %eq3A_169 = arith.cmpi eq, %arg0, %eq3A_168 : i32
    %convert_element_type3A_170 = arith.extui %eq3A_169 : i1 to i32
    %cond3A_171 = arith.constant 0 : i32
    %cond3A_172 = arith.cmpi ne, %convert_element_type3A_170, %cond3A_171 : i32
    scf.if %cond3A_172 {
      %dma_start3A_310 = arith.constant 0 : i32
      %dma_start3A_311 = arith.constant 0 : i32
      %dma_start3A_312 = tpu.memref_slice %arg3[%dma_start3A_310, %dma_start3A_311] : memref<10000x128xf32, #tpu.memory_space<hbm>> -> memref<10000x128xf32, #tpu.memory_space<hbm>>
      tpu.enqueue_indirect_dma source(%dma_start3A_312 : memref<10000x128xf32, #tpu.memory_space<hbm>>) target(%arg9 : memref<40x128xf32, #tpu.memory_space<vmem>>) offsets(%arg14 : memref<40xi32, #tpu.memory_space<vmem>>) semaphore(%arg25 : memref<!tpu.dma_semaphore, #tpu.memory_space<semaphore_mem>>)
    } else {
    }
    %mul3A_173 = arith.constant 20000 : i32
    %mul3A_174 = arith.muli %arg1, %mul3A_173 : i32
    %add3A_175 = arith.constant 40 : i32
    %add3A_176 = arith.addi %mul3A_174, %add3A_175 : i32
    %multiple_of3A_177 = tpu.assume_multiple %add3A_176, 8 : i32
    %dma_wait3A_178 = tpu.memref_slice %arg4[%multiple_of3A_177] : memref<320000xi32, #tpu.memory_space<hbm>> -> memref<40xi32, #tpu.memory_space<hbm>>
    %dma_wait3A_179 = tpu.memref_slice %arg4[%multiple_of3A_177] : memref<320000xi32, #tpu.memory_space<hbm>> -> memref<40xi32, #tpu.memory_space<hbm>>
    tpu.wait_dma2 semaphore(%arg36 : memref<!tpu.dma_semaphore, #tpu.memory_space<semaphore_mem>>) src(%dma_wait3A_179 : memref<40xi32, #tpu.memory_space<hbm>>) dst(%arg15 : memref<40xi32, #tpu.memory_space<vmem>>)
    %eq3A_180 = arith.constant 0 : i32
    %eq3A_181 = arith.cmpi eq, %arg0, %eq3A_180 : i32
    %convert_element_type3A_182 = arith.extui %eq3A_181 : i1 to i32
    %cond3A_183 = arith.constant 0 : i32
    %cond3A_184 = arith.cmpi ne, %convert_element_type3A_182, %cond3A_183 : i32
    scf.if %cond3A_184 {
      %dma_start3A_310 = arith.constant 0 : i32
      %dma_start3A_311 = arith.constant 0 : i32
      %dma_start3A_312 = tpu.memref_slice %arg2[%dma_start3A_310, %dma_start3A_311] : memref<10000x128xf32, #tpu.memory_space<hbm>> -> memref<10000x128xf32, #tpu.memory_space<hbm>>
      tpu.enqueue_indirect_dma source(%dma_start3A_312 : memref<10000x128xf32, #tpu.memory_space<hbm>>) target(%arg10 : memref<40x128xf32, #tpu.memory_space<vmem>>) offsets(%arg15 : memref<40xi32, #tpu.memory_space<vmem>>) semaphore(%arg26 : memref<!tpu.dma_semaphore, #tpu.memory_space<semaphore_mem>>)
    } else {
    }
    %eq3A_185 = arith.constant 1 : i32
    %eq3A_186 = arith.cmpi eq, %arg0, %eq3A_185 : i32
    %convert_element_type3A_187 = arith.extui %eq3A_186 : i1 to i32
    %cond3A_188 = arith.constant 0 : i32
    %cond3A_189 = arith.cmpi ne, %convert_element_type3A_187, %cond3A_188 : i32
    scf.if %cond3A_189 {
      %dma_start3A_310 = arith.constant 0 : i32
      %dma_start3A_311 = arith.constant 0 : i32
      %dma_start3A_312 = tpu.memref_slice %arg3[%dma_start3A_310, %dma_start3A_311] : memref<10000x128xf32, #tpu.memory_space<hbm>> -> memref<10000x128xf32, #tpu.memory_space<hbm>>
      tpu.enqueue_indirect_dma source(%dma_start3A_312 : memref<10000x128xf32, #tpu.memory_space<hbm>>) target(%arg10 : memref<40x128xf32, #tpu.memory_space<vmem>>) offsets(%arg15 : memref<40xi32, #tpu.memory_space<vmem>>) semaphore(%arg26 : memref<!tpu.dma_semaphore, #tpu.memory_space<semaphore_mem>>)
    } else {
    }
    %mul3A_190 = arith.constant 20000 : i32
    %mul3A_191 = arith.muli %arg1, %mul3A_190 : i32
    %add3A_192 = arith.constant 80 : i32
    %add3A_193 = arith.addi %mul3A_191, %add3A_192 : i32
    %multiple_of3A_194 = tpu.assume_multiple %add3A_193, 8 : i32
    %dma_wait3A_195 = tpu.memref_slice %arg4[%multiple_of3A_194] : memref<320000xi32, #tpu.memory_space<hbm>> -> memref<40xi32, #tpu.memory_space<hbm>>
    %dma_wait3A_196 = tpu.memref_slice %arg4[%multiple_of3A_194] : memref<320000xi32, #tpu.memory_space<hbm>> -> memref<40xi32, #tpu.memory_space<hbm>>
    tpu.wait_dma2 semaphore(%arg37 : memref<!tpu.dma_semaphore, #tpu.memory_space<semaphore_mem>>) src(%dma_wait3A_196 : memref<40xi32, #tpu.memory_space<hbm>>) dst(%arg16 : memref<40xi32, #tpu.memory_space<vmem>>)
    %eq3A_197 = arith.constant 0 : i32
    %eq3A_198 = arith.cmpi eq, %arg0, %eq3A_197 : i32
    %convert_element_type3A_199 = arith.extui %eq3A_198 : i1 to i32
    %cond3A_200 = arith.constant 0 : i32
    %cond3A_201 = arith.cmpi ne, %convert_element_type3A_199, %cond3A_200 : i32
    scf.if %cond3A_201 {
      %dma_start3A_310 = arith.constant 0 : i32
      %dma_start3A_311 = arith.constant 0 : i32
      %dma_start3A_312 = tpu.memref_slice %arg2[%dma_start3A_310, %dma_start3A_311] : memref<10000x128xf32, #tpu.memory_space<hbm>> -> memref<10000x128xf32, #tpu.memory_space<hbm>>
      tpu.enqueue_indirect_dma source(%dma_start3A_312 : memref<10000x128xf32, #tpu.memory_space<hbm>>) target(%arg11 : memref<40x128xf32, #tpu.memory_space<vmem>>) offsets(%arg16 : memref<40xi32, #tpu.memory_space<vmem>>) semaphore(%arg27 : memref<!tpu.dma_semaphore, #tpu.memory_space<semaphore_mem>>)
    } else {
    }
    %eq3A_202 = arith.constant 1 : i32
    %eq3A_203 = arith.cmpi eq, %arg0, %eq3A_202 : i32
    %convert_element_type3A_204 = arith.extui %eq3A_203 : i1 to i32
    %cond3A_205 = arith.constant 0 : i32
    %cond3A_206 = arith.cmpi ne, %convert_element_type3A_204, %cond3A_205 : i32
    scf.if %cond3A_206 {
      %dma_start3A_310 = arith.constant 0 : i32
      %dma_start3A_311 = arith.constant 0 : i32
      %dma_start3A_312 = tpu.memref_slice %arg3[%dma_start3A_310, %dma_start3A_311] : memref<10000x128xf32, #tpu.memory_space<hbm>> -> memref<10000x128xf32, #tpu.memory_space<hbm>>
      tpu.enqueue_indirect_dma source(%dma_start3A_312 : memref<10000x128xf32, #tpu.memory_space<hbm>>) target(%arg11 : memref<40x128xf32, #tpu.memory_space<vmem>>) offsets(%arg16 : memref<40xi32, #tpu.memory_space<vmem>>) semaphore(%arg27 : memref<!tpu.dma_semaphore, #tpu.memory_space<semaphore_mem>>)
    } else {
    }
    %mul3A_207 = arith.constant 20000 : i32
    %mul3A_208 = arith.muli %arg1, %mul3A_207 : i32
    %add3A_209 = arith.constant 120 : i32
    %add3A_210 = arith.addi %mul3A_208, %add3A_209 : i32
    %multiple_of3A_211 = tpu.assume_multiple %add3A_210, 8 : i32
    %dma_wait3A_212 = tpu.memref_slice %arg4[%multiple_of3A_211] : memref<320000xi32, #tpu.memory_space<hbm>> -> memref<40xi32, #tpu.memory_space<hbm>>
    %dma_wait3A_213 = tpu.memref_slice %arg4[%multiple_of3A_211] : memref<320000xi32, #tpu.memory_space<hbm>> -> memref<40xi32, #tpu.memory_space<hbm>>
    tpu.wait_dma2 semaphore(%arg38 : memref<!tpu.dma_semaphore, #tpu.memory_space<semaphore_mem>>) src(%dma_wait3A_213 : memref<40xi32, #tpu.memory_space<hbm>>) dst(%arg17 : memref<40xi32, #tpu.memory_space<vmem>>)
    %eq3A_214 = arith.constant 0 : i32
    %eq3A_215 = arith.cmpi eq, %arg0, %eq3A_214 : i32
    %convert_element_type3A_216 = arith.extui %eq3A_215 : i1 to i32
    %cond3A_217 = arith.constant 0 : i32
    %cond3A_218 = arith.cmpi ne, %convert_element_type3A_216, %cond3A_217 : i32
    scf.if %cond3A_218 {
      %dma_start3A_310 = arith.constant 0 : i32
      %dma_start3A_311 = arith.constant 0 : i32
      %dma_start3A_312 = tpu.memref_slice %arg2[%dma_start3A_310, %dma_start3A_311] : memref<10000x128xf32, #tpu.memory_space<hbm>> -> memref<10000x128xf32, #tpu.memory_space<hbm>>
      tpu.enqueue_indirect_dma source(%dma_start3A_312 : memref<10000x128xf32, #tpu.memory_space<hbm>>) target(%arg12 : memref<40x128xf32, #tpu.memory_space<vmem>>) offsets(%arg17 : memref<40xi32, #tpu.memory_space<vmem>>) semaphore(%arg28 : memref<!tpu.dma_semaphore, #tpu.memory_space<semaphore_mem>>)
    } else {
    }
    %eq3A_219 = arith.constant 1 : i32
    %eq3A_220 = arith.cmpi eq, %arg0, %eq3A_219 : i32
    %convert_element_type3A_221 = arith.extui %eq3A_220 : i1 to i32
    %cond3A_222 = arith.constant 0 : i32
    %cond3A_223 = arith.cmpi ne, %convert_element_type3A_221, %cond3A_222 : i32
    scf.if %cond3A_223 {
      %dma_start3A_310 = arith.constant 0 : i32
      %dma_start3A_311 = arith.constant 0 : i32
      %dma_start3A_312 = tpu.memref_slice %arg3[%dma_start3A_310, %dma_start3A_311] : memref<10000x128xf32, #tpu.memory_space<hbm>> -> memref<10000x128xf32, #tpu.memory_space<hbm>>
      tpu.enqueue_indirect_dma source(%dma_start3A_312 : memref<10000x128xf32, #tpu.memory_space<hbm>>) target(%arg12 : memref<40x128xf32, #tpu.memory_space<vmem>>) offsets(%arg17 : memref<40xi32, #tpu.memory_space<vmem>>) semaphore(%arg28 : memref<!tpu.dma_semaphore, #tpu.memory_space<semaphore_mem>>)
    } else {
    }
    %barrier3A = arith.constant 0 : index
    tpu.barrier barrier_id(%barrier3A)
    %scan3A = arith.constant 0 : i32
    %scan3A_224 = arith.constant 50 : i32
    %scan3A_225 = arith.addi %scan3A, %scan3A_224 : i32
    %scan3A_226 = arith.constant 1 : i32
    scf.for %scan3A_310 = %scan3A to %scan3A_225 step %scan3A_226  : i32 {
      %mul3A_311 = arith.constant 10 : i32
      %mul3A_312 = arith.muli %scan3A_310, %mul3A_311 : i32
      %add3A_313 = arith.constant 0 : i32
      %add3A_314 = arith.addi %add3A_313, %mul3A_312 : i32
      %add3A_315 = arith.constant 0 : i32
      %add3A_316 = arith.addi %add3A_314, %add3A_315 : i32
      %add3A_317 = arith.constant 4 : i32
      %add3A_318 = arith.addi %add3A_316, %add3A_317 : i32
      %lt3A = arith.constant 500 : i32
      %lt3A_319 = arith.cmpi slt, %add3A_318, %lt3A : i32
      %convert_element_type3A_320 = arith.extui %lt3A_319 : i1 to i32
      %cond3A_321 = arith.constant 0 : i32
      %cond3A_322 = arith.cmpi ne, %convert_element_type3A_320, %cond3A_321 : i32
      scf.if %cond3A_322 {
        %add3A_574 = arith.constant 4 : i32
        %add3A_575 = arith.addi %add3A_316, %add3A_574 : i32
        %ge3A = arith.constant 5 : i32
        %ge3A_576 = arith.cmpi sge, %add3A_575, %ge3A : i32
        %convert_element_type3A_577 = arith.extui %ge3A_576 : i1 to i32
        %cond3A_578 = arith.constant 0 : i32
        %cond3A_579 = arith.cmpi ne, %convert_element_type3A_577, %cond3A_578 : i32
        scf.if %cond3A_579 {
          %add3A_600 = arith.constant 4 : i32
          %add3A_601 = arith.addi %add3A_316, %add3A_600 : i32
          %sub3A = arith.constant 5 : i32
          %sub3A_602 = arith.subi %add3A_601, %sub3A : i32
          %mul3A_603 = arith.constant 40 : i32
          %mul3A_604 = arith.muli %sub3A_602, %mul3A_603 : i32
          %multiple_of3A_605 = tpu.assume_multiple %mul3A_604, 8 : i32
          %dma_wait3A_606 = tpu.memref_slice %arg24[%multiple_of3A_605] : memref<20000xi32, #tpu.memory_space<vmem>> -> memref<40xi32, #tpu.memory_space<vmem>>
          %dma_wait3A_607 = arith.constant 0 : i32
          %dma_wait3A_608 = arith.constant 0 : i32
          %dma_wait3A_609 = tpu.memref_slice %arg8[%dma_wait3A_607, %dma_wait3A_608] : memref<10000x128xf32, #tpu.memory_space<vmem_shared>> -> memref<10000x128xf32, #tpu.memory_space<vmem_shared>>
          tpu.wait_indirect_dma semaphore(%arg34 : memref<!tpu.dma_semaphore, #tpu.memory_space<semaphore_mem>>) src(%arg13 : memref<40x128xf32, #tpu.memory_space<vmem>>) dst(%dma_wait3A_609 : memref<10000x128xf32, #tpu.memory_space<vmem_shared>>)
        } else {
        }
        %add3A_580 = arith.constant 4 : i32
        %add3A_581 = arith.addi %add3A_316, %add3A_580 : i32
        %mul3A_582 = arith.constant 20000 : i32
        %mul3A_583 = arith.muli %arg1, %mul3A_582 : i32
        %mul3A_584 = arith.constant 40 : i32
        %mul3A_585 = arith.muli %add3A_581, %mul3A_584 : i32
        %add3A_586 = arith.addi %mul3A_583, %mul3A_585 : i32
        %multiple_of3A_587 = tpu.assume_multiple %add3A_586, 8 : i32
        %dma_wait3A_588 = tpu.memref_slice %arg4[%multiple_of3A_587] : memref<320000xi32, #tpu.memory_space<hbm>> -> memref<40xi32, #tpu.memory_space<hbm>>
        %dma_wait3A_589 = tpu.memref_slice %arg4[%multiple_of3A_587] : memref<320000xi32, #tpu.memory_space<hbm>> -> memref<40xi32, #tpu.memory_space<hbm>>
        tpu.wait_dma2 semaphore(%arg39 : memref<!tpu.dma_semaphore, #tpu.memory_space<semaphore_mem>>) src(%dma_wait3A_589 : memref<40xi32, #tpu.memory_space<hbm>>) dst(%arg18 : memref<40xi32, #tpu.memory_space<vmem>>)
        %eq3A_590 = arith.constant 0 : i32
        %eq3A_591 = arith.cmpi eq, %arg0, %eq3A_590 : i32
        %convert_element_type3A_592 = arith.extui %eq3A_591 : i1 to i32
        %cond3A_593 = arith.constant 0 : i32
        %cond3A_594 = arith.cmpi ne, %convert_element_type3A_592, %cond3A_593 : i32
        scf.if %cond3A_594 {
          %dma_start3A_600 = arith.constant 0 : i32
          %dma_start3A_601 = arith.constant 0 : i32
          %dma_start3A_602 = tpu.memref_slice %arg2[%dma_start3A_600, %dma_start3A_601] : memref<10000x128xf32, #tpu.memory_space<hbm>> -> memref<10000x128xf32, #tpu.memory_space<hbm>>
          tpu.enqueue_indirect_dma source(%dma_start3A_602 : memref<10000x128xf32, #tpu.memory_space<hbm>>) target(%arg13 : memref<40x128xf32, #tpu.memory_space<vmem>>) offsets(%arg18 : memref<40xi32, #tpu.memory_space<vmem>>) semaphore(%arg29 : memref<!tpu.dma_semaphore, #tpu.memory_space<semaphore_mem>>)
        } else {
        }
        %eq3A_595 = arith.constant 1 : i32
        %eq3A_596 = arith.cmpi eq, %arg0, %eq3A_595 : i32
        %convert_element_type3A_597 = arith.extui %eq3A_596 : i1 to i32
        %cond3A_598 = arith.constant 0 : i32
        %cond3A_599 = arith.cmpi ne, %convert_element_type3A_597, %cond3A_598 : i32
        scf.if %cond3A_599 {
          %dma_start3A_600 = arith.constant 0 : i32
          %dma_start3A_601 = arith.constant 0 : i32
          %dma_start3A_602 = tpu.memref_slice %arg3[%dma_start3A_600, %dma_start3A_601] : memref<10000x128xf32, #tpu.memory_space<hbm>> -> memref<10000x128xf32, #tpu.memory_space<hbm>>
          tpu.enqueue_indirect_dma source(%dma_start3A_602 : memref<10000x128xf32, #tpu.memory_space<hbm>>) target(%arg13 : memref<40x128xf32, #tpu.memory_space<vmem>>) offsets(%arg18 : memref<40xi32, #tpu.memory_space<vmem>>) semaphore(%arg29 : memref<!tpu.dma_semaphore, #tpu.memory_space<semaphore_mem>>)
        } else {
        }
      } else {
      }
      %dma_wait3A_323 = arith.constant 0 : i32
      %dma_wait3A_324 = arith.constant 0 : i32
      %dma_wait3A_325 = tpu.memref_slice %arg2[%dma_wait3A_323, %dma_wait3A_324] : memref<10000x128xf32, #tpu.memory_space<hbm>> -> memref<10000x128xf32, #tpu.memory_space<hbm>>
      tpu.wait_indirect_dma semaphore(%arg25 : memref<!tpu.dma_semaphore, #tpu.memory_space<semaphore_mem>>) src(%dma_wait3A_325 : memref<10000x128xf32, #tpu.memory_space<hbm>>) dst(%arg9 : memref<40x128xf32, #tpu.memory_space<vmem>>)
      %mul3A_326 = arith.constant 40 : i32
      %mul3A_327 = arith.muli %add3A_316, %mul3A_326 : i32
      %multiple_of3A_328 = tpu.assume_multiple %mul3A_327, 8 : i32
      %dma_start3A_329 = tpu.memref_slice %arg24[%multiple_of3A_328] : memref<20000xi32, #tpu.memory_space<vmem>> -> memref<40xi32, #tpu.memory_space<vmem>>
      %dma_start3A_330 = arith.constant 0 : i32
      %dma_start3A_331 = arith.constant 0 : i32
      %dma_start3A_332 = tpu.memref_slice %arg8[%dma_start3A_330, %dma_start3A_331] : memref<10000x128xf32, #tpu.memory_space<vmem_shared>> -> memref<10000x128xf32, #tpu.memory_space<vmem_shared>>
      tpu.enqueue_indirect_dma source(%arg9 : memref<40x128xf32, #tpu.memory_space<vmem>>) target(%dma_start3A_332 : memref<10000x128xf32, #tpu.memory_space<vmem_shared>>) offsets(%dma_start3A_329 : memref<40xi32, #tpu.memory_space<vmem>>) semaphore(%arg30 : memref<!tpu.dma_semaphore, #tpu.memory_space<semaphore_mem>>) {add = true}
      %add3A_333 = arith.constant 8 : i32
      %add3A_334 = arith.addi %add3A_316, %add3A_333 : i32
      %lt3A_335 = arith.constant 500 : i32
      %lt3A_336 = arith.cmpi slt, %add3A_334, %lt3A_335 : i32
      %convert_element_type3A_337 = arith.extui %lt3A_336 : i1 to i32
      %cond3A_338 = arith.constant 0 : i32
      %cond3A_339 = arith.cmpi ne, %convert_element_type3A_337, %cond3A_338 : i32
      scf.if %cond3A_339 {
        %add3A_574 = arith.constant 8 : i32
        %add3A_575 = arith.addi %add3A_316, %add3A_574 : i32
        %mul3A_576 = arith.constant 20000 : i32
        %mul3A_577 = arith.muli %arg1, %mul3A_576 : i32
        %mul3A_578 = arith.constant 40 : i32
        %mul3A_579 = arith.muli %add3A_575, %mul3A_578 : i32
        %add3A_580 = arith.addi %mul3A_577, %mul3A_579 : i32
        %multiple_of3A_581 = tpu.assume_multiple %add3A_580, 8 : i32
        %dma_start3A_582 = tpu.memref_slice %arg4[%multiple_of3A_581] : memref<320000xi32, #tpu.memory_space<hbm>> -> memref<40xi32, #tpu.memory_space<hbm>>
        %dma_start3A_583 = tpu.memref_slice %arg4[%multiple_of3A_581] : memref<320000xi32, #tpu.memory_space<hbm>> -> memref<40xi32, #tpu.memory_space<hbm>>
        tpu.enqueue_dma source(%dma_start3A_583 : memref<40xi32, #tpu.memory_space<hbm>>) target(%arg22 : memref<40xi32, #tpu.memory_space<vmem>>) target_semaphore(%arg43 : memref<!tpu.dma_semaphore, #tpu.memory_space<semaphore_mem>>)
      } else {
      }
      %add3A_340 = arith.constant 1 : i32
      %add3A_341 = arith.addi %add3A_314, %add3A_340 : i32
      %add3A_342 = arith.constant 4 : i32
      %add3A_343 = arith.addi %add3A_341, %add3A_342 : i32
      %lt3A_344 = arith.constant 500 : i32
      %lt3A_345 = arith.cmpi slt, %add3A_343, %lt3A_344 : i32
      %convert_element_type3A_346 = arith.extui %lt3A_345 : i1 to i32
      %cond3A_347 = arith.constant 0 : i32
      %cond3A_348 = arith.cmpi ne, %convert_element_type3A_346, %cond3A_347 : i32
      scf.if %cond3A_348 {
        %add3A_574 = arith.constant 4 : i32
        %add3A_575 = arith.addi %add3A_341, %add3A_574 : i32
        %ge3A = arith.constant 5 : i32
        %ge3A_576 = arith.cmpi sge, %add3A_575, %ge3A : i32
        %convert_element_type3A_577 = arith.extui %ge3A_576 : i1 to i32
        %cond3A_578 = arith.constant 0 : i32
        %cond3A_579 = arith.cmpi ne, %convert_element_type3A_577, %cond3A_578 : i32
        scf.if %cond3A_579 {
          %add3A_600 = arith.constant 4 : i32
          %add3A_601 = arith.addi %add3A_341, %add3A_600 : i32
          %sub3A = arith.constant 5 : i32
          %sub3A_602 = arith.subi %add3A_601, %sub3A : i32
          %mul3A_603 = arith.constant 40 : i32
          %mul3A_604 = arith.muli %sub3A_602, %mul3A_603 : i32
          %multiple_of3A_605 = tpu.assume_multiple %mul3A_604, 8 : i32
          %dma_wait3A_606 = tpu.memref_slice %arg24[%multiple_of3A_605] : memref<20000xi32, #tpu.memory_space<vmem>> -> memref<40xi32, #tpu.memory_space<vmem>>
          %dma_wait3A_607 = arith.constant 0 : i32
          %dma_wait3A_608 = arith.constant 0 : i32
          %dma_wait3A_609 = tpu.memref_slice %arg8[%dma_wait3A_607, %dma_wait3A_608] : memref<10000x128xf32, #tpu.memory_space<vmem_shared>> -> memref<10000x128xf32, #tpu.memory_space<vmem_shared>>
          tpu.wait_indirect_dma semaphore(%arg30 : memref<!tpu.dma_semaphore, #tpu.memory_space<semaphore_mem>>) src(%arg9 : memref<40x128xf32, #tpu.memory_space<vmem>>) dst(%dma_wait3A_609 : memref<10000x128xf32, #tpu.memory_space<vmem_shared>>)
        } else {
        }
        %add3A_580 = arith.constant 4 : i32
        %add3A_581 = arith.addi %add3A_341, %add3A_580 : i32
        %mul3A_582 = arith.constant 20000 : i32
        %mul3A_583 = arith.muli %arg1, %mul3A_582 : i32
        %mul3A_584 = arith.constant 40 : i32
        %mul3A_585 = arith.muli %add3A_581, %mul3A_584 : i32
        %add3A_586 = arith.addi %mul3A_583, %mul3A_585 : i32
        %multiple_of3A_587 = tpu.assume_multiple %add3A_586, 8 : i32
        %dma_wait3A_588 = tpu.memref_slice %arg4[%multiple_of3A_587] : memref<320000xi32, #tpu.memory_space<hbm>> -> memref<40xi32, #tpu.memory_space<hbm>>
        %dma_wait3A_589 = tpu.memref_slice %arg4[%multiple_of3A_587] : memref<320000xi32, #tpu.memory_space<hbm>> -> memref<40xi32, #tpu.memory_space<hbm>>
        tpu.wait_dma2 semaphore(%arg40 : memref<!tpu.dma_semaphore, #tpu.memory_space<semaphore_mem>>) src(%dma_wait3A_589 : memref<40xi32, #tpu.memory_space<hbm>>) dst(%arg19 : memref<40xi32, #tpu.memory_space<vmem>>)
        %eq3A_590 = arith.constant 0 : i32
        %eq3A_591 = arith.cmpi eq, %arg0, %eq3A_590 : i32
        %convert_element_type3A_592 = arith.extui %eq3A_591 : i1 to i32
        %cond3A_593 = arith.constant 0 : i32
        %cond3A_594 = arith.cmpi ne, %convert_element_type3A_592, %cond3A_593 : i32
        scf.if %cond3A_594 {
          %dma_start3A_600 = arith.constant 0 : i32
          %dma_start3A_601 = arith.constant 0 : i32
          %dma_start3A_602 = tpu.memref_slice %arg2[%dma_start3A_600, %dma_start3A_601] : memref<10000x128xf32, #tpu.memory_space<hbm>> -> memref<10000x128xf32, #tpu.memory_space<hbm>>
          tpu.enqueue_indirect_dma source(%dma_start3A_602 : memref<10000x128xf32, #tpu.memory_space<hbm>>) target(%arg9 : memref<40x128xf32, #tpu.memory_space<vmem>>) offsets(%arg19 : memref<40xi32, #tpu.memory_space<vmem>>) semaphore(%arg25 : memref<!tpu.dma_semaphore, #tpu.memory_space<semaphore_mem>>)
        } else {
        }
        %eq3A_595 = arith.constant 1 : i32
        %eq3A_596 = arith.cmpi eq, %arg0, %eq3A_595 : i32
        %convert_element_type3A_597 = arith.extui %eq3A_596 : i1 to i32
        %cond3A_598 = arith.constant 0 : i32
        %cond3A_599 = arith.cmpi ne, %convert_element_type3A_597, %cond3A_598 : i32
        scf.if %cond3A_599 {
          %dma_start3A_600 = arith.constant 0 : i32
          %dma_start3A_601 = arith.constant 0 : i32
          %dma_start3A_602 = tpu.memref_slice %arg3[%dma_start3A_600, %dma_start3A_601] : memref<10000x128xf32, #tpu.memory_space<hbm>> -> memref<10000x128xf32, #tpu.memory_space<hbm>>
          tpu.enqueue_indirect_dma source(%dma_start3A_602 : memref<10000x128xf32, #tpu.memory_space<hbm>>) target(%arg9 : memref<40x128xf32, #tpu.memory_space<vmem>>) offsets(%arg19 : memref<40xi32, #tpu.memory_space<vmem>>) semaphore(%arg25 : memref<!tpu.dma_semaphore, #tpu.memory_space<semaphore_mem>>)
        } else {
        }
      } else {
      }
      %dma_wait3A_349 = arith.constant 0 : i32
      %dma_wait3A_350 = arith.constant 0 : i32
      %dma_wait3A_351 = tpu.memref_slice %arg2[%dma_wait3A_349, %dma_wait3A_350] : memref<10000x128xf32, #tpu.memory_space<hbm>> -> memref<10000x128xf32, #tpu.memory_space<hbm>>
      tpu.wait_indirect_dma semaphore(%arg26 : memref<!tpu.dma_semaphore, #tpu.memory_space<semaphore_mem>>) src(%dma_wait3A_351 : memref<10000x128xf32, #tpu.memory_space<hbm>>) dst(%arg10 : memref<40x128xf32, #tpu.memory_space<vmem>>)
      %mul3A_352 = arith.constant 40 : i32
      %mul3A_353 = arith.muli %add3A_341, %mul3A_352 : i32
      %multiple_of3A_354 = tpu.assume_multiple %mul3A_353, 8 : i32
      %dma_start3A_355 = tpu.memref_slice %arg24[%multiple_of3A_354] : memref<20000xi32, #tpu.memory_space<vmem>> -> memref<40xi32, #tpu.memory_space<vmem>>
      %dma_start3A_356 = arith.constant 0 : i32
      %dma_start3A_357 = arith.constant 0 : i32
      %dma_start3A_358 = tpu.memref_slice %arg8[%dma_start3A_356, %dma_start3A_357] : memref<10000x128xf32, #tpu.memory_space<vmem_shared>> -> memref<10000x128xf32, #tpu.memory_space<vmem_shared>>
      tpu.enqueue_indirect_dma source(%arg10 : memref<40x128xf32, #tpu.memory_space<vmem>>) target(%dma_start3A_358 : memref<10000x128xf32, #tpu.memory_space<vmem_shared>>) offsets(%dma_start3A_355 : memref<40xi32, #tpu.memory_space<vmem>>) semaphore(%arg31 : memref<!tpu.dma_semaphore, #tpu.memory_space<semaphore_mem>>) {add = true}
      %add3A_359 = arith.constant 8 : i32
      %add3A_360 = arith.addi %add3A_341, %add3A_359 : i32
      %lt3A_361 = arith.constant 500 : i32
      %lt3A_362 = arith.cmpi slt, %add3A_360, %lt3A_361 : i32
      %convert_element_type3A_363 = arith.extui %lt3A_362 : i1 to i32
      %cond3A_364 = arith.constant 0 : i32
      %cond3A_365 = arith.cmpi ne, %convert_element_type3A_363, %cond3A_364 : i32
      scf.if %cond3A_365 {
        %add3A_574 = arith.constant 8 : i32
        %add3A_575 = arith.addi %add3A_341, %add3A_574 : i32
        %mul3A_576 = arith.constant 20000 : i32
        %mul3A_577 = arith.muli %arg1, %mul3A_576 : i32
        %mul3A_578 = arith.constant 40 : i32
        %mul3A_579 = arith.muli %add3A_575, %mul3A_578 : i32
        %add3A_580 = arith.addi %mul3A_577, %mul3A_579 : i32
        %multiple_of3A_581 = tpu.assume_multiple %add3A_580, 8 : i32
        %dma_start3A_582 = tpu.memref_slice %arg4[%multiple_of3A_581] : memref<320000xi32, #tpu.memory_space<hbm>> -> memref<40xi32, #tpu.memory_space<hbm>>
        %dma_start3A_583 = tpu.memref_slice %arg4[%multiple_of3A_581] : memref<320000xi32, #tpu.memory_space<hbm>> -> memref<40xi32, #tpu.memory_space<hbm>>
        tpu.enqueue_dma source(%dma_start3A_583 : memref<40xi32, #tpu.memory_space<hbm>>) target(%arg23 : memref<40xi32, #tpu.memory_space<vmem>>) target_semaphore(%arg44 : memref<!tpu.dma_semaphore, #tpu.memory_space<semaphore_mem>>)
      } else {
      }
      %add3A_366 = arith.constant 2 : i32
      %add3A_367 = arith.addi %add3A_314, %add3A_366 : i32
      %add3A_368 = arith.constant 4 : i32
      %add3A_369 = arith.addi %add3A_367, %add3A_368 : i32
      %lt3A_370 = arith.constant 500 : i32
      %lt3A_371 = arith.cmpi slt, %add3A_369, %lt3A_370 : i32
      %convert_element_type3A_372 = arith.extui %lt3A_371 : i1 to i32
      %cond3A_373 = arith.constant 0 : i32
      %cond3A_374 = arith.cmpi ne, %convert_element_type3A_372, %cond3A_373 : i32
      scf.if %cond3A_374 {
        %add3A_574 = arith.constant 4 : i32
        %add3A_575 = arith.addi %add3A_367, %add3A_574 : i32
        %ge3A = arith.constant 5 : i32
        %ge3A_576 = arith.cmpi sge, %add3A_575, %ge3A : i32
        %convert_element_type3A_577 = arith.extui %ge3A_576 : i1 to i32
        %cond3A_578 = arith.constant 0 : i32
        %cond3A_579 = arith.cmpi ne, %convert_element_type3A_577, %cond3A_578 : i32
        scf.if %cond3A_579 {
          %add3A_600 = arith.constant 4 : i32
          %add3A_601 = arith.addi %add3A_367, %add3A_600 : i32
          %sub3A = arith.constant 5 : i32
          %sub3A_602 = arith.subi %add3A_601, %sub3A : i32
          %mul3A_603 = arith.constant 40 : i32
          %mul3A_604 = arith.muli %sub3A_602, %mul3A_603 : i32
          %multiple_of3A_605 = tpu.assume_multiple %mul3A_604, 8 : i32
          %dma_wait3A_606 = tpu.memref_slice %arg24[%multiple_of3A_605] : memref<20000xi32, #tpu.memory_space<vmem>> -> memref<40xi32, #tpu.memory_space<vmem>>
          %dma_wait3A_607 = arith.constant 0 : i32
          %dma_wait3A_608 = arith.constant 0 : i32
          %dma_wait3A_609 = tpu.memref_slice %arg8[%dma_wait3A_607, %dma_wait3A_608] : memref<10000x128xf32, #tpu.memory_space<vmem_shared>> -> memref<10000x128xf32, #tpu.memory_space<vmem_shared>>
          tpu.wait_indirect_dma semaphore(%arg31 : memref<!tpu.dma_semaphore, #tpu.memory_space<semaphore_mem>>) src(%arg10 : memref<40x128xf32, #tpu.memory_space<vmem>>) dst(%dma_wait3A_609 : memref<10000x128xf32, #tpu.memory_space<vmem_shared>>)
        } else {
        }
        %add3A_580 = arith.constant 4 : i32
        %add3A_581 = arith.addi %add3A_367, %add3A_580 : i32
        %mul3A_582 = arith.constant 20000 : i32
        %mul3A_583 = arith.muli %arg1, %mul3A_582 : i32
        %mul3A_584 = arith.constant 40 : i32
        %mul3A_585 = arith.muli %add3A_581, %mul3A_584 : i32
        %add3A_586 = arith.addi %mul3A_583, %mul3A_585 : i32
        %multiple_of3A_587 = tpu.assume_multiple %add3A_586, 8 : i32
        %dma_wait3A_588 = tpu.memref_slice %arg4[%multiple_of3A_587] : memref<320000xi32, #tpu.memory_space<hbm>> -> memref<40xi32, #tpu.memory_space<hbm>>
        %dma_wait3A_589 = tpu.memref_slice %arg4[%multiple_of3A_587] : memref<320000xi32, #tpu.memory_space<hbm>> -> memref<40xi32, #tpu.memory_space<hbm>>
        tpu.wait_dma2 semaphore(%arg41 : memref<!tpu.dma_semaphore, #tpu.memory_space<semaphore_mem>>) src(%dma_wait3A_589 : memref<40xi32, #tpu.memory_space<hbm>>) dst(%arg20 : memref<40xi32, #tpu.memory_space<vmem>>)
        %eq3A_590 = arith.constant 0 : i32
        %eq3A_591 = arith.cmpi eq, %arg0, %eq3A_590 : i32
        %convert_element_type3A_592 = arith.extui %eq3A_591 : i1 to i32
        %cond3A_593 = arith.constant 0 : i32
        %cond3A_594 = arith.cmpi ne, %convert_element_type3A_592, %cond3A_593 : i32
        scf.if %cond3A_594 {
          %dma_start3A_600 = arith.constant 0 : i32
          %dma_start3A_601 = arith.constant 0 : i32
          %dma_start3A_602 = tpu.memref_slice %arg2[%dma_start3A_600, %dma_start3A_601] : memref<10000x128xf32, #tpu.memory_space<hbm>> -> memref<10000x128xf32, #tpu.memory_space<hbm>>
          tpu.enqueue_indirect_dma source(%dma_start3A_602 : memref<10000x128xf32, #tpu.memory_space<hbm>>) target(%arg10 : memref<40x128xf32, #tpu.memory_space<vmem>>) offsets(%arg20 : memref<40xi32, #tpu.memory_space<vmem>>) semaphore(%arg26 : memref<!tpu.dma_semaphore, #tpu.memory_space<semaphore_mem>>)
        } else {
        }
        %eq3A_595 = arith.constant 1 : i32
        %eq3A_596 = arith.cmpi eq, %arg0, %eq3A_595 : i32
        %convert_element_type3A_597 = arith.extui %eq3A_596 : i1 to i32
        %cond3A_598 = arith.constant 0 : i32
        %cond3A_599 = arith.cmpi ne, %convert_element_type3A_597, %cond3A_598 : i32
        scf.if %cond3A_599 {
          %dma_start3A_600 = arith.constant 0 : i32
          %dma_start3A_601 = arith.constant 0 : i32
          %dma_start3A_602 = tpu.memref_slice %arg3[%dma_start3A_600, %dma_start3A_601] : memref<10000x128xf32, #tpu.memory_space<hbm>> -> memref<10000x128xf32, #tpu.memory_space<hbm>>
          tpu.enqueue_indirect_dma source(%dma_start3A_602 : memref<10000x128xf32, #tpu.memory_space<hbm>>) target(%arg10 : memref<40x128xf32, #tpu.memory_space<vmem>>) offsets(%arg20 : memref<40xi32, #tpu.memory_space<vmem>>) semaphore(%arg26 : memref<!tpu.dma_semaphore, #tpu.memory_space<semaphore_mem>>)
        } else {
        }
      } else {
      }
      %dma_wait3A_375 = arith.constant 0 : i32
      %dma_wait3A_376 = arith.constant 0 : i32
      %dma_wait3A_377 = tpu.memref_slice %arg2[%dma_wait3A_375, %dma_wait3A_376] : memref<10000x128xf32, #tpu.memory_space<hbm>> -> memref<10000x128xf32, #tpu.memory_space<hbm>>
      tpu.wait_indirect_dma semaphore(%arg27 : memref<!tpu.dma_semaphore, #tpu.memory_space<semaphore_mem>>) src(%dma_wait3A_377 : memref<10000x128xf32, #tpu.memory_space<hbm>>) dst(%arg11 : memref<40x128xf32, #tpu.memory_space<vmem>>)
      %mul3A_378 = arith.constant 40 : i32
      %mul3A_379 = arith.muli %add3A_367, %mul3A_378 : i32
      %multiple_of3A_380 = tpu.assume_multiple %mul3A_379, 8 : i32
      %dma_start3A_381 = tpu.memref_slice %arg24[%multiple_of3A_380] : memref<20000xi32, #tpu.memory_space<vmem>> -> memref<40xi32, #tpu.memory_space<vmem>>
      %dma_start3A_382 = arith.constant 0 : i32
      %dma_start3A_383 = arith.constant 0 : i32
      %dma_start3A_384 = tpu.memref_slice %arg8[%dma_start3A_382, %dma_start3A_383] : memref<10000x128xf32, #tpu.memory_space<vmem_shared>> -> memref<10000x128xf32, #tpu.memory_space<vmem_shared>>
      tpu.enqueue_indirect_dma source(%arg11 : memref<40x128xf32, #tpu.memory_space<vmem>>) target(%dma_start3A_384 : memref<10000x128xf32, #tpu.memory_space<vmem_shared>>) offsets(%dma_start3A_381 : memref<40xi32, #tpu.memory_space<vmem>>) semaphore(%arg32 : memref<!tpu.dma_semaphore, #tpu.memory_space<semaphore_mem>>) {add = true}
      %add3A_385 = arith.constant 8 : i32
      %add3A_386 = arith.addi %add3A_367, %add3A_385 : i32
      %lt3A_387 = arith.constant 500 : i32
      %lt3A_388 = arith.cmpi slt, %add3A_386, %lt3A_387 : i32
      %convert_element_type3A_389 = arith.extui %lt3A_388 : i1 to i32
      %cond3A_390 = arith.constant 0 : i32
      %cond3A_391 = arith.cmpi ne, %convert_element_type3A_389, %cond3A_390 : i32
      scf.if %cond3A_391 {
        %add3A_574 = arith.constant 8 : i32
        %add3A_575 = arith.addi %add3A_367, %add3A_574 : i32
        %mul3A_576 = arith.constant 20000 : i32
        %mul3A_577 = arith.muli %arg1, %mul3A_576 : i32
        %mul3A_578 = arith.constant 40 : i32
        %mul3A_579 = arith.muli %add3A_575, %mul3A_578 : i32
        %add3A_580 = arith.addi %mul3A_577, %mul3A_579 : i32
        %multiple_of3A_581 = tpu.assume_multiple %add3A_580, 8 : i32
        %dma_start3A_582 = tpu.memref_slice %arg4[%multiple_of3A_581] : memref<320000xi32, #tpu.memory_space<hbm>> -> memref<40xi32, #tpu.memory_space<hbm>>
        %dma_start3A_583 = tpu.memref_slice %arg4[%multiple_of3A_581] : memref<320000xi32, #tpu.memory_space<hbm>> -> memref<40xi32, #tpu.memory_space<hbm>>
        tpu.enqueue_dma source(%dma_start3A_583 : memref<40xi32, #tpu.memory_space<hbm>>) target(%arg14 : memref<40xi32, #tpu.memory_space<vmem>>) target_semaphore(%arg35 : memref<!tpu.dma_semaphore, #tpu.memory_space<semaphore_mem>>)
      } else {
      }
      %add3A_392 = arith.constant 3 : i32
      %add3A_393 = arith.addi %add3A_314, %add3A_392 : i32
      %add3A_394 = arith.constant 4 : i32
      %add3A_395 = arith.addi %add3A_393, %add3A_394 : i32
      %lt3A_396 = arith.constant 500 : i32
      %lt3A_397 = arith.cmpi slt, %add3A_395, %lt3A_396 : i32
      %convert_element_type3A_398 = arith.extui %lt3A_397 : i1 to i32
      %cond3A_399 = arith.constant 0 : i32
      %cond3A_400 = arith.cmpi ne, %convert_element_type3A_398, %cond3A_399 : i32
      scf.if %cond3A_400 {
        %add3A_574 = arith.constant 4 : i32
        %add3A_575 = arith.addi %add3A_393, %add3A_574 : i32
        %ge3A = arith.constant 5 : i32
        %ge3A_576 = arith.cmpi sge, %add3A_575, %ge3A : i32
        %convert_element_type3A_577 = arith.extui %ge3A_576 : i1 to i32
        %cond3A_578 = arith.constant 0 : i32
        %cond3A_579 = arith.cmpi ne, %convert_element_type3A_577, %cond3A_578 : i32
        scf.if %cond3A_579 {
          %add3A_600 = arith.constant 4 : i32
          %add3A_601 = arith.addi %add3A_393, %add3A_600 : i32
          %sub3A = arith.constant 5 : i32
          %sub3A_602 = arith.subi %add3A_601, %sub3A : i32
          %mul3A_603 = arith.constant 40 : i32
          %mul3A_604 = arith.muli %sub3A_602, %mul3A_603 : i32
          %multiple_of3A_605 = tpu.assume_multiple %mul3A_604, 8 : i32
          %dma_wait3A_606 = tpu.memref_slice %arg24[%multiple_of3A_605] : memref<20000xi32, #tpu.memory_space<vmem>> -> memref<40xi32, #tpu.memory_space<vmem>>
          %dma_wait3A_607 = arith.constant 0 : i32
          %dma_wait3A_608 = arith.constant 0 : i32
          %dma_wait3A_609 = tpu.memref_slice %arg8[%dma_wait3A_607, %dma_wait3A_608] : memref<10000x128xf32, #tpu.memory_space<vmem_shared>> -> memref<10000x128xf32, #tpu.memory_space<vmem_shared>>
          tpu.wait_indirect_dma semaphore(%arg32 : memref<!tpu.dma_semaphore, #tpu.memory_space<semaphore_mem>>) src(%arg11 : memref<40x128xf32, #tpu.memory_space<vmem>>) dst(%dma_wait3A_609 : memref<10000x128xf32, #tpu.memory_space<vmem_shared>>)
        } else {
        }
        %add3A_580 = arith.constant 4 : i32
        %add3A_581 = arith.addi %add3A_393, %add3A_580 : i32
        %mul3A_582 = arith.constant 20000 : i32
        %mul3A_583 = arith.muli %arg1, %mul3A_582 : i32
        %mul3A_584 = arith.constant 40 : i32
        %mul3A_585 = arith.muli %add3A_581, %mul3A_584 : i32
        %add3A_586 = arith.addi %mul3A_583, %mul3A_585 : i32
        %multiple_of3A_587 = tpu.assume_multiple %add3A_586, 8 : i32
        %dma_wait3A_588 = tpu.memref_slice %arg4[%multiple_of3A_587] : memref<320000xi32, #tpu.memory_space<hbm>> -> memref<40xi32, #tpu.memory_space<hbm>>
        %dma_wait3A_589 = tpu.memref_slice %arg4[%multiple_of3A_587] : memref<320000xi32, #tpu.memory_space<hbm>> -> memref<40xi32, #tpu.memory_space<hbm>>
        tpu.wait_dma2 semaphore(%arg42 : memref<!tpu.dma_semaphore, #tpu.memory_space<semaphore_mem>>) src(%dma_wait3A_589 : memref<40xi32, #tpu.memory_space<hbm>>) dst(%arg21 : memref<40xi32, #tpu.memory_space<vmem>>)
        %eq3A_590 = arith.constant 0 : i32
        %eq3A_591 = arith.cmpi eq, %arg0, %eq3A_590 : i32
        %convert_element_type3A_592 = arith.extui %eq3A_591 : i1 to i32
        %cond3A_593 = arith.constant 0 : i32
        %cond3A_594 = arith.cmpi ne, %convert_element_type3A_592, %cond3A_593 : i32
        scf.if %cond3A_594 {
          %dma_start3A_600 = arith.constant 0 : i32
          %dma_start3A_601 = arith.constant 0 : i32
          %dma_start3A_602 = tpu.memref_slice %arg2[%dma_start3A_600, %dma_start3A_601] : memref<10000x128xf32, #tpu.memory_space<hbm>> -> memref<10000x128xf32, #tpu.memory_space<hbm>>
          tpu.enqueue_indirect_dma source(%dma_start3A_602 : memref<10000x128xf32, #tpu.memory_space<hbm>>) target(%arg11 : memref<40x128xf32, #tpu.memory_space<vmem>>) offsets(%arg21 : memref<40xi32, #tpu.memory_space<vmem>>) semaphore(%arg27 : memref<!tpu.dma_semaphore, #tpu.memory_space<semaphore_mem>>)
        } else {
        }
        %eq3A_595 = arith.constant 1 : i32
        %eq3A_596 = arith.cmpi eq, %arg0, %eq3A_595 : i32
        %convert_element_type3A_597 = arith.extui %eq3A_596 : i1 to i32
        %cond3A_598 = arith.constant 0 : i32
        %cond3A_599 = arith.cmpi ne, %convert_element_type3A_597, %cond3A_598 : i32
        scf.if %cond3A_599 {
          %dma_start3A_600 = arith.constant 0 : i32
          %dma_start3A_601 = arith.constant 0 : i32
          %dma_start3A_602 = tpu.memref_slice %arg3[%dma_start3A_600, %dma_start3A_601] : memref<10000x128xf32, #tpu.memory_space<hbm>> -> memref<10000x128xf32, #tpu.memory_space<hbm>>
          tpu.enqueue_indirect_dma source(%dma_start3A_602 : memref<10000x128xf32, #tpu.memory_space<hbm>>) target(%arg11 : memref<40x128xf32, #tpu.memory_space<vmem>>) offsets(%arg21 : memref<40xi32, #tpu.memory_space<vmem>>) semaphore(%arg27 : memref<!tpu.dma_semaphore, #tpu.memory_space<semaphore_mem>>)
        } else {
        }
      } else {
      }
      %dma_wait3A_401 = arith.constant 0 : i32
      %dma_wait3A_402 = arith.constant 0 : i32
      %dma_wait3A_403 = tpu.memref_slice %arg2[%dma_wait3A_401, %dma_wait3A_402] : memref<10000x128xf32, #tpu.memory_space<hbm>> -> memref<10000x128xf32, #tpu.memory_space<hbm>>
      tpu.wait_indirect_dma semaphore(%arg28 : memref<!tpu.dma_semaphore, #tpu.memory_space<semaphore_mem>>) src(%dma_wait3A_403 : memref<10000x128xf32, #tpu.memory_space<hbm>>) dst(%arg12 : memref<40x128xf32, #tpu.memory_space<vmem>>)
      %mul3A_404 = arith.constant 40 : i32
      %mul3A_405 = arith.muli %add3A_393, %mul3A_404 : i32
      %multiple_of3A_406 = tpu.assume_multiple %mul3A_405, 8 : i32
      %dma_start3A_407 = tpu.memref_slice %arg24[%multiple_of3A_406] : memref<20000xi32, #tpu.memory_space<vmem>> -> memref<40xi32, #tpu.memory_space<vmem>>
      %dma_start3A_408 = arith.constant 0 : i32
      %dma_start3A_409 = arith.constant 0 : i32
      %dma_start3A_410 = tpu.memref_slice %arg8[%dma_start3A_408, %dma_start3A_409] : memref<10000x128xf32, #tpu.memory_space<vmem_shared>> -> memref<10000x128xf32, #tpu.memory_space<vmem_shared>>
      tpu.enqueue_indirect_dma source(%arg12 : memref<40x128xf32, #tpu.memory_space<vmem>>) target(%dma_start3A_410 : memref<10000x128xf32, #tpu.memory_space<vmem_shared>>) offsets(%dma_start3A_407 : memref<40xi32, #tpu.memory_space<vmem>>) semaphore(%arg33 : memref<!tpu.dma_semaphore, #tpu.memory_space<semaphore_mem>>) {add = true}
      %add3A_411 = arith.constant 8 : i32
      %add3A_412 = arith.addi %add3A_393, %add3A_411 : i32
      %lt3A_413 = arith.constant 500 : i32
      %lt3A_414 = arith.cmpi slt, %add3A_412, %lt3A_413 : i32
      %convert_element_type3A_415 = arith.extui %lt3A_414 : i1 to i32
      %cond3A_416 = arith.constant 0 : i32
      %cond3A_417 = arith.cmpi ne, %convert_element_type3A_415, %cond3A_416 : i32
      scf.if %cond3A_417 {
        %add3A_574 = arith.constant 8 : i32
        %add3A_575 = arith.addi %add3A_393, %add3A_574 : i32
        %mul3A_576 = arith.constant 20000 : i32
        %mul3A_577 = arith.muli %arg1, %mul3A_576 : i32
        %mul3A_578 = arith.constant 40 : i32
        %mul3A_579 = arith.muli %add3A_575, %mul3A_578 : i32
        %add3A_580 = arith.addi %mul3A_577, %mul3A_579 : i32
        %multiple_of3A_581 = tpu.assume_multiple %add3A_580, 8 : i32
        %dma_start3A_582 = tpu.memref_slice %arg4[%multiple_of3A_581] : memref<320000xi32, #tpu.memory_space<hbm>> -> memref<40xi32, #tpu.memory_space<hbm>>
        %dma_start3A_583 = tpu.memref_slice %arg4[%multiple_of3A_581] : memref<320000xi32, #tpu.memory_space<hbm>> -> memref<40xi32, #tpu.memory_space<hbm>>
        tpu.enqueue_dma source(%dma_start3A_583 : memref<40xi32, #tpu.memory_space<hbm>>) target(%arg15 : memref<40xi32, #tpu.memory_space<vmem>>) target_semaphore(%arg36 : memref<!tpu.dma_semaphore, #tpu.memory_space<semaphore_mem>>)
      } else {
      }
      %add3A_418 = arith.constant 4 : i32
      %add3A_419 = arith.addi %add3A_314, %add3A_418 : i32
      %add3A_420 = arith.constant 4 : i32
      %add3A_421 = arith.addi %add3A_419, %add3A_420 : i32
      %lt3A_422 = arith.constant 500 : i32
      %lt3A_423 = arith.cmpi slt, %add3A_421, %lt3A_422 : i32
      %convert_element_type3A_424 = arith.extui %lt3A_423 : i1 to i32
      %cond3A_425 = arith.constant 0 : i32
      %cond3A_426 = arith.cmpi ne, %convert_element_type3A_424, %cond3A_425 : i32
      scf.if %cond3A_426 {
        %add3A_574 = arith.constant 4 : i32
        %add3A_575 = arith.addi %add3A_419, %add3A_574 : i32
        %ge3A = arith.constant 5 : i32
        %ge3A_576 = arith.cmpi sge, %add3A_575, %ge3A : i32
        %convert_element_type3A_577 = arith.extui %ge3A_576 : i1 to i32
        %cond3A_578 = arith.constant 0 : i32
        %cond3A_579 = arith.cmpi ne, %convert_element_type3A_577, %cond3A_578 : i32
        scf.if %cond3A_579 {
          %add3A_600 = arith.constant 4 : i32
          %add3A_601 = arith.addi %add3A_419, %add3A_600 : i32
          %sub3A = arith.constant 5 : i32
          %sub3A_602 = arith.subi %add3A_601, %sub3A : i32
          %mul3A_603 = arith.constant 40 : i32
          %mul3A_604 = arith.muli %sub3A_602, %mul3A_603 : i32
          %multiple_of3A_605 = tpu.assume_multiple %mul3A_604, 8 : i32
          %dma_wait3A_606 = tpu.memref_slice %arg24[%multiple_of3A_605] : memref<20000xi32, #tpu.memory_space<vmem>> -> memref<40xi32, #tpu.memory_space<vmem>>
          %dma_wait3A_607 = arith.constant 0 : i32
          %dma_wait3A_608 = arith.constant 0 : i32
          %dma_wait3A_609 = tpu.memref_slice %arg8[%dma_wait3A_607, %dma_wait3A_608] : memref<10000x128xf32, #tpu.memory_space<vmem_shared>> -> memref<10000x128xf32, #tpu.memory_space<vmem_shared>>
          tpu.wait_indirect_dma semaphore(%arg33 : memref<!tpu.dma_semaphore, #tpu.memory_space<semaphore_mem>>) src(%arg12 : memref<40x128xf32, #tpu.memory_space<vmem>>) dst(%dma_wait3A_609 : memref<10000x128xf32, #tpu.memory_space<vmem_shared>>)
        } else {
        }
        %add3A_580 = arith.constant 4 : i32
        %add3A_581 = arith.addi %add3A_419, %add3A_580 : i32
        %mul3A_582 = arith.constant 20000 : i32
        %mul3A_583 = arith.muli %arg1, %mul3A_582 : i32
        %mul3A_584 = arith.constant 40 : i32
        %mul3A_585 = arith.muli %add3A_581, %mul3A_584 : i32
        %add3A_586 = arith.addi %mul3A_583, %mul3A_585 : i32
        %multiple_of3A_587 = tpu.assume_multiple %add3A_586, 8 : i32
        %dma_wait3A_588 = tpu.memref_slice %arg4[%multiple_of3A_587] : memref<320000xi32, #tpu.memory_space<hbm>> -> memref<40xi32, #tpu.memory_space<hbm>>
        %dma_wait3A_589 = tpu.memref_slice %arg4[%multiple_of3A_587] : memref<320000xi32, #tpu.memory_space<hbm>> -> memref<40xi32, #tpu.memory_space<hbm>>
        tpu.wait_dma2 semaphore(%arg43 : memref<!tpu.dma_semaphore, #tpu.memory_space<semaphore_mem>>) src(%dma_wait3A_589 : memref<40xi32, #tpu.memory_space<hbm>>) dst(%arg22 : memref<40xi32, #tpu.memory_space<vmem>>)
        %eq3A_590 = arith.constant 0 : i32
        %eq3A_591 = arith.cmpi eq, %arg0, %eq3A_590 : i32
        %convert_element_type3A_592 = arith.extui %eq3A_591 : i1 to i32
        %cond3A_593 = arith.constant 0 : i32
        %cond3A_594 = arith.cmpi ne, %convert_element_type3A_592, %cond3A_593 : i32
        scf.if %cond3A_594 {
          %dma_start3A_600 = arith.constant 0 : i32
          %dma_start3A_601 = arith.constant 0 : i32
          %dma_start3A_602 = tpu.memref_slice %arg2[%dma_start3A_600, %dma_start3A_601] : memref<10000x128xf32, #tpu.memory_space<hbm>> -> memref<10000x128xf32, #tpu.memory_space<hbm>>
          tpu.enqueue_indirect_dma source(%dma_start3A_602 : memref<10000x128xf32, #tpu.memory_space<hbm>>) target(%arg12 : memref<40x128xf32, #tpu.memory_space<vmem>>) offsets(%arg22 : memref<40xi32, #tpu.memory_space<vmem>>) semaphore(%arg28 : memref<!tpu.dma_semaphore, #tpu.memory_space<semaphore_mem>>)
        } else {
        }
        %eq3A_595 = arith.constant 1 : i32
        %eq3A_596 = arith.cmpi eq, %arg0, %eq3A_595 : i32
        %convert_element_type3A_597 = arith.extui %eq3A_596 : i1 to i32
        %cond3A_598 = arith.constant 0 : i32
        %cond3A_599 = arith.cmpi ne, %convert_element_type3A_597, %cond3A_598 : i32
        scf.if %cond3A_599 {
          %dma_start3A_600 = arith.constant 0 : i32
          %dma_start3A_601 = arith.constant 0 : i32
          %dma_start3A_602 = tpu.memref_slice %arg3[%dma_start3A_600, %dma_start3A_601] : memref<10000x128xf32, #tpu.memory_space<hbm>> -> memref<10000x128xf32, #tpu.memory_space<hbm>>
          tpu.enqueue_indirect_dma source(%dma_start3A_602 : memref<10000x128xf32, #tpu.memory_space<hbm>>) target(%arg12 : memref<40x128xf32, #tpu.memory_space<vmem>>) offsets(%arg22 : memref<40xi32, #tpu.memory_space<vmem>>) semaphore(%arg28 : memref<!tpu.dma_semaphore, #tpu.memory_space<semaphore_mem>>)
        } else {
        }
      } else {
      }
      %dma_wait3A_427 = arith.constant 0 : i32
      %dma_wait3A_428 = arith.constant 0 : i32
      %dma_wait3A_429 = tpu.memref_slice %arg2[%dma_wait3A_427, %dma_wait3A_428] : memref<10000x128xf32, #tpu.memory_space<hbm>> -> memref<10000x128xf32, #tpu.memory_space<hbm>>
      tpu.wait_indirect_dma semaphore(%arg29 : memref<!tpu.dma_semaphore, #tpu.memory_space<semaphore_mem>>) src(%dma_wait3A_429 : memref<10000x128xf32, #tpu.memory_space<hbm>>) dst(%arg13 : memref<40x128xf32, #tpu.memory_space<vmem>>)
      %mul3A_430 = arith.constant 40 : i32
      %mul3A_431 = arith.muli %add3A_419, %mul3A_430 : i32
      %multiple_of3A_432 = tpu.assume_multiple %mul3A_431, 8 : i32
      %dma_start3A_433 = tpu.memref_slice %arg24[%multiple_of3A_432] : memref<20000xi32, #tpu.memory_space<vmem>> -> memref<40xi32, #tpu.memory_space<vmem>>
      %dma_start3A_434 = arith.constant 0 : i32
      %dma_start3A_435 = arith.constant 0 : i32
      %dma_start3A_436 = tpu.memref_slice %arg8[%dma_start3A_434, %dma_start3A_435] : memref<10000x128xf32, #tpu.memory_space<vmem_shared>> -> memref<10000x128xf32, #tpu.memory_space<vmem_shared>>
      tpu.enqueue_indirect_dma source(%arg13 : memref<40x128xf32, #tpu.memory_space<vmem>>) target(%dma_start3A_436 : memref<10000x128xf32, #tpu.memory_space<vmem_shared>>) offsets(%dma_start3A_433 : memref<40xi32, #tpu.memory_space<vmem>>) semaphore(%arg34 : memref<!tpu.dma_semaphore, #tpu.memory_space<semaphore_mem>>) {add = true}
      %add3A_437 = arith.constant 8 : i32
      %add3A_438 = arith.addi %add3A_419, %add3A_437 : i32
      %lt3A_439 = arith.constant 500 : i32
      %lt3A_440 = arith.cmpi slt, %add3A_438, %lt3A_439 : i32
      %convert_element_type3A_441 = arith.extui %lt3A_440 : i1 to i32
      %cond3A_442 = arith.constant 0 : i32
      %cond3A_443 = arith.cmpi ne, %convert_element_type3A_441, %cond3A_442 : i32
      scf.if %cond3A_443 {
        %add3A_574 = arith.constant 8 : i32
        %add3A_575 = arith.addi %add3A_419, %add3A_574 : i32
        %mul3A_576 = arith.constant 20000 : i32
        %mul3A_577 = arith.muli %arg1, %mul3A_576 : i32
        %mul3A_578 = arith.constant 40 : i32
        %mul3A_579 = arith.muli %add3A_575, %mul3A_578 : i32
        %add3A_580 = arith.addi %mul3A_577, %mul3A_579 : i32
        %multiple_of3A_581 = tpu.assume_multiple %add3A_580, 8 : i32
        %dma_start3A_582 = tpu.memref_slice %arg4[%multiple_of3A_581] : memref<320000xi32, #tpu.memory_space<hbm>> -> memref<40xi32, #tpu.memory_space<hbm>>
        %dma_start3A_583 = tpu.memref_slice %arg4[%multiple_of3A_581] : memref<320000xi32, #tpu.memory_space<hbm>> -> memref<40xi32, #tpu.memory_space<hbm>>
        tpu.enqueue_dma source(%dma_start3A_583 : memref<40xi32, #tpu.memory_space<hbm>>) target(%arg16 : memref<40xi32, #tpu.memory_space<vmem>>) target_semaphore(%arg37 : memref<!tpu.dma_semaphore, #tpu.memory_space<semaphore_mem>>)
      } else {
      }
      %add3A_444 = arith.constant 5 : i32
      %add3A_445 = arith.addi %add3A_314, %add3A_444 : i32
      %add3A_446 = arith.constant 4 : i32
      %add3A_447 = arith.addi %add3A_445, %add3A_446 : i32
      %lt3A_448 = arith.constant 500 : i32
      %lt3A_449 = arith.cmpi slt, %add3A_447, %lt3A_448 : i32
      %convert_element_type3A_450 = arith.extui %lt3A_449 : i1 to i32
      %cond3A_451 = arith.constant 0 : i32
      %cond3A_452 = arith.cmpi ne, %convert_element_type3A_450, %cond3A_451 : i32
      scf.if %cond3A_452 {
        %add3A_574 = arith.constant 4 : i32
        %add3A_575 = arith.addi %add3A_445, %add3A_574 : i32
        %ge3A = arith.constant 5 : i32
        %ge3A_576 = arith.cmpi sge, %add3A_575, %ge3A : i32
        %convert_element_type3A_577 = arith.extui %ge3A_576 : i1 to i32
        %cond3A_578 = arith.constant 0 : i32
        %cond3A_579 = arith.cmpi ne, %convert_element_type3A_577, %cond3A_578 : i32
        scf.if %cond3A_579 {
          %add3A_600 = arith.constant 4 : i32
          %add3A_601 = arith.addi %add3A_445, %add3A_600 : i32
          %sub3A = arith.constant 5 : i32
          %sub3A_602 = arith.subi %add3A_601, %sub3A : i32
          %mul3A_603 = arith.constant 40 : i32
          %mul3A_604 = arith.muli %sub3A_602, %mul3A_603 : i32
          %multiple_of3A_605 = tpu.assume_multiple %mul3A_604, 8 : i32
          %dma_wait3A_606 = tpu.memref_slice %arg24[%multiple_of3A_605] : memref<20000xi32, #tpu.memory_space<vmem>> -> memref<40xi32, #tpu.memory_space<vmem>>
          %dma_wait3A_607 = arith.constant 0 : i32
          %dma_wait3A_608 = arith.constant 0 : i32
          %dma_wait3A_609 = tpu.memref_slice %arg8[%dma_wait3A_607, %dma_wait3A_608] : memref<10000x128xf32, #tpu.memory_space<vmem_shared>> -> memref<10000x128xf32, #tpu.memory_space<vmem_shared>>
          tpu.wait_indirect_dma semaphore(%arg34 : memref<!tpu.dma_semaphore, #tpu.memory_space<semaphore_mem>>) src(%arg13 : memref<40x128xf32, #tpu.memory_space<vmem>>) dst(%dma_wait3A_609 : memref<10000x128xf32, #tpu.memory_space<vmem_shared>>)
        } else {
        }
        %add3A_580 = arith.constant 4 : i32
        %add3A_581 = arith.addi %add3A_445, %add3A_580 : i32
        %mul3A_582 = arith.constant 20000 : i32
        %mul3A_583 = arith.muli %arg1, %mul3A_582 : i32
        %mul3A_584 = arith.constant 40 : i32
        %mul3A_585 = arith.muli %add3A_581, %mul3A_584 : i32
        %add3A_586 = arith.addi %mul3A_583, %mul3A_585 : i32
        %multiple_of3A_587 = tpu.assume_multiple %add3A_586, 8 : i32
        %dma_wait3A_588 = tpu.memref_slice %arg4[%multiple_of3A_587] : memref<320000xi32, #tpu.memory_space<hbm>> -> memref<40xi32, #tpu.memory_space<hbm>>
        %dma_wait3A_589 = tpu.memref_slice %arg4[%multiple_of3A_587] : memref<320000xi32, #tpu.memory_space<hbm>> -> memref<40xi32, #tpu.memory_space<hbm>>
        tpu.wait_dma2 semaphore(%arg44 : memref<!tpu.dma_semaphore, #tpu.memory_space<semaphore_mem>>) src(%dma_wait3A_589 : memref<40xi32, #tpu.memory_space<hbm>>) dst(%arg23 : memref<40xi32, #tpu.memory_space<vmem>>)
        %eq3A_590 = arith.constant 0 : i32
        %eq3A_591 = arith.cmpi eq, %arg0, %eq3A_590 : i32
        %convert_element_type3A_592 = arith.extui %eq3A_591 : i1 to i32
        %cond3A_593 = arith.constant 0 : i32
        %cond3A_594 = arith.cmpi ne, %convert_element_type3A_592, %cond3A_593 : i32
        scf.if %cond3A_594 {
          %dma_start3A_600 = arith.constant 0 : i32
          %dma_start3A_601 = arith.constant 0 : i32
          %dma_start3A_602 = tpu.memref_slice %arg2[%dma_start3A_600, %dma_start3A_601] : memref<10000x128xf32, #tpu.memory_space<hbm>> -> memref<10000x128xf32, #tpu.memory_space<hbm>>
          tpu.enqueue_indirect_dma source(%dma_start3A_602 : memref<10000x128xf32, #tpu.memory_space<hbm>>) target(%arg13 : memref<40x128xf32, #tpu.memory_space<vmem>>) offsets(%arg23 : memref<40xi32, #tpu.memory_space<vmem>>) semaphore(%arg29 : memref<!tpu.dma_semaphore, #tpu.memory_space<semaphore_mem>>)
        } else {
        }
        %eq3A_595 = arith.constant 1 : i32
        %eq3A_596 = arith.cmpi eq, %arg0, %eq3A_595 : i32
        %convert_element_type3A_597 = arith.extui %eq3A_596 : i1 to i32
        %cond3A_598 = arith.constant 0 : i32
        %cond3A_599 = arith.cmpi ne, %convert_element_type3A_597, %cond3A_598 : i32
        scf.if %cond3A_599 {
          %dma_start3A_600 = arith.constant 0 : i32
          %dma_start3A_601 = arith.constant 0 : i32
          %dma_start3A_602 = tpu.memref_slice %arg3[%dma_start3A_600, %dma_start3A_601] : memref<10000x128xf32, #tpu.memory_space<hbm>> -> memref<10000x128xf32, #tpu.memory_space<hbm>>
          tpu.enqueue_indirect_dma source(%dma_start3A_602 : memref<10000x128xf32, #tpu.memory_space<hbm>>) target(%arg13 : memref<40x128xf32, #tpu.memory_space<vmem>>) offsets(%arg23 : memref<40xi32, #tpu.memory_space<vmem>>) semaphore(%arg29 : memref<!tpu.dma_semaphore, #tpu.memory_space<semaphore_mem>>)
        } else {
        }
      } else {
      }
      %dma_wait3A_453 = arith.constant 0 : i32
      %dma_wait3A_454 = arith.constant 0 : i32
      %dma_wait3A_455 = tpu.memref_slice %arg2[%dma_wait3A_453, %dma_wait3A_454] : memref<10000x128xf32, #tpu.memory_space<hbm>> -> memref<10000x128xf32, #tpu.memory_space<hbm>>
      tpu.wait_indirect_dma semaphore(%arg25 : memref<!tpu.dma_semaphore, #tpu.memory_space<semaphore_mem>>) src(%dma_wait3A_455 : memref<10000x128xf32, #tpu.memory_space<hbm>>) dst(%arg9 : memref<40x128xf32, #tpu.memory_space<vmem>>)
      %mul3A_456 = arith.constant 40 : i32
      %mul3A_457 = arith.muli %add3A_445, %mul3A_456 : i32
      %multiple_of3A_458 = tpu.assume_multiple %mul3A_457, 8 : i32
      %dma_start3A_459 = tpu.memref_slice %arg24[%multiple_of3A_458] : memref<20000xi32, #tpu.memory_space<vmem>> -> memref<40xi32, #tpu.memory_space<vmem>>
      %dma_start3A_460 = arith.constant 0 : i32
      %dma_start3A_461 = arith.constant 0 : i32
      %dma_start3A_462 = tpu.memref_slice %arg8[%dma_start3A_460, %dma_start3A_461] : memref<10000x128xf32, #tpu.memory_space<vmem_shared>> -> memref<10000x128xf32, #tpu.memory_space<vmem_shared>>
      tpu.enqueue_indirect_dma source(%arg9 : memref<40x128xf32, #tpu.memory_space<vmem>>) target(%dma_start3A_462 : memref<10000x128xf32, #tpu.memory_space<vmem_shared>>) offsets(%dma_start3A_459 : memref<40xi32, #tpu.memory_space<vmem>>) semaphore(%arg30 : memref<!tpu.dma_semaphore, #tpu.memory_space<semaphore_mem>>) {add = true}
      %add3A_463 = arith.constant 8 : i32
      %add3A_464 = arith.addi %add3A_445, %add3A_463 : i32
      %lt3A_465 = arith.constant 500 : i32
      %lt3A_466 = arith.cmpi slt, %add3A_464, %lt3A_465 : i32
      %convert_element_type3A_467 = arith.extui %lt3A_466 : i1 to i32
      %cond3A_468 = arith.constant 0 : i32
      %cond3A_469 = arith.cmpi ne, %convert_element_type3A_467, %cond3A_468 : i32
      scf.if %cond3A_469 {
        %add3A_574 = arith.constant 8 : i32
        %add3A_575 = arith.addi %add3A_445, %add3A_574 : i32
        %mul3A_576 = arith.constant 20000 : i32
        %mul3A_577 = arith.muli %arg1, %mul3A_576 : i32
        %mul3A_578 = arith.constant 40 : i32
        %mul3A_579 = arith.muli %add3A_575, %mul3A_578 : i32
        %add3A_580 = arith.addi %mul3A_577, %mul3A_579 : i32
        %multiple_of3A_581 = tpu.assume_multiple %add3A_580, 8 : i32
        %dma_start3A_582 = tpu.memref_slice %arg4[%multiple_of3A_581] : memref<320000xi32, #tpu.memory_space<hbm>> -> memref<40xi32, #tpu.memory_space<hbm>>
        %dma_start3A_583 = tpu.memref_slice %arg4[%multiple_of3A_581] : memref<320000xi32, #tpu.memory_space<hbm>> -> memref<40xi32, #tpu.memory_space<hbm>>
        tpu.enqueue_dma source(%dma_start3A_583 : memref<40xi32, #tpu.memory_space<hbm>>) target(%arg17 : memref<40xi32, #tpu.memory_space<vmem>>) target_semaphore(%arg38 : memref<!tpu.dma_semaphore, #tpu.memory_space<semaphore_mem>>)
      } else {
      }
      %add3A_470 = arith.constant 6 : i32
      %add3A_471 = arith.addi %add3A_314, %add3A_470 : i32
      %add3A_472 = arith.constant 4 : i32
      %add3A_473 = arith.addi %add3A_471, %add3A_472 : i32
      %lt3A_474 = arith.constant 500 : i32
      %lt3A_475 = arith.cmpi slt, %add3A_473, %lt3A_474 : i32
      %convert_element_type3A_476 = arith.extui %lt3A_475 : i1 to i32
      %cond3A_477 = arith.constant 0 : i32
      %cond3A_478 = arith.cmpi ne, %convert_element_type3A_476, %cond3A_477 : i32
      scf.if %cond3A_478 {
        %add3A_574 = arith.constant 4 : i32
        %add3A_575 = arith.addi %add3A_471, %add3A_574 : i32
        %ge3A = arith.constant 5 : i32
        %ge3A_576 = arith.cmpi sge, %add3A_575, %ge3A : i32
        %convert_element_type3A_577 = arith.extui %ge3A_576 : i1 to i32
        %cond3A_578 = arith.constant 0 : i32
        %cond3A_579 = arith.cmpi ne, %convert_element_type3A_577, %cond3A_578 : i32
        scf.if %cond3A_579 {
          %add3A_600 = arith.constant 4 : i32
          %add3A_601 = arith.addi %add3A_471, %add3A_600 : i32
          %sub3A = arith.constant 5 : i32
          %sub3A_602 = arith.subi %add3A_601, %sub3A : i32
          %mul3A_603 = arith.constant 40 : i32
          %mul3A_604 = arith.muli %sub3A_602, %mul3A_603 : i32
          %multiple_of3A_605 = tpu.assume_multiple %mul3A_604, 8 : i32
          %dma_wait3A_606 = tpu.memref_slice %arg24[%multiple_of3A_605] : memref<20000xi32, #tpu.memory_space<vmem>> -> memref<40xi32, #tpu.memory_space<vmem>>
          %dma_wait3A_607 = arith.constant 0 : i32
          %dma_wait3A_608 = arith.constant 0 : i32
          %dma_wait3A_609 = tpu.memref_slice %arg8[%dma_wait3A_607, %dma_wait3A_608] : memref<10000x128xf32, #tpu.memory_space<vmem_shared>> -> memref<10000x128xf32, #tpu.memory_space<vmem_shared>>
          tpu.wait_indirect_dma semaphore(%arg30 : memref<!tpu.dma_semaphore, #tpu.memory_space<semaphore_mem>>) src(%arg9 : memref<40x128xf32, #tpu.memory_space<vmem>>) dst(%dma_wait3A_609 : memref<10000x128xf32, #tpu.memory_space<vmem_shared>>)
        } else {
        }
        %add3A_580 = arith.constant 4 : i32
        %add3A_581 = arith.addi %add3A_471, %add3A_580 : i32
        %mul3A_582 = arith.constant 20000 : i32
        %mul3A_583 = arith.muli %arg1, %mul3A_582 : i32
        %mul3A_584 = arith.constant 40 : i32
        %mul3A_585 = arith.muli %add3A_581, %mul3A_584 : i32
        %add3A_586 = arith.addi %mul3A_583, %mul3A_585 : i32
        %multiple_of3A_587 = tpu.assume_multiple %add3A_586, 8 : i32
        %dma_wait3A_588 = tpu.memref_slice %arg4[%multiple_of3A_587] : memref<320000xi32, #tpu.memory_space<hbm>> -> memref<40xi32, #tpu.memory_space<hbm>>
        %dma_wait3A_589 = tpu.memref_slice %arg4[%multiple_of3A_587] : memref<320000xi32, #tpu.memory_space<hbm>> -> memref<40xi32, #tpu.memory_space<hbm>>
        tpu.wait_dma2 semaphore(%arg35 : memref<!tpu.dma_semaphore, #tpu.memory_space<semaphore_mem>>) src(%dma_wait3A_589 : memref<40xi32, #tpu.memory_space<hbm>>) dst(%arg14 : memref<40xi32, #tpu.memory_space<vmem>>)
        %eq3A_590 = arith.constant 0 : i32
        %eq3A_591 = arith.cmpi eq, %arg0, %eq3A_590 : i32
        %convert_element_type3A_592 = arith.extui %eq3A_591 : i1 to i32
        %cond3A_593 = arith.constant 0 : i32
        %cond3A_594 = arith.cmpi ne, %convert_element_type3A_592, %cond3A_593 : i32
        scf.if %cond3A_594 {
          %dma_start3A_600 = arith.constant 0 : i32
          %dma_start3A_601 = arith.constant 0 : i32
          %dma_start3A_602 = tpu.memref_slice %arg2[%dma_start3A_600, %dma_start3A_601] : memref<10000x128xf32, #tpu.memory_space<hbm>> -> memref<10000x128xf32, #tpu.memory_space<hbm>>
          tpu.enqueue_indirect_dma source(%dma_start3A_602 : memref<10000x128xf32, #tpu.memory_space<hbm>>) target(%arg9 : memref<40x128xf32, #tpu.memory_space<vmem>>) offsets(%arg14 : memref<40xi32, #tpu.memory_space<vmem>>) semaphore(%arg25 : memref<!tpu.dma_semaphore, #tpu.memory_space<semaphore_mem>>)
        } else {
        }
        %eq3A_595 = arith.constant 1 : i32
        %eq3A_596 = arith.cmpi eq, %arg0, %eq3A_595 : i32
        %convert_element_type3A_597 = arith.extui %eq3A_596 : i1 to i32
        %cond3A_598 = arith.constant 0 : i32
        %cond3A_599 = arith.cmpi ne, %convert_element_type3A_597, %cond3A_598 : i32
        scf.if %cond3A_599 {
          %dma_start3A_600 = arith.constant 0 : i32
          %dma_start3A_601 = arith.constant 0 : i32
          %dma_start3A_602 = tpu.memref_slice %arg3[%dma_start3A_600, %dma_start3A_601] : memref<10000x128xf32, #tpu.memory_space<hbm>> -> memref<10000x128xf32, #tpu.memory_space<hbm>>
          tpu.enqueue_indirect_dma source(%dma_start3A_602 : memref<10000x128xf32, #tpu.memory_space<hbm>>) target(%arg9 : memref<40x128xf32, #tpu.memory_space<vmem>>) offsets(%arg14 : memref<40xi32, #tpu.memory_space<vmem>>) semaphore(%arg25 : memref<!tpu.dma_semaphore, #tpu.memory_space<semaphore_mem>>)
        } else {
        }
      } else {
      }
      %dma_wait3A_479 = arith.constant 0 : i32
      %dma_wait3A_480 = arith.constant 0 : i32
      %dma_wait3A_481 = tpu.memref_slice %arg2[%dma_wait3A_479, %dma_wait3A_480] : memref<10000x128xf32, #tpu.memory_space<hbm>> -> memref<10000x128xf32, #tpu.memory_space<hbm>>
      tpu.wait_indirect_dma semaphore(%arg26 : memref<!tpu.dma_semaphore, #tpu.memory_space<semaphore_mem>>) src(%dma_wait3A_481 : memref<10000x128xf32, #tpu.memory_space<hbm>>) dst(%arg10 : memref<40x128xf32, #tpu.memory_space<vmem>>)
      %mul3A_482 = arith.constant 40 : i32
      %mul3A_483 = arith.muli %add3A_471, %mul3A_482 : i32
      %multiple_of3A_484 = tpu.assume_multiple %mul3A_483, 8 : i32
      %dma_start3A_485 = tpu.memref_slice %arg24[%multiple_of3A_484] : memref<20000xi32, #tpu.memory_space<vmem>> -> memref<40xi32, #tpu.memory_space<vmem>>
      %dma_start3A_486 = arith.constant 0 : i32
      %dma_start3A_487 = arith.constant 0 : i32
      %dma_start3A_488 = tpu.memref_slice %arg8[%dma_start3A_486, %dma_start3A_487] : memref<10000x128xf32, #tpu.memory_space<vmem_shared>> -> memref<10000x128xf32, #tpu.memory_space<vmem_shared>>
      tpu.enqueue_indirect_dma source(%arg10 : memref<40x128xf32, #tpu.memory_space<vmem>>) target(%dma_start3A_488 : memref<10000x128xf32, #tpu.memory_space<vmem_shared>>) offsets(%dma_start3A_485 : memref<40xi32, #tpu.memory_space<vmem>>) semaphore(%arg31 : memref<!tpu.dma_semaphore, #tpu.memory_space<semaphore_mem>>) {add = true}
      %add3A_489 = arith.constant 8 : i32
      %add3A_490 = arith.addi %add3A_471, %add3A_489 : i32
      %lt3A_491 = arith.constant 500 : i32
      %lt3A_492 = arith.cmpi slt, %add3A_490, %lt3A_491 : i32
      %convert_element_type3A_493 = arith.extui %lt3A_492 : i1 to i32
      %cond3A_494 = arith.constant 0 : i32
      %cond3A_495 = arith.cmpi ne, %convert_element_type3A_493, %cond3A_494 : i32
      scf.if %cond3A_495 {
        %add3A_574 = arith.constant 8 : i32
        %add3A_575 = arith.addi %add3A_471, %add3A_574 : i32
        %mul3A_576 = arith.constant 20000 : i32
        %mul3A_577 = arith.muli %arg1, %mul3A_576 : i32
        %mul3A_578 = arith.constant 40 : i32
        %mul3A_579 = arith.muli %add3A_575, %mul3A_578 : i32
        %add3A_580 = arith.addi %mul3A_577, %mul3A_579 : i32
        %multiple_of3A_581 = tpu.assume_multiple %add3A_580, 8 : i32
        %dma_start3A_582 = tpu.memref_slice %arg4[%multiple_of3A_581] : memref<320000xi32, #tpu.memory_space<hbm>> -> memref<40xi32, #tpu.memory_space<hbm>>
        %dma_start3A_583 = tpu.memref_slice %arg4[%multiple_of3A_581] : memref<320000xi32, #tpu.memory_space<hbm>> -> memref<40xi32, #tpu.memory_space<hbm>>
        tpu.enqueue_dma source(%dma_start3A_583 : memref<40xi32, #tpu.memory_space<hbm>>) target(%arg18 : memref<40xi32, #tpu.memory_space<vmem>>) target_semaphore(%arg39 : memref<!tpu.dma_semaphore, #tpu.memory_space<semaphore_mem>>)
      } else {
      }
      %add3A_496 = arith.constant 7 : i32
      %add3A_497 = arith.addi %add3A_314, %add3A_496 : i32
      %add3A_498 = arith.constant 4 : i32
      %add3A_499 = arith.addi %add3A_497, %add3A_498 : i32
      %lt3A_500 = arith.constant 500 : i32
      %lt3A_501 = arith.cmpi slt, %add3A_499, %lt3A_500 : i32
      %convert_element_type3A_502 = arith.extui %lt3A_501 : i1 to i32
      %cond3A_503 = arith.constant 0 : i32
      %cond3A_504 = arith.cmpi ne, %convert_element_type3A_502, %cond3A_503 : i32
      scf.if %cond3A_504 {
        %add3A_574 = arith.constant 4 : i32
        %add3A_575 = arith.addi %add3A_497, %add3A_574 : i32
        %ge3A = arith.constant 5 : i32
        %ge3A_576 = arith.cmpi sge, %add3A_575, %ge3A : i32
        %convert_element_type3A_577 = arith.extui %ge3A_576 : i1 to i32
        %cond3A_578 = arith.constant 0 : i32
        %cond3A_579 = arith.cmpi ne, %convert_element_type3A_577, %cond3A_578 : i32
        scf.if %cond3A_579 {
          %add3A_600 = arith.constant 4 : i32
          %add3A_601 = arith.addi %add3A_497, %add3A_600 : i32
          %sub3A = arith.constant 5 : i32
          %sub3A_602 = arith.subi %add3A_601, %sub3A : i32
          %mul3A_603 = arith.constant 40 : i32
          %mul3A_604 = arith.muli %sub3A_602, %mul3A_603 : i32
          %multiple_of3A_605 = tpu.assume_multiple %mul3A_604, 8 : i32
          %dma_wait3A_606 = tpu.memref_slice %arg24[%multiple_of3A_605] : memref<20000xi32, #tpu.memory_space<vmem>> -> memref<40xi32, #tpu.memory_space<vmem>>
          %dma_wait3A_607 = arith.constant 0 : i32
          %dma_wait3A_608 = arith.constant 0 : i32
          %dma_wait3A_609 = tpu.memref_slice %arg8[%dma_wait3A_607, %dma_wait3A_608] : memref<10000x128xf32, #tpu.memory_space<vmem_shared>> -> memref<10000x128xf32, #tpu.memory_space<vmem_shared>>
          tpu.wait_indirect_dma semaphore(%arg31 : memref<!tpu.dma_semaphore, #tpu.memory_space<semaphore_mem>>) src(%arg10 : memref<40x128xf32, #tpu.memory_space<vmem>>) dst(%dma_wait3A_609 : memref<10000x128xf32, #tpu.memory_space<vmem_shared>>)
        } else {
        }
        %add3A_580 = arith.constant 4 : i32
        %add3A_581 = arith.addi %add3A_497, %add3A_580 : i32
        %mul3A_582 = arith.constant 20000 : i32
        %mul3A_583 = arith.muli %arg1, %mul3A_582 : i32
        %mul3A_584 = arith.constant 40 : i32
        %mul3A_585 = arith.muli %add3A_581, %mul3A_584 : i32
        %add3A_586 = arith.addi %mul3A_583, %mul3A_585 : i32
        %multiple_of3A_587 = tpu.assume_multiple %add3A_586, 8 : i32
        %dma_wait3A_588 = tpu.memref_slice %arg4[%multiple_of3A_587] : memref<320000xi32, #tpu.memory_space<hbm>> -> memref<40xi32, #tpu.memory_space<hbm>>
        %dma_wait3A_589 = tpu.memref_slice %arg4[%multiple_of3A_587] : memref<320000xi32, #tpu.memory_space<hbm>> -> memref<40xi32, #tpu.memory_space<hbm>>
        tpu.wait_dma2 semaphore(%arg36 : memref<!tpu.dma_semaphore, #tpu.memory_space<semaphore_mem>>) src(%dma_wait3A_589 : memref<40xi32, #tpu.memory_space<hbm>>) dst(%arg15 : memref<40xi32, #tpu.memory_space<vmem>>)
        %eq3A_590 = arith.constant 0 : i32
        %eq3A_591 = arith.cmpi eq, %arg0, %eq3A_590 : i32
        %convert_element_type3A_592 = arith.extui %eq3A_591 : i1 to i32
        %cond3A_593 = arith.constant 0 : i32
        %cond3A_594 = arith.cmpi ne, %convert_element_type3A_592, %cond3A_593 : i32
        scf.if %cond3A_594 {
          %dma_start3A_600 = arith.constant 0 : i32
          %dma_start3A_601 = arith.constant 0 : i32
          %dma_start3A_602 = tpu.memref_slice %arg2[%dma_start3A_600, %dma_start3A_601] : memref<10000x128xf32, #tpu.memory_space<hbm>> -> memref<10000x128xf32, #tpu.memory_space<hbm>>
          tpu.enqueue_indirect_dma source(%dma_start3A_602 : memref<10000x128xf32, #tpu.memory_space<hbm>>) target(%arg10 : memref<40x128xf32, #tpu.memory_space<vmem>>) offsets(%arg15 : memref<40xi32, #tpu.memory_space<vmem>>) semaphore(%arg26 : memref<!tpu.dma_semaphore, #tpu.memory_space<semaphore_mem>>)
        } else {
        }
        %eq3A_595 = arith.constant 1 : i32
        %eq3A_596 = arith.cmpi eq, %arg0, %eq3A_595 : i32
        %convert_element_type3A_597 = arith.extui %eq3A_596 : i1 to i32
        %cond3A_598 = arith.constant 0 : i32
        %cond3A_599 = arith.cmpi ne, %convert_element_type3A_597, %cond3A_598 : i32
        scf.if %cond3A_599 {
          %dma_start3A_600 = arith.constant 0 : i32
          %dma_start3A_601 = arith.constant 0 : i32
          %dma_start3A_602 = tpu.memref_slice %arg3[%dma_start3A_600, %dma_start3A_601] : memref<10000x128xf32, #tpu.memory_space<hbm>> -> memref<10000x128xf32, #tpu.memory_space<hbm>>
          tpu.enqueue_indirect_dma source(%dma_start3A_602 : memref<10000x128xf32, #tpu.memory_space<hbm>>) target(%arg10 : memref<40x128xf32, #tpu.memory_space<vmem>>) offsets(%arg15 : memref<40xi32, #tpu.memory_space<vmem>>) semaphore(%arg26 : memref<!tpu.dma_semaphore, #tpu.memory_space<semaphore_mem>>)
        } else {
        }
      } else {
      }
      %dma_wait3A_505 = arith.constant 0 : i32
      %dma_wait3A_506 = arith.constant 0 : i32
      %dma_wait3A_507 = tpu.memref_slice %arg2[%dma_wait3A_505, %dma_wait3A_506] : memref<10000x128xf32, #tpu.memory_space<hbm>> -> memref<10000x128xf32, #tpu.memory_space<hbm>>
      tpu.wait_indirect_dma semaphore(%arg27 : memref<!tpu.dma_semaphore, #tpu.memory_space<semaphore_mem>>) src(%dma_wait3A_507 : memref<10000x128xf32, #tpu.memory_space<hbm>>) dst(%arg11 : memref<40x128xf32, #tpu.memory_space<vmem>>)
      %mul3A_508 = arith.constant 40 : i32
      %mul3A_509 = arith.muli %add3A_497, %mul3A_508 : i32
      %multiple_of3A_510 = tpu.assume_multiple %mul3A_509, 8 : i32
      %dma_start3A_511 = tpu.memref_slice %arg24[%multiple_of3A_510] : memref<20000xi32, #tpu.memory_space<vmem>> -> memref<40xi32, #tpu.memory_space<vmem>>
      %dma_start3A_512 = arith.constant 0 : i32
      %dma_start3A_513 = arith.constant 0 : i32
      %dma_start3A_514 = tpu.memref_slice %arg8[%dma_start3A_512, %dma_start3A_513] : memref<10000x128xf32, #tpu.memory_space<vmem_shared>> -> memref<10000x128xf32, #tpu.memory_space<vmem_shared>>
      tpu.enqueue_indirect_dma source(%arg11 : memref<40x128xf32, #tpu.memory_space<vmem>>) target(%dma_start3A_514 : memref<10000x128xf32, #tpu.memory_space<vmem_shared>>) offsets(%dma_start3A_511 : memref<40xi32, #tpu.memory_space<vmem>>) semaphore(%arg32 : memref<!tpu.dma_semaphore, #tpu.memory_space<semaphore_mem>>) {add = true}
      %add3A_515 = arith.constant 8 : i32
      %add3A_516 = arith.addi %add3A_497, %add3A_515 : i32
      %lt3A_517 = arith.constant 500 : i32
      %lt3A_518 = arith.cmpi slt, %add3A_516, %lt3A_517 : i32
      %convert_element_type3A_519 = arith.extui %lt3A_518 : i1 to i32
      %cond3A_520 = arith.constant 0 : i32
      %cond3A_521 = arith.cmpi ne, %convert_element_type3A_519, %cond3A_520 : i32
      scf.if %cond3A_521 {
        %add3A_574 = arith.constant 8 : i32
        %add3A_575 = arith.addi %add3A_497, %add3A_574 : i32
        %mul3A_576 = arith.constant 20000 : i32
        %mul3A_577 = arith.muli %arg1, %mul3A_576 : i32
        %mul3A_578 = arith.constant 40 : i32
        %mul3A_579 = arith.muli %add3A_575, %mul3A_578 : i32
        %add3A_580 = arith.addi %mul3A_577, %mul3A_579 : i32
        %multiple_of3A_581 = tpu.assume_multiple %add3A_580, 8 : i32
        %dma_start3A_582 = tpu.memref_slice %arg4[%multiple_of3A_581] : memref<320000xi32, #tpu.memory_space<hbm>> -> memref<40xi32, #tpu.memory_space<hbm>>
        %dma_start3A_583 = tpu.memref_slice %arg4[%multiple_of3A_581] : memref<320000xi32, #tpu.memory_space<hbm>> -> memref<40xi32, #tpu.memory_space<hbm>>
        tpu.enqueue_dma source(%dma_start3A_583 : memref<40xi32, #tpu.memory_space<hbm>>) target(%arg19 : memref<40xi32, #tpu.memory_space<vmem>>) target_semaphore(%arg40 : memref<!tpu.dma_semaphore, #tpu.memory_space<semaphore_mem>>)
      } else {
      }
      %add3A_522 = arith.constant 8 : i32
      %add3A_523 = arith.addi %add3A_314, %add3A_522 : i32
      %add3A_524 = arith.constant 4 : i32
      %add3A_525 = arith.addi %add3A_523, %add3A_524 : i32
      %lt3A_526 = arith.constant 500 : i32
      %lt3A_527 = arith.cmpi slt, %add3A_525, %lt3A_526 : i32
      %convert_element_type3A_528 = arith.extui %lt3A_527 : i1 to i32
      %cond3A_529 = arith.constant 0 : i32
      %cond3A_530 = arith.cmpi ne, %convert_element_type3A_528, %cond3A_529 : i32
      scf.if %cond3A_530 {
        %add3A_574 = arith.constant 4 : i32
        %add3A_575 = arith.addi %add3A_523, %add3A_574 : i32
        %ge3A = arith.constant 5 : i32
        %ge3A_576 = arith.cmpi sge, %add3A_575, %ge3A : i32
        %convert_element_type3A_577 = arith.extui %ge3A_576 : i1 to i32
        %cond3A_578 = arith.constant 0 : i32
        %cond3A_579 = arith.cmpi ne, %convert_element_type3A_577, %cond3A_578 : i32
        scf.if %cond3A_579 {
          %add3A_600 = arith.constant 4 : i32
          %add3A_601 = arith.addi %add3A_523, %add3A_600 : i32
          %sub3A = arith.constant 5 : i32
          %sub3A_602 = arith.subi %add3A_601, %sub3A : i32
          %mul3A_603 = arith.constant 40 : i32
          %mul3A_604 = arith.muli %sub3A_602, %mul3A_603 : i32
          %multiple_of3A_605 = tpu.assume_multiple %mul3A_604, 8 : i32
          %dma_wait3A_606 = tpu.memref_slice %arg24[%multiple_of3A_605] : memref<20000xi32, #tpu.memory_space<vmem>> -> memref<40xi32, #tpu.memory_space<vmem>>
          %dma_wait3A_607 = arith.constant 0 : i32
          %dma_wait3A_608 = arith.constant 0 : i32
          %dma_wait3A_609 = tpu.memref_slice %arg8[%dma_wait3A_607, %dma_wait3A_608] : memref<10000x128xf32, #tpu.memory_space<vmem_shared>> -> memref<10000x128xf32, #tpu.memory_space<vmem_shared>>
          tpu.wait_indirect_dma semaphore(%arg32 : memref<!tpu.dma_semaphore, #tpu.memory_space<semaphore_mem>>) src(%arg11 : memref<40x128xf32, #tpu.memory_space<vmem>>) dst(%dma_wait3A_609 : memref<10000x128xf32, #tpu.memory_space<vmem_shared>>)
        } else {
        }
        %add3A_580 = arith.constant 4 : i32
        %add3A_581 = arith.addi %add3A_523, %add3A_580 : i32
        %mul3A_582 = arith.constant 20000 : i32
        %mul3A_583 = arith.muli %arg1, %mul3A_582 : i32
        %mul3A_584 = arith.constant 40 : i32
        %mul3A_585 = arith.muli %add3A_581, %mul3A_584 : i32
        %add3A_586 = arith.addi %mul3A_583, %mul3A_585 : i32
        %multiple_of3A_587 = tpu.assume_multiple %add3A_586, 8 : i32
        %dma_wait3A_588 = tpu.memref_slice %arg4[%multiple_of3A_587] : memref<320000xi32, #tpu.memory_space<hbm>> -> memref<40xi32, #tpu.memory_space<hbm>>
        %dma_wait3A_589 = tpu.memref_slice %arg4[%multiple_of3A_587] : memref<320000xi32, #tpu.memory_space<hbm>> -> memref<40xi32, #tpu.memory_space<hbm>>
        tpu.wait_dma2 semaphore(%arg37 : memref<!tpu.dma_semaphore, #tpu.memory_space<semaphore_mem>>) src(%dma_wait3A_589 : memref<40xi32, #tpu.memory_space<hbm>>) dst(%arg16 : memref<40xi32, #tpu.memory_space<vmem>>)
        %eq3A_590 = arith.constant 0 : i32
        %eq3A_591 = arith.cmpi eq, %arg0, %eq3A_590 : i32
        %convert_element_type3A_592 = arith.extui %eq3A_591 : i1 to i32
        %cond3A_593 = arith.constant 0 : i32
        %cond3A_594 = arith.cmpi ne, %convert_element_type3A_592, %cond3A_593 : i32
        scf.if %cond3A_594 {
          %dma_start3A_600 = arith.constant 0 : i32
          %dma_start3A_601 = arith.constant 0 : i32
          %dma_start3A_602 = tpu.memref_slice %arg2[%dma_start3A_600, %dma_start3A_601] : memref<10000x128xf32, #tpu.memory_space<hbm>> -> memref<10000x128xf32, #tpu.memory_space<hbm>>
          tpu.enqueue_indirect_dma source(%dma_start3A_602 : memref<10000x128xf32, #tpu.memory_space<hbm>>) target(%arg11 : memref<40x128xf32, #tpu.memory_space<vmem>>) offsets(%arg16 : memref<40xi32, #tpu.memory_space<vmem>>) semaphore(%arg27 : memref<!tpu.dma_semaphore, #tpu.memory_space<semaphore_mem>>)
        } else {
        }
        %eq3A_595 = arith.constant 1 : i32
        %eq3A_596 = arith.cmpi eq, %arg0, %eq3A_595 : i32
        %convert_element_type3A_597 = arith.extui %eq3A_596 : i1 to i32
        %cond3A_598 = arith.constant 0 : i32
        %cond3A_599 = arith.cmpi ne, %convert_element_type3A_597, %cond3A_598 : i32
        scf.if %cond3A_599 {
          %dma_start3A_600 = arith.constant 0 : i32
          %dma_start3A_601 = arith.constant 0 : i32
          %dma_start3A_602 = tpu.memref_slice %arg3[%dma_start3A_600, %dma_start3A_601] : memref<10000x128xf32, #tpu.memory_space<hbm>> -> memref<10000x128xf32, #tpu.memory_space<hbm>>
          tpu.enqueue_indirect_dma source(%dma_start3A_602 : memref<10000x128xf32, #tpu.memory_space<hbm>>) target(%arg11 : memref<40x128xf32, #tpu.memory_space<vmem>>) offsets(%arg16 : memref<40xi32, #tpu.memory_space<vmem>>) semaphore(%arg27 : memref<!tpu.dma_semaphore, #tpu.memory_space<semaphore_mem>>)
        } else {
        }
      } else {
      }
      %dma_wait3A_531 = arith.constant 0 : i32
      %dma_wait3A_532 = arith.constant 0 : i32
      %dma_wait3A_533 = tpu.memref_slice %arg2[%dma_wait3A_531, %dma_wait3A_532] : memref<10000x128xf32, #tpu.memory_space<hbm>> -> memref<10000x128xf32, #tpu.memory_space<hbm>>
      tpu.wait_indirect_dma semaphore(%arg28 : memref<!tpu.dma_semaphore, #tpu.memory_space<semaphore_mem>>) src(%dma_wait3A_533 : memref<10000x128xf32, #tpu.memory_space<hbm>>) dst(%arg12 : memref<40x128xf32, #tpu.memory_space<vmem>>)
      %mul3A_534 = arith.constant 40 : i32
      %mul3A_535 = arith.muli %add3A_523, %mul3A_534 : i32
      %multiple_of3A_536 = tpu.assume_multiple %mul3A_535, 8 : i32
      %dma_start3A_537 = tpu.memref_slice %arg24[%multiple_of3A_536] : memref<20000xi32, #tpu.memory_space<vmem>> -> memref<40xi32, #tpu.memory_space<vmem>>
      %dma_start3A_538 = arith.constant 0 : i32
      %dma_start3A_539 = arith.constant 0 : i32
      %dma_start3A_540 = tpu.memref_slice %arg8[%dma_start3A_538, %dma_start3A_539] : memref<10000x128xf32, #tpu.memory_space<vmem_shared>> -> memref<10000x128xf32, #tpu.memory_space<vmem_shared>>
      tpu.enqueue_indirect_dma source(%arg12 : memref<40x128xf32, #tpu.memory_space<vmem>>) target(%dma_start3A_540 : memref<10000x128xf32, #tpu.memory_space<vmem_shared>>) offsets(%dma_start3A_537 : memref<40xi32, #tpu.memory_space<vmem>>) semaphore(%arg33 : memref<!tpu.dma_semaphore, #tpu.memory_space<semaphore_mem>>) {add = true}
      %add3A_541 = arith.constant 8 : i32
      %add3A_542 = arith.addi %add3A_523, %add3A_541 : i32
      %lt3A_543 = arith.constant 500 : i32
      %lt3A_544 = arith.cmpi slt, %add3A_542, %lt3A_543 : i32
      %convert_element_type3A_545 = arith.extui %lt3A_544 : i1 to i32
      %cond3A_546 = arith.constant 0 : i32
      %cond3A_547 = arith.cmpi ne, %convert_element_type3A_545, %cond3A_546 : i32
      scf.if %cond3A_547 {
        %add3A_574 = arith.constant 8 : i32
        %add3A_575 = arith.addi %add3A_523, %add3A_574 : i32
        %mul3A_576 = arith.constant 20000 : i32
        %mul3A_577 = arith.muli %arg1, %mul3A_576 : i32
        %mul3A_578 = arith.constant 40 : i32
        %mul3A_579 = arith.muli %add3A_575, %mul3A_578 : i32
        %add3A_580 = arith.addi %mul3A_577, %mul3A_579 : i32
        %multiple_of3A_581 = tpu.assume_multiple %add3A_580, 8 : i32
        %dma_start3A_582 = tpu.memref_slice %arg4[%multiple_of3A_581] : memref<320000xi32, #tpu.memory_space<hbm>> -> memref<40xi32, #tpu.memory_space<hbm>>
        %dma_start3A_583 = tpu.memref_slice %arg4[%multiple_of3A_581] : memref<320000xi32, #tpu.memory_space<hbm>> -> memref<40xi32, #tpu.memory_space<hbm>>
        tpu.enqueue_dma source(%dma_start3A_583 : memref<40xi32, #tpu.memory_space<hbm>>) target(%arg20 : memref<40xi32, #tpu.memory_space<vmem>>) target_semaphore(%arg41 : memref<!tpu.dma_semaphore, #tpu.memory_space<semaphore_mem>>)
      } else {
      }
      %add3A_548 = arith.constant 9 : i32
      %add3A_549 = arith.addi %add3A_314, %add3A_548 : i32
      %add3A_550 = arith.constant 4 : i32
      %add3A_551 = arith.addi %add3A_549, %add3A_550 : i32
      %lt3A_552 = arith.constant 500 : i32
      %lt3A_553 = arith.cmpi slt, %add3A_551, %lt3A_552 : i32
      %convert_element_type3A_554 = arith.extui %lt3A_553 : i1 to i32
      %cond3A_555 = arith.constant 0 : i32
      %cond3A_556 = arith.cmpi ne, %convert_element_type3A_554, %cond3A_555 : i32
      scf.if %cond3A_556 {
        %add3A_574 = arith.constant 4 : i32
        %add3A_575 = arith.addi %add3A_549, %add3A_574 : i32
        %ge3A = arith.constant 5 : i32
        %ge3A_576 = arith.cmpi sge, %add3A_575, %ge3A : i32
        %convert_element_type3A_577 = arith.extui %ge3A_576 : i1 to i32
        %cond3A_578 = arith.constant 0 : i32
        %cond3A_579 = arith.cmpi ne, %convert_element_type3A_577, %cond3A_578 : i32
        scf.if %cond3A_579 {
          %add3A_600 = arith.constant 4 : i32
          %add3A_601 = arith.addi %add3A_549, %add3A_600 : i32
          %sub3A = arith.constant 5 : i32
          %sub3A_602 = arith.subi %add3A_601, %sub3A : i32
          %mul3A_603 = arith.constant 40 : i32
          %mul3A_604 = arith.muli %sub3A_602, %mul3A_603 : i32
          %multiple_of3A_605 = tpu.assume_multiple %mul3A_604, 8 : i32
          %dma_wait3A_606 = tpu.memref_slice %arg24[%multiple_of3A_605] : memref<20000xi32, #tpu.memory_space<vmem>> -> memref<40xi32, #tpu.memory_space<vmem>>
          %dma_wait3A_607 = arith.constant 0 : i32
          %dma_wait3A_608 = arith.constant 0 : i32
          %dma_wait3A_609 = tpu.memref_slice %arg8[%dma_wait3A_607, %dma_wait3A_608] : memref<10000x128xf32, #tpu.memory_space<vmem_shared>> -> memref<10000x128xf32, #tpu.memory_space<vmem_shared>>
          tpu.wait_indirect_dma semaphore(%arg33 : memref<!tpu.dma_semaphore, #tpu.memory_space<semaphore_mem>>) src(%arg12 : memref<40x128xf32, #tpu.memory_space<vmem>>) dst(%dma_wait3A_609 : memref<10000x128xf32, #tpu.memory_space<vmem_shared>>)
        } else {
        }
        %add3A_580 = arith.constant 4 : i32
        %add3A_581 = arith.addi %add3A_549, %add3A_580 : i32
        %mul3A_582 = arith.constant 20000 : i32
        %mul3A_583 = arith.muli %arg1, %mul3A_582 : i32
        %mul3A_584 = arith.constant 40 : i32
        %mul3A_585 = arith.muli %add3A_581, %mul3A_584 : i32
        %add3A_586 = arith.addi %mul3A_583, %mul3A_585 : i32
        %multiple_of3A_587 = tpu.assume_multiple %add3A_586, 8 : i32
        %dma_wait3A_588 = tpu.memref_slice %arg4[%multiple_of3A_587] : memref<320000xi32, #tpu.memory_space<hbm>> -> memref<40xi32, #tpu.memory_space<hbm>>
        %dma_wait3A_589 = tpu.memref_slice %arg4[%multiple_of3A_587] : memref<320000xi32, #tpu.memory_space<hbm>> -> memref<40xi32, #tpu.memory_space<hbm>>
        tpu.wait_dma2 semaphore(%arg38 : memref<!tpu.dma_semaphore, #tpu.memory_space<semaphore_mem>>) src(%dma_wait3A_589 : memref<40xi32, #tpu.memory_space<hbm>>) dst(%arg17 : memref<40xi32, #tpu.memory_space<vmem>>)
        %eq3A_590 = arith.constant 0 : i32
        %eq3A_591 = arith.cmpi eq, %arg0, %eq3A_590 : i32
        %convert_element_type3A_592 = arith.extui %eq3A_591 : i1 to i32
        %cond3A_593 = arith.constant 0 : i32
        %cond3A_594 = arith.cmpi ne, %convert_element_type3A_592, %cond3A_593 : i32
        scf.if %cond3A_594 {
          %dma_start3A_600 = arith.constant 0 : i32
          %dma_start3A_601 = arith.constant 0 : i32
          %dma_start3A_602 = tpu.memref_slice %arg2[%dma_start3A_600, %dma_start3A_601] : memref<10000x128xf32, #tpu.memory_space<hbm>> -> memref<10000x128xf32, #tpu.memory_space<hbm>>
          tpu.enqueue_indirect_dma source(%dma_start3A_602 : memref<10000x128xf32, #tpu.memory_space<hbm>>) target(%arg12 : memref<40x128xf32, #tpu.memory_space<vmem>>) offsets(%arg17 : memref<40xi32, #tpu.memory_space<vmem>>) semaphore(%arg28 : memref<!tpu.dma_semaphore, #tpu.memory_space<semaphore_mem>>)
        } else {
        }
        %eq3A_595 = arith.constant 1 : i32
        %eq3A_596 = arith.cmpi eq, %arg0, %eq3A_595 : i32
        %convert_element_type3A_597 = arith.extui %eq3A_596 : i1 to i32
        %cond3A_598 = arith.constant 0 : i32
        %cond3A_599 = arith.cmpi ne, %convert_element_type3A_597, %cond3A_598 : i32
        scf.if %cond3A_599 {
          %dma_start3A_600 = arith.constant 0 : i32
          %dma_start3A_601 = arith.constant 0 : i32
          %dma_start3A_602 = tpu.memref_slice %arg3[%dma_start3A_600, %dma_start3A_601] : memref<10000x128xf32, #tpu.memory_space<hbm>> -> memref<10000x128xf32, #tpu.memory_space<hbm>>
          tpu.enqueue_indirect_dma source(%dma_start3A_602 : memref<10000x128xf32, #tpu.memory_space<hbm>>) target(%arg12 : memref<40x128xf32, #tpu.memory_space<vmem>>) offsets(%arg17 : memref<40xi32, #tpu.memory_space<vmem>>) semaphore(%arg28 : memref<!tpu.dma_semaphore, #tpu.memory_space<semaphore_mem>>)
        } else {
        }
      } else {
      }
      %dma_wait3A_557 = arith.constant 0 : i32
      %dma_wait3A_558 = arith.constant 0 : i32
      %dma_wait3A_559 = tpu.memref_slice %arg2[%dma_wait3A_557, %dma_wait3A_558] : memref<10000x128xf32, #tpu.memory_space<hbm>> -> memref<10000x128xf32, #tpu.memory_space<hbm>>
      tpu.wait_indirect_dma semaphore(%arg29 : memref<!tpu.dma_semaphore, #tpu.memory_space<semaphore_mem>>) src(%dma_wait3A_559 : memref<10000x128xf32, #tpu.memory_space<hbm>>) dst(%arg13 : memref<40x128xf32, #tpu.memory_space<vmem>>)
      %mul3A_560 = arith.constant 40 : i32
      %mul3A_561 = arith.muli %add3A_549, %mul3A_560 : i32
      %multiple_of3A_562 = tpu.assume_multiple %mul3A_561, 8 : i32
      %dma_start3A_563 = tpu.memref_slice %arg24[%multiple_of3A_562] : memref<20000xi32, #tpu.memory_space<vmem>> -> memref<40xi32, #tpu.memory_space<vmem>>
      %dma_start3A_564 = arith.constant 0 : i32
      %dma_start3A_565 = arith.constant 0 : i32
      %dma_start3A_566 = tpu.memref_slice %arg8[%dma_start3A_564, %dma_start3A_565] : memref<10000x128xf32, #tpu.memory_space<vmem_shared>> -> memref<10000x128xf32, #tpu.memory_space<vmem_shared>>
      tpu.enqueue_indirect_dma source(%arg13 : memref<40x128xf32, #tpu.memory_space<vmem>>) target(%dma_start3A_566 : memref<10000x128xf32, #tpu.memory_space<vmem_shared>>) offsets(%dma_start3A_563 : memref<40xi32, #tpu.memory_space<vmem>>) semaphore(%arg34 : memref<!tpu.dma_semaphore, #tpu.memory_space<semaphore_mem>>) {add = true}
      %add3A_567 = arith.constant 8 : i32
      %add3A_568 = arith.addi %add3A_549, %add3A_567 : i32
      %lt3A_569 = arith.constant 500 : i32
      %lt3A_570 = arith.cmpi slt, %add3A_568, %lt3A_569 : i32
      %convert_element_type3A_571 = arith.extui %lt3A_570 : i1 to i32
      %cond3A_572 = arith.constant 0 : i32
      %cond3A_573 = arith.cmpi ne, %convert_element_type3A_571, %cond3A_572 : i32
      scf.if %cond3A_573 {
        %add3A_574 = arith.constant 8 : i32
        %add3A_575 = arith.addi %add3A_549, %add3A_574 : i32
        %mul3A_576 = arith.constant 20000 : i32
        %mul3A_577 = arith.muli %arg1, %mul3A_576 : i32
        %mul3A_578 = arith.constant 40 : i32
        %mul3A_579 = arith.muli %add3A_575, %mul3A_578 : i32
        %add3A_580 = arith.addi %mul3A_577, %mul3A_579 : i32
        %multiple_of3A_581 = tpu.assume_multiple %add3A_580, 8 : i32
        %dma_start3A_582 = tpu.memref_slice %arg4[%multiple_of3A_581] : memref<320000xi32, #tpu.memory_space<hbm>> -> memref<40xi32, #tpu.memory_space<hbm>>
        %dma_start3A_583 = tpu.memref_slice %arg4[%multiple_of3A_581] : memref<320000xi32, #tpu.memory_space<hbm>> -> memref<40xi32, #tpu.memory_space<hbm>>
        tpu.enqueue_dma source(%dma_start3A_583 : memref<40xi32, #tpu.memory_space<hbm>>) target(%arg21 : memref<40xi32, #tpu.memory_space<vmem>>) target_semaphore(%arg42 : memref<!tpu.dma_semaphore, #tpu.memory_space<semaphore_mem>>)
      } else {
      }
    }
    %scan3A_227 = arith.constant 50 : i32
    %multiple_of3A_228 = arith.constant 19800 : i32
    %multiple_of3A_229 = tpu.assume_multiple %multiple_of3A_228, 8 : i32
    %dma_wait3A_230 = tpu.memref_slice %arg24[%multiple_of3A_229] : memref<20000xi32, #tpu.memory_space<vmem>> -> memref<40xi32, #tpu.memory_space<vmem>>
    %dma_wait3A_231 = arith.constant 0 : i32
    %dma_wait3A_232 = arith.constant 0 : i32
    %dma_wait3A_233 = tpu.memref_slice %arg8[%dma_wait3A_231, %dma_wait3A_232] : memref<10000x128xf32, #tpu.memory_space<vmem_shared>> -> memref<10000x128xf32, #tpu.memory_space<vmem_shared>>
    tpu.wait_indirect_dma semaphore(%arg30 : memref<!tpu.dma_semaphore, #tpu.memory_space<semaphore_mem>>) src(%arg9 : memref<40x128xf32, #tpu.memory_space<vmem>>) dst(%dma_wait3A_233 : memref<10000x128xf32, #tpu.memory_space<vmem_shared>>)
    %multiple_of3A_234 = arith.constant 19840 : i32
    %multiple_of3A_235 = tpu.assume_multiple %multiple_of3A_234, 8 : i32
    %dma_wait3A_236 = tpu.memref_slice %arg24[%multiple_of3A_235] : memref<20000xi32, #tpu.memory_space<vmem>> -> memref<40xi32, #tpu.memory_space<vmem>>
    %dma_wait3A_237 = arith.constant 0 : i32
    %dma_wait3A_238 = arith.constant 0 : i32
    %dma_wait3A_239 = tpu.memref_slice %arg8[%dma_wait3A_237, %dma_wait3A_238] : memref<10000x128xf32, #tpu.memory_space<vmem_shared>> -> memref<10000x128xf32, #tpu.memory_space<vmem_shared>>
    tpu.wait_indirect_dma semaphore(%arg31 : memref<!tpu.dma_semaphore, #tpu.memory_space<semaphore_mem>>) src(%arg10 : memref<40x128xf32, #tpu.memory_space<vmem>>) dst(%dma_wait3A_239 : memref<10000x128xf32, #tpu.memory_space<vmem_shared>>)
    %multiple_of3A_240 = arith.constant 19880 : i32
    %multiple_of3A_241 = tpu.assume_multiple %multiple_of3A_240, 8 : i32
    %dma_wait3A_242 = tpu.memref_slice %arg24[%multiple_of3A_241] : memref<20000xi32, #tpu.memory_space<vmem>> -> memref<40xi32, #tpu.memory_space<vmem>>
    %dma_wait3A_243 = arith.constant 0 : i32
    %dma_wait3A_244 = arith.constant 0 : i32
    %dma_wait3A_245 = tpu.memref_slice %arg8[%dma_wait3A_243, %dma_wait3A_244] : memref<10000x128xf32, #tpu.memory_space<vmem_shared>> -> memref<10000x128xf32, #tpu.memory_space<vmem_shared>>
    tpu.wait_indirect_dma semaphore(%arg32 : memref<!tpu.dma_semaphore, #tpu.memory_space<semaphore_mem>>) src(%arg11 : memref<40x128xf32, #tpu.memory_space<vmem>>) dst(%dma_wait3A_245 : memref<10000x128xf32, #tpu.memory_space<vmem_shared>>)
    %multiple_of3A_246 = arith.constant 19920 : i32
    %multiple_of3A_247 = tpu.assume_multiple %multiple_of3A_246, 8 : i32
    %dma_wait3A_248 = tpu.memref_slice %arg24[%multiple_of3A_247] : memref<20000xi32, #tpu.memory_space<vmem>> -> memref<40xi32, #tpu.memory_space<vmem>>
    %dma_wait3A_249 = arith.constant 0 : i32
    %dma_wait3A_250 = arith.constant 0 : i32
    %dma_wait3A_251 = tpu.memref_slice %arg8[%dma_wait3A_249, %dma_wait3A_250] : memref<10000x128xf32, #tpu.memory_space<vmem_shared>> -> memref<10000x128xf32, #tpu.memory_space<vmem_shared>>
    tpu.wait_indirect_dma semaphore(%arg33 : memref<!tpu.dma_semaphore, #tpu.memory_space<semaphore_mem>>) src(%arg12 : memref<40x128xf32, #tpu.memory_space<vmem>>) dst(%dma_wait3A_251 : memref<10000x128xf32, #tpu.memory_space<vmem_shared>>)
    %multiple_of3A_252 = arith.constant 19960 : i32
    %multiple_of3A_253 = tpu.assume_multiple %multiple_of3A_252, 8 : i32
    %dma_wait3A_254 = tpu.memref_slice %arg24[%multiple_of3A_253] : memref<20000xi32, #tpu.memory_space<vmem>> -> memref<40xi32, #tpu.memory_space<vmem>>
    %dma_wait3A_255 = arith.constant 0 : i32
    %dma_wait3A_256 = arith.constant 0 : i32
    %dma_wait3A_257 = tpu.memref_slice %arg8[%dma_wait3A_255, %dma_wait3A_256] : memref<10000x128xf32, #tpu.memory_space<vmem_shared>> -> memref<10000x128xf32, #tpu.memory_space<vmem_shared>>
    tpu.wait_indirect_dma semaphore(%arg34 : memref<!tpu.dma_semaphore, #tpu.memory_space<semaphore_mem>>) src(%arg13 : memref<40x128xf32, #tpu.memory_space<vmem>>) dst(%dma_wait3A_257 : memref<10000x128xf32, #tpu.memory_space<vmem_shared>>)
    %barrier3A_258 = arith.constant 0 : index
    tpu.barrier barrier_id(%barrier3A_258)
    %mul3A_259 = arith.constant 632 : i32
    %mul3A_260 = arith.muli %arg1, %mul3A_259 : i32
    %multiple_of3A_261 = tpu.assume_multiple %mul3A_260, 8 : i32
    %eq3A_262 = arith.constant 0 : i32
    %eq3A_263 = arith.cmpi eq, %arg0, %eq3A_262 : i32
    %eq3A_264 = arith.constant 15 : i32
    %eq3A_265 = arith.cmpi eq, %arg1, %eq3A_264 : i32
    %eq3A_266 = arith.constant false
    %eq3A_267 = arith.xori %eq3A_265, %eq3A_266 : i1
    %eq3A_268 = arith.constant true
    %eq3A_269 = arith.xori %eq3A_267, %eq3A_268 : i1
    %and3A_270 = arith.andi %eq3A_263, %eq3A_269 : i1
    %convert_element_type3A_271 = arith.extui %and3A_270 : i1 to i32
    %cond3A_272 = arith.constant 0 : i32
    %cond3A_273 = arith.cmpi ne, %convert_element_type3A_271, %cond3A_272 : i32
    scf.if %cond3A_273 {
      "tpu.region"() ({
        %run_scoped3A = tpu.sem_alloc : memref<!tpu.dma_semaphore, #tpu.memory_space<semaphore_mem>>
        %dma_start3A_310 = arith.constant 0 : i32
        %dma_start3A_311 = tpu.memref_slice %arg6[%multiple_of3A_261, %dma_start3A_310] : memref<10000x128xf32, #tpu.memory_space<hbm>> -> memref<632x128xf32, #tpu.memory_space<hbm>>
        %dma_start3A_312 = arith.constant 0 : i32
        %dma_start3A_313 = tpu.memref_slice %arg8[%multiple_of3A_261, %dma_start3A_312] : memref<10000x128xf32, #tpu.memory_space<vmem_shared>> -> memref<632x128xf32, #tpu.memory_space<vmem_shared>>
        tpu.enqueue_dma source(%dma_start3A_313 : memref<632x128xf32, #tpu.memory_space<vmem_shared>>) target(%dma_start3A_311 : memref<632x128xf32, #tpu.memory_space<hbm>>) target_semaphore(%run_scoped3A : memref<!tpu.dma_semaphore, #tpu.memory_space<semaphore_mem>>)
        %dma_wait3A_314 = arith.constant 0 : i32
        %dma_wait3A_315 = tpu.memref_slice %arg6[%multiple_of3A_261, %dma_wait3A_314] : memref<10000x128xf32, #tpu.memory_space<hbm>> -> memref<632x128xf32, #tpu.memory_space<hbm>>
        %dma_wait3A_316 = arith.constant 0 : i32
        %dma_wait3A_317 = tpu.memref_slice %arg8[%multiple_of3A_261, %dma_wait3A_316] : memref<10000x128xf32, #tpu.memory_space<vmem_shared>> -> memref<632x128xf32, #tpu.memory_space<vmem_shared>>
        tpu.wait_dma2 semaphore(%run_scoped3A : memref<!tpu.dma_semaphore, #tpu.memory_space<semaphore_mem>>) src(%dma_wait3A_317 : memref<632x128xf32, #tpu.memory_space<vmem_shared>>) dst(%dma_wait3A_315 : memref<632x128xf32, #tpu.memory_space<hbm>>)
        tpu.yield
      }) : () -> ()
    } else {
    }
    %eq3A_274 = arith.constant 0 : i32
    %eq3A_275 = arith.cmpi eq, %arg0, %eq3A_274 : i32
    %eq3A_276 = arith.constant 15 : i32
    %eq3A_277 = arith.cmpi eq, %arg1, %eq3A_276 : i32
    %eq3A_278 = arith.constant true
    %eq3A_279 = arith.xori %eq3A_277, %eq3A_278 : i1
    %eq3A_280 = arith.constant true
    %eq3A_281 = arith.xori %eq3A_279, %eq3A_280 : i1
    %and3A_282 = arith.andi %eq3A_275, %eq3A_281 : i1
    %convert_element_type3A_283 = arith.extui %and3A_282 : i1 to i32
    %cond3A_284 = arith.constant 0 : i32
    %cond3A_285 = arith.cmpi ne, %convert_element_type3A_283, %cond3A_284 : i32
    scf.if %cond3A_285 {
      "tpu.region"() ({
        %run_scoped3A = tpu.sem_alloc : memref<!tpu.dma_semaphore, #tpu.memory_space<semaphore_mem>>
        %dma_start3A_310 = arith.constant 9480 : i32
        %dma_start3A_311 = arith.constant 0 : i32
        %dma_start3A_312 = tpu.memref_slice %arg6[%dma_start3A_310, %dma_start3A_311] : memref<10000x128xf32, #tpu.memory_space<hbm>> -> memref<520x128xf32, #tpu.memory_space<hbm>>
        %dma_start3A_313 = arith.constant 9480 : i32
        %dma_start3A_314 = arith.constant 0 : i32
        %dma_start3A_315 = tpu.memref_slice %arg8[%dma_start3A_313, %dma_start3A_314] : memref<10000x128xf32, #tpu.memory_space<vmem_shared>> -> memref<520x128xf32, #tpu.memory_space<vmem_shared>>
        tpu.enqueue_dma source(%dma_start3A_315 : memref<520x128xf32, #tpu.memory_space<vmem_shared>>) target(%dma_start3A_312 : memref<520x128xf32, #tpu.memory_space<hbm>>) target_semaphore(%run_scoped3A : memref<!tpu.dma_semaphore, #tpu.memory_space<semaphore_mem>>)
        %dma_wait3A_316 = arith.constant 9480 : i32
        %dma_wait3A_317 = arith.constant 0 : i32
        %dma_wait3A_318 = tpu.memref_slice %arg6[%dma_wait3A_316, %dma_wait3A_317] : memref<10000x128xf32, #tpu.memory_space<hbm>> -> memref<520x128xf32, #tpu.memory_space<hbm>>
        %dma_wait3A_319 = arith.constant 9480 : i32
        %dma_wait3A_320 = arith.constant 0 : i32
        %dma_wait3A_321 = tpu.memref_slice %arg8[%dma_wait3A_319, %dma_wait3A_320] : memref<10000x128xf32, #tpu.memory_space<vmem_shared>> -> memref<520x128xf32, #tpu.memory_space<vmem_shared>>
        tpu.wait_dma2 semaphore(%run_scoped3A : memref<!tpu.dma_semaphore, #tpu.memory_space<semaphore_mem>>) src(%dma_wait3A_321 : memref<520x128xf32, #tpu.memory_space<vmem_shared>>) dst(%dma_wait3A_318 : memref<520x128xf32, #tpu.memory_space<hbm>>)
        tpu.yield
      }) : () -> ()
    } else {
    }
    %eq3A_286 = arith.constant 1 : i32
    %eq3A_287 = arith.cmpi eq, %arg0, %eq3A_286 : i32
    %eq3A_288 = arith.constant 15 : i32
    %eq3A_289 = arith.cmpi eq, %arg1, %eq3A_288 : i32
    %eq3A_290 = arith.constant false
    %eq3A_291 = arith.xori %eq3A_289, %eq3A_290 : i1
    %eq3A_292 = arith.constant true
    %eq3A_293 = arith.xori %eq3A_291, %eq3A_292 : i1
    %and3A_294 = arith.andi %eq3A_287, %eq3A_293 : i1
    %convert_element_type3A_295 = arith.extui %and3A_294 : i1 to i32
    %cond3A_296 = arith.constant 0 : i32
    %cond3A_297 = arith.cmpi ne, %convert_element_type3A_295, %cond3A_296 : i32
    scf.if %cond3A_297 {
      "tpu.region"() ({
        %run_scoped3A = tpu.sem_alloc : memref<!tpu.dma_semaphore, #tpu.memory_space<semaphore_mem>>
        %dma_start3A_310 = arith.constant 0 : i32
        %dma_start3A_311 = tpu.memref_slice %arg7[%multiple_of3A_261, %dma_start3A_310] : memref<10000x128xf32, #tpu.memory_space<hbm>> -> memref<632x128xf32, #tpu.memory_space<hbm>>
        %dma_start3A_312 = arith.constant 0 : i32
        %dma_start3A_313 = tpu.memref_slice %arg8[%multiple_of3A_261, %dma_start3A_312] : memref<10000x128xf32, #tpu.memory_space<vmem_shared>> -> memref<632x128xf32, #tpu.memory_space<vmem_shared>>
        tpu.enqueue_dma source(%dma_start3A_313 : memref<632x128xf32, #tpu.memory_space<vmem_shared>>) target(%dma_start3A_311 : memref<632x128xf32, #tpu.memory_space<hbm>>) target_semaphore(%run_scoped3A : memref<!tpu.dma_semaphore, #tpu.memory_space<semaphore_mem>>)
        %dma_wait3A_314 = arith.constant 0 : i32
        %dma_wait3A_315 = tpu.memref_slice %arg7[%multiple_of3A_261, %dma_wait3A_314] : memref<10000x128xf32, #tpu.memory_space<hbm>> -> memref<632x128xf32, #tpu.memory_space<hbm>>
        %dma_wait3A_316 = arith.constant 0 : i32
        %dma_wait3A_317 = tpu.memref_slice %arg8[%multiple_of3A_261, %dma_wait3A_316] : memref<10000x128xf32, #tpu.memory_space<vmem_shared>> -> memref<632x128xf32, #tpu.memory_space<vmem_shared>>
        tpu.wait_dma2 semaphore(%run_scoped3A : memref<!tpu.dma_semaphore, #tpu.memory_space<semaphore_mem>>) src(%dma_wait3A_317 : memref<632x128xf32, #tpu.memory_space<vmem_shared>>) dst(%dma_wait3A_315 : memref<632x128xf32, #tpu.memory_space<hbm>>)
        tpu.yield
      }) : () -> ()
    } else {
    }
    %eq3A_298 = arith.constant 1 : i32
    %eq3A_299 = arith.cmpi eq, %arg0, %eq3A_298 : i32
    %eq3A_300 = arith.constant 15 : i32
    %eq3A_301 = arith.cmpi eq, %arg1, %eq3A_300 : i32
    %eq3A_302 = arith.constant true
    %eq3A_303 = arith.xori %eq3A_301, %eq3A_302 : i1
    %eq3A_304 = arith.constant true
    %eq3A_305 = arith.xori %eq3A_303, %eq3A_304 : i1
    %and3A_306 = arith.andi %eq3A_299, %eq3A_305 : i1
    %convert_element_type3A_307 = arith.extui %and3A_306 : i1 to i32
    %cond3A_308 = arith.constant 0 : i32
    %cond3A_309 = arith.cmpi ne, %convert_element_type3A_307, %cond3A_308 : i32
    scf.if %cond3A_309 {
      "tpu.region"() ({
        %run_scoped3A = tpu.sem_alloc : memref<!tpu.dma_semaphore, #tpu.memory_space<semaphore_mem>>
        %dma_start3A_310 = arith.constant 9480 : i32
        %dma_start3A_311 = arith.constant 0 : i32
        %dma_start3A_312 = tpu.memref_slice %arg7[%dma_start3A_310, %dma_start3A_311] : memref<10000x128xf32, #tpu.memory_space<hbm>> -> memref<520x128xf32, #tpu.memory_space<hbm>>
        %dma_start3A_313 = arith.constant 9480 : i32
        %dma_start3A_314 = arith.constant 0 : i32
        %dma_start3A_315 = tpu.memref_slice %arg8[%dma_start3A_313, %dma_start3A_314] : memref<10000x128xf32, #tpu.memory_space<vmem_shared>> -> memref<520x128xf32, #tpu.memory_space<vmem_shared>>
        tpu.enqueue_dma source(%dma_start3A_315 : memref<520x128xf32, #tpu.memory_space<vmem_shared>>) target(%dma_start3A_312 : memref<520x128xf32, #tpu.memory_space<hbm>>) target_semaphore(%run_scoped3A : memref<!tpu.dma_semaphore, #tpu.memory_space<semaphore_mem>>)
        %dma_wait3A_316 = arith.constant 9480 : i32
        %dma_wait3A_317 = arith.constant 0 : i32
        %dma_wait3A_318 = tpu.memref_slice %arg7[%dma_wait3A_316, %dma_wait3A_317] : memref<10000x128xf32, #tpu.memory_space<hbm>> -> memref<520x128xf32, #tpu.memory_space<hbm>>
        %dma_wait3A_319 = arith.constant 9480 : i32
        %dma_wait3A_320 = arith.constant 0 : i32
        %dma_wait3A_321 = tpu.memref_slice %arg8[%dma_wait3A_319, %dma_wait3A_320] : memref<10000x128xf32, #tpu.memory_space<vmem_shared>> -> memref<520x128xf32, #tpu.memory_space<vmem_shared>>
        tpu.wait_dma2 semaphore(%run_scoped3A : memref<!tpu.dma_semaphore, #tpu.memory_space<semaphore_mem>>) src(%dma_wait3A_321 : memref<520x128xf32, #tpu.memory_space<vmem_shared>>) dst(%dma_wait3A_318 : memref<520x128xf32, #tpu.memory_space<hbm>>)
        tpu.yield
      }) : () -> ()
    } else {
    }
    return
  }
}

#map = affine_map<(d0, d1) -> (0, 0)>
#map1 = affine_map<(d0, d1) -> (0)>
module attributes {stable_mosaic.version = 14 : i64} {
  func.func @_sc_segsum_body(%arg0: i32, %arg1: i32, %arg2: memref<10000x128xf32, #tpu.memory_space<hbm>>, %arg3: memref<10000x128xf32, #tpu.memory_space<hbm>>, %arg4: memref<320000xi32, #tpu.memory_space<hbm>>, %arg5: memref<320000xi32, #tpu.memory_space<hbm>>, %arg6: memref<10000x128xf32, #tpu.memory_space<hbm>>, %arg7: memref<10000x128xf32, #tpu.memory_space<hbm>>, %arg8: memref<10000x128xf32, #tpu.memory_space<vmem_shared>>, %arg9: memref<40x128xf32, #tpu.memory_space<vmem>>, %arg10: memref<40x128xf32, #tpu.memory_space<vmem>>, %arg11: memref<40x128xf32, #tpu.memory_space<vmem>>, %arg12: memref<40x128xf32, #tpu.memory_space<vmem>>, %arg13: memref<40x128xf32, #tpu.memory_space<vmem>>, %arg14: memref<40xi32, #tpu.memory_space<vmem>>, %arg15: memref<40xi32, #tpu.memory_space<vmem>>, %arg16: memref<40xi32, #tpu.memory_space<vmem>>, %arg17: memref<40xi32, #tpu.memory_space<vmem>>, %arg18: memref<40xi32, #tpu.memory_space<vmem>>, %arg19: memref<40xi32, #tpu.memory_space<vmem>>, %arg20: memref<40xi32, #tpu.memory_space<vmem>>, %arg21: memref<40xi32, #tpu.memory_space<vmem>>, %arg22: memref<40xi32, #tpu.memory_space<vmem>>, %arg23: memref<40xi32, #tpu.memory_space<vmem>>, %arg24: memref<20000xi32, #tpu.memory_space<vmem>>, %arg25: memref<!tpu.dma_semaphore, #tpu.memory_space<semaphore_mem>>, %arg26: memref<!tpu.dma_semaphore, #tpu.memory_space<semaphore_mem>>, %arg27: memref<!tpu.dma_semaphore, #tpu.memory_space<semaphore_mem>>, %arg28: memref<!tpu.dma_semaphore, #tpu.memory_space<semaphore_mem>>, %arg29: memref<!tpu.dma_semaphore, #tpu.memory_space<semaphore_mem>>, %arg30: memref<!tpu.dma_semaphore, #tpu.memory_space<semaphore_mem>>, %arg31: memref<!tpu.dma_semaphore, #tpu.memory_space<semaphore_mem>>, %arg32: memref<!tpu.dma_semaphore, #tpu.memory_space<semaphore_mem>>, %arg33: memref<!tpu.dma_semaphore, #tpu.memory_space<semaphore_mem>>, %arg34: memref<!tpu.dma_semaphore, #tpu.memory_space<semaphore_mem>>, %arg35: memref<!tpu.dma_semaphore, #tpu.memory_space<semaphore_mem>>, %arg36: memref<!tpu.dma_semaphore, #tpu.memory_space<semaphore_mem>>, %arg37: memref<!tpu.dma_semaphore, #tpu.memory_space<semaphore_mem>>, %arg38: memref<!tpu.dma_semaphore, #tpu.memory_space<semaphore_mem>>, %arg39: memref<!tpu.dma_semaphore, #tpu.memory_space<semaphore_mem>>, %arg40: memref<!tpu.dma_semaphore, #tpu.memory_space<semaphore_mem>>, %arg41: memref<!tpu.dma_semaphore, #tpu.memory_space<semaphore_mem>>, %arg42: memref<!tpu.dma_semaphore, #tpu.memory_space<semaphore_mem>>, %arg43: memref<!tpu.dma_semaphore, #tpu.memory_space<semaphore_mem>>, %arg44: memref<!tpu.dma_semaphore, #tpu.memory_space<semaphore_mem>>, %arg45: memref<!tpu.dma_semaphore, #tpu.memory_space<semaphore_mem>>) attributes {dimension_semantics = [#tpu.dimension_semantics<core_parallel>, #tpu.dimension_semantics<subcore_parallel>], iteration_bounds = array<i64: 2, 16>, scalar_prefetch = 0 : i64, scratch_operands = 38 : i64, tpu.core_type = #tpu.core_type<sc_vector_subcore>, window_params = [{transform_indices = #map}, {transform_indices = #map}, {transform_indices = #map1}, {transform_indices = #map1}, {transform_indices = #map}, {transform_indices = #map}]} {
    %mul3A = arith.constant 20000 : i32
    %mul3A_0 = arith.muli %arg1, %mul3A : i32
    %multiple_of3A = tpu.assume_multiple %mul3A_0, 8 : i32
    %dma_start3A = tpu.memref_slice %arg5[%multiple_of3A] : memref<320000xi32, #tpu.memory_space<hbm>> -> memref<20000xi32, #tpu.memory_space<hbm>>
    %dma_start3A_1 = tpu.memref_slice %arg5[%multiple_of3A] : memref<320000xi32, #tpu.memory_space<hbm>> -> memref<20000xi32, #tpu.memory_space<hbm>>
    tpu.enqueue_dma source(%dma_start3A_1 : memref<20000xi32, #tpu.memory_space<hbm>>) target(%arg24 : memref<20000xi32, #tpu.memory_space<vmem>>) target_semaphore(%arg45 : memref<!tpu.dma_semaphore, #tpu.memory_space<semaphore_mem>>)
    %mul3A_2 = arith.constant 632 : i32
    %mul3A_3 = arith.muli %arg1, %mul3A_2 : i32
    %multiple_of3A_4 = tpu.assume_multiple %mul3A_3, 8 : i32
    %eq3A = arith.constant 0 : i32
    %eq3A_5 = arith.cmpi eq, %arg0, %eq3A : i32
    %eq3A_6 = arith.constant 15 : i32
    %eq3A_7 = arith.cmpi eq, %arg1, %eq3A_6 : i32
    %eq3A_8 = arith.constant false
    %eq3A_9 = arith.xori %eq3A_7, %eq3A_8 : i1
    %eq3A_10 = arith.constant true
    %eq3A_11 = arith.xori %eq3A_9, %eq3A_10 : i1
    %and3A = arith.andi %eq3A_5, %eq3A_11 : i1
    %convert_element_type3A = arith.extui %and3A : i1 to i32
    %cond3A = arith.constant 0 : i32
    %cond3A_12 = arith.cmpi ne, %convert_element_type3A, %cond3A : i32
    scf.if %cond3A_12 {
      %dma_start3A_310 = arith.constant 0 : i32
      %dma_start3A_311 = tpu.memref_slice %arg8[%multiple_of3A_4, %dma_start3A_310] : memref<10000x128xf32, #tpu.memory_space<vmem_shared>> -> memref<632x128xf32, #tpu.memory_space<vmem_shared>>
      %dma_start3A_312 = arith.constant 0 : i32
      %dma_start3A_313 = tpu.memref_slice %arg2[%multiple_of3A_4, %dma_start3A_312] : memref<10000x128xf32, #tpu.memory_space<hbm>> -> memref<632x128xf32, #tpu.memory_space<hbm>>
      tpu.enqueue_dma source(%dma_start3A_313 : memref<632x128xf32, #tpu.memory_space<hbm>>) target(%dma_start3A_311 : memref<632x128xf32, #tpu.memory_space<vmem_shared>>) target_semaphore(%arg45 : memref<!tpu.dma_semaphore, #tpu.memory_space<semaphore_mem>>)
    } else {
    }
    %eq3A_13 = arith.constant 0 : i32
    %eq3A_14 = arith.cmpi eq, %arg0, %eq3A_13 : i32
    %eq3A_15 = arith.constant 15 : i32
    %eq3A_16 = arith.cmpi eq, %arg1, %eq3A_15 : i32
    %eq3A_17 = arith.constant true
    %eq3A_18 = arith.xori %eq3A_16, %eq3A_17 : i1
    %eq3A_19 = arith.constant true
    %eq3A_20 = arith.xori %eq3A_18, %eq3A_19 : i1
    %and3A_21 = arith.andi %eq3A_14, %eq3A_20 : i1
    %convert_element_type3A_22 = arith.extui %and3A_21 : i1 to i32
    %cond3A_23 = arith.constant 0 : i32
    %cond3A_24 = arith.cmpi ne, %convert_element_type3A_22, %cond3A_23 : i32
    scf.if %cond3A_24 {
      %dma_start3A_310 = arith.constant 9480 : i32
      %dma_start3A_311 = arith.constant 0 : i32
      %dma_start3A_312 = tpu.memref_slice %arg8[%dma_start3A_310, %dma_start3A_311] : memref<10000x128xf32, #tpu.memory_space<vmem_shared>> -> memref<520x128xf32, #tpu.memory_space<vmem_shared>>
      %dma_start3A_313 = arith.constant 9480 : i32
      %dma_start3A_314 = arith.constant 0 : i32
      %dma_start3A_315 = tpu.memref_slice %arg2[%dma_start3A_313, %dma_start3A_314] : memref<10000x128xf32, #tpu.memory_space<hbm>> -> memref<520x128xf32, #tpu.memory_space<hbm>>
      tpu.enqueue_dma source(%dma_start3A_315 : memref<520x128xf32, #tpu.memory_space<hbm>>) target(%dma_start3A_312 : memref<520x128xf32, #tpu.memory_space<vmem_shared>>) target_semaphore(%arg45 : memref<!tpu.dma_semaphore, #tpu.memory_space<semaphore_mem>>)
    } else {
    }
    %eq3A_25 = arith.constant 1 : i32
    %eq3A_26 = arith.cmpi eq, %arg0, %eq3A_25 : i32
    %eq3A_27 = arith.constant 15 : i32
    %eq3A_28 = arith.cmpi eq, %arg1, %eq3A_27 : i32
    %eq3A_29 = arith.constant false
    %eq3A_30 = arith.xori %eq3A_28, %eq3A_29 : i1
    %eq3A_31 = arith.constant true
    %eq3A_32 = arith.xori %eq3A_30, %eq3A_31 : i1
    %and3A_33 = arith.andi %eq3A_26, %eq3A_32 : i1
    %convert_element_type3A_34 = arith.extui %and3A_33 : i1 to i32
    %cond3A_35 = arith.constant 0 : i32
    %cond3A_36 = arith.cmpi ne, %convert_element_type3A_34, %cond3A_35 : i32
    scf.if %cond3A_36 {
      %dma_start3A_310 = arith.constant 0 : i32
      %dma_start3A_311 = tpu.memref_slice %arg8[%multiple_of3A_4, %dma_start3A_310] : memref<10000x128xf32, #tpu.memory_space<vmem_shared>> -> memref<632x128xf32, #tpu.memory_space<vmem_shared>>
      %dma_start3A_312 = arith.constant 0 : i32
      %dma_start3A_313 = tpu.memref_slice %arg3[%multiple_of3A_4, %dma_start3A_312] : memref<10000x128xf32, #tpu.memory_space<hbm>> -> memref<632x128xf32, #tpu.memory_space<hbm>>
      tpu.enqueue_dma source(%dma_start3A_313 : memref<632x128xf32, #tpu.memory_space<hbm>>) target(%dma_start3A_311 : memref<632x128xf32, #tpu.memory_space<vmem_shared>>) target_semaphore(%arg45 : memref<!tpu.dma_semaphore, #tpu.memory_space<semaphore_mem>>)
    } else {
    }
    %eq3A_37 = arith.constant 1 : i32
    %eq3A_38 = arith.cmpi eq, %arg0, %eq3A_37 : i32
    %eq3A_39 = arith.constant 15 : i32
    %eq3A_40 = arith.cmpi eq, %arg1, %eq3A_39 : i32
    %eq3A_41 = arith.constant true
    %eq3A_42 = arith.xori %eq3A_40, %eq3A_41 : i1
    %eq3A_43 = arith.constant true
    %eq3A_44 = arith.xori %eq3A_42, %eq3A_43 : i1
    %and3A_45 = arith.andi %eq3A_38, %eq3A_44 : i1
    %convert_element_type3A_46 = arith.extui %and3A_45 : i1 to i32
    %cond3A_47 = arith.constant 0 : i32
    %cond3A_48 = arith.cmpi ne, %convert_element_type3A_46, %cond3A_47 : i32
    scf.if %cond3A_48 {
      %dma_start3A_310 = arith.constant 9480 : i32
      %dma_start3A_311 = arith.constant 0 : i32
      %dma_start3A_312 = tpu.memref_slice %arg8[%dma_start3A_310, %dma_start3A_311] : memref<10000x128xf32, #tpu.memory_space<vmem_shared>> -> memref<520x128xf32, #tpu.memory_space<vmem_shared>>
      %dma_start3A_313 = arith.constant 9480 : i32
      %dma_start3A_314 = arith.constant 0 : i32
      %dma_start3A_315 = tpu.memref_slice %arg3[%dma_start3A_313, %dma_start3A_314] : memref<10000x128xf32, #tpu.memory_space<hbm>> -> memref<520x128xf32, #tpu.memory_space<hbm>>
      tpu.enqueue_dma source(%dma_start3A_315 : memref<520x128xf32, #tpu.memory_space<hbm>>) target(%dma_start3A_312 : memref<520x128xf32, #tpu.memory_space<vmem_shared>>) target_semaphore(%arg45 : memref<!tpu.dma_semaphore, #tpu.memory_space<semaphore_mem>>)
    } else {
    }
    %mul3A_49 = arith.constant 20000 : i32
    %mul3A_50 = arith.muli %arg1, %mul3A_49 : i32
    %add3A = arith.constant 0 : i32
    %add3A_51 = arith.addi %mul3A_50, %add3A : i32
    %multiple_of3A_52 = tpu.assume_multiple %add3A_51, 8 : i32
    %dma_start3A_53 = tpu.memref_slice %arg4[%multiple_of3A_52] : memref<320000xi32, #tpu.memory_space<hbm>> -> memref<40xi32, #tpu.memory_space<hbm>>
    %dma_start3A_54 = tpu.memref_slice %arg4[%multiple_of3A_52] : memref<320000xi32, #tpu.memory_space<hbm>> -> memref<40xi32, #tpu.memory_space<hbm>>
    tpu.enqueue_dma source(%dma_start3A_54 : memref<40xi32, #tpu.memory_space<hbm>>) target(%arg14 : memref<40xi32, #tpu.memory_space<vmem>>) target_semaphore(%arg35 : memref<!tpu.dma_semaphore, #tpu.memory_space<semaphore_mem>>)
    %mul3A_55 = arith.constant 20000 : i32
    %mul3A_56 = arith.muli %arg1, %mul3A_55 : i32
    %add3A_57 = arith.constant 40 : i32
    %add3A_58 = arith.addi %mul3A_56, %add3A_57 : i32
    %multiple_of3A_59 = tpu.assume_multiple %add3A_58, 8 : i32
    %dma_start3A_60 = tpu.memref_slice %arg4[%multiple_of3A_59] : memref<320000xi32, #tpu.memory_space<hbm>> -> memref<40xi32, #tpu.memory_space<hbm>>
    %dma_start3A_61 = tpu.memref_slice %arg4[%multiple_of3A_59] : memref<320000xi32, #tpu.memory_space<hbm>> -> memref<40xi32, #tpu.memory_space<hbm>>
    tpu.enqueue_dma source(%dma_start3A_61 : memref<40xi32, #tpu.memory_space<hbm>>) target(%arg15 : memref<40xi32, #tpu.memory_space<vmem>>) target_semaphore(%arg36 : memref<!tpu.dma_semaphore, #tpu.memory_space<semaphore_mem>>)
    %mul3A_62 = arith.constant 20000 : i32
    %mul3A_63 = arith.muli %arg1, %mul3A_62 : i32
    %add3A_64 = arith.constant 80 : i32
    %add3A_65 = arith.addi %mul3A_63, %add3A_64 : i32
    %multiple_of3A_66 = tpu.assume_multiple %add3A_65, 8 : i32
    %dma_start3A_67 = tpu.memref_slice %arg4[%multiple_of3A_66] : memref<320000xi32, #tpu.memory_space<hbm>> -> memref<40xi32, #tpu.memory_space<hbm>>
    %dma_start3A_68 = tpu.memref_slice %arg4[%multiple_of3A_66] : memref<320000xi32, #tpu.memory_space<hbm>> -> memref<40xi32, #tpu.memory_space<hbm>>
    tpu.enqueue_dma source(%dma_start3A_68 : memref<40xi32, #tpu.memory_space<hbm>>) target(%arg16 : memref<40xi32, #tpu.memory_space<vmem>>) target_semaphore(%arg37 : memref<!tpu.dma_semaphore, #tpu.memory_space<semaphore_mem>>)
    %mul3A_69 = arith.constant 20000 : i32
    %mul3A_70 = arith.muli %arg1, %mul3A_69 : i32
    %add3A_71 = arith.constant 120 : i32
    %add3A_72 = arith.addi %mul3A_70, %add3A_71 : i32
    %multiple_of3A_73 = tpu.assume_multiple %add3A_72, 8 : i32
    %dma_start3A_74 = tpu.memref_slice %arg4[%multiple_of3A_73] : memref<320000xi32, #tpu.memory_space<hbm>> -> memref<40xi32, #tpu.memory_space<hbm>>
    %dma_start3A_75 = tpu.memref_slice %arg4[%multiple_of3A_73] : memref<320000xi32, #tpu.memory_space<hbm>> -> memref<40xi32, #tpu.memory_space<hbm>>
    tpu.enqueue_dma source(%dma_start3A_75 : memref<40xi32, #tpu.memory_space<hbm>>) target(%arg17 : memref<40xi32, #tpu.memory_space<vmem>>) target_semaphore(%arg38 : memref<!tpu.dma_semaphore, #tpu.memory_space<semaphore_mem>>)
    %mul3A_76 = arith.constant 20000 : i32
    %mul3A_77 = arith.muli %arg1, %mul3A_76 : i32
    %add3A_78 = arith.constant 160 : i32
    %add3A_79 = arith.addi %mul3A_77, %add3A_78 : i32
    %multiple_of3A_80 = tpu.assume_multiple %add3A_79, 8 : i32
    %dma_start3A_81 = tpu.memref_slice %arg4[%multiple_of3A_80] : memref<320000xi32, #tpu.memory_space<hbm>> -> memref<40xi32, #tpu.memory_space<hbm>>
    %dma_start3A_82 = tpu.memref_slice %arg4[%multiple_of3A_80] : memref<320000xi32, #tpu.memory_space<hbm>> -> memref<40xi32, #tpu.memory_space<hbm>>
    tpu.enqueue_dma source(%dma_start3A_82 : memref<40xi32, #tpu.memory_space<hbm>>) target(%arg18 : memref<40xi32, #tpu.memory_space<vmem>>) target_semaphore(%arg39 : memref<!tpu.dma_semaphore, #tpu.memory_space<semaphore_mem>>)
    %mul3A_83 = arith.constant 20000 : i32
    %mul3A_84 = arith.muli %arg1, %mul3A_83 : i32
    %add3A_85 = arith.constant 200 : i32
    %add3A_86 = arith.addi %mul3A_84, %add3A_85 : i32
    %multiple_of3A_87 = tpu.assume_multiple %add3A_86, 8 : i32
    %dma_start3A_88 = tpu.memref_slice %arg4[%multiple_of3A_87] : memref<320000xi32, #tpu.memory_space<hbm>> -> memref<40xi32, #tpu.memory_space<hbm>>
    %dma_start3A_89 = tpu.memref_slice %arg4[%multiple_of3A_87] : memref<320000xi32, #tpu.memory_space<hbm>> -> memref<40xi32, #tpu.memory_space<hbm>>
    tpu.enqueue_dma source(%dma_start3A_89 : memref<40xi32, #tpu.memory_space<hbm>>) target(%arg19 : memref<40xi32, #tpu.memory_space<vmem>>) target_semaphore(%arg40 : memref<!tpu.dma_semaphore, #tpu.memory_space<semaphore_mem>>)
    %mul3A_90 = arith.constant 20000 : i32
    %mul3A_91 = arith.muli %arg1, %mul3A_90 : i32
    %add3A_92 = arith.constant 240 : i32
    %add3A_93 = arith.addi %mul3A_91, %add3A_92 : i32
    %multiple_of3A_94 = tpu.assume_multiple %add3A_93, 8 : i32
    %dma_start3A_95 = tpu.memref_slice %arg4[%multiple_of3A_94] : memref<320000xi32, #tpu.memory_space<hbm>> -> memref<40xi32, #tpu.memory_space<hbm>>
    %dma_start3A_96 = tpu.memref_slice %arg4[%multiple_of3A_94] : memref<320000xi32, #tpu.memory_space<hbm>> -> memref<40xi32, #tpu.memory_space<hbm>>
    tpu.enqueue_dma source(%dma_start3A_96 : memref<40xi32, #tpu.memory_space<hbm>>) target(%arg20 : memref<40xi32, #tpu.memory_space<vmem>>) target_semaphore(%arg41 : memref<!tpu.dma_semaphore, #tpu.memory_space<semaphore_mem>>)
    %mul3A_97 = arith.constant 20000 : i32
    %mul3A_98 = arith.muli %arg1, %mul3A_97 : i32
    %add3A_99 = arith.constant 280 : i32
    %add3A_100 = arith.addi %mul3A_98, %add3A_99 : i32
    %multiple_of3A_101 = tpu.assume_multiple %add3A_100, 8 : i32
    %dma_start3A_102 = tpu.memref_slice %arg4[%multiple_of3A_101] : memref<320000xi32, #tpu.memory_space<hbm>> -> memref<40xi32, #tpu.memory_space<hbm>>
    %dma_start3A_103 = tpu.memref_slice %arg4[%multiple_of3A_101] : memref<320000xi32, #tpu.memory_space<hbm>> -> memref<40xi32, #tpu.memory_space<hbm>>
    tpu.enqueue_dma source(%dma_start3A_103 : memref<40xi32, #tpu.memory_space<hbm>>) target(%arg21 : memref<40xi32, #tpu.memory_space<vmem>>) target_semaphore(%arg42 : memref<!tpu.dma_semaphore, #tpu.memory_space<semaphore_mem>>)
    %dma_wait3A = tpu.memref_slice %arg5[%multiple_of3A] : memref<320000xi32, #tpu.memory_space<hbm>> -> memref<20000xi32, #tpu.memory_space<hbm>>
    %dma_wait3A_104 = tpu.memref_slice %arg5[%multiple_of3A] : memref<320000xi32, #tpu.memory_space<hbm>> -> memref<20000xi32, #tpu.memory_space<hbm>>
    tpu.wait_dma2 semaphore(%arg45 : memref<!tpu.dma_semaphore, #tpu.memory_space<semaphore_mem>>) src(%dma_wait3A_104 : memref<20000xi32, #tpu.memory_space<hbm>>) dst(%arg24 : memref<20000xi32, #tpu.memory_space<vmem>>)
    %mul3A_105 = arith.constant 632 : i32
    %mul3A_106 = arith.muli %arg1, %mul3A_105 : i32
    %multiple_of3A_107 = tpu.assume_multiple %mul3A_106, 8 : i32
    %eq3A_108 = arith.constant 0 : i32
    %eq3A_109 = arith.cmpi eq, %arg0, %eq3A_108 : i32
    %eq3A_110 = arith.constant 15 : i32
    %eq3A_111 = arith.cmpi eq, %arg1, %eq3A_110 : i32
    %eq3A_112 = arith.constant false
    %eq3A_113 = arith.xori %eq3A_111, %eq3A_112 : i1
    %eq3A_114 = arith.constant true
    %eq3A_115 = arith.xori %eq3A_113, %eq3A_114 : i1
    %and3A_116 = arith.andi %eq3A_109, %eq3A_115 : i1
    %convert_element_type3A_117 = arith.extui %and3A_116 : i1 to i32
    %cond3A_118 = arith.constant 0 : i32
    %cond3A_119 = arith.cmpi ne, %convert_element_type3A_117, %cond3A_118 : i32
    scf.if %cond3A_119 {
      %dma_wait3A_310 = arith.constant 0 : i32
      %dma_wait3A_311 = tpu.memref_slice %arg8[%multiple_of3A_107, %dma_wait3A_310] : memref<10000x128xf32, #tpu.memory_space<vmem_shared>> -> memref<632x128xf32, #tpu.memory_space<vmem_shared>>
      %dma_wait3A_312 = arith.constant 0 : i32
      %dma_wait3A_313 = tpu.memref_slice %arg2[%multiple_of3A_107, %dma_wait3A_312] : memref<10000x128xf32, #tpu.memory_space<hbm>> -> memref<632x128xf32, #tpu.memory_space<hbm>>
      tpu.wait_dma2 semaphore(%arg45 : memref<!tpu.dma_semaphore, #tpu.memory_space<semaphore_mem>>) src(%dma_wait3A_313 : memref<632x128xf32, #tpu.memory_space<hbm>>) dst(%dma_wait3A_311 : memref<632x128xf32, #tpu.memory_space<vmem_shared>>)
    } else {
    }
    %eq3A_120 = arith.constant 0 : i32
    %eq3A_121 = arith.cmpi eq, %arg0, %eq3A_120 : i32
    %eq3A_122 = arith.constant 15 : i32
    %eq3A_123 = arith.cmpi eq, %arg1, %eq3A_122 : i32
    %eq3A_124 = arith.constant true
    %eq3A_125 = arith.xori %eq3A_123, %eq3A_124 : i1
    %eq3A_126 = arith.constant true
    %eq3A_127 = arith.xori %eq3A_125, %eq3A_126 : i1
    %and3A_128 = arith.andi %eq3A_121, %eq3A_127 : i1
    %convert_element_type3A_129 = arith.extui %and3A_128 : i1 to i32
    %cond3A_130 = arith.constant 0 : i32
    %cond3A_131 = arith.cmpi ne, %convert_element_type3A_129, %cond3A_130 : i32
    scf.if %cond3A_131 {
      %dma_wait3A_310 = arith.constant 9480 : i32
      %dma_wait3A_311 = arith.constant 0 : i32
      %dma_wait3A_312 = tpu.memref_slice %arg8[%dma_wait3A_310, %dma_wait3A_311] : memref<10000x128xf32, #tpu.memory_space<vmem_shared>> -> memref<520x128xf32, #tpu.memory_space<vmem_shared>>
      %dma_wait3A_313 = arith.constant 9480 : i32
      %dma_wait3A_314 = arith.constant 0 : i32
      %dma_wait3A_315 = tpu.memref_slice %arg2[%dma_wait3A_313, %dma_wait3A_314] : memref<10000x128xf32, #tpu.memory_space<hbm>> -> memref<520x128xf32, #tpu.memory_space<hbm>>
      tpu.wait_dma2 semaphore(%arg45 : memref<!tpu.dma_semaphore, #tpu.memory_space<semaphore_mem>>) src(%dma_wait3A_315 : memref<520x128xf32, #tpu.memory_space<hbm>>) dst(%dma_wait3A_312 : memref<520x128xf32, #tpu.memory_space<vmem_shared>>)
    } else {
    }
    %eq3A_132 = arith.constant 1 : i32
    %eq3A_133 = arith.cmpi eq, %arg0, %eq3A_132 : i32
    %eq3A_134 = arith.constant 15 : i32
    %eq3A_135 = arith.cmpi eq, %arg1, %eq3A_134 : i32
    %eq3A_136 = arith.constant false
    %eq3A_137 = arith.xori %eq3A_135, %eq3A_136 : i1
    %eq3A_138 = arith.constant true
    %eq3A_139 = arith.xori %eq3A_137, %eq3A_138 : i1
    %and3A_140 = arith.andi %eq3A_133, %eq3A_139 : i1
    %convert_element_type3A_141 = arith.extui %and3A_140 : i1 to i32
    %cond3A_142 = arith.constant 0 : i32
    %cond3A_143 = arith.cmpi ne, %convert_element_type3A_141, %cond3A_142 : i32
    scf.if %cond3A_143 {
      %dma_wait3A_310 = arith.constant 0 : i32
      %dma_wait3A_311 = tpu.memref_slice %arg8[%multiple_of3A_107, %dma_wait3A_310] : memref<10000x128xf32, #tpu.memory_space<vmem_shared>> -> memref<632x128xf32, #tpu.memory_space<vmem_shared>>
      %dma_wait3A_312 = arith.constant 0 : i32
      %dma_wait3A_313 = tpu.memref_slice %arg3[%multiple_of3A_107, %dma_wait3A_312] : memref<10000x128xf32, #tpu.memory_space<hbm>> -> memref<632x128xf32, #tpu.memory_space<hbm>>
      tpu.wait_dma2 semaphore(%arg45 : memref<!tpu.dma_semaphore, #tpu.memory_space<semaphore_mem>>) src(%dma_wait3A_313 : memref<632x128xf32, #tpu.memory_space<hbm>>) dst(%dma_wait3A_311 : memref<632x128xf32, #tpu.memory_space<vmem_shared>>)
    } else {
    }
    %eq3A_144 = arith.constant 1 : i32
    %eq3A_145 = arith.cmpi eq, %arg0, %eq3A_144 : i32
    %eq3A_146 = arith.constant 15 : i32
    %eq3A_147 = arith.cmpi eq, %arg1, %eq3A_146 : i32
    %eq3A_148 = arith.constant true
    %eq3A_149 = arith.xori %eq3A_147, %eq3A_148 : i1
    %eq3A_150 = arith.constant true
    %eq3A_151 = arith.xori %eq3A_149, %eq3A_150 : i1
    %and3A_152 = arith.andi %eq3A_145, %eq3A_151 : i1
    %convert_element_type3A_153 = arith.extui %and3A_152 : i1 to i32
    %cond3A_154 = arith.constant 0 : i32
    %cond3A_155 = arith.cmpi ne, %convert_element_type3A_153, %cond3A_154 : i32
    scf.if %cond3A_155 {
      %dma_wait3A_310 = arith.constant 9480 : i32
      %dma_wait3A_311 = arith.constant 0 : i32
      %dma_wait3A_312 = tpu.memref_slice %arg8[%dma_wait3A_310, %dma_wait3A_311] : memref<10000x128xf32, #tpu.memory_space<vmem_shared>> -> memref<520x128xf32, #tpu.memory_space<vmem_shared>>
      %dma_wait3A_313 = arith.constant 9480 : i32
      %dma_wait3A_314 = arith.constant 0 : i32
      %dma_wait3A_315 = tpu.memref_slice %arg3[%dma_wait3A_313, %dma_wait3A_314] : memref<10000x128xf32, #tpu.memory_space<hbm>> -> memref<520x128xf32, #tpu.memory_space<hbm>>
      tpu.wait_dma2 semaphore(%arg45 : memref<!tpu.dma_semaphore, #tpu.memory_space<semaphore_mem>>) src(%dma_wait3A_315 : memref<520x128xf32, #tpu.memory_space<hbm>>) dst(%dma_wait3A_312 : memref<520x128xf32, #tpu.memory_space<vmem_shared>>)
    } else {
    }
    %mul3A_156 = arith.constant 20000 : i32
    %mul3A_157 = arith.muli %arg1, %mul3A_156 : i32
    %add3A_158 = arith.constant 0 : i32
    %add3A_159 = arith.addi %mul3A_157, %add3A_158 : i32
    %multiple_of3A_160 = tpu.assume_multiple %add3A_159, 8 : i32
    %dma_wait3A_161 = tpu.memref_slice %arg4[%multiple_of3A_160] : memref<320000xi32, #tpu.memory_space<hbm>> -> memref<40xi32, #tpu.memory_space<hbm>>
    %dma_wait3A_162 = tpu.memref_slice %arg4[%multiple_of3A_160] : memref<320000xi32, #tpu.memory_space<hbm>> -> memref<40xi32, #tpu.memory_space<hbm>>
    tpu.wait_dma2 semaphore(%arg35 : memref<!tpu.dma_semaphore, #tpu.memory_space<semaphore_mem>>) src(%dma_wait3A_162 : memref<40xi32, #tpu.memory_space<hbm>>) dst(%arg14 : memref<40xi32, #tpu.memory_space<vmem>>)
    %eq3A_163 = arith.constant 0 : i32
    %eq3A_164 = arith.cmpi eq, %arg0, %eq3A_163 : i32
    %convert_element_type3A_165 = arith.extui %eq3A_164 : i1 to i32
    %cond3A_166 = arith.constant 0 : i32
    %cond3A_167 = arith.cmpi ne, %convert_element_type3A_165, %cond3A_166 : i32
    scf.if %cond3A_167 {
      %dma_start3A_310 = arith.constant 0 : i32
      %dma_start3A_311 = arith.constant 0 : i32
      %dma_start3A_312 = tpu.memref_slice %arg2[%dma_start3A_310, %dma_start3A_311] : memref<10000x128xf32, #tpu.memory_space<hbm>> -> memref<10000x128xf32, #tpu.memory_space<hbm>>
      tpu.enqueue_indirect_dma source(%dma_start3A_312 : memref<10000x128xf32, #tpu.memory_space<hbm>>) target(%arg9 : memref<40x128xf32, #tpu.memory_space<vmem>>) offsets(%arg14 : memref<40xi32, #tpu.memory_space<vmem>>) semaphore(%arg25 : memref<!tpu.dma_semaphore, #tpu.memory_space<semaphore_mem>>)
    } else {
    }
    %eq3A_168 = arith.constant 1 : i32
    %eq3A_169 = arith.cmpi eq, %arg0, %eq3A_168 : i32
    %convert_element_type3A_170 = arith.extui %eq3A_169 : i1 to i32
    %cond3A_171 = arith.constant 0 : i32
    %cond3A_172 = arith.cmpi ne, %convert_element_type3A_170, %cond3A_171 : i32
    scf.if %cond3A_172 {
      %dma_start3A_310 = arith.constant 0 : i32
      %dma_start3A_311 = arith.constant 0 : i32
      %dma_start3A_312 = tpu.memref_slice %arg3[%dma_start3A_310, %dma_start3A_311] : memref<10000x128xf32, #tpu.memory_space<hbm>> -> memref<10000x128xf32, #tpu.memory_space<hbm>>
      tpu.enqueue_indirect_dma source(%dma_start3A_312 : memref<10000x128xf32, #tpu.memory_space<hbm>>) target(%arg9 : memref<40x128xf32, #tpu.memory_space<vmem>>) offsets(%arg14 : memref<40xi32, #tpu.memory_space<vmem>>) semaphore(%arg25 : memref<!tpu.dma_semaphore, #tpu.memory_space<semaphore_mem>>)
    } else {
    }
    %mul3A_173 = arith.constant 20000 : i32
    %mul3A_174 = arith.muli %arg1, %mul3A_173 : i32
    %add3A_175 = arith.constant 40 : i32
    %add3A_176 = arith.addi %mul3A_174, %add3A_175 : i32
    %multiple_of3A_177 = tpu.assume_multiple %add3A_176, 8 : i32
    %dma_wait3A_178 = tpu.memref_slice %arg4[%multiple_of3A_177] : memref<320000xi32, #tpu.memory_space<hbm>> -> memref<40xi32, #tpu.memory_space<hbm>>
    %dma_wait3A_179 = tpu.memref_slice %arg4[%multiple_of3A_177] : memref<320000xi32, #tpu.memory_space<hbm>> -> memref<40xi32, #tpu.memory_space<hbm>>
    tpu.wait_dma2 semaphore(%arg36 : memref<!tpu.dma_semaphore, #tpu.memory_space<semaphore_mem>>) src(%dma_wait3A_179 : memref<40xi32, #tpu.memory_space<hbm>>) dst(%arg15 : memref<40xi32, #tpu.memory_space<vmem>>)
    %eq3A_180 = arith.constant 0 : i32
    %eq3A_181 = arith.cmpi eq, %arg0, %eq3A_180 : i32
    %convert_element_type3A_182 = arith.extui %eq3A_181 : i1 to i32
    %cond3A_183 = arith.constant 0 : i32
    %cond3A_184 = arith.cmpi ne, %convert_element_type3A_182, %cond3A_183 : i32
    scf.if %cond3A_184 {
      %dma_start3A_310 = arith.constant 0 : i32
      %dma_start3A_311 = arith.constant 0 : i32
      %dma_start3A_312 = tpu.memref_slice %arg2[%dma_start3A_310, %dma_start3A_311] : memref<10000x128xf32, #tpu.memory_space<hbm>> -> memref<10000x128xf32, #tpu.memory_space<hbm>>
      tpu.enqueue_indirect_dma source(%dma_start3A_312 : memref<10000x128xf32, #tpu.memory_space<hbm>>) target(%arg10 : memref<40x128xf32, #tpu.memory_space<vmem>>) offsets(%arg15 : memref<40xi32, #tpu.memory_space<vmem>>) semaphore(%arg26 : memref<!tpu.dma_semaphore, #tpu.memory_space<semaphore_mem>>)
    } else {
    }
    %eq3A_185 = arith.constant 1 : i32
    %eq3A_186 = arith.cmpi eq, %arg0, %eq3A_185 : i32
    %convert_element_type3A_187 = arith.extui %eq3A_186 : i1 to i32
    %cond3A_188 = arith.constant 0 : i32
    %cond3A_189 = arith.cmpi ne, %convert_element_type3A_187, %cond3A_188 : i32
    scf.if %cond3A_189 {
      %dma_start3A_310 = arith.constant 0 : i32
      %dma_start3A_311 = arith.constant 0 : i32
      %dma_start3A_312 = tpu.memref_slice %arg3[%dma_start3A_310, %dma_start3A_311] : memref<10000x128xf32, #tpu.memory_space<hbm>> -> memref<10000x128xf32, #tpu.memory_space<hbm>>
      tpu.enqueue_indirect_dma source(%dma_start3A_312 : memref<10000x128xf32, #tpu.memory_space<hbm>>) target(%arg10 : memref<40x128xf32, #tpu.memory_space<vmem>>) offsets(%arg15 : memref<40xi32, #tpu.memory_space<vmem>>) semaphore(%arg26 : memref<!tpu.dma_semaphore, #tpu.memory_space<semaphore_mem>>)
    } else {
    }
    %mul3A_190 = arith.constant 20000 : i32
    %mul3A_191 = arith.muli %arg1, %mul3A_190 : i32
    %add3A_192 = arith.constant 80 : i32
    %add3A_193 = arith.addi %mul3A_191, %add3A_192 : i32
    %multiple_of3A_194 = tpu.assume_multiple %add3A_193, 8 : i32
    %dma_wait3A_195 = tpu.memref_slice %arg4[%multiple_of3A_194] : memref<320000xi32, #tpu.memory_space<hbm>> -> memref<40xi32, #tpu.memory_space<hbm>>
    %dma_wait3A_196 = tpu.memref_slice %arg4[%multiple_of3A_194] : memref<320000xi32, #tpu.memory_space<hbm>> -> memref<40xi32, #tpu.memory_space<hbm>>
    tpu.wait_dma2 semaphore(%arg37 : memref<!tpu.dma_semaphore, #tpu.memory_space<semaphore_mem>>) src(%dma_wait3A_196 : memref<40xi32, #tpu.memory_space<hbm>>) dst(%arg16 : memref<40xi32, #tpu.memory_space<vmem>>)
    %eq3A_197 = arith.constant 0 : i32
    %eq3A_198 = arith.cmpi eq, %arg0, %eq3A_197 : i32
    %convert_element_type3A_199 = arith.extui %eq3A_198 : i1 to i32
    %cond3A_200 = arith.constant 0 : i32
    %cond3A_201 = arith.cmpi ne, %convert_element_type3A_199, %cond3A_200 : i32
    scf.if %cond3A_201 {
      %dma_start3A_310 = arith.constant 0 : i32
      %dma_start3A_311 = arith.constant 0 : i32
      %dma_start3A_312 = tpu.memref_slice %arg2[%dma_start3A_310, %dma_start3A_311] : memref<10000x128xf32, #tpu.memory_space<hbm>> -> memref<10000x128xf32, #tpu.memory_space<hbm>>
      tpu.enqueue_indirect_dma source(%dma_start3A_312 : memref<10000x128xf32, #tpu.memory_space<hbm>>) target(%arg11 : memref<40x128xf32, #tpu.memory_space<vmem>>) offsets(%arg16 : memref<40xi32, #tpu.memory_space<vmem>>) semaphore(%arg27 : memref<!tpu.dma_semaphore, #tpu.memory_space<semaphore_mem>>)
    } else {
    }
    %eq3A_202 = arith.constant 1 : i32
    %eq3A_203 = arith.cmpi eq, %arg0, %eq3A_202 : i32
    %convert_element_type3A_204 = arith.extui %eq3A_203 : i1 to i32
    %cond3A_205 = arith.constant 0 : i32
    %cond3A_206 = arith.cmpi ne, %convert_element_type3A_204, %cond3A_205 : i32
    scf.if %cond3A_206 {
      %dma_start3A_310 = arith.constant 0 : i32
      %dma_start3A_311 = arith.constant 0 : i32
      %dma_start3A_312 = tpu.memref_slice %arg3[%dma_start3A_310, %dma_start3A_311] : memref<10000x128xf32, #tpu.memory_space<hbm>> -> memref<10000x128xf32, #tpu.memory_space<hbm>>
      tpu.enqueue_indirect_dma source(%dma_start3A_312 : memref<10000x128xf32, #tpu.memory_space<hbm>>) target(%arg11 : memref<40x128xf32, #tpu.memory_space<vmem>>) offsets(%arg16 : memref<40xi32, #tpu.memory_space<vmem>>) semaphore(%arg27 : memref<!tpu.dma_semaphore, #tpu.memory_space<semaphore_mem>>)
    } else {
    }
    %mul3A_207 = arith.constant 20000 : i32
    %mul3A_208 = arith.muli %arg1, %mul3A_207 : i32
    %add3A_209 = arith.constant 120 : i32
    %add3A_210 = arith.addi %mul3A_208, %add3A_209 : i32
    %multiple_of3A_211 = tpu.assume_multiple %add3A_210, 8 : i32
    %dma_wait3A_212 = tpu.memref_slice %arg4[%multiple_of3A_211] : memref<320000xi32, #tpu.memory_space<hbm>> -> memref<40xi32, #tpu.memory_space<hbm>>
    %dma_wait3A_213 = tpu.memref_slice %arg4[%multiple_of3A_211] : memref<320000xi32, #tpu.memory_space<hbm>> -> memref<40xi32, #tpu.memory_space<hbm>>
    tpu.wait_dma2 semaphore(%arg38 : memref<!tpu.dma_semaphore, #tpu.memory_space<semaphore_mem>>) src(%dma_wait3A_213 : memref<40xi32, #tpu.memory_space<hbm>>) dst(%arg17 : memref<40xi32, #tpu.memory_space<vmem>>)
    %eq3A_214 = arith.constant 0 : i32
    %eq3A_215 = arith.cmpi eq, %arg0, %eq3A_214 : i32
    %convert_element_type3A_216 = arith.extui %eq3A_215 : i1 to i32
    %cond3A_217 = arith.constant 0 : i32
    %cond3A_218 = arith.cmpi ne, %convert_element_type3A_216, %cond3A_217 : i32
    scf.if %cond3A_218 {
      %dma_start3A_310 = arith.constant 0 : i32
      %dma_start3A_311 = arith.constant 0 : i32
      %dma_start3A_312 = tpu.memref_slice %arg2[%dma_start3A_310, %dma_start3A_311] : memref<10000x128xf32, #tpu.memory_space<hbm>> -> memref<10000x128xf32, #tpu.memory_space<hbm>>
      tpu.enqueue_indirect_dma source(%dma_start3A_312 : memref<10000x128xf32, #tpu.memory_space<hbm>>) target(%arg12 : memref<40x128xf32, #tpu.memory_space<vmem>>) offsets(%arg17 : memref<40xi32, #tpu.memory_space<vmem>>) semaphore(%arg28 : memref<!tpu.dma_semaphore, #tpu.memory_space<semaphore_mem>>)
    } else {
    }
    %eq3A_219 = arith.constant 1 : i32
    %eq3A_220 = arith.cmpi eq, %arg0, %eq3A_219 : i32
    %convert_element_type3A_221 = arith.extui %eq3A_220 : i1 to i32
    %cond3A_222 = arith.constant 0 : i32
    %cond3A_223 = arith.cmpi ne, %convert_element_type3A_221, %cond3A_222 : i32
    scf.if %cond3A_223 {
      %dma_start3A_310 = arith.constant 0 : i32
      %dma_start3A_311 = arith.constant 0 : i32
      %dma_start3A_312 = tpu.memref_slice %arg3[%dma_start3A_310, %dma_start3A_311] : memref<10000x128xf32, #tpu.memory_space<hbm>> -> memref<10000x128xf32, #tpu.memory_space<hbm>>
      tpu.enqueue_indirect_dma source(%dma_start3A_312 : memref<10000x128xf32, #tpu.memory_space<hbm>>) target(%arg12 : memref<40x128xf32, #tpu.memory_space<vmem>>) offsets(%arg17 : memref<40xi32, #tpu.memory_space<vmem>>) semaphore(%arg28 : memref<!tpu.dma_semaphore, #tpu.memory_space<semaphore_mem>>)
    } else {
    }
    %barrier3A = arith.constant 0 : index
    tpu.barrier barrier_id(%barrier3A)
    %scan3A = arith.constant 0 : i32
    %scan3A_224 = arith.constant 50 : i32
    %scan3A_225 = arith.addi %scan3A, %scan3A_224 : i32
    %scan3A_226 = arith.constant 1 : i32
    scf.for %scan3A_310 = %scan3A to %scan3A_225 step %scan3A_226  : i32 {
      %mul3A_311 = arith.constant 10 : i32
      %mul3A_312 = arith.muli %scan3A_310, %mul3A_311 : i32
      %add3A_313 = arith.constant 0 : i32
      %add3A_314 = arith.addi %add3A_313, %mul3A_312 : i32
      %add3A_315 = arith.constant 0 : i32
      %add3A_316 = arith.addi %add3A_314, %add3A_315 : i32
      %add3A_317 = arith.constant 4 : i32
      %add3A_318 = arith.addi %add3A_316, %add3A_317 : i32
      %lt3A = arith.constant 500 : i32
      %lt3A_319 = arith.cmpi slt, %add3A_318, %lt3A : i32
      %convert_element_type3A_320 = arith.extui %lt3A_319 : i1 to i32
      %cond3A_321 = arith.constant 0 : i32
      %cond3A_322 = arith.cmpi ne, %convert_element_type3A_320, %cond3A_321 : i32
      scf.if %cond3A_322 {
        %add3A_574 = arith.constant 4 : i32
        %add3A_575 = arith.addi %add3A_316, %add3A_574 : i32
        %ge3A = arith.constant 5 : i32
        %ge3A_576 = arith.cmpi sge, %add3A_575, %ge3A : i32
        %convert_element_type3A_577 = arith.extui %ge3A_576 : i1 to i32
        %cond3A_578 = arith.constant 0 : i32
        %cond3A_579 = arith.cmpi ne, %convert_element_type3A_577, %cond3A_578 : i32
        scf.if %cond3A_579 {
          %add3A_600 = arith.constant 4 : i32
          %add3A_601 = arith.addi %add3A_316, %add3A_600 : i32
          %sub3A = arith.constant 5 : i32
          %sub3A_602 = arith.subi %add3A_601, %sub3A : i32
          %mul3A_603 = arith.constant 40 : i32
          %mul3A_604 = arith.muli %sub3A_602, %mul3A_603 : i32
          %multiple_of3A_605 = tpu.assume_multiple %mul3A_604, 8 : i32
          %dma_wait3A_606 = tpu.memref_slice %arg24[%multiple_of3A_605] : memref<20000xi32, #tpu.memory_space<vmem>> -> memref<40xi32, #tpu.memory_space<vmem>>
          %dma_wait3A_607 = arith.constant 0 : i32
          %dma_wait3A_608 = arith.constant 0 : i32
          %dma_wait3A_609 = tpu.memref_slice %arg8[%dma_wait3A_607, %dma_wait3A_608] : memref<10000x128xf32, #tpu.memory_space<vmem_shared>> -> memref<10000x128xf32, #tpu.memory_space<vmem_shared>>
          tpu.wait_indirect_dma semaphore(%arg34 : memref<!tpu.dma_semaphore, #tpu.memory_space<semaphore_mem>>) src(%arg13 : memref<40x128xf32, #tpu.memory_space<vmem>>) dst(%dma_wait3A_609 : memref<10000x128xf32, #tpu.memory_space<vmem_shared>>)
        } else {
        }
        %add3A_580 = arith.constant 4 : i32
        %add3A_581 = arith.addi %add3A_316, %add3A_580 : i32
        %mul3A_582 = arith.constant 20000 : i32
        %mul3A_583 = arith.muli %arg1, %mul3A_582 : i32
        %mul3A_584 = arith.constant 40 : i32
        %mul3A_585 = arith.muli %add3A_581, %mul3A_584 : i32
        %add3A_586 = arith.addi %mul3A_583, %mul3A_585 : i32
        %multiple_of3A_587 = tpu.assume_multiple %add3A_586, 8 : i32
        %dma_wait3A_588 = tpu.memref_slice %arg4[%multiple_of3A_587] : memref<320000xi32, #tpu.memory_space<hbm>> -> memref<40xi32, #tpu.memory_space<hbm>>
        %dma_wait3A_589 = tpu.memref_slice %arg4[%multiple_of3A_587] : memref<320000xi32, #tpu.memory_space<hbm>> -> memref<40xi32, #tpu.memory_space<hbm>>
        tpu.wait_dma2 semaphore(%arg39 : memref<!tpu.dma_semaphore, #tpu.memory_space<semaphore_mem>>) src(%dma_wait3A_589 : memref<40xi32, #tpu.memory_space<hbm>>) dst(%arg18 : memref<40xi32, #tpu.memory_space<vmem>>)
        %eq3A_590 = arith.constant 0 : i32
        %eq3A_591 = arith.cmpi eq, %arg0, %eq3A_590 : i32
        %convert_element_type3A_592 = arith.extui %eq3A_591 : i1 to i32
        %cond3A_593 = arith.constant 0 : i32
        %cond3A_594 = arith.cmpi ne, %convert_element_type3A_592, %cond3A_593 : i32
        scf.if %cond3A_594 {
          %dma_start3A_600 = arith.constant 0 : i32
          %dma_start3A_601 = arith.constant 0 : i32
          %dma_start3A_602 = tpu.memref_slice %arg2[%dma_start3A_600, %dma_start3A_601] : memref<10000x128xf32, #tpu.memory_space<hbm>> -> memref<10000x128xf32, #tpu.memory_space<hbm>>
          tpu.enqueue_indirect_dma source(%dma_start3A_602 : memref<10000x128xf32, #tpu.memory_space<hbm>>) target(%arg13 : memref<40x128xf32, #tpu.memory_space<vmem>>) offsets(%arg18 : memref<40xi32, #tpu.memory_space<vmem>>) semaphore(%arg29 : memref<!tpu.dma_semaphore, #tpu.memory_space<semaphore_mem>>)
        } else {
        }
        %eq3A_595 = arith.constant 1 : i32
        %eq3A_596 = arith.cmpi eq, %arg0, %eq3A_595 : i32
        %convert_element_type3A_597 = arith.extui %eq3A_596 : i1 to i32
        %cond3A_598 = arith.constant 0 : i32
        %cond3A_599 = arith.cmpi ne, %convert_element_type3A_597, %cond3A_598 : i32
        scf.if %cond3A_599 {
          %dma_start3A_600 = arith.constant 0 : i32
          %dma_start3A_601 = arith.constant 0 : i32
          %dma_start3A_602 = tpu.memref_slice %arg3[%dma_start3A_600, %dma_start3A_601] : memref<10000x128xf32, #tpu.memory_space<hbm>> -> memref<10000x128xf32, #tpu.memory_space<hbm>>
          tpu.enqueue_indirect_dma source(%dma_start3A_602 : memref<10000x128xf32, #tpu.memory_space<hbm>>) target(%arg13 : memref<40x128xf32, #tpu.memory_space<vmem>>) offsets(%arg18 : memref<40xi32, #tpu.memory_space<vmem>>) semaphore(%arg29 : memref<!tpu.dma_semaphore, #tpu.memory_space<semaphore_mem>>)
        } else {
        }
      } else {
      }
      %dma_wait3A_323 = arith.constant 0 : i32
      %dma_wait3A_324 = arith.constant 0 : i32
      %dma_wait3A_325 = tpu.memref_slice %arg2[%dma_wait3A_323, %dma_wait3A_324] : memref<10000x128xf32, #tpu.memory_space<hbm>> -> memref<10000x128xf32, #tpu.memory_space<hbm>>
      tpu.wait_indirect_dma semaphore(%arg25 : memref<!tpu.dma_semaphore, #tpu.memory_space<semaphore_mem>>) src(%dma_wait3A_325 : memref<10000x128xf32, #tpu.memory_space<hbm>>) dst(%arg9 : memref<40x128xf32, #tpu.memory_space<vmem>>)
      %mul3A_326 = arith.constant 40 : i32
      %mul3A_327 = arith.muli %add3A_316, %mul3A_326 : i32
      %multiple_of3A_328 = tpu.assume_multiple %mul3A_327, 8 : i32
      %dma_start3A_329 = tpu.memref_slice %arg24[%multiple_of3A_328] : memref<20000xi32, #tpu.memory_space<vmem>> -> memref<40xi32, #tpu.memory_space<vmem>>
      %dma_start3A_330 = arith.constant 0 : i32
      %dma_start3A_331 = arith.constant 0 : i32
      %dma_start3A_332 = tpu.memref_slice %arg8[%dma_start3A_330, %dma_start3A_331] : memref<10000x128xf32, #tpu.memory_space<vmem_shared>> -> memref<10000x128xf32, #tpu.memory_space<vmem_shared>>
      tpu.enqueue_indirect_dma source(%arg9 : memref<40x128xf32, #tpu.memory_space<vmem>>) target(%dma_start3A_332 : memref<10000x128xf32, #tpu.memory_space<vmem_shared>>) offsets(%dma_start3A_329 : memref<40xi32, #tpu.memory_space<vmem>>) semaphore(%arg30 : memref<!tpu.dma_semaphore, #tpu.memory_space<semaphore_mem>>) {add = true}
      %add3A_333 = arith.constant 8 : i32
      %add3A_334 = arith.addi %add3A_316, %add3A_333 : i32
      %lt3A_335 = arith.constant 500 : i32
      %lt3A_336 = arith.cmpi slt, %add3A_334, %lt3A_335 : i32
      %convert_element_type3A_337 = arith.extui %lt3A_336 : i1 to i32
      %cond3A_338 = arith.constant 0 : i32
      %cond3A_339 = arith.cmpi ne, %convert_element_type3A_337, %cond3A_338 : i32
      scf.if %cond3A_339 {
        %add3A_574 = arith.constant 8 : i32
        %add3A_575 = arith.addi %add3A_316, %add3A_574 : i32
        %mul3A_576 = arith.constant 20000 : i32
        %mul3A_577 = arith.muli %arg1, %mul3A_576 : i32
        %mul3A_578 = arith.constant 40 : i32
        %mul3A_579 = arith.muli %add3A_575, %mul3A_578 : i32
        %add3A_580 = arith.addi %mul3A_577, %mul3A_579 : i32
        %multiple_of3A_581 = tpu.assume_multiple %add3A_580, 8 : i32
        %dma_start3A_582 = tpu.memref_slice %arg4[%multiple_of3A_581] : memref<320000xi32, #tpu.memory_space<hbm>> -> memref<40xi32, #tpu.memory_space<hbm>>
        %dma_start3A_583 = tpu.memref_slice %arg4[%multiple_of3A_581] : memref<320000xi32, #tpu.memory_space<hbm>> -> memref<40xi32, #tpu.memory_space<hbm>>
        tpu.enqueue_dma source(%dma_start3A_583 : memref<40xi32, #tpu.memory_space<hbm>>) target(%arg22 : memref<40xi32, #tpu.memory_space<vmem>>) target_semaphore(%arg43 : memref<!tpu.dma_semaphore, #tpu.memory_space<semaphore_mem>>)
      } else {
      }
      %add3A_340 = arith.constant 1 : i32
      %add3A_341 = arith.addi %add3A_314, %add3A_340 : i32
      %add3A_342 = arith.constant 4 : i32
      %add3A_343 = arith.addi %add3A_341, %add3A_342 : i32
      %lt3A_344 = arith.constant 500 : i32
      %lt3A_345 = arith.cmpi slt, %add3A_343, %lt3A_344 : i32
      %convert_element_type3A_346 = arith.extui %lt3A_345 : i1 to i32
      %cond3A_347 = arith.constant 0 : i32
      %cond3A_348 = arith.cmpi ne, %convert_element_type3A_346, %cond3A_347 : i32
      scf.if %cond3A_348 {
        %add3A_574 = arith.constant 4 : i32
        %add3A_575 = arith.addi %add3A_341, %add3A_574 : i32
        %ge3A = arith.constant 5 : i32
        %ge3A_576 = arith.cmpi sge, %add3A_575, %ge3A : i32
        %convert_element_type3A_577 = arith.extui %ge3A_576 : i1 to i32
        %cond3A_578 = arith.constant 0 : i32
        %cond3A_579 = arith.cmpi ne, %convert_element_type3A_577, %cond3A_578 : i32
        scf.if %cond3A_579 {
          %add3A_600 = arith.constant 4 : i32
          %add3A_601 = arith.addi %add3A_341, %add3A_600 : i32
          %sub3A = arith.constant 5 : i32
          %sub3A_602 = arith.subi %add3A_601, %sub3A : i32
          %mul3A_603 = arith.constant 40 : i32
          %mul3A_604 = arith.muli %sub3A_602, %mul3A_603 : i32
          %multiple_of3A_605 = tpu.assume_multiple %mul3A_604, 8 : i32
          %dma_wait3A_606 = tpu.memref_slice %arg24[%multiple_of3A_605] : memref<20000xi32, #tpu.memory_space<vmem>> -> memref<40xi32, #tpu.memory_space<vmem>>
          %dma_wait3A_607 = arith.constant 0 : i32
          %dma_wait3A_608 = arith.constant 0 : i32
          %dma_wait3A_609 = tpu.memref_slice %arg8[%dma_wait3A_607, %dma_wait3A_608] : memref<10000x128xf32, #tpu.memory_space<vmem_shared>> -> memref<10000x128xf32, #tpu.memory_space<vmem_shared>>
          tpu.wait_indirect_dma semaphore(%arg30 : memref<!tpu.dma_semaphore, #tpu.memory_space<semaphore_mem>>) src(%arg9 : memref<40x128xf32, #tpu.memory_space<vmem>>) dst(%dma_wait3A_609 : memref<10000x128xf32, #tpu.memory_space<vmem_shared>>)
        } else {
        }
        %add3A_580 = arith.constant 4 : i32
        %add3A_581 = arith.addi %add3A_341, %add3A_580 : i32
        %mul3A_582 = arith.constant 20000 : i32
        %mul3A_583 = arith.muli %arg1, %mul3A_582 : i32
        %mul3A_584 = arith.constant 40 : i32
        %mul3A_585 = arith.muli %add3A_581, %mul3A_584 : i32
        %add3A_586 = arith.addi %mul3A_583, %mul3A_585 : i32
        %multiple_of3A_587 = tpu.assume_multiple %add3A_586, 8 : i32
        %dma_wait3A_588 = tpu.memref_slice %arg4[%multiple_of3A_587] : memref<320000xi32, #tpu.memory_space<hbm>> -> memref<40xi32, #tpu.memory_space<hbm>>
        %dma_wait3A_589 = tpu.memref_slice %arg4[%multiple_of3A_587] : memref<320000xi32, #tpu.memory_space<hbm>> -> memref<40xi32, #tpu.memory_space<hbm>>
        tpu.wait_dma2 semaphore(%arg40 : memref<!tpu.dma_semaphore, #tpu.memory_space<semaphore_mem>>) src(%dma_wait3A_589 : memref<40xi32, #tpu.memory_space<hbm>>) dst(%arg19 : memref<40xi32, #tpu.memory_space<vmem>>)
        %eq3A_590 = arith.constant 0 : i32
        %eq3A_591 = arith.cmpi eq, %arg0, %eq3A_590 : i32
        %convert_element_type3A_592 = arith.extui %eq3A_591 : i1 to i32
        %cond3A_593 = arith.constant 0 : i32
        %cond3A_594 = arith.cmpi ne, %convert_element_type3A_592, %cond3A_593 : i32
        scf.if %cond3A_594 {
          %dma_start3A_600 = arith.constant 0 : i32
          %dma_start3A_601 = arith.constant 0 : i32
          %dma_start3A_602 = tpu.memref_slice %arg2[%dma_start3A_600, %dma_start3A_601] : memref<10000x128xf32, #tpu.memory_space<hbm>> -> memref<10000x128xf32, #tpu.memory_space<hbm>>
          tpu.enqueue_indirect_dma source(%dma_start3A_602 : memref<10000x128xf32, #tpu.memory_space<hbm>>) target(%arg9 : memref<40x128xf32, #tpu.memory_space<vmem>>) offsets(%arg19 : memref<40xi32, #tpu.memory_space<vmem>>) semaphore(%arg25 : memref<!tpu.dma_semaphore, #tpu.memory_space<semaphore_mem>>)
        } else {
        }
        %eq3A_595 = arith.constant 1 : i32
        %eq3A_596 = arith.cmpi eq, %arg0, %eq3A_595 : i32
        %convert_element_type3A_597 = arith.extui %eq3A_596 : i1 to i32
        %cond3A_598 = arith.constant 0 : i32
        %cond3A_599 = arith.cmpi ne, %convert_element_type3A_597, %cond3A_598 : i32
        scf.if %cond3A_599 {
          %dma_start3A_600 = arith.constant 0 : i32
          %dma_start3A_601 = arith.constant 0 : i32
          %dma_start3A_602 = tpu.memref_slice %arg3[%dma_start3A_600, %dma_start3A_601] : memref<10000x128xf32, #tpu.memory_space<hbm>> -> memref<10000x128xf32, #tpu.memory_space<hbm>>
          tpu.enqueue_indirect_dma source(%dma_start3A_602 : memref<10000x128xf32, #tpu.memory_space<hbm>>) target(%arg9 : memref<40x128xf32, #tpu.memory_space<vmem>>) offsets(%arg19 : memref<40xi32, #tpu.memory_space<vmem>>) semaphore(%arg25 : memref<!tpu.dma_semaphore, #tpu.memory_space<semaphore_mem>>)
        } else {
        }
      } else {
      }
      %dma_wait3A_349 = arith.constant 0 : i32
      %dma_wait3A_350 = arith.constant 0 : i32
      %dma_wait3A_351 = tpu.memref_slice %arg2[%dma_wait3A_349, %dma_wait3A_350] : memref<10000x128xf32, #tpu.memory_space<hbm>> -> memref<10000x128xf32, #tpu.memory_space<hbm>>
      tpu.wait_indirect_dma semaphore(%arg26 : memref<!tpu.dma_semaphore, #tpu.memory_space<semaphore_mem>>) src(%dma_wait3A_351 : memref<10000x128xf32, #tpu.memory_space<hbm>>) dst(%arg10 : memref<40x128xf32, #tpu.memory_space<vmem>>)
      %mul3A_352 = arith.constant 40 : i32
      %mul3A_353 = arith.muli %add3A_341, %mul3A_352 : i32
      %multiple_of3A_354 = tpu.assume_multiple %mul3A_353, 8 : i32
      %dma_start3A_355 = tpu.memref_slice %arg24[%multiple_of3A_354] : memref<20000xi32, #tpu.memory_space<vmem>> -> memref<40xi32, #tpu.memory_space<vmem>>
      %dma_start3A_356 = arith.constant 0 : i32
      %dma_start3A_357 = arith.constant 0 : i32
      %dma_start3A_358 = tpu.memref_slice %arg8[%dma_start3A_356, %dma_start3A_357] : memref<10000x128xf32, #tpu.memory_space<vmem_shared>> -> memref<10000x128xf32, #tpu.memory_space<vmem_shared>>
      tpu.enqueue_indirect_dma source(%arg10 : memref<40x128xf32, #tpu.memory_space<vmem>>) target(%dma_start3A_358 : memref<10000x128xf32, #tpu.memory_space<vmem_shared>>) offsets(%dma_start3A_355 : memref<40xi32, #tpu.memory_space<vmem>>) semaphore(%arg31 : memref<!tpu.dma_semaphore, #tpu.memory_space<semaphore_mem>>) {add = true}
      %add3A_359 = arith.constant 8 : i32
      %add3A_360 = arith.addi %add3A_341, %add3A_359 : i32
      %lt3A_361 = arith.constant 500 : i32
      %lt3A_362 = arith.cmpi slt, %add3A_360, %lt3A_361 : i32
      %convert_element_type3A_363 = arith.extui %lt3A_362 : i1 to i32
      %cond3A_364 = arith.constant 0 : i32
      %cond3A_365 = arith.cmpi ne, %convert_element_type3A_363, %cond3A_364 : i32
      scf.if %cond3A_365 {
        %add3A_574 = arith.constant 8 : i32
        %add3A_575 = arith.addi %add3A_341, %add3A_574 : i32
        %mul3A_576 = arith.constant 20000 : i32
        %mul3A_577 = arith.muli %arg1, %mul3A_576 : i32
        %mul3A_578 = arith.constant 40 : i32
        %mul3A_579 = arith.muli %add3A_575, %mul3A_578 : i32
        %add3A_580 = arith.addi %mul3A_577, %mul3A_579 : i32
        %multiple_of3A_581 = tpu.assume_multiple %add3A_580, 8 : i32
        %dma_start3A_582 = tpu.memref_slice %arg4[%multiple_of3A_581] : memref<320000xi32, #tpu.memory_space<hbm>> -> memref<40xi32, #tpu.memory_space<hbm>>
        %dma_start3A_583 = tpu.memref_slice %arg4[%multiple_of3A_581] : memref<320000xi32, #tpu.memory_space<hbm>> -> memref<40xi32, #tpu.memory_space<hbm>>
        tpu.enqueue_dma source(%dma_start3A_583 : memref<40xi32, #tpu.memory_space<hbm>>) target(%arg23 : memref<40xi32, #tpu.memory_space<vmem>>) target_semaphore(%arg44 : memref<!tpu.dma_semaphore, #tpu.memory_space<semaphore_mem>>)
      } else {
      }
      %add3A_366 = arith.constant 2 : i32
      %add3A_367 = arith.addi %add3A_314, %add3A_366 : i32
      %add3A_368 = arith.constant 4 : i32
      %add3A_369 = arith.addi %add3A_367, %add3A_368 : i32
      %lt3A_370 = arith.constant 500 : i32
      %lt3A_371 = arith.cmpi slt, %add3A_369, %lt3A_370 : i32
      %convert_element_type3A_372 = arith.extui %lt3A_371 : i1 to i32
      %cond3A_373 = arith.constant 0 : i32
      %cond3A_374 = arith.cmpi ne, %convert_element_type3A_372, %cond3A_373 : i32
      scf.if %cond3A_374 {
        %add3A_574 = arith.constant 4 : i32
        %add3A_575 = arith.addi %add3A_367, %add3A_574 : i32
        %ge3A = arith.constant 5 : i32
        %ge3A_576 = arith.cmpi sge, %add3A_575, %ge3A : i32
        %convert_element_type3A_577 = arith.extui %ge3A_576 : i1 to i32
        %cond3A_578 = arith.constant 0 : i32
        %cond3A_579 = arith.cmpi ne, %convert_element_type3A_577, %cond3A_578 : i32
        scf.if %cond3A_579 {
          %add3A_600 = arith.constant 4 : i32
          %add3A_601 = arith.addi %add3A_367, %add3A_600 : i32
          %sub3A = arith.constant 5 : i32
          %sub3A_602 = arith.subi %add3A_601, %sub3A : i32
          %mul3A_603 = arith.constant 40 : i32
          %mul3A_604 = arith.muli %sub3A_602, %mul3A_603 : i32
          %multiple_of3A_605 = tpu.assume_multiple %mul3A_604, 8 : i32
          %dma_wait3A_606 = tpu.memref_slice %arg24[%multiple_of3A_605] : memref<20000xi32, #tpu.memory_space<vmem>> -> memref<40xi32, #tpu.memory_space<vmem>>
          %dma_wait3A_607 = arith.constant 0 : i32
          %dma_wait3A_608 = arith.constant 0 : i32
          %dma_wait3A_609 = tpu.memref_slice %arg8[%dma_wait3A_607, %dma_wait3A_608] : memref<10000x128xf32, #tpu.memory_space<vmem_shared>> -> memref<10000x128xf32, #tpu.memory_space<vmem_shared>>
          tpu.wait_indirect_dma semaphore(%arg31 : memref<!tpu.dma_semaphore, #tpu.memory_space<semaphore_mem>>) src(%arg10 : memref<40x128xf32, #tpu.memory_space<vmem>>) dst(%dma_wait3A_609 : memref<10000x128xf32, #tpu.memory_space<vmem_shared>>)
        } else {
        }
        %add3A_580 = arith.constant 4 : i32
        %add3A_581 = arith.addi %add3A_367, %add3A_580 : i32
        %mul3A_582 = arith.constant 20000 : i32
        %mul3A_583 = arith.muli %arg1, %mul3A_582 : i32
        %mul3A_584 = arith.constant 40 : i32
        %mul3A_585 = arith.muli %add3A_581, %mul3A_584 : i32
        %add3A_586 = arith.addi %mul3A_583, %mul3A_585 : i32
        %multiple_of3A_587 = tpu.assume_multiple %add3A_586, 8 : i32
        %dma_wait3A_588 = tpu.memref_slice %arg4[%multiple_of3A_587] : memref<320000xi32, #tpu.memory_space<hbm>> -> memref<40xi32, #tpu.memory_space<hbm>>
        %dma_wait3A_589 = tpu.memref_slice %arg4[%multiple_of3A_587] : memref<320000xi32, #tpu.memory_space<hbm>> -> memref<40xi32, #tpu.memory_space<hbm>>
        tpu.wait_dma2 semaphore(%arg41 : memref<!tpu.dma_semaphore, #tpu.memory_space<semaphore_mem>>) src(%dma_wait3A_589 : memref<40xi32, #tpu.memory_space<hbm>>) dst(%arg20 : memref<40xi32, #tpu.memory_space<vmem>>)
        %eq3A_590 = arith.constant 0 : i32
        %eq3A_591 = arith.cmpi eq, %arg0, %eq3A_590 : i32
        %convert_element_type3A_592 = arith.extui %eq3A_591 : i1 to i32
        %cond3A_593 = arith.constant 0 : i32
        %cond3A_594 = arith.cmpi ne, %convert_element_type3A_592, %cond3A_593 : i32
        scf.if %cond3A_594 {
          %dma_start3A_600 = arith.constant 0 : i32
          %dma_start3A_601 = arith.constant 0 : i32
          %dma_start3A_602 = tpu.memref_slice %arg2[%dma_start3A_600, %dma_start3A_601] : memref<10000x128xf32, #tpu.memory_space<hbm>> -> memref<10000x128xf32, #tpu.memory_space<hbm>>
          tpu.enqueue_indirect_dma source(%dma_start3A_602 : memref<10000x128xf32, #tpu.memory_space<hbm>>) target(%arg10 : memref<40x128xf32, #tpu.memory_space<vmem>>) offsets(%arg20 : memref<40xi32, #tpu.memory_space<vmem>>) semaphore(%arg26 : memref<!tpu.dma_semaphore, #tpu.memory_space<semaphore_mem>>)
        } else {
        }
        %eq3A_595 = arith.constant 1 : i32
        %eq3A_596 = arith.cmpi eq, %arg0, %eq3A_595 : i32
        %convert_element_type3A_597 = arith.extui %eq3A_596 : i1 to i32
        %cond3A_598 = arith.constant 0 : i32
        %cond3A_599 = arith.cmpi ne, %convert_element_type3A_597, %cond3A_598 : i32
        scf.if %cond3A_599 {
          %dma_start3A_600 = arith.constant 0 : i32
          %dma_start3A_601 = arith.constant 0 : i32
          %dma_start3A_602 = tpu.memref_slice %arg3[%dma_start3A_600, %dma_start3A_601] : memref<10000x128xf32, #tpu.memory_space<hbm>> -> memref<10000x128xf32, #tpu.memory_space<hbm>>
          tpu.enqueue_indirect_dma source(%dma_start3A_602 : memref<10000x128xf32, #tpu.memory_space<hbm>>) target(%arg10 : memref<40x128xf32, #tpu.memory_space<vmem>>) offsets(%arg20 : memref<40xi32, #tpu.memory_space<vmem>>) semaphore(%arg26 : memref<!tpu.dma_semaphore, #tpu.memory_space<semaphore_mem>>)
        } else {
        }
      } else {
      }
      %dma_wait3A_375 = arith.constant 0 : i32
      %dma_wait3A_376 = arith.constant 0 : i32
      %dma_wait3A_377 = tpu.memref_slice %arg2[%dma_wait3A_375, %dma_wait3A_376] : memref<10000x128xf32, #tpu.memory_space<hbm>> -> memref<10000x128xf32, #tpu.memory_space<hbm>>
      tpu.wait_indirect_dma semaphore(%arg27 : memref<!tpu.dma_semaphore, #tpu.memory_space<semaphore_mem>>) src(%dma_wait3A_377 : memref<10000x128xf32, #tpu.memory_space<hbm>>) dst(%arg11 : memref<40x128xf32, #tpu.memory_space<vmem>>)
      %mul3A_378 = arith.constant 40 : i32
      %mul3A_379 = arith.muli %add3A_367, %mul3A_378 : i32
      %multiple_of3A_380 = tpu.assume_multiple %mul3A_379, 8 : i32
      %dma_start3A_381 = tpu.memref_slice %arg24[%multiple_of3A_380] : memref<20000xi32, #tpu.memory_space<vmem>> -> memref<40xi32, #tpu.memory_space<vmem>>
      %dma_start3A_382 = arith.constant 0 : i32
      %dma_start3A_383 = arith.constant 0 : i32
      %dma_start3A_384 = tpu.memref_slice %arg8[%dma_start3A_382, %dma_start3A_383] : memref<10000x128xf32, #tpu.memory_space<vmem_shared>> -> memref<10000x128xf32, #tpu.memory_space<vmem_shared>>
      tpu.enqueue_indirect_dma source(%arg11 : memref<40x128xf32, #tpu.memory_space<vmem>>) target(%dma_start3A_384 : memref<10000x128xf32, #tpu.memory_space<vmem_shared>>) offsets(%dma_start3A_381 : memref<40xi32, #tpu.memory_space<vmem>>) semaphore(%arg32 : memref<!tpu.dma_semaphore, #tpu.memory_space<semaphore_mem>>) {add = true}
      %add3A_385 = arith.constant 8 : i32
      %add3A_386 = arith.addi %add3A_367, %add3A_385 : i32
      %lt3A_387 = arith.constant 500 : i32
      %lt3A_388 = arith.cmpi slt, %add3A_386, %lt3A_387 : i32
      %convert_element_type3A_389 = arith.extui %lt3A_388 : i1 to i32
      %cond3A_390 = arith.constant 0 : i32
      %cond3A_391 = arith.cmpi ne, %convert_element_type3A_389, %cond3A_390 : i32
      scf.if %cond3A_391 {
        %add3A_574 = arith.constant 8 : i32
        %add3A_575 = arith.addi %add3A_367, %add3A_574 : i32
        %mul3A_576 = arith.constant 20000 : i32
        %mul3A_577 = arith.muli %arg1, %mul3A_576 : i32
        %mul3A_578 = arith.constant 40 : i32
        %mul3A_579 = arith.muli %add3A_575, %mul3A_578 : i32
        %add3A_580 = arith.addi %mul3A_577, %mul3A_579 : i32
        %multiple_of3A_581 = tpu.assume_multiple %add3A_580, 8 : i32
        %dma_start3A_582 = tpu.memref_slice %arg4[%multiple_of3A_581] : memref<320000xi32, #tpu.memory_space<hbm>> -> memref<40xi32, #tpu.memory_space<hbm>>
        %dma_start3A_583 = tpu.memref_slice %arg4[%multiple_of3A_581] : memref<320000xi32, #tpu.memory_space<hbm>> -> memref<40xi32, #tpu.memory_space<hbm>>
        tpu.enqueue_dma source(%dma_start3A_583 : memref<40xi32, #tpu.memory_space<hbm>>) target(%arg14 : memref<40xi32, #tpu.memory_space<vmem>>) target_semaphore(%arg35 : memref<!tpu.dma_semaphore, #tpu.memory_space<semaphore_mem>>)
      } else {
      }
      %add3A_392 = arith.constant 3 : i32
      %add3A_393 = arith.addi %add3A_314, %add3A_392 : i32
      %add3A_394 = arith.constant 4 : i32
      %add3A_395 = arith.addi %add3A_393, %add3A_394 : i32
      %lt3A_396 = arith.constant 500 : i32
      %lt3A_397 = arith.cmpi slt, %add3A_395, %lt3A_396 : i32
      %convert_element_type3A_398 = arith.extui %lt3A_397 : i1 to i32
      %cond3A_399 = arith.constant 0 : i32
      %cond3A_400 = arith.cmpi ne, %convert_element_type3A_398, %cond3A_399 : i32
      scf.if %cond3A_400 {
        %add3A_574 = arith.constant 4 : i32
        %add3A_575 = arith.addi %add3A_393, %add3A_574 : i32
        %ge3A = arith.constant 5 : i32
        %ge3A_576 = arith.cmpi sge, %add3A_575, %ge3A : i32
        %convert_element_type3A_577 = arith.extui %ge3A_576 : i1 to i32
        %cond3A_578 = arith.constant 0 : i32
        %cond3A_579 = arith.cmpi ne, %convert_element_type3A_577, %cond3A_578 : i32
        scf.if %cond3A_579 {
          %add3A_600 = arith.constant 4 : i32
          %add3A_601 = arith.addi %add3A_393, %add3A_600 : i32
          %sub3A = arith.constant 5 : i32
          %sub3A_602 = arith.subi %add3A_601, %sub3A : i32
          %mul3A_603 = arith.constant 40 : i32
          %mul3A_604 = arith.muli %sub3A_602, %mul3A_603 : i32
          %multiple_of3A_605 = tpu.assume_multiple %mul3A_604, 8 : i32
          %dma_wait3A_606 = tpu.memref_slice %arg24[%multiple_of3A_605] : memref<20000xi32, #tpu.memory_space<vmem>> -> memref<40xi32, #tpu.memory_space<vmem>>
          %dma_wait3A_607 = arith.constant 0 : i32
          %dma_wait3A_608 = arith.constant 0 : i32
          %dma_wait3A_609 = tpu.memref_slice %arg8[%dma_wait3A_607, %dma_wait3A_608] : memref<10000x128xf32, #tpu.memory_space<vmem_shared>> -> memref<10000x128xf32, #tpu.memory_space<vmem_shared>>
          tpu.wait_indirect_dma semaphore(%arg32 : memref<!tpu.dma_semaphore, #tpu.memory_space<semaphore_mem>>) src(%arg11 : memref<40x128xf32, #tpu.memory_space<vmem>>) dst(%dma_wait3A_609 : memref<10000x128xf32, #tpu.memory_space<vmem_shared>>)
        } else {
        }
        %add3A_580 = arith.constant 4 : i32
        %add3A_581 = arith.addi %add3A_393, %add3A_580 : i32
        %mul3A_582 = arith.constant 20000 : i32
        %mul3A_583 = arith.muli %arg1, %mul3A_582 : i32
        %mul3A_584 = arith.constant 40 : i32
        %mul3A_585 = arith.muli %add3A_581, %mul3A_584 : i32
        %add3A_586 = arith.addi %mul3A_583, %mul3A_585 : i32
        %multiple_of3A_587 = tpu.assume_multiple %add3A_586, 8 : i32
        %dma_wait3A_588 = tpu.memref_slice %arg4[%multiple_of3A_587] : memref<320000xi32, #tpu.memory_space<hbm>> -> memref<40xi32, #tpu.memory_space<hbm>>
        %dma_wait3A_589 = tpu.memref_slice %arg4[%multiple_of3A_587] : memref<320000xi32, #tpu.memory_space<hbm>> -> memref<40xi32, #tpu.memory_space<hbm>>
        tpu.wait_dma2 semaphore(%arg42 : memref<!tpu.dma_semaphore, #tpu.memory_space<semaphore_mem>>) src(%dma_wait3A_589 : memref<40xi32, #tpu.memory_space<hbm>>) dst(%arg21 : memref<40xi32, #tpu.memory_space<vmem>>)
        %eq3A_590 = arith.constant 0 : i32
        %eq3A_591 = arith.cmpi eq, %arg0, %eq3A_590 : i32
        %convert_element_type3A_592 = arith.extui %eq3A_591 : i1 to i32
        %cond3A_593 = arith.constant 0 : i32
        %cond3A_594 = arith.cmpi ne, %convert_element_type3A_592, %cond3A_593 : i32
        scf.if %cond3A_594 {
          %dma_start3A_600 = arith.constant 0 : i32
          %dma_start3A_601 = arith.constant 0 : i32
          %dma_start3A_602 = tpu.memref_slice %arg2[%dma_start3A_600, %dma_start3A_601] : memref<10000x128xf32, #tpu.memory_space<hbm>> -> memref<10000x128xf32, #tpu.memory_space<hbm>>
          tpu.enqueue_indirect_dma source(%dma_start3A_602 : memref<10000x128xf32, #tpu.memory_space<hbm>>) target(%arg11 : memref<40x128xf32, #tpu.memory_space<vmem>>) offsets(%arg21 : memref<40xi32, #tpu.memory_space<vmem>>) semaphore(%arg27 : memref<!tpu.dma_semaphore, #tpu.memory_space<semaphore_mem>>)
        } else {
        }
        %eq3A_595 = arith.constant 1 : i32
        %eq3A_596 = arith.cmpi eq, %arg0, %eq3A_595 : i32
        %convert_element_type3A_597 = arith.extui %eq3A_596 : i1 to i32
        %cond3A_598 = arith.constant 0 : i32
        %cond3A_599 = arith.cmpi ne, %convert_element_type3A_597, %cond3A_598 : i32
        scf.if %cond3A_599 {
          %dma_start3A_600 = arith.constant 0 : i32
          %dma_start3A_601 = arith.constant 0 : i32
          %dma_start3A_602 = tpu.memref_slice %arg3[%dma_start3A_600, %dma_start3A_601] : memref<10000x128xf32, #tpu.memory_space<hbm>> -> memref<10000x128xf32, #tpu.memory_space<hbm>>
          tpu.enqueue_indirect_dma source(%dma_start3A_602 : memref<10000x128xf32, #tpu.memory_space<hbm>>) target(%arg11 : memref<40x128xf32, #tpu.memory_space<vmem>>) offsets(%arg21 : memref<40xi32, #tpu.memory_space<vmem>>) semaphore(%arg27 : memref<!tpu.dma_semaphore, #tpu.memory_space<semaphore_mem>>)
        } else {
        }
      } else {
      }
      %dma_wait3A_401 = arith.constant 0 : i32
      %dma_wait3A_402 = arith.constant 0 : i32
      %dma_wait3A_403 = tpu.memref_slice %arg2[%dma_wait3A_401, %dma_wait3A_402] : memref<10000x128xf32, #tpu.memory_space<hbm>> -> memref<10000x128xf32, #tpu.memory_space<hbm>>
      tpu.wait_indirect_dma semaphore(%arg28 : memref<!tpu.dma_semaphore, #tpu.memory_space<semaphore_mem>>) src(%dma_wait3A_403 : memref<10000x128xf32, #tpu.memory_space<hbm>>) dst(%arg12 : memref<40x128xf32, #tpu.memory_space<vmem>>)
      %mul3A_404 = arith.constant 40 : i32
      %mul3A_405 = arith.muli %add3A_393, %mul3A_404 : i32
      %multiple_of3A_406 = tpu.assume_multiple %mul3A_405, 8 : i32
      %dma_start3A_407 = tpu.memref_slice %arg24[%multiple_of3A_406] : memref<20000xi32, #tpu.memory_space<vmem>> -> memref<40xi32, #tpu.memory_space<vmem>>
      %dma_start3A_408 = arith.constant 0 : i32
      %dma_start3A_409 = arith.constant 0 : i32
      %dma_start3A_410 = tpu.memref_slice %arg8[%dma_start3A_408, %dma_start3A_409] : memref<10000x128xf32, #tpu.memory_space<vmem_shared>> -> memref<10000x128xf32, #tpu.memory_space<vmem_shared>>
      tpu.enqueue_indirect_dma source(%arg12 : memref<40x128xf32, #tpu.memory_space<vmem>>) target(%dma_start3A_410 : memref<10000x128xf32, #tpu.memory_space<vmem_shared>>) offsets(%dma_start3A_407 : memref<40xi32, #tpu.memory_space<vmem>>) semaphore(%arg33 : memref<!tpu.dma_semaphore, #tpu.memory_space<semaphore_mem>>) {add = true}
      %add3A_411 = arith.constant 8 : i32
      %add3A_412 = arith.addi %add3A_393, %add3A_411 : i32
      %lt3A_413 = arith.constant 500 : i32
      %lt3A_414 = arith.cmpi slt, %add3A_412, %lt3A_413 : i32
      %convert_element_type3A_415 = arith.extui %lt3A_414 : i1 to i32
      %cond3A_416 = arith.constant 0 : i32
      %cond3A_417 = arith.cmpi ne, %convert_element_type3A_415, %cond3A_416 : i32
      scf.if %cond3A_417 {
        %add3A_574 = arith.constant 8 : i32
        %add3A_575 = arith.addi %add3A_393, %add3A_574 : i32
        %mul3A_576 = arith.constant 20000 : i32
        %mul3A_577 = arith.muli %arg1, %mul3A_576 : i32
        %mul3A_578 = arith.constant 40 : i32
        %mul3A_579 = arith.muli %add3A_575, %mul3A_578 : i32
        %add3A_580 = arith.addi %mul3A_577, %mul3A_579 : i32
        %multiple_of3A_581 = tpu.assume_multiple %add3A_580, 8 : i32
        %dma_start3A_582 = tpu.memref_slice %arg4[%multiple_of3A_581] : memref<320000xi32, #tpu.memory_space<hbm>> -> memref<40xi32, #tpu.memory_space<hbm>>
        %dma_start3A_583 = tpu.memref_slice %arg4[%multiple_of3A_581] : memref<320000xi32, #tpu.memory_space<hbm>> -> memref<40xi32, #tpu.memory_space<hbm>>
        tpu.enqueue_dma source(%dma_start3A_583 : memref<40xi32, #tpu.memory_space<hbm>>) target(%arg15 : memref<40xi32, #tpu.memory_space<vmem>>) target_semaphore(%arg36 : memref<!tpu.dma_semaphore, #tpu.memory_space<semaphore_mem>>)
      } else {
      }
      %add3A_418 = arith.constant 4 : i32
      %add3A_419 = arith.addi %add3A_314, %add3A_418 : i32
      %add3A_420 = arith.constant 4 : i32
      %add3A_421 = arith.addi %add3A_419, %add3A_420 : i32
      %lt3A_422 = arith.constant 500 : i32
      %lt3A_423 = arith.cmpi slt, %add3A_421, %lt3A_422 : i32
      %convert_element_type3A_424 = arith.extui %lt3A_423 : i1 to i32
      %cond3A_425 = arith.constant 0 : i32
      %cond3A_426 = arith.cmpi ne, %convert_element_type3A_424, %cond3A_425 : i32
      scf.if %cond3A_426 {
        %add3A_574 = arith.constant 4 : i32
        %add3A_575 = arith.addi %add3A_419, %add3A_574 : i32
        %ge3A = arith.constant 5 : i32
        %ge3A_576 = arith.cmpi sge, %add3A_575, %ge3A : i32
        %convert_element_type3A_577 = arith.extui %ge3A_576 : i1 to i32
        %cond3A_578 = arith.constant 0 : i32
        %cond3A_579 = arith.cmpi ne, %convert_element_type3A_577, %cond3A_578 : i32
        scf.if %cond3A_579 {
          %add3A_600 = arith.constant 4 : i32
          %add3A_601 = arith.addi %add3A_419, %add3A_600 : i32
          %sub3A = arith.constant 5 : i32
          %sub3A_602 = arith.subi %add3A_601, %sub3A : i32
          %mul3A_603 = arith.constant 40 : i32
          %mul3A_604 = arith.muli %sub3A_602, %mul3A_603 : i32
          %multiple_of3A_605 = tpu.assume_multiple %mul3A_604, 8 : i32
          %dma_wait3A_606 = tpu.memref_slice %arg24[%multiple_of3A_605] : memref<20000xi32, #tpu.memory_space<vmem>> -> memref<40xi32, #tpu.memory_space<vmem>>
          %dma_wait3A_607 = arith.constant 0 : i32
          %dma_wait3A_608 = arith.constant 0 : i32
          %dma_wait3A_609 = tpu.memref_slice %arg8[%dma_wait3A_607, %dma_wait3A_608] : memref<10000x128xf32, #tpu.memory_space<vmem_shared>> -> memref<10000x128xf32, #tpu.memory_space<vmem_shared>>
          tpu.wait_indirect_dma semaphore(%arg33 : memref<!tpu.dma_semaphore, #tpu.memory_space<semaphore_mem>>) src(%arg12 : memref<40x128xf32, #tpu.memory_space<vmem>>) dst(%dma_wait3A_609 : memref<10000x128xf32, #tpu.memory_space<vmem_shared>>)
        } else {
        }
        %add3A_580 = arith.constant 4 : i32
        %add3A_581 = arith.addi %add3A_419, %add3A_580 : i32
        %mul3A_582 = arith.constant 20000 : i32
        %mul3A_583 = arith.muli %arg1, %mul3A_582 : i32
        %mul3A_584 = arith.constant 40 : i32
        %mul3A_585 = arith.muli %add3A_581, %mul3A_584 : i32
        %add3A_586 = arith.addi %mul3A_583, %mul3A_585 : i32
        %multiple_of3A_587 = tpu.assume_multiple %add3A_586, 8 : i32
        %dma_wait3A_588 = tpu.memref_slice %arg4[%multiple_of3A_587] : memref<320000xi32, #tpu.memory_space<hbm>> -> memref<40xi32, #tpu.memory_space<hbm>>
        %dma_wait3A_589 = tpu.memref_slice %arg4[%multiple_of3A_587] : memref<320000xi32, #tpu.memory_space<hbm>> -> memref<40xi32, #tpu.memory_space<hbm>>
        tpu.wait_dma2 semaphore(%arg43 : memref<!tpu.dma_semaphore, #tpu.memory_space<semaphore_mem>>) src(%dma_wait3A_589 : memref<40xi32, #tpu.memory_space<hbm>>) dst(%arg22 : memref<40xi32, #tpu.memory_space<vmem>>)
        %eq3A_590 = arith.constant 0 : i32
        %eq3A_591 = arith.cmpi eq, %arg0, %eq3A_590 : i32
        %convert_element_type3A_592 = arith.extui %eq3A_591 : i1 to i32
        %cond3A_593 = arith.constant 0 : i32
        %cond3A_594 = arith.cmpi ne, %convert_element_type3A_592, %cond3A_593 : i32
        scf.if %cond3A_594 {
          %dma_start3A_600 = arith.constant 0 : i32
          %dma_start3A_601 = arith.constant 0 : i32
          %dma_start3A_602 = tpu.memref_slice %arg2[%dma_start3A_600, %dma_start3A_601] : memref<10000x128xf32, #tpu.memory_space<hbm>> -> memref<10000x128xf32, #tpu.memory_space<hbm>>
          tpu.enqueue_indirect_dma source(%dma_start3A_602 : memref<10000x128xf32, #tpu.memory_space<hbm>>) target(%arg12 : memref<40x128xf32, #tpu.memory_space<vmem>>) offsets(%arg22 : memref<40xi32, #tpu.memory_space<vmem>>) semaphore(%arg28 : memref<!tpu.dma_semaphore, #tpu.memory_space<semaphore_mem>>)
        } else {
        }
        %eq3A_595 = arith.constant 1 : i32
        %eq3A_596 = arith.cmpi eq, %arg0, %eq3A_595 : i32
        %convert_element_type3A_597 = arith.extui %eq3A_596 : i1 to i32
        %cond3A_598 = arith.constant 0 : i32
        %cond3A_599 = arith.cmpi ne, %convert_element_type3A_597, %cond3A_598 : i32
        scf.if %cond3A_599 {
          %dma_start3A_600 = arith.constant 0 : i32
          %dma_start3A_601 = arith.constant 0 : i32
          %dma_start3A_602 = tpu.memref_slice %arg3[%dma_start3A_600, %dma_start3A_601] : memref<10000x128xf32, #tpu.memory_space<hbm>> -> memref<10000x128xf32, #tpu.memory_space<hbm>>
          tpu.enqueue_indirect_dma source(%dma_start3A_602 : memref<10000x128xf32, #tpu.memory_space<hbm>>) target(%arg12 : memref<40x128xf32, #tpu.memory_space<vmem>>) offsets(%arg22 : memref<40xi32, #tpu.memory_space<vmem>>) semaphore(%arg28 : memref<!tpu.dma_semaphore, #tpu.memory_space<semaphore_mem>>)
        } else {
        }
      } else {
      }
      %dma_wait3A_427 = arith.constant 0 : i32
      %dma_wait3A_428 = arith.constant 0 : i32
      %dma_wait3A_429 = tpu.memref_slice %arg2[%dma_wait3A_427, %dma_wait3A_428] : memref<10000x128xf32, #tpu.memory_space<hbm>> -> memref<10000x128xf32, #tpu.memory_space<hbm>>
      tpu.wait_indirect_dma semaphore(%arg29 : memref<!tpu.dma_semaphore, #tpu.memory_space<semaphore_mem>>) src(%dma_wait3A_429 : memref<10000x128xf32, #tpu.memory_space<hbm>>) dst(%arg13 : memref<40x128xf32, #tpu.memory_space<vmem>>)
      %mul3A_430 = arith.constant 40 : i32
      %mul3A_431 = arith.muli %add3A_419, %mul3A_430 : i32
      %multiple_of3A_432 = tpu.assume_multiple %mul3A_431, 8 : i32
      %dma_start3A_433 = tpu.memref_slice %arg24[%multiple_of3A_432] : memref<20000xi32, #tpu.memory_space<vmem>> -> memref<40xi32, #tpu.memory_space<vmem>>
      %dma_start3A_434 = arith.constant 0 : i32
      %dma_start3A_435 = arith.constant 0 : i32
      %dma_start3A_436 = tpu.memref_slice %arg8[%dma_start3A_434, %dma_start3A_435] : memref<10000x128xf32, #tpu.memory_space<vmem_shared>> -> memref<10000x128xf32, #tpu.memory_space<vmem_shared>>
      tpu.enqueue_indirect_dma source(%arg13 : memref<40x128xf32, #tpu.memory_space<vmem>>) target(%dma_start3A_436 : memref<10000x128xf32, #tpu.memory_space<vmem_shared>>) offsets(%dma_start3A_433 : memref<40xi32, #tpu.memory_space<vmem>>) semaphore(%arg34 : memref<!tpu.dma_semaphore, #tpu.memory_space<semaphore_mem>>) {add = true}
      %add3A_437 = arith.constant 8 : i32
      %add3A_438 = arith.addi %add3A_419, %add3A_437 : i32
      %lt3A_439 = arith.constant 500 : i32
      %lt3A_440 = arith.cmpi slt, %add3A_438, %lt3A_439 : i32
      %convert_element_type3A_441 = arith.extui %lt3A_440 : i1 to i32
      %cond3A_442 = arith.constant 0 : i32
      %cond3A_443 = arith.cmpi ne, %convert_element_type3A_441, %cond3A_442 : i32
      scf.if %cond3A_443 {
        %add3A_574 = arith.constant 8 : i32
        %add3A_575 = arith.addi %add3A_419, %add3A_574 : i32
        %mul3A_576 = arith.constant 20000 : i32
        %mul3A_577 = arith.muli %arg1, %mul3A_576 : i32
        %mul3A_578 = arith.constant 40 : i32
        %mul3A_579 = arith.muli %add3A_575, %mul3A_578 : i32
        %add3A_580 = arith.addi %mul3A_577, %mul3A_579 : i32
        %multiple_of3A_581 = tpu.assume_multiple %add3A_580, 8 : i32
        %dma_start3A_582 = tpu.memref_slice %arg4[%multiple_of3A_581] : memref<320000xi32, #tpu.memory_space<hbm>> -> memref<40xi32, #tpu.memory_space<hbm>>
        %dma_start3A_583 = tpu.memref_slice %arg4[%multiple_of3A_581] : memref<320000xi32, #tpu.memory_space<hbm>> -> memref<40xi32, #tpu.memory_space<hbm>>
        tpu.enqueue_dma source(%dma_start3A_583 : memref<40xi32, #tpu.memory_space<hbm>>) target(%arg16 : memref<40xi32, #tpu.memory_space<vmem>>) target_semaphore(%arg37 : memref<!tpu.dma_semaphore, #tpu.memory_space<semaphore_mem>>)
      } else {
      }
      %add3A_444 = arith.constant 5 : i32
      %add3A_445 = arith.addi %add3A_314, %add3A_444 : i32
      %add3A_446 = arith.constant 4 : i32
      %add3A_447 = arith.addi %add3A_445, %add3A_446 : i32
      %lt3A_448 = arith.constant 500 : i32
      %lt3A_449 = arith.cmpi slt, %add3A_447, %lt3A_448 : i32
      %convert_element_type3A_450 = arith.extui %lt3A_449 : i1 to i32
      %cond3A_451 = arith.constant 0 : i32
      %cond3A_452 = arith.cmpi ne, %convert_element_type3A_450, %cond3A_451 : i32
      scf.if %cond3A_452 {
        %add3A_574 = arith.constant 4 : i32
        %add3A_575 = arith.addi %add3A_445, %add3A_574 : i32
        %ge3A = arith.constant 5 : i32
        %ge3A_576 = arith.cmpi sge, %add3A_575, %ge3A : i32
        %convert_element_type3A_577 = arith.extui %ge3A_576 : i1 to i32
        %cond3A_578 = arith.constant 0 : i32
        %cond3A_579 = arith.cmpi ne, %convert_element_type3A_577, %cond3A_578 : i32
        scf.if %cond3A_579 {
          %add3A_600 = arith.constant 4 : i32
          %add3A_601 = arith.addi %add3A_445, %add3A_600 : i32
          %sub3A = arith.constant 5 : i32
          %sub3A_602 = arith.subi %add3A_601, %sub3A : i32
          %mul3A_603 = arith.constant 40 : i32
          %mul3A_604 = arith.muli %sub3A_602, %mul3A_603 : i32
          %multiple_of3A_605 = tpu.assume_multiple %mul3A_604, 8 : i32
          %dma_wait3A_606 = tpu.memref_slice %arg24[%multiple_of3A_605] : memref<20000xi32, #tpu.memory_space<vmem>> -> memref<40xi32, #tpu.memory_space<vmem>>
          %dma_wait3A_607 = arith.constant 0 : i32
          %dma_wait3A_608 = arith.constant 0 : i32
          %dma_wait3A_609 = tpu.memref_slice %arg8[%dma_wait3A_607, %dma_wait3A_608] : memref<10000x128xf32, #tpu.memory_space<vmem_shared>> -> memref<10000x128xf32, #tpu.memory_space<vmem_shared>>
          tpu.wait_indirect_dma semaphore(%arg34 : memref<!tpu.dma_semaphore, #tpu.memory_space<semaphore_mem>>) src(%arg13 : memref<40x128xf32, #tpu.memory_space<vmem>>) dst(%dma_wait3A_609 : memref<10000x128xf32, #tpu.memory_space<vmem_shared>>)
        } else {
        }
        %add3A_580 = arith.constant 4 : i32
        %add3A_581 = arith.addi %add3A_445, %add3A_580 : i32
        %mul3A_582 = arith.constant 20000 : i32
        %mul3A_583 = arith.muli %arg1, %mul3A_582 : i32
        %mul3A_584 = arith.constant 40 : i32
        %mul3A_585 = arith.muli %add3A_581, %mul3A_584 : i32
        %add3A_586 = arith.addi %mul3A_583, %mul3A_585 : i32
        %multiple_of3A_587 = tpu.assume_multiple %add3A_586, 8 : i32
        %dma_wait3A_588 = tpu.memref_slice %arg4[%multiple_of3A_587] : memref<320000xi32, #tpu.memory_space<hbm>> -> memref<40xi32, #tpu.memory_space<hbm>>
        %dma_wait3A_589 = tpu.memref_slice %arg4[%multiple_of3A_587] : memref<320000xi32, #tpu.memory_space<hbm>> -> memref<40xi32, #tpu.memory_space<hbm>>
        tpu.wait_dma2 semaphore(%arg44 : memref<!tpu.dma_semaphore, #tpu.memory_space<semaphore_mem>>) src(%dma_wait3A_589 : memref<40xi32, #tpu.memory_space<hbm>>) dst(%arg23 : memref<40xi32, #tpu.memory_space<vmem>>)
        %eq3A_590 = arith.constant 0 : i32
        %eq3A_591 = arith.cmpi eq, %arg0, %eq3A_590 : i32
        %convert_element_type3A_592 = arith.extui %eq3A_591 : i1 to i32
        %cond3A_593 = arith.constant 0 : i32
        %cond3A_594 = arith.cmpi ne, %convert_element_type3A_592, %cond3A_593 : i32
        scf.if %cond3A_594 {
          %dma_start3A_600 = arith.constant 0 : i32
          %dma_start3A_601 = arith.constant 0 : i32
          %dma_start3A_602 = tpu.memref_slice %arg2[%dma_start3A_600, %dma_start3A_601] : memref<10000x128xf32, #tpu.memory_space<hbm>> -> memref<10000x128xf32, #tpu.memory_space<hbm>>
          tpu.enqueue_indirect_dma source(%dma_start3A_602 : memref<10000x128xf32, #tpu.memory_space<hbm>>) target(%arg13 : memref<40x128xf32, #tpu.memory_space<vmem>>) offsets(%arg23 : memref<40xi32, #tpu.memory_space<vmem>>) semaphore(%arg29 : memref<!tpu.dma_semaphore, #tpu.memory_space<semaphore_mem>>)
        } else {
        }
        %eq3A_595 = arith.constant 1 : i32
        %eq3A_596 = arith.cmpi eq, %arg0, %eq3A_595 : i32
        %convert_element_type3A_597 = arith.extui %eq3A_596 : i1 to i32
        %cond3A_598 = arith.constant 0 : i32
        %cond3A_599 = arith.cmpi ne, %convert_element_type3A_597, %cond3A_598 : i32
        scf.if %cond3A_599 {
          %dma_start3A_600 = arith.constant 0 : i32
          %dma_start3A_601 = arith.constant 0 : i32
          %dma_start3A_602 = tpu.memref_slice %arg3[%dma_start3A_600, %dma_start3A_601] : memref<10000x128xf32, #tpu.memory_space<hbm>> -> memref<10000x128xf32, #tpu.memory_space<hbm>>
          tpu.enqueue_indirect_dma source(%dma_start3A_602 : memref<10000x128xf32, #tpu.memory_space<hbm>>) target(%arg13 : memref<40x128xf32, #tpu.memory_space<vmem>>) offsets(%arg23 : memref<40xi32, #tpu.memory_space<vmem>>) semaphore(%arg29 : memref<!tpu.dma_semaphore, #tpu.memory_space<semaphore_mem>>)
        } else {
        }
      } else {
      }
      %dma_wait3A_453 = arith.constant 0 : i32
      %dma_wait3A_454 = arith.constant 0 : i32
      %dma_wait3A_455 = tpu.memref_slice %arg2[%dma_wait3A_453, %dma_wait3A_454] : memref<10000x128xf32, #tpu.memory_space<hbm>> -> memref<10000x128xf32, #tpu.memory_space<hbm>>
      tpu.wait_indirect_dma semaphore(%arg25 : memref<!tpu.dma_semaphore, #tpu.memory_space<semaphore_mem>>) src(%dma_wait3A_455 : memref<10000x128xf32, #tpu.memory_space<hbm>>) dst(%arg9 : memref<40x128xf32, #tpu.memory_space<vmem>>)
      %mul3A_456 = arith.constant 40 : i32
      %mul3A_457 = arith.muli %add3A_445, %mul3A_456 : i32
      %multiple_of3A_458 = tpu.assume_multiple %mul3A_457, 8 : i32
      %dma_start3A_459 = tpu.memref_slice %arg24[%multiple_of3A_458] : memref<20000xi32, #tpu.memory_space<vmem>> -> memref<40xi32, #tpu.memory_space<vmem>>
      %dma_start3A_460 = arith.constant 0 : i32
      %dma_start3A_461 = arith.constant 0 : i32
      %dma_start3A_462 = tpu.memref_slice %arg8[%dma_start3A_460, %dma_start3A_461] : memref<10000x128xf32, #tpu.memory_space<vmem_shared>> -> memref<10000x128xf32, #tpu.memory_space<vmem_shared>>
      tpu.enqueue_indirect_dma source(%arg9 : memref<40x128xf32, #tpu.memory_space<vmem>>) target(%dma_start3A_462 : memref<10000x128xf32, #tpu.memory_space<vmem_shared>>) offsets(%dma_start3A_459 : memref<40xi32, #tpu.memory_space<vmem>>) semaphore(%arg30 : memref<!tpu.dma_semaphore, #tpu.memory_space<semaphore_mem>>) {add = true}
      %add3A_463 = arith.constant 8 : i32
      %add3A_464 = arith.addi %add3A_445, %add3A_463 : i32
      %lt3A_465 = arith.constant 500 : i32
      %lt3A_466 = arith.cmpi slt, %add3A_464, %lt3A_465 : i32
      %convert_element_type3A_467 = arith.extui %lt3A_466 : i1 to i32
      %cond3A_468 = arith.constant 0 : i32
      %cond3A_469 = arith.cmpi ne, %convert_element_type3A_467, %cond3A_468 : i32
      scf.if %cond3A_469 {
        %add3A_574 = arith.constant 8 : i32
        %add3A_575 = arith.addi %add3A_445, %add3A_574 : i32
        %mul3A_576 = arith.constant 20000 : i32
        %mul3A_577 = arith.muli %arg1, %mul3A_576 : i32
        %mul3A_578 = arith.constant 40 : i32
        %mul3A_579 = arith.muli %add3A_575, %mul3A_578 : i32
        %add3A_580 = arith.addi %mul3A_577, %mul3A_579 : i32
        %multiple_of3A_581 = tpu.assume_multiple %add3A_580, 8 : i32
        %dma_start3A_582 = tpu.memref_slice %arg4[%multiple_of3A_581] : memref<320000xi32, #tpu.memory_space<hbm>> -> memref<40xi32, #tpu.memory_space<hbm>>
        %dma_start3A_583 = tpu.memref_slice %arg4[%multiple_of3A_581] : memref<320000xi32, #tpu.memory_space<hbm>> -> memref<40xi32, #tpu.memory_space<hbm>>
        tpu.enqueue_dma source(%dma_start3A_583 : memref<40xi32, #tpu.memory_space<hbm>>) target(%arg17 : memref<40xi32, #tpu.memory_space<vmem>>) target_semaphore(%arg38 : memref<!tpu.dma_semaphore, #tpu.memory_space<semaphore_mem>>)
      } else {
      }
      %add3A_470 = arith.constant 6 : i32
      %add3A_471 = arith.addi %add3A_314, %add3A_470 : i32
      %add3A_472 = arith.constant 4 : i32
      %add3A_473 = arith.addi %add3A_471, %add3A_472 : i32
      %lt3A_474 = arith.constant 500 : i32
      %lt3A_475 = arith.cmpi slt, %add3A_473, %lt3A_474 : i32
      %convert_element_type3A_476 = arith.extui %lt3A_475 : i1 to i32
      %cond3A_477 = arith.constant 0 : i32
      %cond3A_478 = arith.cmpi ne, %convert_element_type3A_476, %cond3A_477 : i32
      scf.if %cond3A_478 {
        %add3A_574 = arith.constant 4 : i32
        %add3A_575 = arith.addi %add3A_471, %add3A_574 : i32
        %ge3A = arith.constant 5 : i32
        %ge3A_576 = arith.cmpi sge, %add3A_575, %ge3A : i32
        %convert_element_type3A_577 = arith.extui %ge3A_576 : i1 to i32
        %cond3A_578 = arith.constant 0 : i32
        %cond3A_579 = arith.cmpi ne, %convert_element_type3A_577, %cond3A_578 : i32
        scf.if %cond3A_579 {
          %add3A_600 = arith.constant 4 : i32
          %add3A_601 = arith.addi %add3A_471, %add3A_600 : i32
          %sub3A = arith.constant 5 : i32
          %sub3A_602 = arith.subi %add3A_601, %sub3A : i32
          %mul3A_603 = arith.constant 40 : i32
          %mul3A_604 = arith.muli %sub3A_602, %mul3A_603 : i32
          %multiple_of3A_605 = tpu.assume_multiple %mul3A_604, 8 : i32
          %dma_wait3A_606 = tpu.memref_slice %arg24[%multiple_of3A_605] : memref<20000xi32, #tpu.memory_space<vmem>> -> memref<40xi32, #tpu.memory_space<vmem>>
          %dma_wait3A_607 = arith.constant 0 : i32
          %dma_wait3A_608 = arith.constant 0 : i32
          %dma_wait3A_609 = tpu.memref_slice %arg8[%dma_wait3A_607, %dma_wait3A_608] : memref<10000x128xf32, #tpu.memory_space<vmem_shared>> -> memref<10000x128xf32, #tpu.memory_space<vmem_shared>>
          tpu.wait_indirect_dma semaphore(%arg30 : memref<!tpu.dma_semaphore, #tpu.memory_space<semaphore_mem>>) src(%arg9 : memref<40x128xf32, #tpu.memory_space<vmem>>) dst(%dma_wait3A_609 : memref<10000x128xf32, #tpu.memory_space<vmem_shared>>)
        } else {
        }
        %add3A_580 = arith.constant 4 : i32
        %add3A_581 = arith.addi %add3A_471, %add3A_580 : i32
        %mul3A_582 = arith.constant 20000 : i32
        %mul3A_583 = arith.muli %arg1, %mul3A_582 : i32
        %mul3A_584 = arith.constant 40 : i32
        %mul3A_585 = arith.muli %add3A_581, %mul3A_584 : i32
        %add3A_586 = arith.addi %mul3A_583, %mul3A_585 : i32
        %multiple_of3A_587 = tpu.assume_multiple %add3A_586, 8 : i32
        %dma_wait3A_588 = tpu.memref_slice %arg4[%multiple_of3A_587] : memref<320000xi32, #tpu.memory_space<hbm>> -> memref<40xi32, #tpu.memory_space<hbm>>
        %dma_wait3A_589 = tpu.memref_slice %arg4[%multiple_of3A_587] : memref<320000xi32, #tpu.memory_space<hbm>> -> memref<40xi32, #tpu.memory_space<hbm>>
        tpu.wait_dma2 semaphore(%arg35 : memref<!tpu.dma_semaphore, #tpu.memory_space<semaphore_mem>>) src(%dma_wait3A_589 : memref<40xi32, #tpu.memory_space<hbm>>) dst(%arg14 : memref<40xi32, #tpu.memory_space<vmem>>)
        %eq3A_590 = arith.constant 0 : i32
        %eq3A_591 = arith.cmpi eq, %arg0, %eq3A_590 : i32
        %convert_element_type3A_592 = arith.extui %eq3A_591 : i1 to i32
        %cond3A_593 = arith.constant 0 : i32
        %cond3A_594 = arith.cmpi ne, %convert_element_type3A_592, %cond3A_593 : i32
        scf.if %cond3A_594 {
          %dma_start3A_600 = arith.constant 0 : i32
          %dma_start3A_601 = arith.constant 0 : i32
          %dma_start3A_602 = tpu.memref_slice %arg2[%dma_start3A_600, %dma_start3A_601] : memref<10000x128xf32, #tpu.memory_space<hbm>> -> memref<10000x128xf32, #tpu.memory_space<hbm>>
          tpu.enqueue_indirect_dma source(%dma_start3A_602 : memref<10000x128xf32, #tpu.memory_space<hbm>>) target(%arg9 : memref<40x128xf32, #tpu.memory_space<vmem>>) offsets(%arg14 : memref<40xi32, #tpu.memory_space<vmem>>) semaphore(%arg25 : memref<!tpu.dma_semaphore, #tpu.memory_space<semaphore_mem>>)
        } else {
        }
        %eq3A_595 = arith.constant 1 : i32
        %eq3A_596 = arith.cmpi eq, %arg0, %eq3A_595 : i32
        %convert_element_type3A_597 = arith.extui %eq3A_596 : i1 to i32
        %cond3A_598 = arith.constant 0 : i32
        %cond3A_599 = arith.cmpi ne, %convert_element_type3A_597, %cond3A_598 : i32
        scf.if %cond3A_599 {
          %dma_start3A_600 = arith.constant 0 : i32
          %dma_start3A_601 = arith.constant 0 : i32
          %dma_start3A_602 = tpu.memref_slice %arg3[%dma_start3A_600, %dma_start3A_601] : memref<10000x128xf32, #tpu.memory_space<hbm>> -> memref<10000x128xf32, #tpu.memory_space<hbm>>
          tpu.enqueue_indirect_dma source(%dma_start3A_602 : memref<10000x128xf32, #tpu.memory_space<hbm>>) target(%arg9 : memref<40x128xf32, #tpu.memory_space<vmem>>) offsets(%arg14 : memref<40xi32, #tpu.memory_space<vmem>>) semaphore(%arg25 : memref<!tpu.dma_semaphore, #tpu.memory_space<semaphore_mem>>)
        } else {
        }
      } else {
      }
      %dma_wait3A_479 = arith.constant 0 : i32
      %dma_wait3A_480 = arith.constant 0 : i32
      %dma_wait3A_481 = tpu.memref_slice %arg2[%dma_wait3A_479, %dma_wait3A_480] : memref<10000x128xf32, #tpu.memory_space<hbm>> -> memref<10000x128xf32, #tpu.memory_space<hbm>>
      tpu.wait_indirect_dma semaphore(%arg26 : memref<!tpu.dma_semaphore, #tpu.memory_space<semaphore_mem>>) src(%dma_wait3A_481 : memref<10000x128xf32, #tpu.memory_space<hbm>>) dst(%arg10 : memref<40x128xf32, #tpu.memory_space<vmem>>)
      %mul3A_482 = arith.constant 40 : i32
      %mul3A_483 = arith.muli %add3A_471, %mul3A_482 : i32
      %multiple_of3A_484 = tpu.assume_multiple %mul3A_483, 8 : i32
      %dma_start3A_485 = tpu.memref_slice %arg24[%multiple_of3A_484] : memref<20000xi32, #tpu.memory_space<vmem>> -> memref<40xi32, #tpu.memory_space<vmem>>
      %dma_start3A_486 = arith.constant 0 : i32
      %dma_start3A_487 = arith.constant 0 : i32
      %dma_start3A_488 = tpu.memref_slice %arg8[%dma_start3A_486, %dma_start3A_487] : memref<10000x128xf32, #tpu.memory_space<vmem_shared>> -> memref<10000x128xf32, #tpu.memory_space<vmem_shared>>
      tpu.enqueue_indirect_dma source(%arg10 : memref<40x128xf32, #tpu.memory_space<vmem>>) target(%dma_start3A_488 : memref<10000x128xf32, #tpu.memory_space<vmem_shared>>) offsets(%dma_start3A_485 : memref<40xi32, #tpu.memory_space<vmem>>) semaphore(%arg31 : memref<!tpu.dma_semaphore, #tpu.memory_space<semaphore_mem>>) {add = true}
      %add3A_489 = arith.constant 8 : i32
      %add3A_490 = arith.addi %add3A_471, %add3A_489 : i32
      %lt3A_491 = arith.constant 500 : i32
      %lt3A_492 = arith.cmpi slt, %add3A_490, %lt3A_491 : i32
      %convert_element_type3A_493 = arith.extui %lt3A_492 : i1 to i32
      %cond3A_494 = arith.constant 0 : i32
      %cond3A_495 = arith.cmpi ne, %convert_element_type3A_493, %cond3A_494 : i32
      scf.if %cond3A_495 {
        %add3A_574 = arith.constant 8 : i32
        %add3A_575 = arith.addi %add3A_471, %add3A_574 : i32
        %mul3A_576 = arith.constant 20000 : i32
        %mul3A_577 = arith.muli %arg1, %mul3A_576 : i32
        %mul3A_578 = arith.constant 40 : i32
        %mul3A_579 = arith.muli %add3A_575, %mul3A_578 : i32
        %add3A_580 = arith.addi %mul3A_577, %mul3A_579 : i32
        %multiple_of3A_581 = tpu.assume_multiple %add3A_580, 8 : i32
        %dma_start3A_582 = tpu.memref_slice %arg4[%multiple_of3A_581] : memref<320000xi32, #tpu.memory_space<hbm>> -> memref<40xi32, #tpu.memory_space<hbm>>
        %dma_start3A_583 = tpu.memref_slice %arg4[%multiple_of3A_581] : memref<320000xi32, #tpu.memory_space<hbm>> -> memref<40xi32, #tpu.memory_space<hbm>>
        tpu.enqueue_dma source(%dma_start3A_583 : memref<40xi32, #tpu.memory_space<hbm>>) target(%arg18 : memref<40xi32, #tpu.memory_space<vmem>>) target_semaphore(%arg39 : memref<!tpu.dma_semaphore, #tpu.memory_space<semaphore_mem>>)
      } else {
      }
      %add3A_496 = arith.constant 7 : i32
      %add3A_497 = arith.addi %add3A_314, %add3A_496 : i32
      %add3A_498 = arith.constant 4 : i32
      %add3A_499 = arith.addi %add3A_497, %add3A_498 : i32
      %lt3A_500 = arith.constant 500 : i32
      %lt3A_501 = arith.cmpi slt, %add3A_499, %lt3A_500 : i32
      %convert_element_type3A_502 = arith.extui %lt3A_501 : i1 to i32
      %cond3A_503 = arith.constant 0 : i32
      %cond3A_504 = arith.cmpi ne, %convert_element_type3A_502, %cond3A_503 : i32
      scf.if %cond3A_504 {
        %add3A_574 = arith.constant 4 : i32
        %add3A_575 = arith.addi %add3A_497, %add3A_574 : i32
        %ge3A = arith.constant 5 : i32
        %ge3A_576 = arith.cmpi sge, %add3A_575, %ge3A : i32
        %convert_element_type3A_577 = arith.extui %ge3A_576 : i1 to i32
        %cond3A_578 = arith.constant 0 : i32
        %cond3A_579 = arith.cmpi ne, %convert_element_type3A_577, %cond3A_578 : i32
        scf.if %cond3A_579 {
          %add3A_600 = arith.constant 4 : i32
          %add3A_601 = arith.addi %add3A_497, %add3A_600 : i32
          %sub3A = arith.constant 5 : i32
          %sub3A_602 = arith.subi %add3A_601, %sub3A : i32
          %mul3A_603 = arith.constant 40 : i32
          %mul3A_604 = arith.muli %sub3A_602, %mul3A_603 : i32
          %multiple_of3A_605 = tpu.assume_multiple %mul3A_604, 8 : i32
          %dma_wait3A_606 = tpu.memref_slice %arg24[%multiple_of3A_605] : memref<20000xi32, #tpu.memory_space<vmem>> -> memref<40xi32, #tpu.memory_space<vmem>>
          %dma_wait3A_607 = arith.constant 0 : i32
          %dma_wait3A_608 = arith.constant 0 : i32
          %dma_wait3A_609 = tpu.memref_slice %arg8[%dma_wait3A_607, %dma_wait3A_608] : memref<10000x128xf32, #tpu.memory_space<vmem_shared>> -> memref<10000x128xf32, #tpu.memory_space<vmem_shared>>
          tpu.wait_indirect_dma semaphore(%arg31 : memref<!tpu.dma_semaphore, #tpu.memory_space<semaphore_mem>>) src(%arg10 : memref<40x128xf32, #tpu.memory_space<vmem>>) dst(%dma_wait3A_609 : memref<10000x128xf32, #tpu.memory_space<vmem_shared>>)
        } else {
        }
        %add3A_580 = arith.constant 4 : i32
        %add3A_581 = arith.addi %add3A_497, %add3A_580 : i32
        %mul3A_582 = arith.constant 20000 : i32
        %mul3A_583 = arith.muli %arg1, %mul3A_582 : i32
        %mul3A_584 = arith.constant 40 : i32
        %mul3A_585 = arith.muli %add3A_581, %mul3A_584 : i32
        %add3A_586 = arith.addi %mul3A_583, %mul3A_585 : i32
        %multiple_of3A_587 = tpu.assume_multiple %add3A_586, 8 : i32
        %dma_wait3A_588 = tpu.memref_slice %arg4[%multiple_of3A_587] : memref<320000xi32, #tpu.memory_space<hbm>> -> memref<40xi32, #tpu.memory_space<hbm>>
        %dma_wait3A_589 = tpu.memref_slice %arg4[%multiple_of3A_587] : memref<320000xi32, #tpu.memory_space<hbm>> -> memref<40xi32, #tpu.memory_space<hbm>>
        tpu.wait_dma2 semaphore(%arg36 : memref<!tpu.dma_semaphore, #tpu.memory_space<semaphore_mem>>) src(%dma_wait3A_589 : memref<40xi32, #tpu.memory_space<hbm>>) dst(%arg15 : memref<40xi32, #tpu.memory_space<vmem>>)
        %eq3A_590 = arith.constant 0 : i32
        %eq3A_591 = arith.cmpi eq, %arg0, %eq3A_590 : i32
        %convert_element_type3A_592 = arith.extui %eq3A_591 : i1 to i32
        %cond3A_593 = arith.constant 0 : i32
        %cond3A_594 = arith.cmpi ne, %convert_element_type3A_592, %cond3A_593 : i32
        scf.if %cond3A_594 {
          %dma_start3A_600 = arith.constant 0 : i32
          %dma_start3A_601 = arith.constant 0 : i32
          %dma_start3A_602 = tpu.memref_slice %arg2[%dma_start3A_600, %dma_start3A_601] : memref<10000x128xf32, #tpu.memory_space<hbm>> -> memref<10000x128xf32, #tpu.memory_space<hbm>>
          tpu.enqueue_indirect_dma source(%dma_start3A_602 : memref<10000x128xf32, #tpu.memory_space<hbm>>) target(%arg10 : memref<40x128xf32, #tpu.memory_space<vmem>>) offsets(%arg15 : memref<40xi32, #tpu.memory_space<vmem>>) semaphore(%arg26 : memref<!tpu.dma_semaphore, #tpu.memory_space<semaphore_mem>>)
        } else {
        }
        %eq3A_595 = arith.constant 1 : i32
        %eq3A_596 = arith.cmpi eq, %arg0, %eq3A_595 : i32
        %convert_element_type3A_597 = arith.extui %eq3A_596 : i1 to i32
        %cond3A_598 = arith.constant 0 : i32
        %cond3A_599 = arith.cmpi ne, %convert_element_type3A_597, %cond3A_598 : i32
        scf.if %cond3A_599 {
          %dma_start3A_600 = arith.constant 0 : i32
          %dma_start3A_601 = arith.constant 0 : i32
          %dma_start3A_602 = tpu.memref_slice %arg3[%dma_start3A_600, %dma_start3A_601] : memref<10000x128xf32, #tpu.memory_space<hbm>> -> memref<10000x128xf32, #tpu.memory_space<hbm>>
          tpu.enqueue_indirect_dma source(%dma_start3A_602 : memref<10000x128xf32, #tpu.memory_space<hbm>>) target(%arg10 : memref<40x128xf32, #tpu.memory_space<vmem>>) offsets(%arg15 : memref<40xi32, #tpu.memory_space<vmem>>) semaphore(%arg26 : memref<!tpu.dma_semaphore, #tpu.memory_space<semaphore_mem>>)
        } else {
        }
      } else {
      }
      %dma_wait3A_505 = arith.constant 0 : i32
      %dma_wait3A_506 = arith.constant 0 : i32
      %dma_wait3A_507 = tpu.memref_slice %arg2[%dma_wait3A_505, %dma_wait3A_506] : memref<10000x128xf32, #tpu.memory_space<hbm>> -> memref<10000x128xf32, #tpu.memory_space<hbm>>
      tpu.wait_indirect_dma semaphore(%arg27 : memref<!tpu.dma_semaphore, #tpu.memory_space<semaphore_mem>>) src(%dma_wait3A_507 : memref<10000x128xf32, #tpu.memory_space<hbm>>) dst(%arg11 : memref<40x128xf32, #tpu.memory_space<vmem>>)
      %mul3A_508 = arith.constant 40 : i32
      %mul3A_509 = arith.muli %add3A_497, %mul3A_508 : i32
      %multiple_of3A_510 = tpu.assume_multiple %mul3A_509, 8 : i32
      %dma_start3A_511 = tpu.memref_slice %arg24[%multiple_of3A_510] : memref<20000xi32, #tpu.memory_space<vmem>> -> memref<40xi32, #tpu.memory_space<vmem>>
      %dma_start3A_512 = arith.constant 0 : i32
      %dma_start3A_513 = arith.constant 0 : i32
      %dma_start3A_514 = tpu.memref_slice %arg8[%dma_start3A_512, %dma_start3A_513] : memref<10000x128xf32, #tpu.memory_space<vmem_shared>> -> memref<10000x128xf32, #tpu.memory_space<vmem_shared>>
      tpu.enqueue_indirect_dma source(%arg11 : memref<40x128xf32, #tpu.memory_space<vmem>>) target(%dma_start3A_514 : memref<10000x128xf32, #tpu.memory_space<vmem_shared>>) offsets(%dma_start3A_511 : memref<40xi32, #tpu.memory_space<vmem>>) semaphore(%arg32 : memref<!tpu.dma_semaphore, #tpu.memory_space<semaphore_mem>>) {add = true}
      %add3A_515 = arith.constant 8 : i32
      %add3A_516 = arith.addi %add3A_497, %add3A_515 : i32
      %lt3A_517 = arith.constant 500 : i32
      %lt3A_518 = arith.cmpi slt, %add3A_516, %lt3A_517 : i32
      %convert_element_type3A_519 = arith.extui %lt3A_518 : i1 to i32
      %cond3A_520 = arith.constant 0 : i32
      %cond3A_521 = arith.cmpi ne, %convert_element_type3A_519, %cond3A_520 : i32
      scf.if %cond3A_521 {
        %add3A_574 = arith.constant 8 : i32
        %add3A_575 = arith.addi %add3A_497, %add3A_574 : i32
        %mul3A_576 = arith.constant 20000 : i32
        %mul3A_577 = arith.muli %arg1, %mul3A_576 : i32
        %mul3A_578 = arith.constant 40 : i32
        %mul3A_579 = arith.muli %add3A_575, %mul3A_578 : i32
        %add3A_580 = arith.addi %mul3A_577, %mul3A_579 : i32
        %multiple_of3A_581 = tpu.assume_multiple %add3A_580, 8 : i32
        %dma_start3A_582 = tpu.memref_slice %arg4[%multiple_of3A_581] : memref<320000xi32, #tpu.memory_space<hbm>> -> memref<40xi32, #tpu.memory_space<hbm>>
        %dma_start3A_583 = tpu.memref_slice %arg4[%multiple_of3A_581] : memref<320000xi32, #tpu.memory_space<hbm>> -> memref<40xi32, #tpu.memory_space<hbm>>
        tpu.enqueue_dma source(%dma_start3A_583 : memref<40xi32, #tpu.memory_space<hbm>>) target(%arg19 : memref<40xi32, #tpu.memory_space<vmem>>) target_semaphore(%arg40 : memref<!tpu.dma_semaphore, #tpu.memory_space<semaphore_mem>>)
      } else {
      }
      %add3A_522 = arith.constant 8 : i32
      %add3A_523 = arith.addi %add3A_314, %add3A_522 : i32
      %add3A_524 = arith.constant 4 : i32
      %add3A_525 = arith.addi %add3A_523, %add3A_524 : i32
      %lt3A_526 = arith.constant 500 : i32
      %lt3A_527 = arith.cmpi slt, %add3A_525, %lt3A_526 : i32
      %convert_element_type3A_528 = arith.extui %lt3A_527 : i1 to i32
      %cond3A_529 = arith.constant 0 : i32
      %cond3A_530 = arith.cmpi ne, %convert_element_type3A_528, %cond3A_529 : i32
      scf.if %cond3A_530 {
        %add3A_574 = arith.constant 4 : i32
        %add3A_575 = arith.addi %add3A_523, %add3A_574 : i32
        %ge3A = arith.constant 5 : i32
        %ge3A_576 = arith.cmpi sge, %add3A_575, %ge3A : i32
        %convert_element_type3A_577 = arith.extui %ge3A_576 : i1 to i32
        %cond3A_578 = arith.constant 0 : i32
        %cond3A_579 = arith.cmpi ne, %convert_element_type3A_577, %cond3A_578 : i32
        scf.if %cond3A_579 {
          %add3A_600 = arith.constant 4 : i32
          %add3A_601 = arith.addi %add3A_523, %add3A_600 : i32
          %sub3A = arith.constant 5 : i32
          %sub3A_602 = arith.subi %add3A_601, %sub3A : i32
          %mul3A_603 = arith.constant 40 : i32
          %mul3A_604 = arith.muli %sub3A_602, %mul3A_603 : i32
          %multiple_of3A_605 = tpu.assume_multiple %mul3A_604, 8 : i32
          %dma_wait3A_606 = tpu.memref_slice %arg24[%multiple_of3A_605] : memref<20000xi32, #tpu.memory_space<vmem>> -> memref<40xi32, #tpu.memory_space<vmem>>
          %dma_wait3A_607 = arith.constant 0 : i32
          %dma_wait3A_608 = arith.constant 0 : i32
          %dma_wait3A_609 = tpu.memref_slice %arg8[%dma_wait3A_607, %dma_wait3A_608] : memref<10000x128xf32, #tpu.memory_space<vmem_shared>> -> memref<10000x128xf32, #tpu.memory_space<vmem_shared>>
          tpu.wait_indirect_dma semaphore(%arg32 : memref<!tpu.dma_semaphore, #tpu.memory_space<semaphore_mem>>) src(%arg11 : memref<40x128xf32, #tpu.memory_space<vmem>>) dst(%dma_wait3A_609 : memref<10000x128xf32, #tpu.memory_space<vmem_shared>>)
        } else {
        }
        %add3A_580 = arith.constant 4 : i32
        %add3A_581 = arith.addi %add3A_523, %add3A_580 : i32
        %mul3A_582 = arith.constant 20000 : i32
        %mul3A_583 = arith.muli %arg1, %mul3A_582 : i32
        %mul3A_584 = arith.constant 40 : i32
        %mul3A_585 = arith.muli %add3A_581, %mul3A_584 : i32
        %add3A_586 = arith.addi %mul3A_583, %mul3A_585 : i32
        %multiple_of3A_587 = tpu.assume_multiple %add3A_586, 8 : i32
        %dma_wait3A_588 = tpu.memref_slice %arg4[%multiple_of3A_587] : memref<320000xi32, #tpu.memory_space<hbm>> -> memref<40xi32, #tpu.memory_space<hbm>>
        %dma_wait3A_589 = tpu.memref_slice %arg4[%multiple_of3A_587] : memref<320000xi32, #tpu.memory_space<hbm>> -> memref<40xi32, #tpu.memory_space<hbm>>
        tpu.wait_dma2 semaphore(%arg37 : memref<!tpu.dma_semaphore, #tpu.memory_space<semaphore_mem>>) src(%dma_wait3A_589 : memref<40xi32, #tpu.memory_space<hbm>>) dst(%arg16 : memref<40xi32, #tpu.memory_space<vmem>>)
        %eq3A_590 = arith.constant 0 : i32
        %eq3A_591 = arith.cmpi eq, %arg0, %eq3A_590 : i32
        %convert_element_type3A_592 = arith.extui %eq3A_591 : i1 to i32
        %cond3A_593 = arith.constant 0 : i32
        %cond3A_594 = arith.cmpi ne, %convert_element_type3A_592, %cond3A_593 : i32
        scf.if %cond3A_594 {
          %dma_start3A_600 = arith.constant 0 : i32
          %dma_start3A_601 = arith.constant 0 : i32
          %dma_start3A_602 = tpu.memref_slice %arg2[%dma_start3A_600, %dma_start3A_601] : memref<10000x128xf32, #tpu.memory_space<hbm>> -> memref<10000x128xf32, #tpu.memory_space<hbm>>
          tpu.enqueue_indirect_dma source(%dma_start3A_602 : memref<10000x128xf32, #tpu.memory_space<hbm>>) target(%arg11 : memref<40x128xf32, #tpu.memory_space<vmem>>) offsets(%arg16 : memref<40xi32, #tpu.memory_space<vmem>>) semaphore(%arg27 : memref<!tpu.dma_semaphore, #tpu.memory_space<semaphore_mem>>)
        } else {
        }
        %eq3A_595 = arith.constant 1 : i32
        %eq3A_596 = arith.cmpi eq, %arg0, %eq3A_595 : i32
        %convert_element_type3A_597 = arith.extui %eq3A_596 : i1 to i32
        %cond3A_598 = arith.constant 0 : i32
        %cond3A_599 = arith.cmpi ne, %convert_element_type3A_597, %cond3A_598 : i32
        scf.if %cond3A_599 {
          %dma_start3A_600 = arith.constant 0 : i32
          %dma_start3A_601 = arith.constant 0 : i32
          %dma_start3A_602 = tpu.memref_slice %arg3[%dma_start3A_600, %dma_start3A_601] : memref<10000x128xf32, #tpu.memory_space<hbm>> -> memref<10000x128xf32, #tpu.memory_space<hbm>>
          tpu.enqueue_indirect_dma source(%dma_start3A_602 : memref<10000x128xf32, #tpu.memory_space<hbm>>) target(%arg11 : memref<40x128xf32, #tpu.memory_space<vmem>>) offsets(%arg16 : memref<40xi32, #tpu.memory_space<vmem>>) semaphore(%arg27 : memref<!tpu.dma_semaphore, #tpu.memory_space<semaphore_mem>>)
        } else {
        }
      } else {
      }
      %dma_wait3A_531 = arith.constant 0 : i32
      %dma_wait3A_532 = arith.constant 0 : i32
      %dma_wait3A_533 = tpu.memref_slice %arg2[%dma_wait3A_531, %dma_wait3A_532] : memref<10000x128xf32, #tpu.memory_space<hbm>> -> memref<10000x128xf32, #tpu.memory_space<hbm>>
      tpu.wait_indirect_dma semaphore(%arg28 : memref<!tpu.dma_semaphore, #tpu.memory_space<semaphore_mem>>) src(%dma_wait3A_533 : memref<10000x128xf32, #tpu.memory_space<hbm>>) dst(%arg12 : memref<40x128xf32, #tpu.memory_space<vmem>>)
      %mul3A_534 = arith.constant 40 : i32
      %mul3A_535 = arith.muli %add3A_523, %mul3A_534 : i32
      %multiple_of3A_536 = tpu.assume_multiple %mul3A_535, 8 : i32
      %dma_start3A_537 = tpu.memref_slice %arg24[%multiple_of3A_536] : memref<20000xi32, #tpu.memory_space<vmem>> -> memref<40xi32, #tpu.memory_space<vmem>>
      %dma_start3A_538 = arith.constant 0 : i32
      %dma_start3A_539 = arith.constant 0 : i32
      %dma_start3A_540 = tpu.memref_slice %arg8[%dma_start3A_538, %dma_start3A_539] : memref<10000x128xf32, #tpu.memory_space<vmem_shared>> -> memref<10000x128xf32, #tpu.memory_space<vmem_shared>>
      tpu.enqueue_indirect_dma source(%arg12 : memref<40x128xf32, #tpu.memory_space<vmem>>) target(%dma_start3A_540 : memref<10000x128xf32, #tpu.memory_space<vmem_shared>>) offsets(%dma_start3A_537 : memref<40xi32, #tpu.memory_space<vmem>>) semaphore(%arg33 : memref<!tpu.dma_semaphore, #tpu.memory_space<semaphore_mem>>) {add = true}
      %add3A_541 = arith.constant 8 : i32
      %add3A_542 = arith.addi %add3A_523, %add3A_541 : i32
      %lt3A_543 = arith.constant 500 : i32
      %lt3A_544 = arith.cmpi slt, %add3A_542, %lt3A_543 : i32
      %convert_element_type3A_545 = arith.extui %lt3A_544 : i1 to i32
      %cond3A_546 = arith.constant 0 : i32
      %cond3A_547 = arith.cmpi ne, %convert_element_type3A_545, %cond3A_546 : i32
      scf.if %cond3A_547 {
        %add3A_574 = arith.constant 8 : i32
        %add3A_575 = arith.addi %add3A_523, %add3A_574 : i32
        %mul3A_576 = arith.constant 20000 : i32
        %mul3A_577 = arith.muli %arg1, %mul3A_576 : i32
        %mul3A_578 = arith.constant 40 : i32
        %mul3A_579 = arith.muli %add3A_575, %mul3A_578 : i32
        %add3A_580 = arith.addi %mul3A_577, %mul3A_579 : i32
        %multiple_of3A_581 = tpu.assume_multiple %add3A_580, 8 : i32
        %dma_start3A_582 = tpu.memref_slice %arg4[%multiple_of3A_581] : memref<320000xi32, #tpu.memory_space<hbm>> -> memref<40xi32, #tpu.memory_space<hbm>>
        %dma_start3A_583 = tpu.memref_slice %arg4[%multiple_of3A_581] : memref<320000xi32, #tpu.memory_space<hbm>> -> memref<40xi32, #tpu.memory_space<hbm>>
        tpu.enqueue_dma source(%dma_start3A_583 : memref<40xi32, #tpu.memory_space<hbm>>) target(%arg20 : memref<40xi32, #tpu.memory_space<vmem>>) target_semaphore(%arg41 : memref<!tpu.dma_semaphore, #tpu.memory_space<semaphore_mem>>)
      } else {
      }
      %add3A_548 = arith.constant 9 : i32
      %add3A_549 = arith.addi %add3A_314, %add3A_548 : i32
      %add3A_550 = arith.constant 4 : i32
      %add3A_551 = arith.addi %add3A_549, %add3A_550 : i32
      %lt3A_552 = arith.constant 500 : i32
      %lt3A_553 = arith.cmpi slt, %add3A_551, %lt3A_552 : i32
      %convert_element_type3A_554 = arith.extui %lt3A_553 : i1 to i32
      %cond3A_555 = arith.constant 0 : i32
      %cond3A_556 = arith.cmpi ne, %convert_element_type3A_554, %cond3A_555 : i32
      scf.if %cond3A_556 {
        %add3A_574 = arith.constant 4 : i32
        %add3A_575 = arith.addi %add3A_549, %add3A_574 : i32
        %ge3A = arith.constant 5 : i32
        %ge3A_576 = arith.cmpi sge, %add3A_575, %ge3A : i32
        %convert_element_type3A_577 = arith.extui %ge3A_576 : i1 to i32
        %cond3A_578 = arith.constant 0 : i32
        %cond3A_579 = arith.cmpi ne, %convert_element_type3A_577, %cond3A_578 : i32
        scf.if %cond3A_579 {
          %add3A_600 = arith.constant 4 : i32
          %add3A_601 = arith.addi %add3A_549, %add3A_600 : i32
          %sub3A = arith.constant 5 : i32
          %sub3A_602 = arith.subi %add3A_601, %sub3A : i32
          %mul3A_603 = arith.constant 40 : i32
          %mul3A_604 = arith.muli %sub3A_602, %mul3A_603 : i32
          %multiple_of3A_605 = tpu.assume_multiple %mul3A_604, 8 : i32
          %dma_wait3A_606 = tpu.memref_slice %arg24[%multiple_of3A_605] : memref<20000xi32, #tpu.memory_space<vmem>> -> memref<40xi32, #tpu.memory_space<vmem>>
          %dma_wait3A_607 = arith.constant 0 : i32
          %dma_wait3A_608 = arith.constant 0 : i32
          %dma_wait3A_609 = tpu.memref_slice %arg8[%dma_wait3A_607, %dma_wait3A_608] : memref<10000x128xf32, #tpu.memory_space<vmem_shared>> -> memref<10000x128xf32, #tpu.memory_space<vmem_shared>>
          tpu.wait_indirect_dma semaphore(%arg33 : memref<!tpu.dma_semaphore, #tpu.memory_space<semaphore_mem>>) src(%arg12 : memref<40x128xf32, #tpu.memory_space<vmem>>) dst(%dma_wait3A_609 : memref<10000x128xf32, #tpu.memory_space<vmem_shared>>)
        } else {
        }
        %add3A_580 = arith.constant 4 : i32
        %add3A_581 = arith.addi %add3A_549, %add3A_580 : i32
        %mul3A_582 = arith.constant 20000 : i32
        %mul3A_583 = arith.muli %arg1, %mul3A_582 : i32
        %mul3A_584 = arith.constant 40 : i32
        %mul3A_585 = arith.muli %add3A_581, %mul3A_584 : i32
        %add3A_586 = arith.addi %mul3A_583, %mul3A_585 : i32
        %multiple_of3A_587 = tpu.assume_multiple %add3A_586, 8 : i32
        %dma_wait3A_588 = tpu.memref_slice %arg4[%multiple_of3A_587] : memref<320000xi32, #tpu.memory_space<hbm>> -> memref<40xi32, #tpu.memory_space<hbm>>
        %dma_wait3A_589 = tpu.memref_slice %arg4[%multiple_of3A_587] : memref<320000xi32, #tpu.memory_space<hbm>> -> memref<40xi32, #tpu.memory_space<hbm>>
        tpu.wait_dma2 semaphore(%arg38 : memref<!tpu.dma_semaphore, #tpu.memory_space<semaphore_mem>>) src(%dma_wait3A_589 : memref<40xi32, #tpu.memory_space<hbm>>) dst(%arg17 : memref<40xi32, #tpu.memory_space<vmem>>)
        %eq3A_590 = arith.constant 0 : i32
        %eq3A_591 = arith.cmpi eq, %arg0, %eq3A_590 : i32
        %convert_element_type3A_592 = arith.extui %eq3A_591 : i1 to i32
        %cond3A_593 = arith.constant 0 : i32
        %cond3A_594 = arith.cmpi ne, %convert_element_type3A_592, %cond3A_593 : i32
        scf.if %cond3A_594 {
          %dma_start3A_600 = arith.constant 0 : i32
          %dma_start3A_601 = arith.constant 0 : i32
          %dma_start3A_602 = tpu.memref_slice %arg2[%dma_start3A_600, %dma_start3A_601] : memref<10000x128xf32, #tpu.memory_space<hbm>> -> memref<10000x128xf32, #tpu.memory_space<hbm>>
          tpu.enqueue_indirect_dma source(%dma_start3A_602 : memref<10000x128xf32, #tpu.memory_space<hbm>>) target(%arg12 : memref<40x128xf32, #tpu.memory_space<vmem>>) offsets(%arg17 : memref<40xi32, #tpu.memory_space<vmem>>) semaphore(%arg28 : memref<!tpu.dma_semaphore, #tpu.memory_space<semaphore_mem>>)
        } else {
        }
        %eq3A_595 = arith.constant 1 : i32
        %eq3A_596 = arith.cmpi eq, %arg0, %eq3A_595 : i32
        %convert_element_type3A_597 = arith.extui %eq3A_596 : i1 to i32
        %cond3A_598 = arith.constant 0 : i32
        %cond3A_599 = arith.cmpi ne, %convert_element_type3A_597, %cond3A_598 : i32
        scf.if %cond3A_599 {
          %dma_start3A_600 = arith.constant 0 : i32
          %dma_start3A_601 = arith.constant 0 : i32
          %dma_start3A_602 = tpu.memref_slice %arg3[%dma_start3A_600, %dma_start3A_601] : memref<10000x128xf32, #tpu.memory_space<hbm>> -> memref<10000x128xf32, #tpu.memory_space<hbm>>
          tpu.enqueue_indirect_dma source(%dma_start3A_602 : memref<10000x128xf32, #tpu.memory_space<hbm>>) target(%arg12 : memref<40x128xf32, #tpu.memory_space<vmem>>) offsets(%arg17 : memref<40xi32, #tpu.memory_space<vmem>>) semaphore(%arg28 : memref<!tpu.dma_semaphore, #tpu.memory_space<semaphore_mem>>)
        } else {
        }
      } else {
      }
      %dma_wait3A_557 = arith.constant 0 : i32
      %dma_wait3A_558 = arith.constant 0 : i32
      %dma_wait3A_559 = tpu.memref_slice %arg2[%dma_wait3A_557, %dma_wait3A_558] : memref<10000x128xf32, #tpu.memory_space<hbm>> -> memref<10000x128xf32, #tpu.memory_space<hbm>>
      tpu.wait_indirect_dma semaphore(%arg29 : memref<!tpu.dma_semaphore, #tpu.memory_space<semaphore_mem>>) src(%dma_wait3A_559 : memref<10000x128xf32, #tpu.memory_space<hbm>>) dst(%arg13 : memref<40x128xf32, #tpu.memory_space<vmem>>)
      %mul3A_560 = arith.constant 40 : i32
      %mul3A_561 = arith.muli %add3A_549, %mul3A_560 : i32
      %multiple_of3A_562 = tpu.assume_multiple %mul3A_561, 8 : i32
      %dma_start3A_563 = tpu.memref_slice %arg24[%multiple_of3A_562] : memref<20000xi32, #tpu.memory_space<vmem>> -> memref<40xi32, #tpu.memory_space<vmem>>
      %dma_start3A_564 = arith.constant 0 : i32
      %dma_start3A_565 = arith.constant 0 : i32
      %dma_start3A_566 = tpu.memref_slice %arg8[%dma_start3A_564, %dma_start3A_565] : memref<10000x128xf32, #tpu.memory_space<vmem_shared>> -> memref<10000x128xf32, #tpu.memory_space<vmem_shared>>
      tpu.enqueue_indirect_dma source(%arg13 : memref<40x128xf32, #tpu.memory_space<vmem>>) target(%dma_start3A_566 : memref<10000x128xf32, #tpu.memory_space<vmem_shared>>) offsets(%dma_start3A_563 : memref<40xi32, #tpu.memory_space<vmem>>) semaphore(%arg34 : memref<!tpu.dma_semaphore, #tpu.memory_space<semaphore_mem>>) {add = true}
      %add3A_567 = arith.constant 8 : i32
      %add3A_568 = arith.addi %add3A_549, %add3A_567 : i32
      %lt3A_569 = arith.constant 500 : i32
      %lt3A_570 = arith.cmpi slt, %add3A_568, %lt3A_569 : i32
      %convert_element_type3A_571 = arith.extui %lt3A_570 : i1 to i32
      %cond3A_572 = arith.constant 0 : i32
      %cond3A_573 = arith.cmpi ne, %convert_element_type3A_571, %cond3A_572 : i32
      scf.if %cond3A_573 {
        %add3A_574 = arith.constant 8 : i32
        %add3A_575 = arith.addi %add3A_549, %add3A_574 : i32
        %mul3A_576 = arith.constant 20000 : i32
        %mul3A_577 = arith.muli %arg1, %mul3A_576 : i32
        %mul3A_578 = arith.constant 40 : i32
        %mul3A_579 = arith.muli %add3A_575, %mul3A_578 : i32
        %add3A_580 = arith.addi %mul3A_577, %mul3A_579 : i32
        %multiple_of3A_581 = tpu.assume_multiple %add3A_580, 8 : i32
        %dma_start3A_582 = tpu.memref_slice %arg4[%multiple_of3A_581] : memref<320000xi32, #tpu.memory_space<hbm>> -> memref<40xi32, #tpu.memory_space<hbm>>
        %dma_start3A_583 = tpu.memref_slice %arg4[%multiple_of3A_581] : memref<320000xi32, #tpu.memory_space<hbm>> -> memref<40xi32, #tpu.memory_space<hbm>>
        tpu.enqueue_dma source(%dma_start3A_583 : memref<40xi32, #tpu.memory_space<hbm>>) target(%arg21 : memref<40xi32, #tpu.memory_space<vmem>>) target_semaphore(%arg42 : memref<!tpu.dma_semaphore, #tpu.memory_space<semaphore_mem>>)
      } else {
      }
    }
    %scan3A_227 = arith.constant 50 : i32
    %multiple_of3A_228 = arith.constant 19800 : i32
    %multiple_of3A_229 = tpu.assume_multiple %multiple_of3A_228, 8 : i32
    %dma_wait3A_230 = tpu.memref_slice %arg24[%multiple_of3A_229] : memref<20000xi32, #tpu.memory_space<vmem>> -> memref<40xi32, #tpu.memory_space<vmem>>
    %dma_wait3A_231 = arith.constant 0 : i32
    %dma_wait3A_232 = arith.constant 0 : i32
    %dma_wait3A_233 = tpu.memref_slice %arg8[%dma_wait3A_231, %dma_wait3A_232] : memref<10000x128xf32, #tpu.memory_space<vmem_shared>> -> memref<10000x128xf32, #tpu.memory_space<vmem_shared>>
    tpu.wait_indirect_dma semaphore(%arg30 : memref<!tpu.dma_semaphore, #tpu.memory_space<semaphore_mem>>) src(%arg9 : memref<40x128xf32, #tpu.memory_space<vmem>>) dst(%dma_wait3A_233 : memref<10000x128xf32, #tpu.memory_space<vmem_shared>>)
    %multiple_of3A_234 = arith.constant 19840 : i32
    %multiple_of3A_235 = tpu.assume_multiple %multiple_of3A_234, 8 : i32
    %dma_wait3A_236 = tpu.memref_slice %arg24[%multiple_of3A_235] : memref<20000xi32, #tpu.memory_space<vmem>> -> memref<40xi32, #tpu.memory_space<vmem>>
    %dma_wait3A_237 = arith.constant 0 : i32
    %dma_wait3A_238 = arith.constant 0 : i32
    %dma_wait3A_239 = tpu.memref_slice %arg8[%dma_wait3A_237, %dma_wait3A_238] : memref<10000x128xf32, #tpu.memory_space<vmem_shared>> -> memref<10000x128xf32, #tpu.memory_space<vmem_shared>>
    tpu.wait_indirect_dma semaphore(%arg31 : memref<!tpu.dma_semaphore, #tpu.memory_space<semaphore_mem>>) src(%arg10 : memref<40x128xf32, #tpu.memory_space<vmem>>) dst(%dma_wait3A_239 : memref<10000x128xf32, #tpu.memory_space<vmem_shared>>)
    %multiple_of3A_240 = arith.constant 19880 : i32
    %multiple_of3A_241 = tpu.assume_multiple %multiple_of3A_240, 8 : i32
    %dma_wait3A_242 = tpu.memref_slice %arg24[%multiple_of3A_241] : memref<20000xi32, #tpu.memory_space<vmem>> -> memref<40xi32, #tpu.memory_space<vmem>>
    %dma_wait3A_243 = arith.constant 0 : i32
    %dma_wait3A_244 = arith.constant 0 : i32
    %dma_wait3A_245 = tpu.memref_slice %arg8[%dma_wait3A_243, %dma_wait3A_244] : memref<10000x128xf32, #tpu.memory_space<vmem_shared>> -> memref<10000x128xf32, #tpu.memory_space<vmem_shared>>
    tpu.wait_indirect_dma semaphore(%arg32 : memref<!tpu.dma_semaphore, #tpu.memory_space<semaphore_mem>>) src(%arg11 : memref<40x128xf32, #tpu.memory_space<vmem>>) dst(%dma_wait3A_245 : memref<10000x128xf32, #tpu.memory_space<vmem_shared>>)
    %multiple_of3A_246 = arith.constant 19920 : i32
    %multiple_of3A_247 = tpu.assume_multiple %multiple_of3A_246, 8 : i32
    %dma_wait3A_248 = tpu.memref_slice %arg24[%multiple_of3A_247] : memref<20000xi32, #tpu.memory_space<vmem>> -> memref<40xi32, #tpu.memory_space<vmem>>
    %dma_wait3A_249 = arith.constant 0 : i32
    %dma_wait3A_250 = arith.constant 0 : i32
    %dma_wait3A_251 = tpu.memref_slice %arg8[%dma_wait3A_249, %dma_wait3A_250] : memref<10000x128xf32, #tpu.memory_space<vmem_shared>> -> memref<10000x128xf32, #tpu.memory_space<vmem_shared>>
    tpu.wait_indirect_dma semaphore(%arg33 : memref<!tpu.dma_semaphore, #tpu.memory_space<semaphore_mem>>) src(%arg12 : memref<40x128xf32, #tpu.memory_space<vmem>>) dst(%dma_wait3A_251 : memref<10000x128xf32, #tpu.memory_space<vmem_shared>>)
    %multiple_of3A_252 = arith.constant 19960 : i32
    %multiple_of3A_253 = tpu.assume_multiple %multiple_of3A_252, 8 : i32
    %dma_wait3A_254 = tpu.memref_slice %arg24[%multiple_of3A_253] : memref<20000xi32, #tpu.memory_space<vmem>> -> memref<40xi32, #tpu.memory_space<vmem>>
    %dma_wait3A_255 = arith.constant 0 : i32
    %dma_wait3A_256 = arith.constant 0 : i32
    %dma_wait3A_257 = tpu.memref_slice %arg8[%dma_wait3A_255, %dma_wait3A_256] : memref<10000x128xf32, #tpu.memory_space<vmem_shared>> -> memref<10000x128xf32, #tpu.memory_space<vmem_shared>>
    tpu.wait_indirect_dma semaphore(%arg34 : memref<!tpu.dma_semaphore, #tpu.memory_space<semaphore_mem>>) src(%arg13 : memref<40x128xf32, #tpu.memory_space<vmem>>) dst(%dma_wait3A_257 : memref<10000x128xf32, #tpu.memory_space<vmem_shared>>)
    %barrier3A_258 = arith.constant 0 : index
    tpu.barrier barrier_id(%barrier3A_258)
    %mul3A_259 = arith.constant 632 : i32
    %mul3A_260 = arith.muli %arg1, %mul3A_259 : i32
    %multiple_of3A_261 = tpu.assume_multiple %mul3A_260, 8 : i32
    %eq3A_262 = arith.constant 0 : i32
    %eq3A_263 = arith.cmpi eq, %arg0, %eq3A_262 : i32
    %eq3A_264 = arith.constant 15 : i32
    %eq3A_265 = arith.cmpi eq, %arg1, %eq3A_264 : i32
    %eq3A_266 = arith.constant false
    %eq3A_267 = arith.xori %eq3A_265, %eq3A_266 : i1
    %eq3A_268 = arith.constant true
    %eq3A_269 = arith.xori %eq3A_267, %eq3A_268 : i1
    %and3A_270 = arith.andi %eq3A_263, %eq3A_269 : i1
    %convert_element_type3A_271 = arith.extui %and3A_270 : i1 to i32
    %cond3A_272 = arith.constant 0 : i32
    %cond3A_273 = arith.cmpi ne, %convert_element_type3A_271, %cond3A_272 : i32
    scf.if %cond3A_273 {
      "tpu.region"() ({
        %run_scoped3A = tpu.sem_alloc : memref<!tpu.dma_semaphore, #tpu.memory_space<semaphore_mem>>
        %dma_start3A_310 = arith.constant 0 : i32
        %dma_start3A_311 = tpu.memref_slice %arg6[%multiple_of3A_261, %dma_start3A_310] : memref<10000x128xf32, #tpu.memory_space<hbm>> -> memref<632x128xf32, #tpu.memory_space<hbm>>
        %dma_start3A_312 = arith.constant 0 : i32
        %dma_start3A_313 = tpu.memref_slice %arg8[%multiple_of3A_261, %dma_start3A_312] : memref<10000x128xf32, #tpu.memory_space<vmem_shared>> -> memref<632x128xf32, #tpu.memory_space<vmem_shared>>
        tpu.enqueue_dma source(%dma_start3A_313 : memref<632x128xf32, #tpu.memory_space<vmem_shared>>) target(%dma_start3A_311 : memref<632x128xf32, #tpu.memory_space<hbm>>) target_semaphore(%run_scoped3A : memref<!tpu.dma_semaphore, #tpu.memory_space<semaphore_mem>>)
        %dma_wait3A_314 = arith.constant 0 : i32
        %dma_wait3A_315 = tpu.memref_slice %arg6[%multiple_of3A_261, %dma_wait3A_314] : memref<10000x128xf32, #tpu.memory_space<hbm>> -> memref<632x128xf32, #tpu.memory_space<hbm>>
        %dma_wait3A_316 = arith.constant 0 : i32
        %dma_wait3A_317 = tpu.memref_slice %arg8[%multiple_of3A_261, %dma_wait3A_316] : memref<10000x128xf32, #tpu.memory_space<vmem_shared>> -> memref<632x128xf32, #tpu.memory_space<vmem_shared>>
        tpu.wait_dma2 semaphore(%run_scoped3A : memref<!tpu.dma_semaphore, #tpu.memory_space<semaphore_mem>>) src(%dma_wait3A_317 : memref<632x128xf32, #tpu.memory_space<vmem_shared>>) dst(%dma_wait3A_315 : memref<632x128xf32, #tpu.memory_space<hbm>>)
        tpu.yield
      }) : () -> ()
    } else {
    }
    %eq3A_274 = arith.constant 0 : i32
    %eq3A_275 = arith.cmpi eq, %arg0, %eq3A_274 : i32
    %eq3A_276 = arith.constant 15 : i32
    %eq3A_277 = arith.cmpi eq, %arg1, %eq3A_276 : i32
    %eq3A_278 = arith.constant true
    %eq3A_279 = arith.xori %eq3A_277, %eq3A_278 : i1
    %eq3A_280 = arith.constant true
    %eq3A_281 = arith.xori %eq3A_279, %eq3A_280 : i1
    %and3A_282 = arith.andi %eq3A_275, %eq3A_281 : i1
    %convert_element_type3A_283 = arith.extui %and3A_282 : i1 to i32
    %cond3A_284 = arith.constant 0 : i32
    %cond3A_285 = arith.cmpi ne, %convert_element_type3A_283, %cond3A_284 : i32
    scf.if %cond3A_285 {
      "tpu.region"() ({
        %run_scoped3A = tpu.sem_alloc : memref<!tpu.dma_semaphore, #tpu.memory_space<semaphore_mem>>
        %dma_start3A_310 = arith.constant 9480 : i32
        %dma_start3A_311 = arith.constant 0 : i32
        %dma_start3A_312 = tpu.memref_slice %arg6[%dma_start3A_310, %dma_start3A_311] : memref<10000x128xf32, #tpu.memory_space<hbm>> -> memref<520x128xf32, #tpu.memory_space<hbm>>
        %dma_start3A_313 = arith.constant 9480 : i32
        %dma_start3A_314 = arith.constant 0 : i32
        %dma_start3A_315 = tpu.memref_slice %arg8[%dma_start3A_313, %dma_start3A_314] : memref<10000x128xf32, #tpu.memory_space<vmem_shared>> -> memref<520x128xf32, #tpu.memory_space<vmem_shared>>
        tpu.enqueue_dma source(%dma_start3A_315 : memref<520x128xf32, #tpu.memory_space<vmem_shared>>) target(%dma_start3A_312 : memref<520x128xf32, #tpu.memory_space<hbm>>) target_semaphore(%run_scoped3A : memref<!tpu.dma_semaphore, #tpu.memory_space<semaphore_mem>>)
        %dma_wait3A_316 = arith.constant 9480 : i32
        %dma_wait3A_317 = arith.constant 0 : i32
        %dma_wait3A_318 = tpu.memref_slice %arg6[%dma_wait3A_316, %dma_wait3A_317] : memref<10000x128xf32, #tpu.memory_space<hbm>> -> memref<520x128xf32, #tpu.memory_space<hbm>>
        %dma_wait3A_319 = arith.constant 9480 : i32
        %dma_wait3A_320 = arith.constant 0 : i32
        %dma_wait3A_321 = tpu.memref_slice %arg8[%dma_wait3A_319, %dma_wait3A_320] : memref<10000x128xf32, #tpu.memory_space<vmem_shared>> -> memref<520x128xf32, #tpu.memory_space<vmem_shared>>
        tpu.wait_dma2 semaphore(%run_scoped3A : memref<!tpu.dma_semaphore, #tpu.memory_space<semaphore_mem>>) src(%dma_wait3A_321 : memref<520x128xf32, #tpu.memory_space<vmem_shared>>) dst(%dma_wait3A_318 : memref<520x128xf32, #tpu.memory_space<hbm>>)
        tpu.yield
      }) : () -> ()
    } else {
    }
    %eq3A_286 = arith.constant 1 : i32
    %eq3A_287 = arith.cmpi eq, %arg0, %eq3A_286 : i32
    %eq3A_288 = arith.constant 15 : i32
    %eq3A_289 = arith.cmpi eq, %arg1, %eq3A_288 : i32
    %eq3A_290 = arith.constant false
    %eq3A_291 = arith.xori %eq3A_289, %eq3A_290 : i1
    %eq3A_292 = arith.constant true
    %eq3A_293 = arith.xori %eq3A_291, %eq3A_292 : i1
    %and3A_294 = arith.andi %eq3A_287, %eq3A_293 : i1
    %convert_element_type3A_295 = arith.extui %and3A_294 : i1 to i32
    %cond3A_296 = arith.constant 0 : i32
    %cond3A_297 = arith.cmpi ne, %convert_element_type3A_295, %cond3A_296 : i32
    scf.if %cond3A_297 {
      "tpu.region"() ({
        %run_scoped3A = tpu.sem_alloc : memref<!tpu.dma_semaphore, #tpu.memory_space<semaphore_mem>>
        %dma_start3A_310 = arith.constant 0 : i32
        %dma_start3A_311 = tpu.memref_slice %arg7[%multiple_of3A_261, %dma_start3A_310] : memref<10000x128xf32, #tpu.memory_space<hbm>> -> memref<632x128xf32, #tpu.memory_space<hbm>>
        %dma_start3A_312 = arith.constant 0 : i32
        %dma_start3A_313 = tpu.memref_slice %arg8[%multiple_of3A_261, %dma_start3A_312] : memref<10000x128xf32, #tpu.memory_space<vmem_shared>> -> memref<632x128xf32, #tpu.memory_space<vmem_shared>>
        tpu.enqueue_dma source(%dma_start3A_313 : memref<632x128xf32, #tpu.memory_space<vmem_shared>>) target(%dma_start3A_311 : memref<632x128xf32, #tpu.memory_space<hbm>>) target_semaphore(%run_scoped3A : memref<!tpu.dma_semaphore, #tpu.memory_space<semaphore_mem>>)
        %dma_wait3A_314 = arith.constant 0 : i32
        %dma_wait3A_315 = tpu.memref_slice %arg7[%multiple_of3A_261, %dma_wait3A_314] : memref<10000x128xf32, #tpu.memory_space<hbm>> -> memref<632x128xf32, #tpu.memory_space<hbm>>
        %dma_wait3A_316 = arith.constant 0 : i32
        %dma_wait3A_317 = tpu.memref_slice %arg8[%multiple_of3A_261, %dma_wait3A_316] : memref<10000x128xf32, #tpu.memory_space<vmem_shared>> -> memref<632x128xf32, #tpu.memory_space<vmem_shared>>
        tpu.wait_dma2 semaphore(%run_scoped3A : memref<!tpu.dma_semaphore, #tpu.memory_space<semaphore_mem>>) src(%dma_wait3A_317 : memref<632x128xf32, #tpu.memory_space<vmem_shared>>) dst(%dma_wait3A_315 : memref<632x128xf32, #tpu.memory_space<hbm>>)
        tpu.yield
      }) : () -> ()
    } else {
    }
    %eq3A_298 = arith.constant 1 : i32
    %eq3A_299 = arith.cmpi eq, %arg0, %eq3A_298 : i32
    %eq3A_300 = arith.constant 15 : i32
    %eq3A_301 = arith.cmpi eq, %arg1, %eq3A_300 : i32
    %eq3A_302 = arith.constant true
    %eq3A_303 = arith.xori %eq3A_301, %eq3A_302 : i1
    %eq3A_304 = arith.constant true
    %eq3A_305 = arith.xori %eq3A_303, %eq3A_304 : i1
    %and3A_306 = arith.andi %eq3A_299, %eq3A_305 : i1
    %convert_element_type3A_307 = arith.extui %and3A_306 : i1 to i32
    %cond3A_308 = arith.constant 0 : i32
    %cond3A_309 = arith.cmpi ne, %convert_element_type3A_307, %cond3A_308 : i32
    scf.if %cond3A_309 {
      "tpu.region"() ({
        %run_scoped3A = tpu.sem_alloc : memref<!tpu.dma_semaphore, #tpu.memory_space<semaphore_mem>>
        %dma_start3A_310 = arith.constant 9480 : i32
        %dma_start3A_311 = arith.constant 0 : i32
        %dma_start3A_312 = tpu.memref_slice %arg7[%dma_start3A_310, %dma_start3A_311] : memref<10000x128xf32, #tpu.memory_space<hbm>> -> memref<520x128xf32, #tpu.memory_space<hbm>>
        %dma_start3A_313 = arith.constant 9480 : i32
        %dma_start3A_314 = arith.constant 0 : i32
        %dma_start3A_315 = tpu.memref_slice %arg8[%dma_start3A_313, %dma_start3A_314] : memref<10000x128xf32, #tpu.memory_space<vmem_shared>> -> memref<520x128xf32, #tpu.memory_space<vmem_shared>>
        tpu.enqueue_dma source(%dma_start3A_315 : memref<520x128xf32, #tpu.memory_space<vmem_shared>>) target(%dma_start3A_312 : memref<520x128xf32, #tpu.memory_space<hbm>>) target_semaphore(%run_scoped3A : memref<!tpu.dma_semaphore, #tpu.memory_space<semaphore_mem>>)
        %dma_wait3A_316 = arith.constant 9480 : i32
        %dma_wait3A_317 = arith.constant 0 : i32
        %dma_wait3A_318 = tpu.memref_slice %arg7[%dma_wait3A_316, %dma_wait3A_317] : memref<10000x128xf32, #tpu.memory_space<hbm>> -> memref<520x128xf32, #tpu.memory_space<hbm>>
        %dma_wait3A_319 = arith.constant 9480 : i32
        %dma_wait3A_320 = arith.constant 0 : i32
        %dma_wait3A_321 = tpu.memref_slice %arg8[%dma_wait3A_319, %dma_wait3A_320] : memref<10000x128xf32, #tpu.memory_space<vmem_shared>> -> memref<520x128xf32, #tpu.memory_space<vmem_shared>>
        tpu.wait_dma2 semaphore(%run_scoped3A : memref<!tpu.dma_semaphore, #tpu.memory_space<semaphore_mem>>) src(%dma_wait3A_321 : memref<520x128xf32, #tpu.memory_space<vmem_shared>>) dst(%dma_wait3A_318 : memref<520x128xf32, #tpu.memory_space<hbm>>)
        tpu.yield
      }) : () -> ()
    } else {
    }
    return
  }
}

module attributes {stable_mosaic.version = 14 : i64} {
  func.func @_enc_body(%arg0: i32, %arg1: memref<2000x128xf32, #tpu.memory_space<vmem>>, %arg2: memref<128x256xf32, #tpu.memory_space<vmem>>, %arg3: memref<256xf32, #tpu.memory_space<vmem>>, %arg4: memref<256x256xf32, #tpu.memory_space<vmem>>, %arg5: memref<256xf32, #tpu.memory_space<vmem>>, %arg6: memref<2000x128xf32, #tpu.memory_space<vmem>>, %arg7: memref<2000x128xf32, #tpu.memory_space<vmem>>) attributes {dimension_semantics = [#tpu.dimension_semantics<arbitrary>], iteration_bounds = array<i64: 5>, scalar_prefetch = 0 : i64, scratch_operands = 0 : i64, tpu.core_type = #tpu.core_type<tc>, window_params = [{transform_indices = @transform_0, window_bounds = array<i64: 2000, 128>}, {pipeline_mode = #tpu.pipeline_mode<synchronous>, transform_indices = @transform_1, window_bounds = array<i64: 128, 256>}, {pipeline_mode = #tpu.pipeline_mode<synchronous>, transform_indices = @transform_2, window_bounds = array<i64: 256>}, {pipeline_mode = #tpu.pipeline_mode<synchronous>, transform_indices = @transform_3, window_bounds = array<i64: 256, 256>}, {pipeline_mode = #tpu.pipeline_mode<synchronous>, transform_indices = @transform_4, window_bounds = array<i64: 256>}, {transform_indices = @transform_5, window_bounds = array<i64: 2000, 128>}, {transform_indices = @transform_6, window_bounds = array<i64: 2000, 128>}]} {
    %get3A = arith.constant 0 : index
    %get3A_0 = arith.constant 0 : index
    %get3A_1 = vector.load %arg1[%get3A, %get3A_0] : memref<2000x128xf32, #tpu.memory_space<vmem>>, vector<2000x128xf32>
    %get3A_2 = arith.constant 0 : index
    %get3A_3 = arith.constant 0 : index
    %get3A_4 = vector.load %arg2[%get3A_2, %get3A_3] : memref<128x256xf32, #tpu.memory_space<vmem>>, vector<128x256xf32>
    %dot_general3A = arith.constant dense<0.000000e+00> : vector<2000x256xf32>
    %dot_general3A_5 = tpu.matmul %get3A_1, %get3A_4, %dot_general3A {dimension_numbers = #tpu.dot_dimension_numbers<[1], [0], [0], [1], [0, 0, 1, 1], [], []>, transpose_lhs_hint = false} : vector<2000x128xf32>, vector<128x256xf32>, vector<2000x256xf32> -> vector<2000x256xf32>
    %get3A_6 = arith.constant 0 : index
    %get3A_7 = vector.load %arg3[%get3A_6] : memref<256xf32, #tpu.memory_space<vmem>>, vector<256xf32>
    %broadcast_in_dim3A = vector.shape_cast %get3A_7 : vector<256xf32> to vector<1x256xf32>
    %add3A = vector.broadcast %broadcast_in_dim3A : vector<1x256xf32> to vector<2000x256xf32>
    %add3A_8 = arith.addf %dot_general3A_5, %add3A : vector<2000x256xf32>
    %max3A = arith.constant 0.000000e+00 : f32
    %max3A_9 = vector.broadcast %max3A : f32 to vector<2000x256xf32>
    %max3A_10 = arith.maximumf %add3A_8, %max3A_9 : vector<2000x256xf32>
    %get3A_11 = arith.constant 0 : index
    %get3A_12 = arith.constant 0 : index
    %get3A_13 = vector.load %arg4[%get3A_11, %get3A_12] : memref<256x256xf32, #tpu.memory_space<vmem>>, vector<256x256xf32>
    %dot_general3A_14 = arith.constant dense<0.000000e+00> : vector<2000x256xf32>
    %dot_general3A_15 = tpu.matmul %max3A_10, %get3A_13, %dot_general3A_14 {dimension_numbers = #tpu.dot_dimension_numbers<[1], [0], [0], [1], [0, 0, 1, 1], [], []>, transpose_lhs_hint = false} : vector<2000x256xf32>, vector<256x256xf32>, vector<2000x256xf32> -> vector<2000x256xf32>
    %get3A_16 = arith.constant 0 : index
    %get3A_17 = vector.load %arg5[%get3A_16] : memref<256xf32, #tpu.memory_space<vmem>>, vector<256xf32>
    %broadcast_in_dim3A_18 = vector.shape_cast %get3A_17 : vector<256xf32> to vector<1x256xf32>
    %add3A_19 = vector.broadcast %broadcast_in_dim3A_18 : vector<1x256xf32> to vector<2000x256xf32>
    %add3A_20 = arith.addf %dot_general3A_15, %add3A_19 : vector<2000x256xf32>
    %max3A_21 = arith.constant 0.000000e+00 : f32
    %max3A_22 = vector.broadcast %max3A_21 : f32 to vector<2000x256xf32>
    %max3A_23 = arith.maximumf %add3A_20, %max3A_22 : vector<2000x256xf32>
    %slice3A = vector.extract_strided_slice %max3A_23 {offsets = [0, 0], sizes = [2000, 128], strides = [1, 1]} : vector<2000x256xf32> to vector<2000x128xf32>
    %swap3A = arith.constant 0 : index
    %swap3A_24 = arith.constant 0 : index
    %swap3A_25 = vector.load %arg6[%swap3A, %swap3A_24] : memref<2000x128xf32, #tpu.memory_space<vmem>>, vector<2000x128xf32>
    tpu.vector_store %arg6[%swap3A, %swap3A_24], %slice3A {strides = array<i32>} : memref<2000x128xf32, #tpu.memory_space<vmem>>, vector<2000x128xf32>,
    %slice3A_26 = vector.extract_strided_slice %max3A_23 {offsets = [0, 128], sizes = [2000, 128], strides = [1, 1]} : vector<2000x256xf32> to vector<2000x128xf32>
    %swap3A_27 = arith.constant 0 : index
    %swap3A_28 = arith.constant 0 : index
    %swap3A_29 = vector.load %arg7[%swap3A_27, %swap3A_28] : memref<2000x128xf32, #tpu.memory_space<vmem>>, vector<2000x128xf32>
    tpu.vector_store %arg7[%swap3A_27, %swap3A_28], %slice3A_26 {strides = array<i32>} : memref<2000x128xf32, #tpu.memory_space<vmem>>, vector<2000x128xf32>,
    return
  }
  func.func @transform_0(%arg0: i32) -> (i32, i32) {
    %c0_i32 = arith.constant 0 : i32
    %c0_i32_0 = arith.constant 0 : i32
    return %arg0, %c0_i32 : i32, i32
  }
  func.func @transform_1(%arg0: i32) -> (i32, i32) {
    %c0_i32 = arith.constant 0 : i32
    %c0_i32_0 = arith.constant 0 : i32
    %c0_i32_1 = arith.constant 0 : i32
    return %c0_i32, %c0_i32_0 : i32, i32
  }
  func.func @transform_2(%arg0: i32) -> i32 {
    %c0_i32 = arith.constant 0 : i32
    %c0_i32_0 = arith.constant 0 : i32
    return %c0_i32 : i32
  }
  func.func @transform_3(%arg0: i32) -> (i32, i32) {
    %c0_i32 = arith.constant 0 : i32
    %c0_i32_0 = arith.constant 0 : i32
    %c0_i32_1 = arith.constant 0 : i32
    return %c0_i32, %c0_i32_0 : i32, i32
  }
  func.func @transform_4(%arg0: i32) -> i32 {
    %c0_i32 = arith.constant 0 : i32
    %c0_i32_0 = arith.constant 0 : i32
    return %c0_i32 : i32
  }
  func.func @transform_5(%arg0: i32) -> (i32, i32) {
    %c0_i32 = arith.constant 0 : i32
    %c0_i32_0 = arith.constant 0 : i32
    return %arg0, %c0_i32 : i32, i32
  }
  func.func @transform_6(%arg0: i32) -> (i32, i32) {
    %c0_i32 = arith.constant 0 : i32
    %c0_i32_0 = arith.constant 0 : i32
    return %arg0, %c0_i32 : i32, i32
  }
}

module attributes {stable_mosaic.version = 14 : i64} {
  func.func @_mlp_body(%arg0: i32, %arg1: memref<2000x128xf32, #tpu.memory_space<vmem>>, %arg2: memref<2000x128xf32, #tpu.memory_space<vmem>>, %arg3: memref<256x256xf32, #tpu.memory_space<vmem>>, %arg4: memref<256xf32, #tpu.memory_space<vmem>>, %arg5: memref<256x256xf32, #tpu.memory_space<vmem>>, %arg6: memref<256xf32, #tpu.memory_space<vmem>>, %arg7: memref<2000x128xf32, #tpu.memory_space<vmem>>, %arg8: memref<2000x128xf32, #tpu.memory_space<vmem>>) attributes {dimension_semantics = [#tpu.dimension_semantics<arbitrary>], iteration_bounds = array<i64: 5>, scalar_prefetch = 0 : i64, scratch_operands = 0 : i64, tpu.core_type = #tpu.core_type<tc>, window_params = [{transform_indices = @transform_0, window_bounds = array<i64: 2000, 128>}, {transform_indices = @transform_1, window_bounds = array<i64: 2000, 128>}, {pipeline_mode = #tpu.pipeline_mode<synchronous>, transform_indices = @transform_2, window_bounds = array<i64: 256, 256>}, {pipeline_mode = #tpu.pipeline_mode<synchronous>, transform_indices = @transform_3, window_bounds = array<i64: 256>}, {pipeline_mode = #tpu.pipeline_mode<synchronous>, transform_indices = @transform_4, window_bounds = array<i64: 256, 256>}, {pipeline_mode = #tpu.pipeline_mode<synchronous>, transform_indices = @transform_5, window_bounds = array<i64: 256>}, {transform_indices = @transform_6, window_bounds = array<i64: 2000, 128>}, {transform_indices = @transform_7, window_bounds = array<i64: 2000, 128>}]} {
    %get3A = arith.constant 0 : index
    %get3A_0 = arith.constant 0 : index
    %get3A_1 = vector.load %arg3[%get3A, %get3A_0] : memref<256x256xf32, #tpu.memory_space<vmem>>, vector<256x256xf32>
    %get3A_2 = arith.constant 0 : index
    %get3A_3 = arith.constant 0 : index
    %get3A_4 = vector.load %arg1[%get3A_2, %get3A_3] : memref<2000x128xf32, #tpu.memory_space<vmem>>, vector<2000x128xf32>
    %slice3A = vector.extract_strided_slice %get3A_1 {offsets = [0, 0], sizes = [128, 256], strides = [1, 1]} : vector<256x256xf32> to vector<128x256xf32>
    %dot_general3A = arith.constant dense<0.000000e+00> : vector<2000x256xf32>
    %dot_general3A_5 = tpu.matmul %get3A_4, %slice3A, %dot_general3A {dimension_numbers = #tpu.dot_dimension_numbers<[1], [0], [0], [1], [0, 0, 1, 1], [], []>, transpose_lhs_hint = false} : vector<2000x128xf32>, vector<128x256xf32>, vector<2000x256xf32> -> vector<2000x256xf32>
    %get3A_6 = arith.constant 0 : index
    %get3A_7 = arith.constant 0 : index
    %get3A_8 = vector.load %arg2[%get3A_6, %get3A_7] : memref<2000x128xf32, #tpu.memory_space<vmem>>, vector<2000x128xf32>
    %slice3A_9 = vector.extract_strided_slice %get3A_1 {offsets = [128, 0], sizes = [128, 256], strides = [1, 1]} : vector<256x256xf32> to vector<128x256xf32>
    %dot_general3A_10 = arith.constant dense<0.000000e+00> : vector<2000x256xf32>
    %dot_general3A_11 = tpu.matmul %get3A_8, %slice3A_9, %dot_general3A_10 {dimension_numbers = #tpu.dot_dimension_numbers<[1], [0], [0], [1], [0, 0, 1, 1], [], []>, transpose_lhs_hint = false} : vector<2000x128xf32>, vector<128x256xf32>, vector<2000x256xf32> -> vector<2000x256xf32>
    %add3A = arith.addf %dot_general3A_5, %dot_general3A_11 : vector<2000x256xf32>
    %get3A_12 = arith.constant 0 : index
    %get3A_13 = vector.load %arg4[%get3A_12] : memref<256xf32, #tpu.memory_space<vmem>>, vector<256xf32>
    %broadcast_in_dim3A = vector.shape_cast %get3A_13 : vector<256xf32> to vector<1x256xf32>
    %add3A_14 = vector.broadcast %broadcast_in_dim3A : vector<1x256xf32> to vector<2000x256xf32>
    %add3A_15 = arith.addf %add3A, %add3A_14 : vector<2000x256xf32>
    %max3A = arith.constant 0.000000e+00 : f32
    %max3A_16 = vector.broadcast %max3A : f32 to vector<2000x256xf32>
    %max3A_17 = arith.maximumf %add3A_15, %max3A_16 : vector<2000x256xf32>
    %get3A_18 = arith.constant 0 : index
    %get3A_19 = arith.constant 0 : index
    %get3A_20 = vector.load %arg5[%get3A_18, %get3A_19] : memref<256x256xf32, #tpu.memory_space<vmem>>, vector<256x256xf32>
    %dot_general3A_21 = arith.constant dense<0.000000e+00> : vector<2000x256xf32>
    %dot_general3A_22 = tpu.matmul %max3A_17, %get3A_20, %dot_general3A_21 {dimension_numbers = #tpu.dot_dimension_numbers<[1], [0], [0], [1], [0, 0, 1, 1], [], []>, transpose_lhs_hint = false} : vector<2000x256xf32>, vector<256x256xf32>, vector<2000x256xf32> -> vector<2000x256xf32>
    %get3A_23 = arith.constant 0 : index
    %get3A_24 = vector.load %arg6[%get3A_23] : memref<256xf32, #tpu.memory_space<vmem>>, vector<256xf32>
    %broadcast_in_dim3A_25 = vector.shape_cast %get3A_24 : vector<256xf32> to vector<1x256xf32>
    %add3A_26 = vector.broadcast %broadcast_in_dim3A_25 : vector<1x256xf32> to vector<2000x256xf32>
    %add3A_27 = arith.addf %dot_general3A_22, %add3A_26 : vector<2000x256xf32>
    %slice3A_28 = vector.extract_strided_slice %add3A_27 {offsets = [0, 0], sizes = [2000, 128], strides = [1, 1]} : vector<2000x256xf32> to vector<2000x128xf32>
    %swap3A = arith.constant 0 : index
    %swap3A_29 = arith.constant 0 : index
    %swap3A_30 = vector.load %arg7[%swap3A, %swap3A_29] : memref<2000x128xf32, #tpu.memory_space<vmem>>, vector<2000x128xf32>
    tpu.vector_store %arg7[%swap3A, %swap3A_29], %slice3A_28 {strides = array<i32>} : memref<2000x128xf32, #tpu.memory_space<vmem>>, vector<2000x128xf32>,
    %slice3A_31 = vector.extract_strided_slice %add3A_27 {offsets = [0, 128], sizes = [2000, 128], strides = [1, 1]} : vector<2000x256xf32> to vector<2000x128xf32>
    %swap3A_32 = arith.constant 0 : index
    %swap3A_33 = arith.constant 0 : index
    %swap3A_34 = vector.load %arg8[%swap3A_32, %swap3A_33] : memref<2000x128xf32, #tpu.memory_space<vmem>>, vector<2000x128xf32>
    tpu.vector_store %arg8[%swap3A_32, %swap3A_33], %slice3A_31 {strides = array<i32>} : memref<2000x128xf32, #tpu.memory_space<vmem>>, vector<2000x128xf32>,
    return
  }
  func.func @transform_0(%arg0: i32) -> (i32, i32) {
    %c0_i32 = arith.constant 0 : i32
    %c0_i32_0 = arith.constant 0 : i32
    return %arg0, %c0_i32 : i32, i32
  }
  func.func @transform_1(%arg0: i32) -> (i32, i32) {
    %c0_i32 = arith.constant 0 : i32
    %c0_i32_0 = arith.constant 0 : i32
    return %arg0, %c0_i32 : i32, i32
  }
  func.func @transform_2(%arg0: i32) -> (i32, i32) {
    %c0_i32 = arith.constant 0 : i32
    %c0_i32_0 = arith.constant 0 : i32
    %c0_i32_1 = arith.constant 0 : i32
    return %c0_i32, %c0_i32_0 : i32, i32
  }
  func.func @transform_3(%arg0: i32) -> i32 {
    %c0_i32 = arith.constant 0 : i32
    %c0_i32_0 = arith.constant 0 : i32
    return %c0_i32 : i32
  }
  func.func @transform_4(%arg0: i32) -> (i32, i32) {
    %c0_i32 = arith.constant 0 : i32
    %c0_i32_0 = arith.constant 0 : i32
    %c0_i32_1 = arith.constant 0 : i32
    return %c0_i32, %c0_i32_0 : i32, i32
  }
  func.func @transform_5(%arg0: i32) -> i32 {
    %c0_i32 = arith.constant 0 : i32
    %c0_i32_0 = arith.constant 0 : i32
    return %c0_i32 : i32
  }
  func.func @transform_6(%arg0: i32) -> (i32, i32) {
    %c0_i32 = arith.constant 0 : i32
    %c0_i32_0 = arith.constant 0 : i32
    return %arg0, %c0_i32 : i32, i32
  }
  func.func @transform_7(%arg0: i32) -> (i32, i32) {
    %c0_i32 = arith.constant 0 : i32
    %c0_i32_0 = arith.constant 0 : i32
    return %arg0, %c0_i32 : i32, i32
  }
}

module attributes {stable_mosaic.version = 14 : i64} {
  func.func @_final_body(%arg0: i32, %arg1: memref<2000x128xf32, #tpu.memory_space<vmem>>, %arg2: memref<2000x128xf32, #tpu.memory_space<vmem>>, %arg3: memref<256x256xf32, #tpu.memory_space<vmem>>, %arg4: memref<256xf32, #tpu.memory_space<vmem>>, %arg5: memref<256x256xf32, #tpu.memory_space<vmem>>, %arg6: memref<256xf32, #tpu.memory_space<vmem>>, %arg7: memref<1x1x2000xi32, #tpu.memory_space<vmem>>, %arg8: memref<256x256xf32, #tpu.memory_space<vmem>>, %arg9: memref<256xf32, #tpu.memory_space<vmem>>, %arg10: memref<256x10xf32, #tpu.memory_space<vmem>>, %arg11: memref<10xf32, #tpu.memory_space<vmem>>, %arg12: memref<64x10xf32, #tpu.memory_space<vmem>>, %arg13: memref<64x256xf32, #tpu.memory_space<vmem>>) attributes {dimension_semantics = [#tpu.dimension_semantics<arbitrary>], iteration_bounds = array<i64: 5>, scalar_prefetch = 0 : i64, scratch_operands = 1 : i64, tpu.core_type = #tpu.core_type<tc>, window_params = [{transform_indices = @transform_0, window_bounds = array<i64: 2000, 128>}, {transform_indices = @transform_1, window_bounds = array<i64: 2000, 128>}, {pipeline_mode = #tpu.pipeline_mode<synchronous>, transform_indices = @transform_2, window_bounds = array<i64: 256, 256>}, {pipeline_mode = #tpu.pipeline_mode<synchronous>, transform_indices = @transform_3, window_bounds = array<i64: 256>}, {pipeline_mode = #tpu.pipeline_mode<synchronous>, transform_indices = @transform_4, window_bounds = array<i64: 256, 256>}, {pipeline_mode = #tpu.pipeline_mode<synchronous>, transform_indices = @transform_5, window_bounds = array<i64: 256>}, {transform_indices = @transform_6, window_bounds = array<i64: 1, 1, 2000>}, {pipeline_mode = #tpu.pipeline_mode<synchronous>, transform_indices = @transform_7, window_bounds = array<i64: 256, 256>}, {pipeline_mode = #tpu.pipeline_mode<synchronous>, transform_indices = @transform_8, window_bounds = array<i64: 256>}, {pipeline_mode = #tpu.pipeline_mode<synchronous>, transform_indices = @transform_9, window_bounds = array<i64: 256, 10>}, {pipeline_mode = #tpu.pipeline_mode<synchronous>, transform_indices = @transform_10, window_bounds = array<i64: 10>}, {pipeline_mode = #tpu.pipeline_mode<synchronous>, transform_indices = @transform_11, window_bounds = array<i64: 64, 10>}]} {
    %get3A = arith.constant 0 : index
    %get3A_0 = arith.constant 0 : index
    %get3A_1 = vector.load %arg3[%get3A, %get3A_0] : memref<256x256xf32, #tpu.memory_space<vmem>>, vector<256x256xf32>
    %get3A_2 = arith.constant 0 : index
    %get3A_3 = arith.constant 0 : index
    %get3A_4 = vector.load %arg1[%get3A_2, %get3A_3] : memref<2000x128xf32, #tpu.memory_space<vmem>>, vector<2000x128xf32>
    %slice3A = vector.extract_strided_slice %get3A_1 {offsets = [0, 0], sizes = [128, 256], strides = [1, 1]} : vector<256x256xf32> to vector<128x256xf32>
    %dot_general3A = arith.constant dense<0.000000e+00> : vector<2000x256xf32>
    %dot_general3A_5 = tpu.matmul %get3A_4, %slice3A, %dot_general3A {dimension_numbers = #tpu.dot_dimension_numbers<[1], [0], [0], [1], [0, 0, 1, 1], [], []>, transpose_lhs_hint = false} : vector<2000x128xf32>, vector<128x256xf32>, vector<2000x256xf32> -> vector<2000x256xf32>
    %get3A_6 = arith.constant 0 : index
    %get3A_7 = arith.constant 0 : index
    %get3A_8 = vector.load %arg2[%get3A_6, %get3A_7] : memref<2000x128xf32, #tpu.memory_space<vmem>>, vector<2000x128xf32>
    %slice3A_9 = vector.extract_strided_slice %get3A_1 {offsets = [128, 0], sizes = [128, 256], strides = [1, 1]} : vector<256x256xf32> to vector<128x256xf32>
    %dot_general3A_10 = arith.constant dense<0.000000e+00> : vector<2000x256xf32>
    %dot_general3A_11 = tpu.matmul %get3A_8, %slice3A_9, %dot_general3A_10 {dimension_numbers = #tpu.dot_dimension_numbers<[1], [0], [0], [1], [0, 0, 1, 1], [], []>, transpose_lhs_hint = false} : vector<2000x128xf32>, vector<128x256xf32>, vector<2000x256xf32> -> vector<2000x256xf32>
    %add3A = arith.addf %dot_general3A_5, %dot_general3A_11 : vector<2000x256xf32>
    %get3A_12 = arith.constant 0 : index
    %get3A_13 = vector.load %arg4[%get3A_12] : memref<256xf32, #tpu.memory_space<vmem>>, vector<256xf32>
    %broadcast_in_dim3A = vector.shape_cast %get3A_13 : vector<256xf32> to vector<1x256xf32>
    %add3A_14 = vector.broadcast %broadcast_in_dim3A : vector<1x256xf32> to vector<2000x256xf32>
    %add3A_15 = arith.addf %add3A, %add3A_14 : vector<2000x256xf32>
    %max3A = arith.constant 0.000000e+00 : f32
    %max3A_16 = vector.broadcast %max3A : f32 to vector<2000x256xf32>
    %max3A_17 = arith.maximumf %add3A_15, %max3A_16 : vector<2000x256xf32>
    %get3A_18 = arith.constant 0 : index
    %get3A_19 = arith.constant 0 : index
    %get3A_20 = vector.load %arg5[%get3A_18, %get3A_19] : memref<256x256xf32, #tpu.memory_space<vmem>>, vector<256x256xf32>
    %dot_general3A_21 = arith.constant dense<0.000000e+00> : vector<2000x256xf32>
    %dot_general3A_22 = tpu.matmul %max3A_17, %get3A_20, %dot_general3A_21 {dimension_numbers = #tpu.dot_dimension_numbers<[1], [0], [0], [1], [0, 0, 1, 1], [], []>, transpose_lhs_hint = false} : vector<2000x256xf32>, vector<256x256xf32>, vector<2000x256xf32> -> vector<2000x256xf32>
    %get3A_23 = arith.constant 0 : index
    %get3A_24 = vector.load %arg6[%get3A_23] : memref<256xf32, #tpu.memory_space<vmem>>, vector<256xf32>
    %broadcast_in_dim3A_25 = vector.shape_cast %get3A_24 : vector<256xf32> to vector<1x256xf32>
    %add3A_26 = vector.broadcast %broadcast_in_dim3A_25 : vector<1x256xf32> to vector<2000x256xf32>
    %add3A_27 = arith.addf %dot_general3A_22, %add3A_26 : vector<2000x256xf32>
    %get3A_28 = arith.constant 0 : index
    %get3A_29 = arith.constant 0 : index
    %get3A_30 = arith.constant 0 : index
    %get3A_31 = vector.load %arg7[%get3A_28, %get3A_29, %get3A_30] : memref<1x1x2000xi32, #tpu.memory_space<vmem>>, vector<1x1x2000xi32>
    %get3A_32 = vector.shape_cast %get3A_31 : vector<1x1x2000xi32> to vector<2000xi32>
    %iota3A = tpu.iota {dimensions = array<i32: 0>} : vector<64x2000xi32>
    %broadcast_in_dim3A_33 = vector.shape_cast %get3A_32 : vector<2000xi32> to vector<1x2000xi32>
    %eq3A = vector.broadcast %broadcast_in_dim3A_33 : vector<1x2000xi32> to vector<64x2000xi32>
    %eq3A_34 = arith.cmpi eq, %eq3A, %iota3A : vector<64x2000xi32>
    %convert_element_type3A = arith.extui %eq3A_34 : vector<64x2000xi1> to vector<64x2000xi32>
    %convert_element_type3A_35 = arith.sitofp %convert_element_type3A : vector<64x2000xi32> to vector<64x2000xf32>
    %dot_general3A_36 = arith.constant dense<0.000000e+00> : vector<64x256xf32>
    %dot_general3A_37 = tpu.matmul %convert_element_type3A_35, %add3A_27, %dot_general3A_36 {dimension_numbers = #tpu.dot_dimension_numbers<[1], [0], [0], [1], [0, 0, 1, 1], [], []>, transpose_lhs_hint = false} : vector<64x2000xf32>, vector<2000x256xf32>, vector<64x256xf32> -> vector<64x256xf32>
    %eq3A_38 = arith.constant 0 : i32
    %eq3A_39 = arith.cmpi eq, %arg0, %eq3A_38 : i32
    %convert_element_type3A_40 = arith.extui %eq3A_39 : i1 to i32
    %cond3A = arith.constant 0 : i32
    %cond3A_41 = arith.cmpi ne, %convert_element_type3A_40, %cond3A : i32
    scf.if %cond3A_41 {
      %swap3A = arith.constant 0 : index
      %swap3A_51 = arith.constant 0 : index
      %swap3A_52 = vector.load %arg13[%swap3A, %swap3A_51] : memref<64x256xf32, #tpu.memory_space<vmem>>, vector<64x256xf32>
      tpu.vector_store %arg13[%swap3A, %swap3A_51], %dot_general3A_37 {strides = array<i32>} : memref<64x256xf32, #tpu.memory_space<vmem>>, vector<64x256xf32>,
    } else {
    }
    %gt3A = arith.constant 0 : i32
    %gt3A_42 = arith.cmpi sgt, %arg0, %gt3A : i32
    %convert_element_type3A_43 = arith.extui %gt3A_42 : i1 to i32
    %cond3A_44 = arith.constant 0 : i32
    %cond3A_45 = arith.cmpi ne, %convert_element_type3A_43, %cond3A_44 : i32
    scf.if %cond3A_45 {
      %get3A_51 = arith.constant 0 : index
      %get3A_52 = arith.constant 0 : index
      %get3A_53 = vector.load %arg13[%get3A_51, %get3A_52] : memref<64x256xf32, #tpu.memory_space<vmem>>, vector<64x256xf32>
      %add3A_54 = arith.addf %get3A_53, %dot_general3A_37 : vector<64x256xf32>
      %swap3A = arith.constant 0 : index
      %swap3A_55 = arith.constant 0 : index
      %swap3A_56 = vector.load %arg13[%swap3A, %swap3A_55] : memref<64x256xf32, #tpu.memory_space<vmem>>, vector<64x256xf32>
      tpu.vector_store %arg13[%swap3A, %swap3A_55], %add3A_54 {strides = array<i32>} : memref<64x256xf32, #tpu.memory_space<vmem>>, vector<64x256xf32>,
    } else {
    }
    %eq3A_46 = arith.constant 4 : i32
    %eq3A_47 = arith.cmpi eq, %arg0, %eq3A_46 : i32
    %convert_element_type3A_48 = arith.extui %eq3A_47 : i1 to i32
    %cond3A_49 = arith.constant 0 : i32
    %cond3A_50 = arith.cmpi ne, %convert_element_type3A_48, %cond3A_49 : i32
    scf.if %cond3A_50 {
      %get3A_51 = arith.constant 0 : index
      %get3A_52 = arith.constant 0 : index
      %get3A_53 = vector.load %arg13[%get3A_51, %get3A_52] : memref<64x256xf32, #tpu.memory_space<vmem>>, vector<64x256xf32>
      %get3A_54 = arith.constant 0 : index
      %get3A_55 = arith.constant 0 : index
      %get3A_56 = vector.load %arg8[%get3A_54, %get3A_55] : memref<256x256xf32, #tpu.memory_space<vmem>>, vector<256x256xf32>
      %dot_general3A_57 = arith.constant dense<0.000000e+00> : vector<64x256xf32>
      %dot_general3A_58 = tpu.matmul %get3A_53, %get3A_56, %dot_general3A_57 {dimension_numbers = #tpu.dot_dimension_numbers<[1], [0], [0], [1], [0, 0, 1, 1], [], []>, transpose_lhs_hint = false} : vector<64x256xf32>, vector<256x256xf32>, vector<64x256xf32> -> vector<64x256xf32>
      %get3A_59 = arith.constant 0 : index
      %get3A_60 = vector.load %arg9[%get3A_59] : memref<256xf32, #tpu.memory_space<vmem>>, vector<256xf32>
      %broadcast_in_dim3A_61 = vector.shape_cast %get3A_60 : vector<256xf32> to vector<1x256xf32>
      %add3A_62 = vector.broadcast %broadcast_in_dim3A_61 : vector<1x256xf32> to vector<64x256xf32>
      %add3A_63 = arith.addf %dot_general3A_58, %add3A_62 : vector<64x256xf32>
      %max3A_64 = arith.constant 0.000000e+00 : f32
      %max3A_65 = vector.broadcast %max3A_64 : f32 to vector<64x256xf32>
      %max3A_66 = arith.maximumf %add3A_63, %max3A_65 : vector<64x256xf32>
      %get3A_67 = arith.constant 0 : index
      %get3A_68 = arith.constant 0 : index
      %get3A_69 = vector.load %arg10[%get3A_67, %get3A_68] : memref<256x10xf32, #tpu.memory_space<vmem>>, vector<256x10xf32>
      %dot_general3A_70 = arith.constant dense<0.000000e+00> : vector<64x10xf32>
      %dot_general3A_71 = tpu.matmul %max3A_66, %get3A_69, %dot_general3A_70 {dimension_numbers = #tpu.dot_dimension_numbers<[1], [0], [0], [1], [0, 0, 1, 1], [], []>, transpose_lhs_hint = false} : vector<64x256xf32>, vector<256x10xf32>, vector<64x10xf32> -> vector<64x10xf32>
      %get3A_72 = arith.constant 0 : index
      %get3A_73 = vector.load %arg11[%get3A_72] : memref<10xf32, #tpu.memory_space<vmem>>, vector<10xf32>
      %broadcast_in_dim3A_74 = vector.shape_cast %get3A_73 : vector<10xf32> to vector<1x10xf32>
      %add3A_75 = vector.broadcast %broadcast_in_dim3A_74 : vector<1x10xf32> to vector<64x10xf32>
      %add3A_76 = arith.addf %dot_general3A_71, %add3A_75 : vector<64x10xf32>
      %swap3A = arith.constant 0 : index
      %swap3A_77 = arith.constant 0 : index
      %swap3A_78 = vector.load %arg12[%swap3A, %swap3A_77] : memref<64x10xf32, #tpu.memory_space<vmem>>, vector<64x10xf32>
      tpu.vector_store %arg12[%swap3A, %swap3A_77], %add3A_76 {strides = array<i32>} : memref<64x10xf32, #tpu.memory_space<vmem>>, vector<64x10xf32>,
    } else {
    }
    return
  }
  func.func @transform_0(%arg0: i32) -> (i32, i32) {
    %c0_i32 = arith.constant 0 : i32
    %c0_i32_0 = arith.constant 0 : i32
    return %arg0, %c0_i32 : i32, i32
  }
  func.func @transform_1(%arg0: i32) -> (i32, i32) {
    %c0_i32 = arith.constant 0 : i32
    %c0_i32_0 = arith.constant 0 : i32
    return %arg0, %c0_i32 : i32, i32
  }
  func.func @transform_2(%arg0: i32) -> (i32, i32) {
    %c0_i32 = arith.constant 0 : i32
    %c0_i32_0 = arith.constant 0 : i32
    %c0_i32_1 = arith.constant 0 : i32
    return %c0_i32, %c0_i32_0 : i32, i32
  }
  func.func @transform_3(%arg0: i32) -> i32 {
    %c0_i32 = arith.constant 0 : i32
    %c0_i32_0 = arith.constant 0 : i32
    return %c0_i32 : i32
  }
  func.func @transform_4(%arg0: i32) -> (i32, i32) {
    %c0_i32 = arith.constant 0 : i32
    %c0_i32_0 = arith.constant 0 : i32
    %c0_i32_1 = arith.constant 0 : i32
    return %c0_i32, %c0_i32_0 : i32, i32
  }
  func.func @transform_5(%arg0: i32) -> i32 {
    %c0_i32 = arith.constant 0 : i32
    %c0_i32_0 = arith.constant 0 : i32
    return %c0_i32 : i32
  }
  func.func @transform_6(%arg0: i32) -> (i32, i32, i32) {
    %c0_i32 = arith.constant 0 : i32
    %c0_i32_0 = arith.constant 0 : i32
    %c0_i32_1 = arith.constant 0 : i32
    return %arg0, %c0_i32, %c0_i32_0 : i32, i32, i32
  }
  func.func @transform_7(%arg0: i32) -> (i32, i32) {
    %c0_i32 = arith.constant 0 : i32
    %c0_i32_0 = arith.constant 0 : i32
    %c0_i32_1 = arith.constant 0 : i32
    return %c0_i32, %c0_i32_0 : i32, i32
  }
  func.func @transform_8(%arg0: i32) -> i32 {
    %c0_i32 = arith.constant 0 : i32
    %c0_i32_0 = arith.constant 0 : i32
    return %c0_i32 : i32
  }
  func.func @transform_9(%arg0: i32) -> (i32, i32) {
    %c0_i32 = arith.constant 0 : i32
    %c0_i32_0 = arith.constant 0 : i32
    %c0_i32_1 = arith.constant 0 : i32
    return %c0_i32, %c0_i32_0 : i32, i32
  }
  func.func @transform_10(%arg0: i32) -> i32 {
    %c0_i32 = arith.constant 0 : i32
    %c0_i32_0 = arith.constant 0 : i32
    return %c0_i32 : i32
  }
  func.func @transform_11(%arg0: i32) -> (i32, i32) {
    %c0_i32 = arith.constant 0 : i32
    %c0_i32_0 = arith.constant 0 : i32
    %c0_i32_1 = arith.constant 0 : i32
    return %c0_i32, %c0_i32_0 : i32, i32
  }
}

</mosaic_0001>

<sc_bundles>
// kernel: kernel.10.cloned.1.call-start
scs
__scs_entry_jumppad:
0x0: {  	(pc) =	sbr.rel $0x88, $3  }
0x1: {  	(tag) =	ssettag $0x0;
	lr =	simm.s32 $0x1  }
0x2: {  	[smem:$0x3F8E] =	sst lr;
	_ =	strace $0xD0000000  }
0x3: {  	_ = 	snop  }
0x4: {  	_ = 	snop  }
0x5: {  	_ = 	snop  }
0x6: {  	_ = 	snop  }
0x7: {  	_ = 	snop  }
__scs_overlays_trampoline_lowered:
0x8: {  	[smem:$0x3F9D] =	sst s0  }
0x9: {  	[smem:$0x3F9E] =	sst s1  }
0xa: {  	[smem:$0x3F9F] =	sst s2  }
0xb: {  	[smem:$0x3FA0] =	sst s3  }
0xc: {  	[smem:$0x3FA1] =	sst s4  }
0xd: {  	[smem:$0x3FA2] =	sst s5  }
0xe: {  	[smem:$0x3FA3] =	sst s6  }
0xf: {  	[smem:$0x3FA4] =	sst s7  }
0x10: {  	[smem:$0x3FA5] =	sst s8  }
0x11: {  	[smem:$0x3FA6] =	sst s9;
	s0 =	simm.s32 @!p0 $0x0  }
0x12: {  	s1 =	sld [smem:$0x3F8C];
	s0 =	simm.s32 @p0 $0x1  }
0x13: {  	[smem:$0x3FA7] =	sst s0;
	s0 =	simm.s32 @!p1 $0x0  }
0x14: {  	s2 =	sld [smem:$0x3F8B];
	s0 =	simm.s32 @p1 $0x1  }
0x15: {  	[smem:$0x3FA8] =	sst s0;
	s0 =	simm.s32 @!p2 $0x0  }
0x16: {  	s3 =	sld [smem:$0x3FDB];
	s0 =	simm.s32 @p2 $0x1  }
0x17: {  	s4 =	simm.s32 $0x1BF5;
	[smem:$0x3FAA] =	sst s0  }
0x18: {  	s0 =	sld [smem:$0x3F8D];
	_ =	swait.ge [sflag:s4], $0x0  }
0x19: {  	s7 =	sld [smem:$0x3F8E]  }
0x1a: {  	s8 =	sadd.s32 $0xFFFFE003, lr  }
0x1b: {  	s9 =	sadd.s32 $0xFFFFFEF7, lr;
	s5 =	simm.s32 $0xFFFFFFFF;
	p2 =	slt.u32 s8, $0xFFFFF086  }
0x1c: {  	p1 =	slt.u32 s9, $0xF7A;
	s5 =	simm.s32 @!p2 $0x0  }
0x1d: {  	s5 =	simm.s32 @p1 $0x1;
	p0 =	seq.s32 s7, s2  }
0x1e: {  	s7 =	smul.u32 @!p0 $0xF7A, s2;
	p2 =	seq.s32 @!p0 s5, $0x0  }
0x1f: {  	s9 =	smul.u32 $0xF7A, s1;
	s8 =	simm.s32 @!p0 $0x1BF5;
	p2 =	por !p2, p0  }
0x20: {  	[sflag:s8] =	ssyncset.s32 @!p0 $0xFFFFF086;
	s6 =	sadd.s32 @!p0 s3, s7;
	s7 =	simm.s32 @!p0 $0x108  }
0x21: {  	s3 =	sadd.s32 s3, s9;
	s6 =	sadd.s32 @!p0 $0x88, s6;
	s7 =	simm.s32 @p2 $0x1082  }
0x22: {  	[simem:s7], [sflag:s8] =	dma.local @!p0 [hbm:s6], $0xF7A  }
0x23: {  	s9 =	sor.u32 $0xD0000000, s2;
	s6 =	simm.s32 $0x108;
	_ =	swait.ge @!p0 [sflag:s8], $0x0  }
0x24: {  	s3 =	sadd.s32 $0x88, s3;
	s6 =	simm.s32 @!p1 $0x1082;
	[sflag:s4] =	ssyncset.s32 $0xFFFFF086  }
0x25: {  	[simem:s6], [sflag:s4] =	dma.local [hbm:s3], $0xF7A  }
0x26: {  	[smem:$0x3F8E] =	sst s1;
	(tag) =	ssettag s2;
	_ =	strace s9  }
0x27: {  	s1 =	sld [smem:$0x3F9E]  }
0x28: {  	s2 =	sld [smem:$0x3F9F]  }
0x29: {  	s4 =	sld [smem:$0x3FA1]  }
0x2a: {  	p0 =	seq.s32 s5, $0x0;
	s5 =	sld [smem:$0x3FA2]  }
0x2b: {  	s6 =	sld [smem:$0x3FA3]  }
0x2c: {  	s7 =	sld [smem:$0x3FA4]  }
0x2d: {  	s3 =	simm.s32 $0x108;
	s8 =	sld [smem:$0x3FA5]  }
0x2e: {  	s3 =	simm.s32 @!p0 $0x1082;
	s9 =	sld [smem:$0x3FA6]  }
0x2f: {  	lr =	sadd.s32 s0, s3;
	s0 =	sld [smem:$0x3F9D]  }
0x30: {  	s3 =	sld [smem:$0x3FA0]  }
0x31: {  	[smem:$0x3FA9] =	sst s10  }
0x32: {  	s10 =	sld [smem:$0x3FA7];
	_ =	sdelay $0x3  }
0x33: {  	p0 =	seq.s32 s10, $0x1;
	s10 =	sld [smem:$0x3FA9];
	_ =	sdelay $0x3  }
0x34: {  	[smem:$0x3FA9] =	sst s10  }
0x35: {  	s10 =	sld [smem:$0x3FA8];
	_ =	sdelay $0x3  }
0x36: {  	p1 =	seq.s32 s10, $0x1;
	s10 =	sld [smem:$0x3FA9];
	_ =	sdelay $0x3  }
0x37: {  	[smem:$0x3FA9] =	sst s10  }
0x38: {  	s10 =	sld [smem:$0x3FAA]  }
0x39: {  	_ = 	snop;
	(pc) =	sbr.ind lr, $3  }
0x3a: {  	_ = 	snop  }
0x3b: {  	_ = 	snop  }
0x3c: {  	p2 =	seq.s32 s10, $0x1;
	s10 =	sld [smem:$0x3FA9]  }
0x3d: {  	_ =	shalt  }
0x3e: {  	_ =	shalt  }
0x3f: {  	_ =	shalt  }
0x40: {  	_ =	shalt  }
0x41: {  	_ =	shalt  }
0x42: {  	_ =	shalt  }
0x43: {  	_ =	shalt  }
0x44: {  	_ =	shalt  }
0x45: {  	_ =	shalt  }
0x46: {  	_ =	shalt  }
0x47: {  	_ =	shalt  }
0x48: {  	_ =	shalt  }
0x49: {  	_ =	shalt  }
0x4a: {  	_ =	shalt  }
0x4b: {  	_ =	shalt  }
0x4c: {  	_ =	shalt  }
0x4d: {  	_ =	shalt  }
0x4e: {  	_ =	shalt  }
0x4f: {  	_ =	shalt  }
0x50: {  	_ =	shalt  }
0x51: {  	_ =	shalt  }
0x52: {  	_ =	shalt  }
0x53: {  	_ =	shalt  }
0x54: {  	_ =	shalt  }
0x55: {  	_ =	shalt  }
0x56: {  	_ =	shalt  }
0x57: {  	_ =	shalt  }
0x58: {  	_ =	shalt  }
0x59: {  	_ =	shalt  }
0x5a: {  	_ =	shalt  }
0x5b: {  	_ =	shalt  }
0x5c: {  	_ =	shalt  }
0x5d: {  	_ =	shalt  }
0x5e: {  	_ =	shalt  }
0x5f: {  	_ =	shalt  }
0x60: {  	_ =	shalt  }
0x61: {  	_ =	shalt  }
0x62: {  	_ =	shalt  }
0x63: {  	_ =	shalt  }
0x64: {  	_ =	shalt  }
0x65: {  	_ =	shalt  }
0x66: {  	_ =	shalt  }
0x67: {  	_ =	shalt  }
0x68: {  	_ =	shalt  }
0x69: {  	_ =	shalt  }
0x6a: {  	_ =	shalt  }
0x6b: {  	_ =	shalt  }
0x6c: {  	_ =	shalt  }
0x6d: {  	_ =	shalt  }
0x6e: {  	_ =	shalt  }
0x6f: {  	_ =	shalt  }
0x70: {  	_ =	shalt  }
0x71: {  	_ =	shalt  }
0x72: {  	_ =	shalt  }
0x73: {  	_ =	shalt  }
0x74: {  	_ =	shalt  }
0x75: {  	_ =	shalt  }
0x76: {  	_ =	shalt  }
0x77: {  	_ =	shalt  }
0x78: {  	_ =	shalt  }
0x79: {  	_ =	shalt  }
0x7a: {  	_ =	shalt  }
0x7b: {  	_ =	shalt  }
0x7c: {  	_ =	shalt  }
0x7d: {  	_ =	shalt  }
0x7e: {  	_ =	shalt  }
0x7f: {  	_ =	shalt  }
0x80: {  	_ =	shalt  }
0x81: {  	_ =	shalt  }
0x82: {  	_ =	shalt  }
0x83: {  	_ =	shalt  }
0x84: {  	_ =	shalt  }
0x85: {  	_ =	shalt  }
0x86: {  	_ =	shalt  }
0x87: {  	_ =	shalt  }
.Lfunc_end0:
.L_simem_size_0:
called_computation.1_lowered:
.L_overlay_start_0:
0x88: {  	s2 =	sld [smem:$0x3FD9]  }
0x89: {  	s3 =	sld [smem:$0x3FFE];
	_ =	sdelay $0x1  }
0x8a: {  	s1 =	srdreg.scid  }
0x8b: {  	s0 =	sand.u32 $0x1, s1  }
0x8c: {  	s16 =	sshll.u32 s0, $0xA;
	s2 =	sadd.s32 s3, s2  }
0x8d: {  	s2 =	sadd.s32 s2, s16  }
0x8e: {  	[smem:$0x3FB5] =	sst s2  }
0x8f: {  	_ = 	snop  }
0x90: {  	(tm) =	ssettm $0x1  }
0x91: {  	s17 =	sld [smem:$0x3FFB];
	_ =	sdelay $0x3  }
0x92: {  	_ =	strace s17  }
0x93: {  	s2 =	sld [smem:$0x3FFC];
	_ =	sdelay $0x3  }
0x94: {  	_ =	strace s2  }
0x95: {  	s2 =	sld [smem:$0x3FFD];
	_ =	sdelay $0x3  }
0x96: {  	_ =	strace s2  }
0x97: {  	_ =	strace $0x8FFFFFFF  }
0x98: {  	s18 =	sld [smem:$0x3FDB];
	_ =	sdelay $0x1  }
0x99: {  	s19 =	simm.s32 $_scs_section_size  }
0x9a: {  	s4 =	simm.s32 $_size__tile_overlayer_lowered;
	s5 =	simm.s32 $_tile_overlayer_lowered  }
0x9b: {  	s22 =	simm.s32 $0x1BFF;
	s21 =	sshll.u32 s5, $0x1;
	s2 =	sadd.s32 s19, s18  }
0x9c: {  	s6 =	simm.s32 $0x0;
	s20 =	sshll.u32 s4, $0x1;
	s4 =	sadd.s32 s21, s2  }
0x9d: {  	[timem:s6], [sflag:s22] =	dma.local [hbm:s4], s20  }
0x9e: {  	_ =	swait.ge [sflag:s22], s20  }
0x9f: {  	s3 =	ssub.s32 $0x0, s20;
	[sflag:s22] =	ssyncset.done $0x0  }
0xa0: {  	[sflag:s22] =	ssyncadd.s32 s3;
	_ =	sdelay $0x1  }
0xa1: {  	s23 =	simm.s32 $0x1B8B  }
0xa2: {  	_ =	swait.ge [sflag:s23], $0x1  }
0xa3: {  	[sflag:s23] =	ssyncset.done $0x0  }
0xa4: {  	s25 =	simm.s32 $0x1B8E;
	s24 =	sld [smem:$0x3FFE];
	[sflag:s23] =	ssyncadd.s32 $0xFFFFFFFF  }
0xa5: {  	s26 =	simm.s32 $execute0_lowered;
	[smem:$0x3FD2] =	sst s25  }
0xa6: {  	s4 =	sshll.u32 s26, $0x1;
	_ =	strace $0x80000049;
	[dreg:$0x1] =	wrdreg $0xFFFFFFFF  }
0xa7: {  	s28 =	simm.s32 $_size_execute0_lowered;
	s2 =	sadd.s32 s2, s4;
	[dreg:$0x0] =	wrdreg $0x0  }
0xa8: {  	s4 =	sshll.u32 s28, $0x1;
	[dreg:$0x2] =	wrdreg s2  }
0xa9: {  	[dreg:$0x3] =	wrdreg s4  }
0xaa: {  	[dreg:$0x4] =	wrdreg $0xC0  }
0xab: {  	_ =	task [dreg:s6], $0x5FFFF  }
0xac: {  	[dreg:$0x1] =	wrdreg $0xFFFFFFFF  }
0xad: {  	[dreg:$0x0] =	wrdreg $0x60  }
0xae: {  	[dreg:$0x2] =	wrdreg s24  }
0xaf: {  	[dreg:$0x3] =	wrdreg $0x0  }
0xb0: {  	[dreg:$0x4] =	wrdreg $0x9  }
0xb1: {  	_ =	task.clear_ibuf [dreg:s6], $0x5FFFF;
	_ =	strace $0x90000049  }
0xb2: {  	s29 =	simm.s32 $0x9;
	_ =	strace $0x8000004B  }
0xb3: {  	_ =	swait.ge [sflag:s29], $0x1  }
0xb4: {  	[sflag:s29] =	ssyncadd.s32 $0xFFFFFFFF  }
0xb5: {  	_ =	strace $0x9000004B  }
0xb6: {  	_ =	sfence  }
0xb7: {  	s30 =	sld [smem:$0x0];
	_ =	sdelay $0x2  }
0xb8: {  	s31 =	sshll.u32 s1, $0xD;
	s1 =	sshrl.u32 s1, $0x2  }
0xb9: {  	s3 =	sand.u32 $0x4000, s31;
	s1 =	sadd.s32 s1, s30  }
0xba: {  	s0 =	sor.u32 s3, s0;
	s1 =	sshll.u32 s1, $0x11  }
0xbb: {  	s0 =	sor.u32 s1, s0  }
0xbc: {  	s0 =	sadd.s32 $0x8F2B, s0  }
0xbd: {  	[sflag:s0] =	ssyncadd.remote.s32 $0x1  }
0xbe: {  	_ =	sfence.sel $0xFFFF  }
0xbf: {  	[dreg:$0x0] =	wrdreg $0xFFFFFFFF;
	(pc) =	sbr.abs _section_cstart, $3  }
0xc0: {  	[dreg:$0x1] =	wrdreg $0xFFFFFFFF  }
0xc1: {  	_ =	task.clear_ibuf [dreg:s6], $0x2FFFF;
	_ =	strace $0x9FFFFFFF  }
0xc2: {  	(tm) =	ssettm $0x7FFFFFFF  }
0xc3: {  	_ =	shalt  }
tec
execute0_lowered:
.L_overlay_start_1:
0x0: {  	(tag) =	ssettag $0x1  }
0x1: {  	s0 =	rddreg [dreg:$0x0]  }
0x2: {  	s1 =	rddreg [dreg:$0x1]  }
0x3: {  	s3 =	simm.s32 $0x0;
	s15 =	stileid.u32;
	s2 =	srdreg.scid  }
0x4: {  	s28 =	simm.s32 $0x8;
	s29 =	simm.s32 $0x13;
	s30 =	simm.s32 $0x5  }
0x5: {  	[smem:$0x7FF] =	sst s3;
	s4 =	sadd.s32 $0x17C00, s0;
	s5 =	smul.u32 $0x4E20, s15  }
0x6: {  	s13 =	sand.u32 $0x1, s2;
	s6 =	sadd.s32 $0x3EE00, s0;
	s20 =	smul.u32 $0x2780, s15  }
0x7: {  	s8 =	sadd.s32 $0xDE00, s0;
	p1 =	sne.s32 s15, $0xF;
	p3 =	seq.s32 s15, $0xF  }
0x8: {  	s21 =	smul.u32 $0x4F000, s15;
	s16 =	sadd.s32 $0x128400, s1;
	s22 =	sadd.s32 $0x3CC80, s0  }
0x9: {  	s25 =	sadd.s32 $0x63E80, s0;
	_ =	strace $0x8000004A;
	[dreg:$0x6] =	wrdreg s22  }
0xa: {  	s19 =	smul.u32 $0x9C4, s15;
	s7 =	ssub.s32 $0x2, s13;
	[dreg:$0xa] =	wrdreg s25  }
0xb: {  	p0 =	seq.s32 s13, $0x0;
	[dreg:$0x3] =	wrdreg s13;
	p6 =	sne.s32 s13, $0x0  }
0xc: {  	[dreg:$0x5] =	wrdreg s16;
	s9 =	sshrl.u32 s5, $0x3;
	s10 =	sshrl.u32 s7, $0x1  }
0xd: {  	s12 =	sadd.s32 s20, s0;
	p2 =	por !p0, !p1;
	p0 =	por !p0, !p3  }
0xe: {  	s23 =	sadd.s32 s4, s20;
	s24 =	sadd.s32 $0x28, s5;
	s2 =	sadd.s32 s6, s20  }
0xf: {  	s14 =	sadd.s32 $0x78, s5;
	s17 =	sadd.s32 $0xC8, s5;
	s5 =	sadd.s32 $0x118, s5  }
0x10: {  	s11 =	sadd.s32 s9, s0;
	s7 =	ssub.s32 s7, s10;
	[dreg:$0x8] =	wrdreg s23  }
0x11: {  	s10 =	simm.s32 @!p3 $0x0;
	[dreg:$0x9] =	wrdreg s2;
	s22 =	sadd.s32 $0x66000, s12  }
0x12: {  	p4 =	por !p2, !p2;
	s23 =	sadd.s32 $0x8B080, s0;
	[dreg:$0x11] =	wrdreg s22  }
0x13: {  	s26 =	sshrl.u32 s24, $0x3;
	s24 =	sadd.s32 $0x8D200, s12;
	[dreg:$0x12] =	wrdreg s23  }
0x14: {  	p0 =	por !p0, !p0;
	s0 =	sadd.s32 $0xB2280, s0;
	[dreg:$0x13] =	wrdreg s24  }
0x15: {  	s31 =	sadd.s32 s8, s9;
	s10 =	simm.s32 @p3 $0x1;
	[dreg:$0x14] =	wrdreg s0  }
0x16: {  	s11 =	sadd.s32 $0x4000, s11;
	s2 =	sadd.s32 s8, s26;
	[dreg:$0xb] =	wrdreg s31  }
0x17: {  	s9 =	sadd.s32 $0xA, s31;
	s25 =	smax.u32 s7, $0x1;
	[smem:$0x7F9] =	sst s10  }
0x18: {  	s26 =	sadd.s32 $0x14, s31;
	s31 =	sadd.s32 $0x1E, s31;
	[dreg:$0x4] =	wrdreg s11  }
0x19: {  	s7 =	simm.s32 $0x28;
	s23 =	simm.s32 $0x7;
	[dreg:$0xc] =	wrdreg s2  }
0x1a: {  	s0 =	simm.s32 $0x0;
	s24 =	simm.s32 $0x0;
	[dreg:$0xd] =	wrdreg s9  }
0x1b: {  	s11 =	simm.s32 @!p0 $0x0;
	s10 =	sshrl.u32 s21, $0x2;
	[dreg:$0x15] =	wrdreg s25  }
0x1c: {  	s2 =	sshrl.u32 s14, $0x3;
	s9 =	sshrl.u32 s17, $0x3;
	[dreg:$0x16] =	wrdreg s26  }
0x1d: {  	s21 =	sshrl.u32 s5, $0x3;
	[dreg:$0x17] =	wrdreg s31;
	s17 =	simm.s32 $0x6  }
0x1e: {  	s25 =	simm.s32 $0x3;
	s14 =	simm.s32 $0x16080;
	s11 =	simm.s32 @p0 $0x1  }
0x1f: {  	p0 =	seq.s32 s13, $0x1;
	s2 =	sadd.s32 s8, s2;
	[smem:$0x7FA] =	sst s11  }
0x20: {  	s18 =	sadd.s32 s10, s1;
	s20 =	sadd.s32 s8, s9;
	[dreg:$0xe] =	wrdreg s2  }
0x21: {  	s13 =	simm.s32 $0x1;
	s10 =	simm.s32 @!p0 $0x0;
	[dreg:$0xf] =	wrdreg s20  }
0x22: {  	s2 =	sadd.s32 s8, s21;
	s21 =	sadd.s32 s19, s8;
	[dreg:$0x7] =	wrdreg s18  }
.Ltmp0:
0x23: {  	s10 =	simm.s32 @p0 $0x1;
	p0 =	por !p1, !p0;
	(pc) =	sbr.rel .LBB2_1-.Ltmp0, $4  }
0x24: {  	[dreg:$0x10] =	wrdreg s2;
	s2 =	simm.s32 @!p4 $0x0;
	p0 =	por !p0, !p0  }
0x25: {  	[smem:$0x7FB] =	sst s10;
	s2 =	simm.s32 @p4 $0x1;
	s10 =	simm.s32 @!p0 $0x0  }
0x26: {  	s11 =	simm.s32 $0x9;
	[smem:$0x7FD] =	sst s2;
	s10 =	simm.s32 @p0 $0x1  }
0x27: {  	s8 =	simm.s32 $0xA;
	[smem:$0x7FC] =	sst s10;
	s10 =	simm.s32 $0x14  }
.LBB2_9:
0x28: {  	_ =	swait.ge [sflag:s17], $0x1400  }
0x29: {  	[sflag:s17] =	ssyncset.done $0x0  }
0x2a: {  	[sflag:s17] =	ssyncadd.s32 $0xFFFFEC00  }
0x2b: {  	_ =	swait.ge [sflag:s23], $0x1400  }
0x2c: {  	[sflag:s23] =	ssyncset.done $0x0  }
0x2d: {  	[sflag:s23] =	ssyncadd.s32 $0xFFFFEC00  }
0x2e: {  	_ =	swait.ge [sflag:s28], $0x1400  }
0x2f: {  	[sflag:s28] =	ssyncset.done $0x0  }
0x30: {  	[sflag:s28] =	ssyncadd.s32 $0xFFFFEC00  }
0x31: {  	_ =	swait.ge [sflag:s11], $0x1400  }
0x32: {  	[sflag:s11] =	ssyncset.done $0x0  }
0x33: {  	[sflag:s11] =	ssyncadd.s32 $0xFFFFEC00  }
0x34: {  	_ =	swait.ge [sflag:s8], $0x1400  }
0x35: {  	s0 =	sld [smem:$0x7FD]  }
0x36: {  	[sflag:s8] =	ssyncset.done $0x0  }
0x37: {  	[sflag:s8] =	ssyncadd.s32 $0xFFFFEC00  }
0x38: {  	s15 =	stileid.u32;
	[bflag:$0x0] =	sbarrier.arrive $0xFFFF;
	p4 =	seq.s32 s0, $0x1  }
0x39: {  	s18 =	rddreg [dreg:$0x7];
	s2 =	sshll.u32 @p4 s15, $0x6  }
0x3a: {  	s5 =	rddreg [dreg:$0x11];
	s3 =	sshrl.u32 @p4 s18, $0x3;
	s2 =	sor.u32 @p4 $0x1C16, s2  }
0x3b: {  	[hbm:s5], [sflag:s2] =	dma.local @p4 [spmem:s3], $0x2780  }
0x3c: {  	s2 =	simm.s32 @p4 $0x16  }
0x3d: {  	_ =	swait.ge @p4 [sflag:s2], $0x2780  }
0x3e: {  	s22 =	sld [smem:$0x7F8];
	_ =	sdelay $0x2  }
0x3f: {  	s16 =	rddreg [dreg:$0x5];
	p0 =	seq.s32 s22, $0x1  }
0x40: {  	[sflag:s2] =	ssyncset.done @p4 $0x0;
	s5 =	rddreg [dreg:$0x12];
	s3 =	sshll.u32 @p0 s15, $0x6  }
0x41: {  	[sflag:s2] =	ssyncadd.s32 @p4 $0xFFFFD880;
	s2 =	sor.u32 @p0 $0x1C16, s3;
	s3 =	sshrl.u32 @p0 s16, $0x3  }
0x42: {  	[hbm:s5], [sflag:s2] =	dma.local @p0 [spmem:s3], $0x2080  }
0x43: {  	s2 =	simm.s32 @p0 $0x16  }
0x44: {  	_ =	swait.ge @p0 [sflag:s2], $0x2080  }
0x45: {  	s3 =	sshll.u32 @p3 s15, $0x6;
	[sflag:s2] =	ssyncset.done @p0 $0x0;
	s5 =	rddreg [dreg:$0x13]  }
0x46: {  	[sflag:s2] =	ssyncadd.s32 @p0 $0xFFFFDF80;
	s2 =	sor.u32 @p3 $0x1C16, s3;
	s3 =	sshrl.u32 @p3 s18, $0x3  }
0x47: {  	[hbm:s5], [sflag:s2] =	dma.local @p3 [spmem:s3], $0x2780  }
0x48: {  	s2 =	simm.s32 @p3 $0x16  }
0x49: {  	_ =	swait.ge @p3 [sflag:s2], $0x2780  }
0x4a: {  	s3 =	sshll.u32 @p2 s15, $0x6;
	[sflag:s2] =	ssyncset.done @p3 $0x0;
	s5 =	rddreg [dreg:$0x14]  }
0x4b: {  	[sflag:s2] =	ssyncadd.s32 @p3 $0xFFFFD880;
	s2 =	sor.u32 @p2 $0x1C16, s3;
	s3 =	sshrl.u32 @p2 s16, $0x3  }
0x4c: {  	[hbm:s5], [sflag:s2] =	dma.local @p2 [spmem:s3], $0x2080  }
0x4d: {  	s2 =	simm.s32 @p2 $0x16  }
0x4e: {  	_ =	swait.ge @p2 [sflag:s2], $0x2080  }
0x4f: {  	s26 =	rddreg [dreg:$0x18]  }
0x50: {  	s31 =	rddreg [dreg:$0x15];
	s0 =	sadd.s32 $0x1, s26  }
0x51: {  	p0 =	sne.s32 s0, s31  }
.Ltmp1:
0x52: {  	_ = 	snop;
	(pc) =	sbr.rel @!p0 .LBB2_10-.Ltmp1, $3  }
0x53: {  	_ =	sdelay $0x1  }
0x54: {  	[sflag:s2] =	ssyncset.done @p2 $0x0  }
0x55: {  	s3 =	simm.s32 $0x0;
	[sflag:s2] =	ssyncadd.s32 @p2 $0xFFFFDF80  }
.LBB2_1:
.Ltmp2:
0x56: {  	(pc) =	sbr.rel @!p4 .LBB2_4-.Ltmp2, $4  }
0x57: {  	_ = 	snop  }
0x58: {  	s2 =	rddreg [dreg:$0x4]  }
0x59: {  	s5 =	simm.s32 $0x1A180;
	[dreg:$0x18] =	wrdreg s0  }
0x5a: {  	[tilespmem:s5], [sflag:$0x15] =	stream.linear.gather [hbm4b:s2+s3], $0x4E20, $0x38;
	[tilespmem:$0x1F000] =	vst v63  }
.Ltmp3:
0x5b: {  	(pc) =	sbr.rel .LBB2_3-.Ltmp3, $4  }
0x5c: {  	_ = 	snop  }
0x5d: {  	s2 =	sshll.u32 s15, $0x6;
	s5 =	sshrl.u32 s18, $0x3  }
0x5e: {  	s9 =	rddreg [dreg:$0x8];
	p0 =	por $0x0, $0x0;
	s2 =	sor.u32 $0x1C15, s2  }
0x5f: {  	[spmem:s5], [sflag:s2] =	dma.local [hbm:s9], $0x2780  }
.LBB2_4:
0x60: {  	s31 =	sld [smem:$0x7FA];
	_ =	sdelay $0x2  }
0x61: {  	p1 =	seq.s32 s31, $0x1  }
.Ltmp4:
0x62: {  	_ = 	snop;
	(pc) =	sbr.rel @!p1 .LBB2_3-.Ltmp4, $2  }
0x63: {  	s0 =	sld [smem:$0x7F9];
	_ =	sdelay $0x2  }
0x64: {  	p0 =	seq.s32 s0, $0x1  }
.Ltmp5:
0x65: {  	(pc) =	sbr.rel .LBB2_6-.Ltmp5, $4  }
0x66: {  	s2 =	sshrl.u32 s16, $0x3  }
0x67: {  	s5 =	rddreg [dreg:$0x6];
	s0 =	simm.s32 $0x1FD5;
	p1 =	por $0x1, $0x1  }
0x68: {  	p2 =	por $0x0, $0x0;
	p5 =	por $0x0, $0x0;
	p3 =	por $0x0, $0x0  }
0x69: {  	[spmem:s2], [sflag:s0] =	dma.local [hbm:s5], $0x2080  }
.LBB2_3:
0x6a: {  	s0 =	sld [smem:$0x7FC];
	_ =	sdelay $0x2  }
0x6b: {  	p2 =	seq.s32 s0, $0x1  }
0x6c: {  	s2 =	sshll.u32 @p2 s15, $0x6  }
0x6d: {  	s9 =	rddreg [dreg:$0x9];
	s5 =	sshrl.u32 @p2 s18, $0x3;
	s2 =	sor.u32 @p2 $0x1C15, s2  }
0x6e: {  	[spmem:s5], [sflag:s2] =	dma.local @p2 [hbm:s9], $0x2780  }
0x6f: {  	s26 =	sld [smem:$0x7FB];
	_ =	sdelay $0x2  }
0x70: {  	p5 =	por @p2 $0x1, $0x1;
	p1 =	seq.s32 s26, $0x1  }
0x71: {  	p5 =	por @!p2 p1, p1  }
0x72: {  	p0 =	por !p5, !p0  }
0x73: {  	p0 =	por !p0, !p0  }
0x74: {  	s2 =	sshll.u32 @p0 s15, $0x6  }
0x75: {  	s9 =	rddreg [dreg:$0xa];
	s5 =	sshrl.u32 @p0 s16, $0x3;
	s2 =	sor.u32 @p0 $0x1C15, s2  }
0x76: {  	[spmem:s5], [sflag:s2] =	dma.local @p0 [hbm:s9], $0x2080  }
0x77: {  	p4 =	por $0x0, $0x0;
	p3 =	por @p0 $0x1, $0x1;
	s31 =	sld [smem:$0x7FD]  }
0x78: {  	p1 =	por @p0 $0x0, $0x0;
	p3 =	por @!p0 p4, p4;
	p4 =	por $0x0, $0x0  }
0x79: {  	p1 =	por @!p0 p4, p4;
	p0 =	por p2, p2  }
0x7a: {  	p2 =	por p3, p3;
	p3 =	por p0, p0;
	p4 =	seq.s32 s31, $0x1  }
.LBB2_6:
0x7b: {  	s2 =	rddreg [dreg:$0xb];
	s5 =	simm.s32 $0x19C80  }
0x7c: {  	[tilespmem:s5], [sflag:$0xB] =	stream.linear.gather [hbm4b:s2+s3], $0x28, $0x38;
	[tilespmem:$0x1F000] =	vst v63  }
0x7d: {  	s9 =	rddreg [dreg:$0xc];
	s12 =	simm.s32 $0x19D00  }
0x7e: {  	[tilespmem:s12], [sflag:$0xC] =	stream.linear.gather [hbm4b:s9+s3], $0x28, $0x38;
	[tilespmem:$0x1F000] =	vst v63  }
0x7f: {  	s15 =	rddreg [dreg:$0xd];
	s16 =	simm.s32 $0x19D80  }
0x80: {  	[tilespmem:s16], [sflag:$0xD] =	stream.linear.gather [hbm4b:s15+s3], $0x28, $0x38;
	[tilespmem:$0x1F000] =	vst v63  }
0x81: {  	s18 =	rddreg [dreg:$0xe];
	s19 =	simm.s32 $0x19E00  }
0x82: {  	[tilespmem:s19], [sflag:$0xE] =	stream.linear.gather [hbm4b:s18+s3], $0x28, $0x38;
	[tilespmem:$0x1F000] =	vst v63  }
0x83: {  	s20 =	rddreg [dreg:$0x16];
	s22 =	simm.s32 $0x19E80  }
0x84: {  	[tilespmem:s22], [sflag:$0xF] =	stream.linear.gather [hbm4b:s20+s3], $0x28, $0x38;
	[tilespmem:$0x1F000] =	vst v63  }
0x85: {  	s26 =	rddreg [dreg:$0xf];
	s0 =	simm.s32 $0x19F00  }
0x86: {  	[tilespmem:s0], [sflag:$0x10] =	stream.linear.gather [hbm4b:s26+s3], $0x28, $0x38;
	[tilespmem:$0x1F000] =	vst v63  }
0x87: {  	s5 =	rddreg [dreg:$0x17];
	s9 =	simm.s32 $0x19F80  }
0x88: {  	[tilespmem:s9], [sflag:$0x11] =	stream.linear.gather [hbm4b:s5+s3], $0x28, $0x38;
	[tilespmem:$0x1F000] =	vst v63  }
0x89: {  	s12 =	rddreg [dreg:$0x10];
	s15 =	simm.s32 $0x1A000;
	s16 =	simm.s32 $0x15  }
0x8a: {  	[tilespmem:s15], [sflag:$0x12] =	stream.linear.gather [hbm4b:s12+s3], $0x28, $0x38;
	[tilespmem:$0x1F000] =	vst v63  }
0x8b: {  	_ =	swait.ge [sflag:s16], $0x4E20  }
0x8c: {  	[sflag:s16] =	ssyncset.done $0x0  }
0x8d: {  	s2 =	simm.s32 @p4 $0x15;
	[sflag:s16] =	ssyncadd.s32 $0xFFFFB1E0  }
0x8e: {  	_ =	swait.ge @p4 [sflag:s2], $0x2780  }
0x8f: {  	[sflag:s2] =	ssyncset.done @p4 $0x0  }
0x90: {  	[sflag:s2] =	ssyncadd.s32 @p4 $0xFFFFD880;
	s2 =	simm.s32 @p1 $0x15  }
0x91: {  	s0 =	simm.s32 @!p1 $0x0;
	_ =	swait.ge @p1 [sflag:s2], $0x2080  }
0x92: {  	s0 =	simm.s32 @p1 $0x1;
	[sflag:s2] =	ssyncset.done @p1 $0x0  }
0x93: {  	[smem:$0x7F8] =	sst s0;
	[sflag:s2] =	ssyncadd.s32 @p1 $0xFFFFDF80;
	s2 =	simm.s32 @p3 $0x15  }
0x94: {  	_ =	swait.ge @p3 [sflag:s2], $0x2780  }
0x95: {  	[sflag:s2] =	ssyncset.done @p3 $0x0  }
0x96: {  	[sflag:s2] =	ssyncadd.s32 @p3 $0xFFFFD880;
	s2 =	simm.s32 @p2 $0x15  }
0x97: {  	_ =	swait.ge @p2 [sflag:s2], $0x2080  }
0x98: {  	[sflag:s2] =	ssyncset.done @p2 $0x0  }
0x99: {  	s18 =	simm.s32 $0xB;
	[sflag:s2] =	ssyncadd.s32 @p2 $0xFFFFDF80  }
0x9a: {  	_ =	swait.ge [sflag:s18], $0x28  }
0x9b: {  	s31 =	simm.s32 @!p6 $0x28;
	s19 =	simm.s32 $0xC;
	[sflag:s18] =	ssyncset.done $0x0  }
0x9c: {  	s0 =	simm.s32 @!p6 $0x13880;
	s2 =	simm.s32 @!p6 $0x19C80;
	[sflag:s18] =	ssyncadd.s32 $0xFFFFFFD8  }
0x9d: {  	[tilespmem:s0], [sflag:$0x1] =	stream.indirect.gather @!p6 [hbm4b:s4+s31], $0x80, s2, s31, $0xb8;
	[tilespmem:$0x1F000] =	vst v63  }
0x9e: {  	s20 =	simm.s32 @p5 $0x28;
	s2 =	simm.s32 @p5 $0x19C80;
	s0 =	simm.s32 @p5 $0x13880  }
0x9f: {  	[tilespmem:s0], [sflag:$0x1] =	stream.indirect.gather @p5 [hbm4b:s6+s20], $0x80, s2, s20, $0xb8;
	[tilespmem:$0x1F000] =	vst v63  }
0xa0: {  	_ =	swait.ge [sflag:s19], $0x28  }
0xa1: {  	[sflag:s19] =	ssyncset.done $0x0  }
0xa2: {  	s2 =	simm.s32 @!p6 $0x19D00;
	s0 =	simm.s32 @!p6 $0x14C80;
	[sflag:s19] =	ssyncadd.s32 $0xFFFFFFD8  }
0xa3: {  	[tilespmem:s0], [sflag:$0x2] =	stream.indirect.gather @!p6 [hbm4b:s4+s31], $0x80, s2, s31, $0xb8;
	[tilespmem:$0x1F000] =	vst v63  }
0xa4: {  	s22 =	simm.s32 $0xD;
	s2 =	simm.s32 @p5 $0x19D00;
	s0 =	simm.s32 @p5 $0x14C80  }
0xa5: {  	[tilespmem:s0], [sflag:$0x2] =	stream.indirect.gather @p5 [hbm4b:s6+s20], $0x80, s2, s20, $0xb8;
	[tilespmem:$0x1F000] =	vst v63  }
0xa6: {  	_ =	swait.ge [sflag:s22], $0x28  }
0xa7: {  	[sflag:s22] =	ssyncset.done $0x0  }
0xa8: {  	s2 =	simm.s32 @!p6 $0x19D80;
	s0 =	simm.s32 @!p6 $0x16080;
	[sflag:s22] =	ssyncadd.s32 $0xFFFFFFD8  }
0xa9: {  	[tilespmem:s0], [sflag:$0x3] =	stream.indirect.gather @!p6 [hbm4b:s4+s31], $0x80, s2, s31, $0xb8;
	[tilespmem:$0x1F000] =	vst v63  }
0xaa: {  	s26 =	simm.s32 $0xE;
	s2 =	simm.s32 @p5 $0x19D80;
	s0 =	simm.s32 @p5 $0x16080  }
0xab: {  	[tilespmem:s0], [sflag:$0x3] =	stream.indirect.gather @p5 [hbm4b:s6+s20], $0x80, s2, s20, $0xb8;
	[tilespmem:$0x1F000] =	vst v63  }
0xac: {  	_ =	swait.ge [sflag:s26], $0x28  }
0xad: {  	[sflag:s26] =	ssyncset.done $0x0  }
0xae: {  	s2 =	simm.s32 @!p6 $0x19E00;
	s0 =	simm.s32 @!p6 $0x17480;
	[sflag:s26] =	ssyncadd.s32 $0xFFFFFFD8  }
0xaf: {  	[tilespmem:s0], [sflag:$0x4] =	stream.indirect.gather @!p6 [hbm4b:s4+s31], $0x80, s2, s31, $0xb8;
	[tilespmem:$0x1F000] =	vst v63  }
0xb0: {  	s2 =	simm.s32 @p5 $0x19E00;
	s0 =	simm.s32 @p5 $0x17480  }
0xb1: {  	[tilespmem:s0], [sflag:$0x4] =	stream.indirect.gather @p5 [hbm4b:s6+s20], $0x80, s2, s20, $0xb8;
	[tilespmem:$0x1F000] =	vst v63  }
0xb2: {  	s5 =	simm.s32 $0x0;
	s9 =	simm.s32 $0x1A248;
	[bflag:$0x0] =	sbarrier.arrive $0xFFFF  }
.LBB2_7:
0xb3: {  	p0 =	seq.s32 s5, $0x0  }
0xb4: {  	s2 =	simm.s32 @!p0 $0xA  }
0xb5: {  	_ =	swait.ge @!p0 [sflag:s2], $0x1400  }
0xb6: {  	[sflag:s2] =	ssyncset.done @!p0 $0x0  }
0xb7: {  	s15 =	simm.s32 $0xF;
	[sflag:s2] =	ssyncadd.s32 @!p0 $0xFFFFEC00  }
0xb8: {  	_ =	swait.ge [sflag:s15], $0x28  }
0xb9: {  	[sflag:s15] =	ssyncset.done $0x0  }
0xba: {  	s26 =	simm.s32 @!p6 $0x18880;
	s2 =	simm.s32 @!p6 $0x19E80;
	[sflag:s15] =	ssyncadd.s32 $0xFFFFFFD8  }
0xbb: {  	[tilespmem:s26], [sflag:$0x5] =	stream.indirect.gather @!p6 [hbm4b:s4+s31], $0x80, s2, s31, $0xb8;
	[tilespmem:$0x1F000] =	vst v63  }
0xbc: {  	s15 =	simm.s32 @p5 $0x19E80;
	s2 =	simm.s32 @p5 $0x18880  }
0xbd: {  	[tilespmem:s2], [sflag:$0x5] =	stream.indirect.gather @p5 [hbm4b:s6+s20], $0x80, s15, s20, $0xb8;
	[tilespmem:$0x1F000] =	vst v63  }
0xbe: {  	_ =	swait.ge [sflag:s13], $0x1400  }
0xbf: {  	[sflag:s13] =	ssyncset.done $0x0  }
0xc0: {  	s16 =	sadd.s32 $0xFFFFFF38, s9;
	s18 =	simm.s32 $0x13880;
	[sflag:s13] =	ssyncadd.s32 $0xFFFFEC00  }
0xc1: {  	[spmem:s1] =	stream.indirect.scatter.add.f32 [tilespmem:s18], [sflag:$0x6], $0x80, s16, s7, $0xb8;
	[tilespmem:$0x1F000] =	vst v63  }
0xc2: {  	s16 =	sadd.s32 s5, s21  }
0xc3: {  	s12 =	simm.s32 $0x1A080;
	s19 =	sadd.s32 $0x28, s16  }
0xc4: {  	[tilespmem:s12], [sflag:$0x13] =	stream.linear.gather [hbm4b:s19+s3], $0x28, $0x38;
	[tilespmem:$0x1F000] =	vst v63  }
0xc5: {  	_ =	swait.ge [sflag:s17], $0x1400  }
0xc6: {  	[sflag:s17] =	ssyncset.done $0x0  }
0xc7: {  	s22 =	simm.s32 $0x10;
	[sflag:s17] =	ssyncadd.s32 $0xFFFFEC00  }
0xc8: {  	_ =	swait.ge [sflag:s22], $0x28  }
0xc9: {  	[sflag:s22] =	ssyncset.done $0x0  }
0xca: {  	s0 =	simm.s32 @!p6 $0x13880;
	s15 =	simm.s32 @!p6 $0x19F00;
	[sflag:s22] =	ssyncadd.s32 $0xFFFFFFD8  }
0xcb: {  	[tilespmem:s0], [sflag:$0x1] =	stream.indirect.gather @!p6 [hbm4b:s4+s31], $0x80, s15, s31, $0xb8;
	[tilespmem:$0x1F000] =	vst v63  }
0xcc: {  	s15 =	simm.s32 @p5 $0x19F00;
	s0 =	simm.s32 @p5 $0x13880  }
0xcd: {  	[tilespmem:s0], [sflag:$0x1] =	stream.indirect.gather @p5 [hbm4b:s6+s20], $0x80, s15, s20, $0xb8;
	[tilespmem:$0x1F000] =	vst v63  }
0xce: {  	s0 =	simm.s32 $0x2  }
0xcf: {  	_ =	swait.ge [sflag:s0], $0x1400  }
0xd0: {  	[sflag:s0] =	ssyncset.done $0x0  }
0xd1: {  	s12 =	sadd.s32 $0xFFFFFF60, s9;
	s19 =	simm.s32 $0x14C80;
	[sflag:s0] =	ssyncadd.s32 $0xFFFFEC00  }
0xd2: {  	[spmem:s1] =	stream.indirect.scatter.add.f32 [tilespmem:s19], [sflag:$0x7], $0x80, s12, s7, $0xb8;
	[tilespmem:$0x1F000] =	vst v63  }
0xd3: {  	s22 =	sadd.s32 $0x2D, s16;
	s0 =	simm.s32 $0x1A100  }
0xd4: {  	[tilespmem:s0], [sflag:$0x14] =	stream.linear.gather [hbm4b:s22+s3], $0x28, $0x38;
	[tilespmem:$0x1F000] =	vst v63  }
0xd5: {  	_ =	swait.ge [sflag:s23], $0x1400  }
0xd6: {  	[sflag:s23] =	ssyncset.done $0x0  }
0xd7: {  	s19 =	simm.s32 $0x11;
	[sflag:s23] =	ssyncadd.s32 $0xFFFFEC00  }
0xd8: {  	_ =	swait.ge [sflag:s19], $0x28  }
0xd9: {  	[sflag:s19] =	ssyncset.done $0x0  }
0xda: {  	s15 =	simm.s32 @!p6 $0x19F80;
	s0 =	simm.s32 @!p6 $0x14C80;
	[sflag:s19] =	ssyncadd.s32 $0xFFFFFFD8  }
0xdb: {  	[tilespmem:s0], [sflag:$0x2] =	stream.indirect.gather @!p6 [hbm4b:s4+s31], $0x80, s15, s31, $0xb8;
	[tilespmem:$0x1F000] =	vst v63  }
0xdc: {  	s15 =	simm.s32 @p5 $0x19F80;
	s0 =	simm.s32 @p5 $0x14C80  }
0xdd: {  	[tilespmem:s0], [sflag:$0x2] =	stream.indirect.gather @p5 [hbm4b:s6+s20], $0x80, s15, s20, $0xb8;
	[tilespmem:$0x1F000] =	vst v63  }
0xde: {  	_ =	swait.ge [sflag:s25], $0x1400  }
0xdf: {  	[sflag:s25] =	ssyncset.done $0x0  }
0xe0: {  	p0 =	seq.s32 s5, $0x992;
	s22 =	sadd.s32 $0xFFFFFF88, s9;
	[sflag:s25] =	ssyncadd.s32 $0xFFFFEC00  }
0xe1: {  	[spmem:s1] =	stream.indirect.scatter.add.f32 [tilespmem:s14], [sflag:$0x8], $0x80, s22, s7, $0xb8;
	[tilespmem:$0x1F000] =	vst v63  }
0xe2: {  	s22 =	sadd.s32 @!p0 s5, s21  }
0xe3: {  	s12 =	simm.s32 @!p0 $0x19C80;
	s15 =	simm.s32 @!p0 $0x0;
	s3 =	sadd.s32 @!p0 $0x32, s22  }
0xe4: {  	[tilespmem:s12], [sflag:$0xB] =	stream.linear.gather @!p0 [hbm4b:s3+s15], $0x28, $0x38;
	[tilespmem:$0x1F000] =	vst v63  }
0xe5: {  	_ =	swait.ge [sflag:s28], $0x1400  }
0xe6: {  	[sflag:s28] =	ssyncset.done $0x0  }
0xe7: {  	s0 =	simm.s32 $0x12;
	[sflag:s28] =	ssyncadd.s32 $0xFFFFEC00  }
0xe8: {  	_ =	swait.ge [sflag:s0], $0x28  }
0xe9: {  	[sflag:s0] =	ssyncset.done $0x0  }
0xea: {  	s3 =	simm.s32 @!p6 $0x1A000;
	[sflag:s0] =	ssyncadd.s32 $0xFFFFFFD8;
	s0 =	simm.s32 @!p6 $0x16080  }
0xeb: {  	[tilespmem:s0], [sflag:$0x3] =	stream.indirect.gather @!p6 [hbm4b:s4+s31], $0x80, s3, s31, $0xb8;
	[tilespmem:$0x1F000] =	vst v63  }
0xec: {  	s12 =	simm.s32 $0x4;
	s3 =	simm.s32 @p5 $0x1A000;
	s0 =	simm.s32 @p5 $0x16080  }
0xed: {  	[tilespmem:s0], [sflag:$0x3] =	stream.indirect.gather @p5 [hbm4b:s6+s20], $0x80, s3, s20, $0xb8;
	[tilespmem:$0x1F000] =	vst v63  }
0xee: {  	_ =	swait.ge [sflag:s12], $0x1400  }
0xef: {  	[sflag:s12] =	ssyncset.done $0x0  }
0xf0: {  	s19 =	sadd.s32 $0xFFFFFFB0, s9;
	s0 =	simm.s32 $0x17480;
	[sflag:s12] =	ssyncadd.s32 $0xFFFFEC00  }
0xf1: {  	[spmem:s1] =	stream.indirect.scatter.add.f32 [tilespmem:s0], [sflag:$0x9], $0x80, s19, s7, $0xb8;
	[tilespmem:$0x1F000] =	vst v63  }
0xf2: {  	s3 =	sadd.s32 @!p0 $0x37, s22;
	s12 =	simm.s32 @!p0 $0x19D00  }
0xf3: {  	[tilespmem:s12], [sflag:$0xC] =	stream.linear.gather @!p0 [hbm4b:s3+s15], $0x28, $0x38;
	[tilespmem:$0x1F000] =	vst v63  }
0xf4: {  	_ =	swait.ge [sflag:s11], $0x1400  }
0xf5: {  	[sflag:s11] =	ssyncset.done $0x0  }
0xf6: {  	[sflag:s11] =	ssyncadd.s32 $0xFFFFEC00  }
0xf7: {  	_ =	swait.ge [sflag:s29], $0x28  }
0xf8: {  	[sflag:s29] =	ssyncset.done $0x0  }
0xf9: {  	s0 =	simm.s32 @!p6 $0x17480;
	s3 =	simm.s32 @!p6 $0x1A080;
	[sflag:s29] =	ssyncadd.s32 $0xFFFFFFD8  }
0xfa: {  	[tilespmem:s0], [sflag:$0x4] =	stream.indirect.gather @!p6 [hbm4b:s4+s31], $0x80, s3, s31, $0xb8;
	[tilespmem:$0x1F000] =	vst v63  }
0xfb: {  	s3 =	simm.s32 @p5 $0x1A080;
	s0 =	simm.s32 @p5 $0x17480  }
0xfc: {  	[tilespmem:s0], [sflag:$0x4] =	stream.indirect.gather @p5 [hbm4b:s6+s20], $0x80, s3, s20, $0xb8;
	[tilespmem:$0x1F000] =	vst v63  }
0xfd: {  	_ =	swait.ge [sflag:s30], $0x1400  }
0xfe: {  	[sflag:s30] =	ssyncset.done $0x0  }
0xff: {  	s12 =	sadd.s32 $0xFFFFFFD8, s9;
	s0 =	simm.s32 $0x18880;
	[sflag:s30] =	ssyncadd.s32 $0xFFFFEC00  }
0x100: {  	[spmem:s1] =	stream.indirect.scatter.add.f32 [tilespmem:s0], [sflag:$0xA], $0x80, s12, s7, $0xb8;
	[tilespmem:$0x1F000] =	vst v63  }
0x101: {  	s3 =	sadd.s32 @!p0 $0x3C, s22;
	s12 =	simm.s32 @!p0 $0x19D80  }
0x102: {  	[tilespmem:s12], [sflag:$0xD] =	stream.linear.gather @!p0 [hbm4b:s3+s15], $0x28, $0x38;
	[tilespmem:$0x1F000] =	vst v63  }
0x103: {  	_ =	swait.ge [sflag:s8], $0x1400  }
0x104: {  	[sflag:s8] =	ssyncset.done $0x0  }
0x105: {  	[sflag:s8] =	ssyncadd.s32 $0xFFFFEC00  }
0x106: {  	_ =	swait.ge [sflag:s10], $0x28  }
0x107: {  	[sflag:s10] =	ssyncset.done $0x0  }
0x108: {  	s3 =	simm.s32 @!p6 $0x1A100;
	[sflag:s10] =	ssyncadd.s32 $0xFFFFFFD8  }
0x109: {  	[tilespmem:s26], [sflag:$0x5] =	stream.indirect.gather @!p6 [hbm4b:s4+s31], $0x80, s3, s31, $0xb8;
	[tilespmem:$0x1F000] =	vst v63  }
0x10a: {  	s3 =	simm.s32 @p5 $0x1A100  }
0x10b: {  	[tilespmem:s2], [sflag:$0x5] =	stream.indirect.gather @p5 [hbm4b:s6+s20], $0x80, s3, s20, $0xb8;
	[tilespmem:$0x1F000] =	vst v63  }
0x10c: {  	_ =	swait.ge [sflag:s13], $0x1400  }
0x10d: {  	[sflag:s13] =	ssyncset.done $0x0  }
0x10e: {  	s2 =	simm.s32 @p0 $0x2;
	[sflag:s13] =	ssyncadd.s32 $0xFFFFEC00  }
0x10f: {  	[spmem:s1] =	stream.indirect.scatter.add.f32 [tilespmem:s18], [sflag:$0x6], $0x80, s9, s7, $0xb8;
	[tilespmem:$0x1F000] =	vst v63  }
0x110: {  	_ =	swait.ge @p0 [sflag:s2], $0x1400  }
0x111: {  	s12 =	simm.s32 @p0 $0x14C80;
	[sflag:s2] =	ssyncset.done @p0 $0x0  }
0x112: {  	s3 =	simm.s32 @p0 $0x28;
	[sflag:s2] =	ssyncadd.s32 @p0 $0xFFFFEC00;
	s2 =	sadd.s32 @p0 $0x28, s9  }
0x113: {  	[spmem:s1] =	stream.indirect.scatter.add.f32 @p0 [tilespmem:s12], [sflag:$0x7], $0x80, s2, s3, $0xb8;
	[tilespmem:$0x1F000] =	vst v63  }
0x114: {  	s2 =	sadd.s32 @!p0 $0x41, s22;
	s12 =	simm.s32 @!p0 $0x19E00  }
0x115: {  	[tilespmem:s12], [sflag:$0xE] =	stream.linear.gather @!p0 [hbm4b:s2+s15], $0x28, $0x38;
	[tilespmem:$0x1F000] =	vst v63  }
0x116: {  	s2 =	simm.s32 @!p0 $0x6  }
0x117: {  	_ =	swait.ge @!p0 [sflag:s2], $0x1400  }
0x118: {  	[sflag:s2] =	ssyncset.done @!p0 $0x0  }
0x119: {  	[sflag:s2] =	ssyncadd.s32 @!p0 $0xFFFFEC00;
	s2 =	simm.s32 @!p0 $0xB  }
0x11a: {  	_ =	swait.ge @!p0 [sflag:s2], $0x28  }
0x11b: {  	s12 =	rddreg [dreg:$0x3]  }
0x11c: {  	[sflag:s2] =	ssyncset.done @!p0 $0x0;
	p1 =	sne.s32 @!p0 s12, $0x0  }
0x11d: {  	p4 =	por !p5, p0;
	[sflag:s2] =	ssyncadd.s32 @!p0 $0xFFFFFFD8;
	p1 =	por p1, p0  }
0x11e: {  	s2 =	simm.s32 @!p1 $0x28;
	s12 =	simm.s32 @!p1 $0x19C80;
	s26 =	simm.s32 @!p1 $0x13880  }
0x11f: {  	[tilespmem:s26], [sflag:$0x1] =	stream.indirect.gather @!p1 [hbm4b:s4+s2], $0x80, s12, s2, $0xb8;
	[tilespmem:$0x1F000] =	vst v63  }
0x120: {  	s18 =	simm.s32 @!p4 $0x13880;
	s26 =	simm.s32 @!p4 $0x28;
	s12 =	simm.s32 @!p4 $0x19C80  }
0x121: {  	[tilespmem:s18], [sflag:$0x1] =	stream.indirect.gather @!p4 [hbm4b:s6+s26], $0x80, s12, s26, $0xb8;
	[tilespmem:$0x1F000] =	vst v63  }
0x122: {  	s12 =	simm.s32 @!p0 $0x2  }
0x123: {  	_ =	swait.ge @!p0 [sflag:s12], $0x1400  }
0x124: {  	s19 =	simm.s32 @!p0 $0x14C80;
	[sflag:s12] =	ssyncset.done @!p0 $0x0  }
0x125: {  	s18 =	simm.s32 @!p0 $0x28;
	[sflag:s12] =	ssyncadd.s32 @!p0 $0xFFFFEC00;
	s12 =	sadd.s32 @!p0 $0x28, s9  }
0x126: {  	[spmem:s1] =	stream.indirect.scatter.add.f32 @!p0 [tilespmem:s19], [sflag:$0x7], $0x80, s12, s18, $0xb8;
	[tilespmem:$0x1F000] =	vst v63  }
0x127: {  	s12 =	sadd.s32 @!p0 $0x46, s22;
	s19 =	simm.s32 @!p0 $0x19E80  }
0x128: {  	[tilespmem:s19], [sflag:$0xF] =	stream.linear.gather @!p0 [hbm4b:s12+s15], $0x28, $0x38;
	[tilespmem:$0x1F000] =	vst v63  }
0x129: {  	s12 =	simm.s32 @!p0 $0x7  }
0x12a: {  	_ =	swait.ge @!p0 [sflag:s12], $0x1400  }
0x12b: {  	[sflag:s12] =	ssyncset.done @!p0 $0x0  }
0x12c: {  	[sflag:s12] =	ssyncadd.s32 @!p0 $0xFFFFEC00;
	s12 =	simm.s32 @!p0 $0xC  }
0x12d: {  	_ =	swait.ge @!p0 [sflag:s12], $0x28  }
0x12e: {  	[sflag:s12] =	ssyncset.done @!p0 $0x0  }
0x12f: {  	s19 =	simm.s32 @!p1 $0x14C80;
	[sflag:s12] =	ssyncadd.s32 @!p0 $0xFFFFFFD8;
	s12 =	simm.s32 @!p1 $0x19D00  }
0x130: {  	[tilespmem:s19], [sflag:$0x2] =	stream.indirect.gather @!p1 [hbm4b:s4+s2], $0x80, s12, s2, $0xb8;
	[tilespmem:$0x1F000] =	vst v63  }
0x131: {  	s12 =	simm.s32 @!p4 $0x19D00;
	s19 =	simm.s32 @!p4 $0x14C80  }
0x132: {  	[tilespmem:s19], [sflag:$0x2] =	stream.indirect.gather @!p4 [hbm4b:s6+s26], $0x80, s12, s26, $0xb8;
	[tilespmem:$0x1F000] =	vst v63  }
0x133: {  	_ =	swait.ge [sflag:s25], $0x1400  }
0x134: {  	[sflag:s25] =	ssyncset.done $0x0  }
0x135: {  	s19 =	sadd.s32 $0x50, s9;
	s12 =	simm.s32 @p0 $0x4;
	[sflag:s25] =	ssyncadd.s32 $0xFFFFEC00  }
0x136: {  	[spmem:s1] =	stream.indirect.scatter.add.f32 [tilespmem:s14], [sflag:$0x8], $0x80, s19, s7, $0xb8;
	[tilespmem:$0x1F000] =	vst v63  }
0x137: {  	_ =	swait.ge @p0 [sflag:s12], $0x1400  }
0x138: {  	[sflag:s12] =	ssyncset.done @p0 $0x0  }
0x139: {  	s19 =	simm.s32 @p0 $0x17480;
	[sflag:s12] =	ssyncadd.s32 @p0 $0xFFFFEC00;
	s12 =	sadd.s32 @p0 $0x78, s9  }
0x13a: {  	[spmem:s1] =	stream.indirect.scatter.add.f32 @p0 [tilespmem:s19], [sflag:$0x9], $0x80, s12, s3, $0xb8;
	[tilespmem:$0x1F000] =	vst v63  }
0x13b: {  	s3 =	sadd.s32 @!p0 $0x4B, s22;
	s12 =	simm.s32 @!p0 $0x19F00  }
0x13c: {  	[tilespmem:s12], [sflag:$0x10] =	stream.linear.gather @!p0 [hbm4b:s3+s15], $0x28, $0x38;
	[tilespmem:$0x1F000] =	vst v63  }
0x13d: {  	s3 =	simm.s32 @!p0 $0x8  }
0x13e: {  	_ =	swait.ge @!p0 [sflag:s3], $0x1400  }
0x13f: {  	[sflag:s3] =	ssyncset.done @!p0 $0x0  }
0x140: {  	[sflag:s3] =	ssyncadd.s32 @!p0 $0xFFFFEC00;
	s3 =	simm.s32 @!p0 $0xD  }
0x141: {  	_ =	swait.ge @!p0 [sflag:s3], $0x28  }
0x142: {  	[sflag:s3] =	ssyncset.done @!p0 $0x0  }
0x143: {  	s12 =	simm.s32 @!p1 $0x16080;
	[sflag:s3] =	ssyncadd.s32 @!p0 $0xFFFFFFD8;
	s3 =	simm.s32 @!p1 $0x19D80  }
0x144: {  	[tilespmem:s12], [sflag:$0x3] =	stream.indirect.gather @!p1 [hbm4b:s4+s2], $0x80, s3, s2, $0xb8;
	[tilespmem:$0x1F000] =	vst v63  }
0x145: {  	s3 =	simm.s32 @!p4 $0x19D80;
	s12 =	simm.s32 @!p4 $0x16080  }
0x146: {  	[tilespmem:s12], [sflag:$0x3] =	stream.indirect.gather @!p4 [hbm4b:s6+s26], $0x80, s3, s26, $0xb8;
	[tilespmem:$0x1F000] =	vst v63  }
0x147: {  	s3 =	simm.s32 @!p0 $0x4  }
0x148: {  	_ =	swait.ge @!p0 [sflag:s3], $0x1400  }
0x149: {  	[sflag:s3] =	ssyncset.done @!p0 $0x0  }
0x14a: {  	s12 =	simm.s32 @!p0 $0x17480;
	[sflag:s3] =	ssyncadd.s32 @!p0 $0xFFFFEC00;
	s3 =	sadd.s32 @!p0 $0x78, s9  }
0x14b: {  	[spmem:s1] =	stream.indirect.scatter.add.f32 @!p0 [tilespmem:s12], [sflag:$0x9], $0x80, s3, s18, $0xb8;
	[tilespmem:$0x1F000] =	vst v63  }
0x14c: {  	s3 =	sadd.s32 @!p0 $0x50, s22;
	s12 =	simm.s32 @!p0 $0x19F80  }
0x14d: {  	[tilespmem:s12], [sflag:$0x11] =	stream.linear.gather @!p0 [hbm4b:s3+s15], $0x28, $0x38;
	[tilespmem:$0x1F000] =	vst v63  }
0x14e: {  	s3 =	simm.s32 @!p0 $0x9  }
0x14f: {  	_ =	swait.ge @!p0 [sflag:s3], $0x1400  }
0x150: {  	[sflag:s3] =	ssyncset.done @!p0 $0x0  }
0x151: {  	[sflag:s3] =	ssyncadd.s32 @!p0 $0xFFFFEC00;
	s3 =	simm.s32 @!p0 $0xE  }
0x152: {  	_ =	swait.ge @!p0 [sflag:s3], $0x28  }
0x153: {  	[sflag:s3] =	ssyncset.done @!p0 $0x0  }
0x154: {  	s12 =	simm.s32 @!p1 $0x17480;
	[sflag:s3] =	ssyncadd.s32 @!p0 $0xFFFFFFD8;
	s3 =	simm.s32 @!p1 $0x19E00  }
0x155: {  	[tilespmem:s12], [sflag:$0x4] =	stream.indirect.gather @!p1 [hbm4b:s4+s2], $0x80, s3, s2, $0xb8;
	[tilespmem:$0x1F000] =	vst v63  }
0x156: {  	s2 =	simm.s32 @!p4 $0x19E00;
	s3 =	simm.s32 @!p4 $0x17480  }
0x157: {  	[tilespmem:s3], [sflag:$0x4] =	stream.indirect.gather @!p4 [hbm4b:s6+s26], $0x80, s2, s26, $0xb8;
	[tilespmem:$0x1F000] =	vst v63  }
.Ltmp6:
0x158: {  	_ = 	snop;
	(pc) =	sbr.rel @p0 .LBB2_9-.Ltmp6, $4  }
0x159: {  	_ =	swait.ge [sflag:s30], $0x1400  }
0x15a: {  	[sflag:s30] =	ssyncset.done $0x0  }
0x15b: {  	s26 =	sadd.s32 $0xA0, s9;
	[sflag:s30] =	ssyncadd.s32 $0xFFFFEC00  }
0x15c: {  	[spmem:s1] =	stream.indirect.scatter.add.f32 [tilespmem:s0], [sflag:$0xA], $0x80, s26, s7, $0xb8;
	[tilespmem:$0x1F000] =	vst v63  }
.Ltmp7:
0x15d: {  	(pc) =	sbr.rel .LBB2_7-.Ltmp7, $4  }
0x15e: {  	_ = 	snop  }
0x15f: {  	s2 =	sadd.s32 $0x55, s16;
	s3 =	simm.s32 $0x1A000  }
0x160: {  	[tilespmem:s3], [sflag:$0x12] =	stream.linear.gather [hbm4b:s2+s24], $0x28, $0x38;
	[tilespmem:$0x1F000] =	vst v63  }
0x161: {  	s5 =	sadd.s32 $0x32, s5;
	s9 =	sadd.s32 $0x190, s9;
	s3 =	simm.s32 $0x0  }
.LBB2_10:
0x162: {  	_ =	sfence.sel $0x180000  }
0x163: {  	[bflag:$0x0] =	sbarrier.arrive $0xFFFF  }
0x164: {  	_ =	strace $0x9000004A  }
0x165: {  	[bflag:$0x2] =	sbarrier.arrive $0xFFFF  }
0x166: {  	p0 =	sne.s32 s15, $0x0;
	s0 =	rddreg [dreg:$0x2]  }
0x167: {  	s0 =	sadd.s32 @!p0 $0x100000, s0  }
0x168: {  	[sflag:s0] =	ssyncadd.tile.s32 @!p0 $0x1;
	_ =	shalt  }
.Lfunc_end2:
_tile_overlayer_lowered:
.L_overlay_start_2:
0x169: {  	(tag) =	ssettag $0x2  }
0x16a: {  	s0 =	rddreg [dreg:$0x0];
	s2 =	stileid.u32  }
0x16b: {  	s1 =	rddreg [dreg:$0x1];
	p0 =	sne.s32 s2, $0x0  }
0x16c: {  	s3 =	rddreg [dreg:$0x2];
	[bflag:$0x3] =	sbarrier.arrive $0xFFFF;
	s2 =	simm.s32 @!p0 $0x1C16  }
0x16d: {  	[timem:s3], [sflag:s2] =	dma.local @!p0 [hbm:s0], s1  }
0x16e: {  	s0 =	simm.s32 @!p0 $0x16  }
0x16f: {  	_ =	swait.ge @!p0 [sflag:s0], s1  }
0x170: {  	s1 =	ssub.s32 @!p0 $0x0, s1;
	[sflag:s0] =	ssyncset.done @!p0 $0x0  }
0x171: {  	[sflag:s0] =	ssyncadd.s32 @!p0 s1  }
0x172: {  	[bflag:$0x3] =	sbarrier.arrive $0xFFFF  }
0x173: {  	_ =	shalt  }

// kernel: kernel.7.cloned.1.call-start
scs
__scs_entry_jumppad:
0x0: {  	(pc) =	sbr.rel $0x88, $3  }
0x1: {  	(tag) =	ssettag $0x0;
	lr =	simm.s32 $0x1  }
0x2: {  	[smem:$0x3F8E] =	sst lr;
	_ =	strace $0xD0000000  }
0x3: {  	_ = 	snop  }
0x4: {  	_ = 	snop  }
0x5: {  	_ = 	snop  }
0x6: {  	_ = 	snop  }
0x7: {  	_ = 	snop  }
__scs_overlays_trampoline_lowered:
0x8: {  	[smem:$0x3F9D] =	sst s0  }
0x9: {  	[smem:$0x3F9E] =	sst s1  }
0xa: {  	[smem:$0x3F9F] =	sst s2  }
0xb: {  	[smem:$0x3FA0] =	sst s3  }
0xc: {  	[smem:$0x3FA1] =	sst s4  }
0xd: {  	[smem:$0x3FA2] =	sst s5  }
0xe: {  	[smem:$0x3FA3] =	sst s6  }
0xf: {  	[smem:$0x3FA4] =	sst s7  }
0x10: {  	[smem:$0x3FA5] =	sst s8  }
0x11: {  	[smem:$0x3FA6] =	sst s9;
	s0 =	simm.s32 @!p0 $0x0  }
0x12: {  	s1 =	sld [smem:$0x3F8C];
	s0 =	simm.s32 @p0 $0x1  }
0x13: {  	[smem:$0x3FA7] =	sst s0;
	s0 =	simm.s32 @!p1 $0x0  }
0x14: {  	s2 =	sld [smem:$0x3F8B];
	s0 =	simm.s32 @p1 $0x1  }
0x15: {  	[smem:$0x3FA8] =	sst s0;
	s0 =	simm.s32 @!p2 $0x0  }
0x16: {  	s3 =	sld [smem:$0x3FDB];
	s0 =	simm.s32 @p2 $0x1  }
0x17: {  	s4 =	simm.s32 $0x1BF5;
	[smem:$0x3FAA] =	sst s0  }
0x18: {  	s0 =	sld [smem:$0x3F8D];
	_ =	swait.ge [sflag:s4], $0x0  }
0x19: {  	s7 =	sld [smem:$0x3F8E]  }
0x1a: {  	s8 =	sadd.s32 $0xFFFFE003, lr  }
0x1b: {  	s9 =	sadd.s32 $0xFFFFFEF7, lr;
	s5 =	simm.s32 $0xFFFFFFFF;
	p2 =	slt.u32 s8, $0xFFFFF086  }
0x1c: {  	p1 =	slt.u32 s9, $0xF7A;
	s5 =	simm.s32 @!p2 $0x0  }
0x1d: {  	s5 =	simm.s32 @p1 $0x1;
	p0 =	seq.s32 s7, s2  }
0x1e: {  	s7 =	smul.u32 @!p0 $0xF7A, s2;
	p2 =	seq.s32 @!p0 s5, $0x0  }
0x1f: {  	s9 =	smul.u32 $0xF7A, s1;
	s8 =	simm.s32 @!p0 $0x1BF5;
	p2 =	por !p2, p0  }
0x20: {  	[sflag:s8] =	ssyncset.s32 @!p0 $0xFFFFF086;
	s6 =	sadd.s32 @!p0 s3, s7;
	s7 =	simm.s32 @!p0 $0x108  }
0x21: {  	s3 =	sadd.s32 s3, s9;
	s6 =	sadd.s32 @!p0 $0x88, s6;
	s7 =	simm.s32 @p2 $0x1082  }
0x22: {  	[simem:s7], [sflag:s8] =	dma.local @!p0 [hbm:s6], $0xF7A  }
0x23: {  	s9 =	sor.u32 $0xD0000000, s2;
	s6 =	simm.s32 $0x108;
	_ =	swait.ge @!p0 [sflag:s8], $0x0  }
0x24: {  	s3 =	sadd.s32 $0x88, s3;
	s6 =	simm.s32 @!p1 $0x1082;
	[sflag:s4] =	ssyncset.s32 $0xFFFFF086  }
0x25: {  	[simem:s6], [sflag:s4] =	dma.local [hbm:s3], $0xF7A  }
0x26: {  	[smem:$0x3F8E] =	sst s1;
	(tag) =	ssettag s2;
	_ =	strace s9  }
0x27: {  	s1 =	sld [smem:$0x3F9E]  }
0x28: {  	s2 =	sld [smem:$0x3F9F]  }
0x29: {  	s4 =	sld [smem:$0x3FA1]  }
0x2a: {  	p0 =	seq.s32 s5, $0x0;
	s5 =	sld [smem:$0x3FA2]  }
0x2b: {  	s6 =	sld [smem:$0x3FA3]  }
0x2c: {  	s7 =	sld [smem:$0x3FA4]  }
0x2d: {  	s3 =	simm.s32 $0x108;
	s8 =	sld [smem:$0x3FA5]  }
0x2e: {  	s3 =	simm.s32 @!p0 $0x1082;
	s9 =	sld [smem:$0x3FA6]  }
0x2f: {  	lr =	sadd.s32 s0, s3;
	s0 =	sld [smem:$0x3F9D]  }
0x30: {  	s3 =	sld [smem:$0x3FA0]  }
0x31: {  	[smem:$0x3FA9] =	sst s10  }
0x32: {  	s10 =	sld [smem:$0x3FA7];
	_ =	sdelay $0x3  }
0x33: {  	p0 =	seq.s32 s10, $0x1;
	s10 =	sld [smem:$0x3FA9];
	_ =	sdelay $0x3  }
0x34: {  	[smem:$0x3FA9] =	sst s10  }
0x35: {  	s10 =	sld [smem:$0x3FA8];
	_ =	sdelay $0x3  }
0x36: {  	p1 =	seq.s32 s10, $0x1;
	s10 =	sld [smem:$0x3FA9];
	_ =	sdelay $0x3  }
0x37: {  	[smem:$0x3FA9] =	sst s10  }
0x38: {  	s10 =	sld [smem:$0x3FAA]  }
0x39: {  	_ = 	snop;
	(pc) =	sbr.ind lr, $3  }
0x3a: {  	_ = 	snop  }
0x3b: {  	_ = 	snop  }
0x3c: {  	p2 =	seq.s32 s10, $0x1;
	s10 =	sld [smem:$0x3FA9]  }
0x3d: {  	_ =	shalt  }
0x3e: {  	_ =	shalt  }
0x3f: {  	_ =	shalt  }
0x40: {  	_ =	shalt  }
0x41: {  	_ =	shalt  }
0x42: {  	_ =	shalt  }
0x43: {  	_ =	shalt  }
0x44: {  	_ =	shalt  }
0x45: {  	_ =	shalt  }
0x46: {  	_ =	shalt  }
0x47: {  	_ =	shalt  }
0x48: {  	_ =	shalt  }
0x49: {  	_ =	shalt  }
0x4a: {  	_ =	shalt  }
0x4b: {  	_ =	shalt  }
0x4c: {  	_ =	shalt  }
0x4d: {  	_ =	shalt  }
0x4e: {  	_ =	shalt  }
0x4f: {  	_ =	shalt  }
0x50: {  	_ =	shalt  }
0x51: {  	_ =	shalt  }
0x52: {  	_ =	shalt  }
0x53: {  	_ =	shalt  }
0x54: {  	_ =	shalt  }
0x55: {  	_ =	shalt  }
0x56: {  	_ =	shalt  }
0x57: {  	_ =	shalt  }
0x58: {  	_ =	shalt  }
0x59: {  	_ =	shalt  }
0x5a: {  	_ =	shalt  }
0x5b: {  	_ =	shalt  }
0x5c: {  	_ =	shalt  }
0x5d: {  	_ =	shalt  }
0x5e: {  	_ =	shalt  }
0x5f: {  	_ =	shalt  }
0x60: {  	_ =	shalt  }
0x61: {  	_ =	shalt  }
0x62: {  	_ =	shalt  }
0x63: {  	_ =	shalt  }
0x64: {  	_ =	shalt  }
0x65: {  	_ =	shalt  }
0x66: {  	_ =	shalt  }
0x67: {  	_ =	shalt  }
0x68: {  	_ =	shalt  }
0x69: {  	_ =	shalt  }
0x6a: {  	_ =	shalt  }
0x6b: {  	_ =	shalt  }
0x6c: {  	_ =	shalt  }
0x6d: {  	_ =	shalt  }
0x6e: {  	_ =	shalt  }
0x6f: {  	_ =	shalt  }
0x70: {  	_ =	shalt  }
0x71: {  	_ =	shalt  }
0x72: {  	_ =	shalt  }
0x73: {  	_ =	shalt  }
0x74: {  	_ =	shalt  }
0x75: {  	_ =	shalt  }
0x76: {  	_ =	shalt  }
0x77: {  	_ =	shalt  }
0x78: {  	_ =	shalt  }
0x79: {  	_ =	shalt  }
0x7a: {  	_ =	shalt  }
0x7b: {  	_ =	shalt  }
0x7c: {  	_ =	shalt  }
0x7d: {  	_ =	shalt  }
0x7e: {  	_ =	shalt  }
0x7f: {  	_ =	shalt  }
0x80: {  	_ =	shalt  }
0x81: {  	_ =	shalt  }
0x82: {  	_ =	shalt  }
0x83: {  	_ =	shalt  }
0x84: {  	_ =	shalt  }
0x85: {  	_ =	shalt  }
0x86: {  	_ =	shalt  }
0x87: {  	_ =	shalt  }
.Lfunc_end0:
.L_simem_size_0:
called_computation_lowered:
.L_overlay_start_0:
0x88: {  	s2 =	sld [smem:$0x3FD9]  }
0x89: {  	s3 =	sld [smem:$0x3FFE];
	_ =	sdelay $0x1  }
0x8a: {  	s1 =	srdreg.scid  }
0x8b: {  	s0 =	sand.u32 $0x1, s1  }
0x8c: {  	s16 =	sshll.u32 s0, $0xA;
	s2 =	sadd.s32 s3, s2  }
0x8d: {  	s2 =	sadd.s32 s2, s16  }
0x8e: {  	[smem:$0x3FB5] =	sst s2  }
0x8f: {  	_ = 	snop  }
0x90: {  	(tm) =	ssettm $0x1  }
0x91: {  	s17 =	sld [smem:$0x3FFB];
	_ =	sdelay $0x3  }
0x92: {  	_ =	strace s17  }
0x93: {  	s2 =	sld [smem:$0x3FFC];
	_ =	sdelay $0x3  }
0x94: {  	_ =	strace s2  }
0x95: {  	s2 =	sld [smem:$0x3FFD];
	_ =	sdelay $0x3  }
0x96: {  	_ =	strace s2  }
0x97: {  	_ =	strace $0x8FFFFFFF  }
0x98: {  	s18 =	sld [smem:$0x3FDB];
	_ =	sdelay $0x1  }
0x99: {  	s19 =	simm.s32 $_scs_section_size  }
0x9a: {  	s4 =	simm.s32 $_size__tile_overlayer_lowered;
	s5 =	simm.s32 $_tile_overlayer_lowered  }
0x9b: {  	s22 =	simm.s32 $0x1BFF;
	s21 =	sshll.u32 s5, $0x1;
	s2 =	sadd.s32 s19, s18  }
0x9c: {  	s6 =	simm.s32 $0x0;
	s20 =	sshll.u32 s4, $0x1;
	s4 =	sadd.s32 s21, s2  }
0x9d: {  	[timem:s6], [sflag:s22] =	dma.local [hbm:s4], s20  }
0x9e: {  	_ =	swait.ge [sflag:s22], s20  }
0x9f: {  	s3 =	ssub.s32 $0x0, s20;
	[sflag:s22] =	ssyncset.done $0x0  }
0xa0: {  	[sflag:s22] =	ssyncadd.s32 s3;
	_ =	sdelay $0x1  }
0xa1: {  	s23 =	simm.s32 $0x1B8B  }
0xa2: {  	_ =	swait.ge [sflag:s23], $0x1  }
0xa3: {  	[sflag:s23] =	ssyncset.done $0x0  }
0xa4: {  	s25 =	simm.s32 $0x1B8E;
	s24 =	sld [smem:$0x3FFE];
	[sflag:s23] =	ssyncadd.s32 $0xFFFFFFFF  }
0xa5: {  	s26 =	simm.s32 $execute0_lowered;
	[smem:$0x3FD2] =	sst s25  }
0xa6: {  	s4 =	sshll.u32 s26, $0x1;
	_ =	strace $0x80000046;
	[dreg:$0x1] =	wrdreg $0xFFFFFFFF  }
0xa7: {  	s28 =	simm.s32 $_size_execute0_lowered;
	s2 =	sadd.s32 s2, s4;
	[dreg:$0x0] =	wrdreg $0x0  }
0xa8: {  	s4 =	sshll.u32 s28, $0x1;
	[dreg:$0x2] =	wrdreg s2  }
0xa9: {  	[dreg:$0x3] =	wrdreg s4  }
0xaa: {  	[dreg:$0x4] =	wrdreg $0xC0  }
0xab: {  	_ =	task [dreg:s6], $0x5FFFF  }
0xac: {  	[dreg:$0x1] =	wrdreg $0xFFFFFFFF  }
0xad: {  	[dreg:$0x0] =	wrdreg $0x60  }
0xae: {  	[dreg:$0x2] =	wrdreg s24  }
0xaf: {  	[dreg:$0x3] =	wrdreg $0x0  }
0xb0: {  	[dreg:$0x4] =	wrdreg $0x9  }
0xb1: {  	_ =	task.clear_ibuf [dreg:s6], $0x5FFFF;
	_ =	strace $0x90000046  }
0xb2: {  	s29 =	simm.s32 $0x9;
	_ =	strace $0x80000048  }
0xb3: {  	_ =	swait.ge [sflag:s29], $0x1  }
0xb4: {  	[sflag:s29] =	ssyncadd.s32 $0xFFFFFFFF  }
0xb5: {  	_ =	strace $0x90000048  }
0xb6: {  	_ =	sfence  }
0xb7: {  	s30 =	sld [smem:$0x0];
	_ =	sdelay $0x2  }
0xb8: {  	s31 =	sshll.u32 s1, $0xD;
	s1 =	sshrl.u32 s1, $0x2  }
0xb9: {  	s3 =	sand.u32 $0x4000, s31;
	s1 =	sadd.s32 s1, s30  }
0xba: {  	s0 =	sor.u32 s3, s0;
	s1 =	sshll.u32 s1, $0x11  }
0xbb: {  	s0 =	sor.u32 s1, s0  }
0xbc: {  	s0 =	sadd.s32 $0x8F2B, s0  }
0xbd: {  	[sflag:s0] =	ssyncadd.remote.s32 $0x1  }
0xbe: {  	_ =	sfence.sel $0xFFFF  }
0xbf: {  	[dreg:$0x0] =	wrdreg $0xFFFFFFFF;
	(pc) =	sbr.abs _section_cstart, $3  }
0xc0: {  	[dreg:$0x1] =	wrdreg $0xFFFFFFFF  }
0xc1: {  	_ =	task.clear_ibuf [dreg:s6], $0x2FFFF;
	_ =	strace $0x9FFFFFFF  }
0xc2: {  	(tm) =	ssettm $0x7FFFFFFF  }
0xc3: {  	_ =	shalt  }
tec
execute0_lowered:
.L_overlay_start_1:
0x0: {  	(tag) =	ssettag $0x1  }
0x1: {  	s0 =	rddreg [dreg:$0x0]  }
0x2: {  	s1 =	rddreg [dreg:$0x1]  }
0x3: {  	s3 =	simm.s32 $0x0;
	s15 =	stileid.u32;
	s2 =	srdreg.scid  }
0x4: {  	s28 =	simm.s32 $0x8;
	s29 =	simm.s32 $0x13;
	s30 =	simm.s32 $0x5  }
0x5: {  	[smem:$0x7FF] =	sst s3;
	s4 =	sadd.s32 $0x17C00, s0;
	s5 =	smul.u32 $0x4E20, s15  }
0x6: {  	s13 =	sand.u32 $0x1, s2;
	s6 =	sadd.s32 $0x3EE00, s0;
	s20 =	smul.u32 $0x2780, s15  }
0x7: {  	s8 =	sadd.s32 $0xDE00, s0;
	p1 =	sne.s32 s15, $0xF;
	p3 =	seq.s32 s15, $0xF  }
0x8: {  	s21 =	smul.u32 $0x4F000, s15;
	s16 =	sadd.s32 $0x128400, s1;
	s22 =	sadd.s32 $0x3CC80, s0  }
0x9: {  	s25 =	sadd.s32 $0x63E80, s0;
	_ =	strace $0x80000047;
	[dreg:$0x6] =	wrdreg s22  }
0xa: {  	s19 =	smul.u32 $0x9C4, s15;
	s7 =	ssub.s32 $0x2, s13;
	[dreg:$0xa] =	wrdreg s25  }
0xb: {  	p0 =	seq.s32 s13, $0x0;
	[dreg:$0x3] =	wrdreg s13;
	p6 =	sne.s32 s13, $0x0  }
0xc: {  	[dreg:$0x5] =	wrdreg s16;
	s9 =	sshrl.u32 s5, $0x3;
	s10 =	sshrl.u32 s7, $0x1  }
0xd: {  	s12 =	sadd.s32 s20, s0;
	p2 =	por !p0, !p1;
	p0 =	por !p0, !p3  }
0xe: {  	s23 =	sadd.s32 s4, s20;
	s24 =	sadd.s32 $0x28, s5;
	s2 =	sadd.s32 s6, s20  }
0xf: {  	s14 =	sadd.s32 $0x78, s5;
	s17 =	sadd.s32 $0xC8, s5;
	s5 =	sadd.s32 $0x118, s5  }
0x10: {  	s11 =	sadd.s32 s9, s0;
	s7 =	ssub.s32 s7, s10;
	[dreg:$0x8] =	wrdreg s23  }
0x11: {  	s10 =	simm.s32 @!p3 $0x0;
	[dreg:$0x9] =	wrdreg s2;
	s22 =	sadd.s32 $0x66000, s12  }
0x12: {  	p4 =	por !p2, !p2;
	s23 =	sadd.s32 $0x8B080, s0;
	[dreg:$0x11] =	wrdreg s22  }
0x13: {  	s26 =	sshrl.u32 s24, $0x3;
	s24 =	sadd.s32 $0x8D200, s12;
	[dreg:$0x12] =	wrdreg s23  }
0x14: {  	p0 =	por !p0, !p0;
	s0 =	sadd.s32 $0xB2280, s0;
	[dreg:$0x13] =	wrdreg s24  }
0x15: {  	s31 =	sadd.s32 s8, s9;
	s10 =	simm.s32 @p3 $0x1;
	[dreg:$0x14] =	wrdreg s0  }
0x16: {  	s11 =	sadd.s32 $0x4000, s11;
	s2 =	sadd.s32 s8, s26;
	[dreg:$0xb] =	wrdreg s31  }
0x17: {  	s9 =	sadd.s32 $0xA, s31;
	s25 =	smax.u32 s7, $0x1;
	[smem:$0x7F9] =	sst s10  }
0x18: {  	s26 =	sadd.s32 $0x14, s31;
	s31 =	sadd.s32 $0x1E, s31;
	[dreg:$0x4] =	wrdreg s11  }
0x19: {  	s7 =	simm.s32 $0x28;
	s23 =	simm.s32 $0x7;
	[dreg:$0xc] =	wrdreg s2  }
0x1a: {  	s0 =	simm.s32 $0x0;
	s24 =	simm.s32 $0x0;
	[dreg:$0xd] =	wrdreg s9  }
0x1b: {  	s11 =	simm.s32 @!p0 $0x0;
	s10 =	sshrl.u32 s21, $0x2;
	[dreg:$0x15] =	wrdreg s25  }
0x1c: {  	s2 =	sshrl.u32 s14, $0x3;
	s9 =	sshrl.u32 s17, $0x3;
	[dreg:$0x16] =	wrdreg s26  }
0x1d: {  	s21 =	sshrl.u32 s5, $0x3;
	[dreg:$0x17] =	wrdreg s31;
	s17 =	simm.s32 $0x6  }
0x1e: {  	s25 =	simm.s32 $0x3;
	s14 =	simm.s32 $0x16080;
	s11 =	simm.s32 @p0 $0x1  }
0x1f: {  	p0 =	seq.s32 s13, $0x1;
	s2 =	sadd.s32 s8, s2;
	[smem:$0x7FA] =	sst s11  }
0x20: {  	s18 =	sadd.s32 s10, s1;
	s20 =	sadd.s32 s8, s9;
	[dreg:$0xe] =	wrdreg s2  }
0x21: {  	s13 =	simm.s32 $0x1;
	s10 =	simm.s32 @!p0 $0x0;
	[dreg:$0xf] =	wrdreg s20  }
0x22: {  	s2 =	sadd.s32 s8, s21;
	s21 =	sadd.s32 s19, s8;
	[dreg:$0x7] =	wrdreg s18  }
.Ltmp0:
0x23: {  	s10 =	simm.s32 @p0 $0x1;
	p0 =	por !p1, !p0;
	(pc) =	sbr.rel .LBB2_1-.Ltmp0, $4  }
0x24: {  	[dreg:$0x10] =	wrdreg s2;
	s2 =	simm.s32 @!p4 $0x0;
	p0 =	por !p0, !p0  }
0x25: {  	[smem:$0x7FB] =	sst s10;
	s2 =	simm.s32 @p4 $0x1;
	s10 =	simm.s32 @!p0 $0x0  }
0x26: {  	s11 =	simm.s32 $0x9;
	[smem:$0x7FD] =	sst s2;
	s10 =	simm.s32 @p0 $0x1  }
0x27: {  	s8 =	simm.s32 $0xA;
	[smem:$0x7FC] =	sst s10;
	s10 =	simm.s32 $0x14  }
.LBB2_9:
0x28: {  	_ =	swait.ge [sflag:s17], $0x1400  }
0x29: {  	[sflag:s17] =	ssyncset.done $0x0  }
0x2a: {  	[sflag:s17] =	ssyncadd.s32 $0xFFFFEC00  }
0x2b: {  	_ =	swait.ge [sflag:s23], $0x1400  }
0x2c: {  	[sflag:s23] =	ssyncset.done $0x0  }
0x2d: {  	[sflag:s23] =	ssyncadd.s32 $0xFFFFEC00  }
0x2e: {  	_ =	swait.ge [sflag:s28], $0x1400  }
0x2f: {  	[sflag:s28] =	ssyncset.done $0x0  }
0x30: {  	[sflag:s28] =	ssyncadd.s32 $0xFFFFEC00  }
0x31: {  	_ =	swait.ge [sflag:s11], $0x1400  }
0x32: {  	[sflag:s11] =	ssyncset.done $0x0  }
0x33: {  	[sflag:s11] =	ssyncadd.s32 $0xFFFFEC00  }
0x34: {  	_ =	swait.ge [sflag:s8], $0x1400  }
0x35: {  	s0 =	sld [smem:$0x7FD]  }
0x36: {  	[sflag:s8] =	ssyncset.done $0x0  }
0x37: {  	[sflag:s8] =	ssyncadd.s32 $0xFFFFEC00  }
0x38: {  	s15 =	stileid.u32;
	[bflag:$0x0] =	sbarrier.arrive $0xFFFF;
	p4 =	seq.s32 s0, $0x1  }
0x39: {  	s18 =	rddreg [dreg:$0x7];
	s2 =	sshll.u32 @p4 s15, $0x6  }
0x3a: {  	s5 =	rddreg [dreg:$0x11];
	s3 =	sshrl.u32 @p4 s18, $0x3;
	s2 =	sor.u32 @p4 $0x1C16, s2  }
0x3b: {  	[hbm:s5], [sflag:s2] =	dma.local @p4 [spmem:s3], $0x2780  }
0x3c: {  	s2 =	simm.s32 @p4 $0x16  }
0x3d: {  	_ =	swait.ge @p4 [sflag:s2], $0x2780  }
0x3e: {  	s22 =	sld [smem:$0x7F8];
	_ =	sdelay $0x2  }
0x3f: {  	s16 =	rddreg [dreg:$0x5];
	p0 =	seq.s32 s22, $0x1  }
0x40: {  	[sflag:s2] =	ssyncset.done @p4 $0x0;
	s5 =	rddreg [dreg:$0x12];
	s3 =	sshll.u32 @p0 s15, $0x6  }
0x41: {  	[sflag:s2] =	ssyncadd.s32 @p4 $0xFFFFD880;
	s2 =	sor.u32 @p0 $0x1C16, s3;
	s3 =	sshrl.u32 @p0 s16, $0x3  }
0x42: {  	[hbm:s5], [sflag:s2] =	dma.local @p0 [spmem:s3], $0x2080  }
0x43: {  	s2 =	simm.s32 @p0 $0x16  }
0x44: {  	_ =	swait.ge @p0 [sflag:s2], $0x2080  }
0x45: {  	s3 =	sshll.u32 @p3 s15, $0x6;
	[sflag:s2] =	ssyncset.done @p0 $0x0;
	s5 =	rddreg [dreg:$0x13]  }
0x46: {  	[sflag:s2] =	ssyncadd.s32 @p0 $0xFFFFDF80;
	s2 =	sor.u32 @p3 $0x1C16, s3;
	s3 =	sshrl.u32 @p3 s18, $0x3  }
0x47: {  	[hbm:s5], [sflag:s2] =	dma.local @p3 [spmem:s3], $0x2780  }
0x48: {  	s2 =	simm.s32 @p3 $0x16  }
0x49: {  	_ =	swait.ge @p3 [sflag:s2], $0x2780  }
0x4a: {  	s3 =	sshll.u32 @p2 s15, $0x6;
	[sflag:s2] =	ssyncset.done @p3 $0x0;
	s5 =	rddreg [dreg:$0x14]  }
0x4b: {  	[sflag:s2] =	ssyncadd.s32 @p3 $0xFFFFD880;
	s2 =	sor.u32 @p2 $0x1C16, s3;
	s3 =	sshrl.u32 @p2 s16, $0x3  }
0x4c: {  	[hbm:s5], [sflag:s2] =	dma.local @p2 [spmem:s3], $0x2080  }
0x4d: {  	s2 =	simm.s32 @p2 $0x16  }
0x4e: {  	_ =	swait.ge @p2 [sflag:s2], $0x2080  }
0x4f: {  	s26 =	rddreg [dreg:$0x18]  }
0x50: {  	s31 =	rddreg [dreg:$0x15];
	s0 =	sadd.s32 $0x1, s26  }
0x51: {  	p0 =	sne.s32 s0, s31  }
.Ltmp1:
0x52: {  	_ = 	snop;
	(pc) =	sbr.rel @!p0 .LBB2_10-.Ltmp1, $3  }
0x53: {  	_ =	sdelay $0x1  }
0x54: {  	[sflag:s2] =	ssyncset.done @p2 $0x0  }
0x55: {  	s3 =	simm.s32 $0x0;
	[sflag:s2] =	ssyncadd.s32 @p2 $0xFFFFDF80  }
.LBB2_1:
.Ltmp2:
0x56: {  	(pc) =	sbr.rel @!p4 .LBB2_4-.Ltmp2, $4  }
0x57: {  	_ = 	snop  }
0x58: {  	s2 =	rddreg [dreg:$0x4]  }
0x59: {  	s5 =	simm.s32 $0x1A180;
	[dreg:$0x18] =	wrdreg s0  }
0x5a: {  	[tilespmem:s5], [sflag:$0x15] =	stream.linear.gather [hbm4b:s2+s3], $0x4E20, $0x38;
	[tilespmem:$0x1F000] =	vst v63  }
.Ltmp3:
0x5b: {  	(pc) =	sbr.rel .LBB2_3-.Ltmp3, $4  }
0x5c: {  	_ = 	snop  }
0x5d: {  	s2 =	sshll.u32 s15, $0x6;
	s5 =	sshrl.u32 s18, $0x3  }
0x5e: {  	s9 =	rddreg [dreg:$0x8];
	p0 =	por $0x0, $0x0;
	s2 =	sor.u32 $0x1C15, s2  }
0x5f: {  	[spmem:s5], [sflag:s2] =	dma.local [hbm:s9], $0x2780  }
.LBB2_4:
0x60: {  	s31 =	sld [smem:$0x7FA];
	_ =	sdelay $0x2  }
0x61: {  	p1 =	seq.s32 s31, $0x1  }
.Ltmp4:
0x62: {  	_ = 	snop;
	(pc) =	sbr.rel @!p1 .LBB2_3-.Ltmp4, $2  }
0x63: {  	s0 =	sld [smem:$0x7F9];
	_ =	sdelay $0x2  }
0x64: {  	p0 =	seq.s32 s0, $0x1  }
.Ltmp5:
0x65: {  	(pc) =	sbr.rel .LBB2_6-.Ltmp5, $4  }
0x66: {  	s2 =	sshrl.u32 s16, $0x3  }
0x67: {  	s5 =	rddreg [dreg:$0x6];
	s0 =	simm.s32 $0x1FD5;
	p1 =	por $0x1, $0x1  }
0x68: {  	p2 =	por $0x0, $0x0;
	p5 =	por $0x0, $0x0;
	p3 =	por $0x0, $0x0  }
0x69: {  	[spmem:s2], [sflag:s0] =	dma.local [hbm:s5], $0x2080  }
.LBB2_3:
0x6a: {  	s0 =	sld [smem:$0x7FC];
	_ =	sdelay $0x2  }
0x6b: {  	p2 =	seq.s32 s0, $0x1  }
0x6c: {  	s2 =	sshll.u32 @p2 s15, $0x6  }
0x6d: {  	s9 =	rddreg [dreg:$0x9];
	s5 =	sshrl.u32 @p2 s18, $0x3;
	s2 =	sor.u32 @p2 $0x1C15, s2  }
0x6e: {  	[spmem:s5], [sflag:s2] =	dma.local @p2 [hbm:s9], $0x2780  }
0x6f: {  	s26 =	sld [smem:$0x7FB];
	_ =	sdelay $0x2  }
0x70: {  	p5 =	por @p2 $0x1, $0x1;
	p1 =	seq.s32 s26, $0x1  }
0x71: {  	p5 =	por @!p2 p1, p1  }
0x72: {  	p0 =	por !p5, !p0  }
0x73: {  	p0 =	por !p0, !p0  }
0x74: {  	s2 =	sshll.u32 @p0 s15, $0x6  }
0x75: {  	s9 =	rddreg [dreg:$0xa];
	s5 =	sshrl.u32 @p0 s16, $0x3;
	s2 =	sor.u32 @p0 $0x1C15, s2  }
0x76: {  	[spmem:s5], [sflag:s2] =	dma.local @p0 [hbm:s9], $0x2080  }
0x77: {  	p4 =	por $0x0, $0x0;
	p3 =	por @p0 $0x1, $0x1;
	s31 =	sld [smem:$0x7FD]  }
0x78: {  	p1 =	por @p0 $0x0, $0x0;
	p3 =	por @!p0 p4, p4;
	p4 =	por $0x0, $0x0  }
0x79: {  	p1 =	por @!p0 p4, p4;
	p0 =	por p2, p2  }
0x7a: {  	p2 =	por p3, p3;
	p3 =	por p0, p0;
	p4 =	seq.s32 s31, $0x1  }
.LBB2_6:
0x7b: {  	s2 =	rddreg [dreg:$0xb];
	s5 =	simm.s32 $0x19C80  }
0x7c: {  	[tilespmem:s5], [sflag:$0xB] =	stream.linear.gather [hbm4b:s2+s3], $0x28, $0x38;
	[tilespmem:$0x1F000] =	vst v63  }
0x7d: {  	s9 =	rddreg [dreg:$0xc];
	s12 =	simm.s32 $0x19D00  }
0x7e: {  	[tilespmem:s12], [sflag:$0xC] =	stream.linear.gather [hbm4b:s9+s3], $0x28, $0x38;
	[tilespmem:$0x1F000] =	vst v63  }
0x7f: {  	s15 =	rddreg [dreg:$0xd];
	s16 =	simm.s32 $0x19D80  }
0x80: {  	[tilespmem:s16], [sflag:$0xD] =	stream.linear.gather [hbm4b:s15+s3], $0x28, $0x38;
	[tilespmem:$0x1F000] =	vst v63  }
0x81: {  	s18 =	rddreg [dreg:$0xe];
	s19 =	simm.s32 $0x19E00  }
0x82: {  	[tilespmem:s19], [sflag:$0xE] =	stream.linear.gather [hbm4b:s18+s3], $0x28, $0x38;
	[tilespmem:$0x1F000] =	vst v63  }
0x83: {  	s20 =	rddreg [dreg:$0x16];
	s22 =	simm.s32 $0x19E80  }
0x84: {  	[tilespmem:s22], [sflag:$0xF] =	stream.linear.gather [hbm4b:s20+s3], $0x28, $0x38;
	[tilespmem:$0x1F000] =	vst v63  }
0x85: {  	s26 =	rddreg [dreg:$0xf];
	s0 =	simm.s32 $0x19F00  }
0x86: {  	[tilespmem:s0], [sflag:$0x10] =	stream.linear.gather [hbm4b:s26+s3], $0x28, $0x38;
	[tilespmem:$0x1F000] =	vst v63  }
0x87: {  	s5 =	rddreg [dreg:$0x17];
	s9 =	simm.s32 $0x19F80  }
0x88: {  	[tilespmem:s9], [sflag:$0x11] =	stream.linear.gather [hbm4b:s5+s3], $0x28, $0x38;
	[tilespmem:$0x1F000] =	vst v63  }
0x89: {  	s12 =	rddreg [dreg:$0x10];
	s15 =	simm.s32 $0x1A000;
	s16 =	simm.s32 $0x15  }
0x8a: {  	[tilespmem:s15], [sflag:$0x12] =	stream.linear.gather [hbm4b:s12+s3], $0x28, $0x38;
	[tilespmem:$0x1F000] =	vst v63  }
0x8b: {  	_ =	swait.ge [sflag:s16], $0x4E20  }
0x8c: {  	[sflag:s16] =	ssyncset.done $0x0  }
0x8d: {  	s2 =	simm.s32 @p4 $0x15;
	[sflag:s16] =	ssyncadd.s32 $0xFFFFB1E0  }
0x8e: {  	_ =	swait.ge @p4 [sflag:s2], $0x2780  }
0x8f: {  	[sflag:s2] =	ssyncset.done @p4 $0x0  }
0x90: {  	[sflag:s2] =	ssyncadd.s32 @p4 $0xFFFFD880;
	s2 =	simm.s32 @p1 $0x15  }
0x91: {  	s0 =	simm.s32 @!p1 $0x0;
	_ =	swait.ge @p1 [sflag:s2], $0x2080  }
0x92: {  	s0 =	simm.s32 @p1 $0x1;
	[sflag:s2] =	ssyncset.done @p1 $0x0  }
0x93: {  	[smem:$0x7F8] =	sst s0;
	[sflag:s2] =	ssyncadd.s32 @p1 $0xFFFFDF80;
	s2 =	simm.s32 @p3 $0x15  }
0x94: {  	_ =	swait.ge @p3 [sflag:s2], $0x2780  }
0x95: {  	[sflag:s2] =	ssyncset.done @p3 $0x0  }
0x96: {  	[sflag:s2] =	ssyncadd.s32 @p3 $0xFFFFD880;
	s2 =	simm.s32 @p2 $0x15  }
0x97: {  	_ =	swait.ge @p2 [sflag:s2], $0x2080  }
0x98: {  	[sflag:s2] =	ssyncset.done @p2 $0x0  }
0x99: {  	s18 =	simm.s32 $0xB;
	[sflag:s2] =	ssyncadd.s32 @p2 $0xFFFFDF80  }
0x9a: {  	_ =	swait.ge [sflag:s18], $0x28  }
0x9b: {  	s31 =	simm.s32 @!p6 $0x28;
	s19 =	simm.s32 $0xC;
	[sflag:s18] =	ssyncset.done $0x0  }
0x9c: {  	s0 =	simm.s32 @!p6 $0x13880;
	s2 =	simm.s32 @!p6 $0x19C80;
	[sflag:s18] =	ssyncadd.s32 $0xFFFFFFD8  }
0x9d: {  	[tilespmem:s0], [sflag:$0x1] =	stream.indirect.gather @!p6 [hbm4b:s4+s31], $0x80, s2, s31, $0xb8;
	[tilespmem:$0x1F000] =	vst v63  }
0x9e: {  	s20 =	simm.s32 @p5 $0x28;
	s2 =	simm.s32 @p5 $0x19C80;
	s0 =	simm.s32 @p5 $0x13880  }
0x9f: {  	[tilespmem:s0], [sflag:$0x1] =	stream.indirect.gather @p5 [hbm4b:s6+s20], $0x80, s2, s20, $0xb8;
	[tilespmem:$0x1F000] =	vst v63  }
0xa0: {  	_ =	swait.ge [sflag:s19], $0x28  }
0xa1: {  	[sflag:s19] =	ssyncset.done $0x0  }
0xa2: {  	s2 =	simm.s32 @!p6 $0x19D00;
	s0 =	simm.s32 @!p6 $0x14C80;
	[sflag:s19] =	ssyncadd.s32 $0xFFFFFFD8  }
0xa3: {  	[tilespmem:s0], [sflag:$0x2] =	stream.indirect.gather @!p6 [hbm4b:s4+s31], $0x80, s2, s31, $0xb8;
	[tilespmem:$0x1F000] =	vst v63  }
0xa4: {  	s22 =	simm.s32 $0xD;
	s2 =	simm.s32 @p5 $0x19D00;
	s0 =	simm.s32 @p5 $0x14C80  }
0xa5: {  	[tilespmem:s0], [sflag:$0x2] =	stream.indirect.gather @p5 [hbm4b:s6+s20], $0x80, s2, s20, $0xb8;
	[tilespmem:$0x1F000] =	vst v63  }
0xa6: {  	_ =	swait.ge [sflag:s22], $0x28  }
0xa7: {  	[sflag:s22] =	ssyncset.done $0x0  }
0xa8: {  	s2 =	simm.s32 @!p6 $0x19D80;
	s0 =	simm.s32 @!p6 $0x16080;
	[sflag:s22] =	ssyncadd.s32 $0xFFFFFFD8  }
0xa9: {  	[tilespmem:s0], [sflag:$0x3] =	stream.indirect.gather @!p6 [hbm4b:s4+s31], $0x80, s2, s31, $0xb8;
	[tilespmem:$0x1F000] =	vst v63  }
0xaa: {  	s26 =	simm.s32 $0xE;
	s2 =	simm.s32 @p5 $0x19D80;
	s0 =	simm.s32 @p5 $0x16080  }
0xab: {  	[tilespmem:s0], [sflag:$0x3] =	stream.indirect.gather @p5 [hbm4b:s6+s20], $0x80, s2, s20, $0xb8;
	[tilespmem:$0x1F000] =	vst v63  }
0xac: {  	_ =	swait.ge [sflag:s26], $0x28  }
0xad: {  	[sflag:s26] =	ssyncset.done $0x0  }
0xae: {  	s2 =	simm.s32 @!p6 $0x19E00;
	s0 =	simm.s32 @!p6 $0x17480;
	[sflag:s26] =	ssyncadd.s32 $0xFFFFFFD8  }
0xaf: {  	[tilespmem:s0], [sflag:$0x4] =	stream.indirect.gather @!p6 [hbm4b:s4+s31], $0x80, s2, s31, $0xb8;
	[tilespmem:$0x1F000] =	vst v63  }
0xb0: {  	s2 =	simm.s32 @p5 $0x19E00;
	s0 =	simm.s32 @p5 $0x17480  }
0xb1: {  	[tilespmem:s0], [sflag:$0x4] =	stream.indirect.gather @p5 [hbm4b:s6+s20], $0x80, s2, s20, $0xb8;
	[tilespmem:$0x1F000] =	vst v63  }
0xb2: {  	s5 =	simm.s32 $0x0;
	s9 =	simm.s32 $0x1A248;
	[bflag:$0x0] =	sbarrier.arrive $0xFFFF  }
.LBB2_7:
0xb3: {  	p0 =	seq.s32 s5, $0x0  }
0xb4: {  	s2 =	simm.s32 @!p0 $0xA  }
0xb5: {  	_ =	swait.ge @!p0 [sflag:s2], $0x1400  }
0xb6: {  	[sflag:s2] =	ssyncset.done @!p0 $0x0  }
0xb7: {  	s15 =	simm.s32 $0xF;
	[sflag:s2] =	ssyncadd.s32 @!p0 $0xFFFFEC00  }
0xb8: {  	_ =	swait.ge [sflag:s15], $0x28  }
0xb9: {  	[sflag:s15] =	ssyncset.done $0x0  }
0xba: {  	s26 =	simm.s32 @!p6 $0x18880;
	s2 =	simm.s32 @!p6 $0x19E80;
	[sflag:s15] =	ssyncadd.s32 $0xFFFFFFD8  }
0xbb: {  	[tilespmem:s26], [sflag:$0x5] =	stream.indirect.gather @!p6 [hbm4b:s4+s31], $0x80, s2, s31, $0xb8;
	[tilespmem:$0x1F000] =	vst v63  }
0xbc: {  	s15 =	simm.s32 @p5 $0x19E80;
	s2 =	simm.s32 @p5 $0x18880  }
0xbd: {  	[tilespmem:s2], [sflag:$0x5] =	stream.indirect.gather @p5 [hbm4b:s6+s20], $0x80, s15, s20, $0xb8;
	[tilespmem:$0x1F000] =	vst v63  }
0xbe: {  	_ =	swait.ge [sflag:s13], $0x1400  }
0xbf: {  	[sflag:s13] =	ssyncset.done $0x0  }
0xc0: {  	s16 =	sadd.s32 $0xFFFFFF38, s9;
	s18 =	simm.s32 $0x13880;
	[sflag:s13] =	ssyncadd.s32 $0xFFFFEC00  }
0xc1: {  	[spmem:s1] =	stream.indirect.scatter.add.f32 [tilespmem:s18], [sflag:$0x6], $0x80, s16, s7, $0xb8;
	[tilespmem:$0x1F000] =	vst v63  }
0xc2: {  	s16 =	sadd.s32 s5, s21  }
0xc3: {  	s12 =	simm.s32 $0x1A080;
	s19 =	sadd.s32 $0x28, s16  }
0xc4: {  	[tilespmem:s12], [sflag:$0x13] =	stream.linear.gather [hbm4b:s19+s3], $0x28, $0x38;
	[tilespmem:$0x1F000] =	vst v63  }
0xc5: {  	_ =	swait.ge [sflag:s17], $0x1400  }
0xc6: {  	[sflag:s17] =	ssyncset.done $0x0  }
0xc7: {  	s22 =	simm.s32 $0x10;
	[sflag:s17] =	ssyncadd.s32 $0xFFFFEC00  }
0xc8: {  	_ =	swait.ge [sflag:s22], $0x28  }
0xc9: {  	[sflag:s22] =	ssyncset.done $0x0  }
0xca: {  	s0 =	simm.s32 @!p6 $0x13880;
	s15 =	simm.s32 @!p6 $0x19F00;
	[sflag:s22] =	ssyncadd.s32 $0xFFFFFFD8  }
0xcb: {  	[tilespmem:s0], [sflag:$0x1] =	stream.indirect.gather @!p6 [hbm4b:s4+s31], $0x80, s15, s31, $0xb8;
	[tilespmem:$0x1F000] =	vst v63  }
0xcc: {  	s15 =	simm.s32 @p5 $0x19F00;
	s0 =	simm.s32 @p5 $0x13880  }
0xcd: {  	[tilespmem:s0], [sflag:$0x1] =	stream.indirect.gather @p5 [hbm4b:s6+s20], $0x80, s15, s20, $0xb8;
	[tilespmem:$0x1F000] =	vst v63  }
0xce: {  	s0 =	simm.s32 $0x2  }
0xcf: {  	_ =	swait.ge [sflag:s0], $0x1400  }
0xd0: {  	[sflag:s0] =	ssyncset.done $0x0  }
0xd1: {  	s12 =	sadd.s32 $0xFFFFFF60, s9;
	s19 =	simm.s32 $0x14C80;
	[sflag:s0] =	ssyncadd.s32 $0xFFFFEC00  }
0xd2: {  	[spmem:s1] =	stream.indirect.scatter.add.f32 [tilespmem:s19], [sflag:$0x7], $0x80, s12, s7, $0xb8;
	[tilespmem:$0x1F000] =	vst v63  }
0xd3: {  	s22 =	sadd.s32 $0x2D, s16;
	s0 =	simm.s32 $0x1A100  }
0xd4: {  	[tilespmem:s0], [sflag:$0x14] =	stream.linear.gather [hbm4b:s22+s3], $0x28, $0x38;
	[tilespmem:$0x1F000] =	vst v63  }
0xd5: {  	_ =	swait.ge [sflag:s23], $0x1400  }
0xd6: {  	[sflag:s23] =	ssyncset.done $0x0  }
0xd7: {  	s19 =	simm.s32 $0x11;
	[sflag:s23] =	ssyncadd.s32 $0xFFFFEC00  }
0xd8: {  	_ =	swait.ge [sflag:s19], $0x28  }
0xd9: {  	[sflag:s19] =	ssyncset.done $0x0  }
0xda: {  	s15 =	simm.s32 @!p6 $0x19F80;
	s0 =	simm.s32 @!p6 $0x14C80;
	[sflag:s19] =	ssyncadd.s32 $0xFFFFFFD8  }
0xdb: {  	[tilespmem:s0], [sflag:$0x2] =	stream.indirect.gather @!p6 [hbm4b:s4+s31], $0x80, s15, s31, $0xb8;
	[tilespmem:$0x1F000] =	vst v63  }
0xdc: {  	s15 =	simm.s32 @p5 $0x19F80;
	s0 =	simm.s32 @p5 $0x14C80  }
0xdd: {  	[tilespmem:s0], [sflag:$0x2] =	stream.indirect.gather @p5 [hbm4b:s6+s20], $0x80, s15, s20, $0xb8;
	[tilespmem:$0x1F000] =	vst v63  }
0xde: {  	_ =	swait.ge [sflag:s25], $0x1400  }
0xdf: {  	[sflag:s25] =	ssyncset.done $0x0  }
0xe0: {  	p0 =	seq.s32 s5, $0x992;
	s22 =	sadd.s32 $0xFFFFFF88, s9;
	[sflag:s25] =	ssyncadd.s32 $0xFFFFEC00  }
0xe1: {  	[spmem:s1] =	stream.indirect.scatter.add.f32 [tilespmem:s14], [sflag:$0x8], $0x80, s22, s7, $0xb8;
	[tilespmem:$0x1F000] =	vst v63  }
0xe2: {  	s22 =	sadd.s32 @!p0 s5, s21  }
0xe3: {  	s12 =	simm.s32 @!p0 $0x19C80;
	s15 =	simm.s32 @!p0 $0x0;
	s3 =	sadd.s32 @!p0 $0x32, s22  }
0xe4: {  	[tilespmem:s12], [sflag:$0xB] =	stream.linear.gather @!p0 [hbm4b:s3+s15], $0x28, $0x38;
	[tilespmem:$0x1F000] =	vst v63  }
0xe5: {  	_ =	swait.ge [sflag:s28], $0x1400  }
0xe6: {  	[sflag:s28] =	ssyncset.done $0x0  }
0xe7: {  	s0 =	simm.s32 $0x12;
	[sflag:s28] =	ssyncadd.s32 $0xFFFFEC00  }
0xe8: {  	_ =	swait.ge [sflag:s0], $0x28  }
0xe9: {  	[sflag:s0] =	ssyncset.done $0x0  }
0xea: {  	s3 =	simm.s32 @!p6 $0x1A000;
	[sflag:s0] =	ssyncadd.s32 $0xFFFFFFD8;
	s0 =	simm.s32 @!p6 $0x16080  }
0xeb: {  	[tilespmem:s0], [sflag:$0x3] =	stream.indirect.gather @!p6 [hbm4b:s4+s31], $0x80, s3, s31, $0xb8;
	[tilespmem:$0x1F000] =	vst v63  }
0xec: {  	s12 =	simm.s32 $0x4;
	s3 =	simm.s32 @p5 $0x1A000;
	s0 =	simm.s32 @p5 $0x16080  }
0xed: {  	[tilespmem:s0], [sflag:$0x3] =	stream.indirect.gather @p5 [hbm4b:s6+s20], $0x80, s3, s20, $0xb8;
	[tilespmem:$0x1F000] =	vst v63  }
0xee: {  	_ =	swait.ge [sflag:s12], $0x1400  }
0xef: {  	[sflag:s12] =	ssyncset.done $0x0  }
0xf0: {  	s19 =	sadd.s32 $0xFFFFFFB0, s9;
	s0 =	simm.s32 $0x17480;
	[sflag:s12] =	ssyncadd.s32 $0xFFFFEC00  }
0xf1: {  	[spmem:s1] =	stream.indirect.scatter.add.f32 [tilespmem:s0], [sflag:$0x9], $0x80, s19, s7, $0xb8;
	[tilespmem:$0x1F000] =	vst v63  }
0xf2: {  	s3 =	sadd.s32 @!p0 $0x37, s22;
	s12 =	simm.s32 @!p0 $0x19D00  }
0xf3: {  	[tilespmem:s12], [sflag:$0xC] =	stream.linear.gather @!p0 [hbm4b:s3+s15], $0x28, $0x38;
	[tilespmem:$0x1F000] =	vst v63  }
0xf4: {  	_ =	swait.ge [sflag:s11], $0x1400  }
0xf5: {  	[sflag:s11] =	ssyncset.done $0x0  }
0xf6: {  	[sflag:s11] =	ssyncadd.s32 $0xFFFFEC00  }
0xf7: {  	_ =	swait.ge [sflag:s29], $0x28  }
0xf8: {  	[sflag:s29] =	ssyncset.done $0x0  }
0xf9: {  	s0 =	simm.s32 @!p6 $0x17480;
	s3 =	simm.s32 @!p6 $0x1A080;
	[sflag:s29] =	ssyncadd.s32 $0xFFFFFFD8  }
0xfa: {  	[tilespmem:s0], [sflag:$0x4] =	stream.indirect.gather @!p6 [hbm4b:s4+s31], $0x80, s3, s31, $0xb8;
	[tilespmem:$0x1F000] =	vst v63  }
0xfb: {  	s3 =	simm.s32 @p5 $0x1A080;
	s0 =	simm.s32 @p5 $0x17480  }
0xfc: {  	[tilespmem:s0], [sflag:$0x4] =	stream.indirect.gather @p5 [hbm4b:s6+s20], $0x80, s3, s20, $0xb8;
	[tilespmem:$0x1F000] =	vst v63  }
0xfd: {  	_ =	swait.ge [sflag:s30], $0x1400  }
0xfe: {  	[sflag:s30] =	ssyncset.done $0x0  }
0xff: {  	s12 =	sadd.s32 $0xFFFFFFD8, s9;
	s0 =	simm.s32 $0x18880;
	[sflag:s30] =	ssyncadd.s32 $0xFFFFEC00  }
0x100: {  	[spmem:s1] =	stream.indirect.scatter.add.f32 [tilespmem:s0], [sflag:$0xA], $0x80, s12, s7, $0xb8;
	[tilespmem:$0x1F000] =	vst v63  }
0x101: {  	s3 =	sadd.s32 @!p0 $0x3C, s22;
	s12 =	simm.s32 @!p0 $0x19D80  }
0x102: {  	[tilespmem:s12], [sflag:$0xD] =	stream.linear.gather @!p0 [hbm4b:s3+s15], $0x28, $0x38;
	[tilespmem:$0x1F000] =	vst v63  }
0x103: {  	_ =	swait.ge [sflag:s8], $0x1400  }
0x104: {  	[sflag:s8] =	ssyncset.done $0x0  }
0x105: {  	[sflag:s8] =	ssyncadd.s32 $0xFFFFEC00  }
0x106: {  	_ =	swait.ge [sflag:s10], $0x28  }
0x107: {  	[sflag:s10] =	ssyncset.done $0x0  }
0x108: {  	s3 =	simm.s32 @!p6 $0x1A100;
	[sflag:s10] =	ssyncadd.s32 $0xFFFFFFD8  }
0x109: {  	[tilespmem:s26], [sflag:$0x5] =	stream.indirect.gather @!p6 [hbm4b:s4+s31], $0x80, s3, s31, $0xb8;
	[tilespmem:$0x1F000] =	vst v63  }
0x10a: {  	s3 =	simm.s32 @p5 $0x1A100  }
0x10b: {  	[tilespmem:s2], [sflag:$0x5] =	stream.indirect.gather @p5 [hbm4b:s6+s20], $0x80, s3, s20, $0xb8;
	[tilespmem:$0x1F000] =	vst v63  }
0x10c: {  	_ =	swait.ge [sflag:s13], $0x1400  }
0x10d: {  	[sflag:s13] =	ssyncset.done $0x0  }
0x10e: {  	s2 =	simm.s32 @p0 $0x2;
	[sflag:s13] =	ssyncadd.s32 $0xFFFFEC00  }
0x10f: {  	[spmem:s1] =	stream.indirect.scatter.add.f32 [tilespmem:s18], [sflag:$0x6], $0x80, s9, s7, $0xb8;
	[tilespmem:$0x1F000] =	vst v63  }
0x110: {  	_ =	swait.ge @p0 [sflag:s2], $0x1400  }
0x111: {  	s12 =	simm.s32 @p0 $0x14C80;
	[sflag:s2] =	ssyncset.done @p0 $0x0  }
0x112: {  	s3 =	simm.s32 @p0 $0x28;
	[sflag:s2] =	ssyncadd.s32 @p0 $0xFFFFEC00;
	s2 =	sadd.s32 @p0 $0x28, s9  }
0x113: {  	[spmem:s1] =	stream.indirect.scatter.add.f32 @p0 [tilespmem:s12], [sflag:$0x7], $0x80, s2, s3, $0xb8;
	[tilespmem:$0x1F000] =	vst v63  }
0x114: {  	s2 =	sadd.s32 @!p0 $0x41, s22;
	s12 =	simm.s32 @!p0 $0x19E00  }
0x115: {  	[tilespmem:s12], [sflag:$0xE] =	stream.linear.gather @!p0 [hbm4b:s2+s15], $0x28, $0x38;
	[tilespmem:$0x1F000] =	vst v63  }
0x116: {  	s2 =	simm.s32 @!p0 $0x6  }
0x117: {  	_ =	swait.ge @!p0 [sflag:s2], $0x1400  }
0x118: {  	[sflag:s2] =	ssyncset.done @!p0 $0x0  }
0x119: {  	[sflag:s2] =	ssyncadd.s32 @!p0 $0xFFFFEC00;
	s2 =	simm.s32 @!p0 $0xB  }
0x11a: {  	_ =	swait.ge @!p0 [sflag:s2], $0x28  }
0x11b: {  	s12 =	rddreg [dreg:$0x3]  }
0x11c: {  	[sflag:s2] =	ssyncset.done @!p0 $0x0;
	p1 =	sne.s32 @!p0 s12, $0x0  }
0x11d: {  	p4 =	por !p5, p0;
	[sflag:s2] =	ssyncadd.s32 @!p0 $0xFFFFFFD8;
	p1 =	por p1, p0  }
0x11e: {  	s2 =	simm.s32 @!p1 $0x28;
	s12 =	simm.s32 @!p1 $0x19C80;
	s26 =	simm.s32 @!p1 $0x13880  }
0x11f: {  	[tilespmem:s26], [sflag:$0x1] =	stream.indirect.gather @!p1 [hbm4b:s4+s2], $0x80, s12, s2, $0xb8;
	[tilespmem:$0x1F000] =	vst v63  }
0x120: {  	s18 =	simm.s32 @!p4 $0x13880;
	s26 =	simm.s32 @!p4 $0x28;
	s12 =	simm.s32 @!p4 $0x19C80  }
0x121: {  	[tilespmem:s18], [sflag:$0x1] =	stream.indirect.gather @!p4 [hbm4b:s6+s26], $0x80, s12, s26, $0xb8;
	[tilespmem:$0x1F000] =	vst v63  }
0x122: {  	s12 =	simm.s32 @!p0 $0x2  }
0x123: {  	_ =	swait.ge @!p0 [sflag:s12], $0x1400  }
0x124: {  	s19 =	simm.s32 @!p0 $0x14C80;
	[sflag:s12] =	ssyncset.done @!p0 $0x0  }
0x125: {  	s18 =	simm.s32 @!p0 $0x28;
	[sflag:s12] =	ssyncadd.s32 @!p0 $0xFFFFEC00;
	s12 =	sadd.s32 @!p0 $0x28, s9  }
0x126: {  	[spmem:s1] =	stream.indirect.scatter.add.f32 @!p0 [tilespmem:s19], [sflag:$0x7], $0x80, s12, s18, $0xb8;
	[tilespmem:$0x1F000] =	vst v63  }
0x127: {  	s12 =	sadd.s32 @!p0 $0x46, s22;
	s19 =	simm.s32 @!p0 $0x19E80  }
0x128: {  	[tilespmem:s19], [sflag:$0xF] =	stream.linear.gather @!p0 [hbm4b:s12+s15], $0x28, $0x38;
	[tilespmem:$0x1F000] =	vst v63  }
0x129: {  	s12 =	simm.s32 @!p0 $0x7  }
0x12a: {  	_ =	swait.ge @!p0 [sflag:s12], $0x1400  }
0x12b: {  	[sflag:s12] =	ssyncset.done @!p0 $0x0  }
0x12c: {  	[sflag:s12] =	ssyncadd.s32 @!p0 $0xFFFFEC00;
	s12 =	simm.s32 @!p0 $0xC  }
0x12d: {  	_ =	swait.ge @!p0 [sflag:s12], $0x28  }
0x12e: {  	[sflag:s12] =	ssyncset.done @!p0 $0x0  }
0x12f: {  	s19 =	simm.s32 @!p1 $0x14C80;
	[sflag:s12] =	ssyncadd.s32 @!p0 $0xFFFFFFD8;
	s12 =	simm.s32 @!p1 $0x19D00  }
0x130: {  	[tilespmem:s19], [sflag:$0x2] =	stream.indirect.gather @!p1 [hbm4b:s4+s2], $0x80, s12, s2, $0xb8;
	[tilespmem:$0x1F000] =	vst v63  }
0x131: {  	s12 =	simm.s32 @!p4 $0x19D00;
	s19 =	simm.s32 @!p4 $0x14C80  }
0x132: {  	[tilespmem:s19], [sflag:$0x2] =	stream.indirect.gather @!p4 [hbm4b:s6+s26], $0x80, s12, s26, $0xb8;
	[tilespmem:$0x1F000] =	vst v63  }
0x133: {  	_ =	swait.ge [sflag:s25], $0x1400  }
0x134: {  	[sflag:s25] =	ssyncset.done $0x0  }
0x135: {  	s19 =	sadd.s32 $0x50, s9;
	s12 =	simm.s32 @p0 $0x4;
	[sflag:s25] =	ssyncadd.s32 $0xFFFFEC00  }
0x136: {  	[spmem:s1] =	stream.indirect.scatter.add.f32 [tilespmem:s14], [sflag:$0x8], $0x80, s19, s7, $0xb8;
	[tilespmem:$0x1F000] =	vst v63  }
0x137: {  	_ =	swait.ge @p0 [sflag:s12], $0x1400  }
0x138: {  	[sflag:s12] =	ssyncset.done @p0 $0x0  }
0x139: {  	s19 =	simm.s32 @p0 $0x17480;
	[sflag:s12] =	ssyncadd.s32 @p0 $0xFFFFEC00;
	s12 =	sadd.s32 @p0 $0x78, s9  }
0x13a: {  	[spmem:s1] =	stream.indirect.scatter.add.f32 @p0 [tilespmem:s19], [sflag:$0x9], $0x80, s12, s3, $0xb8;
	[tilespmem:$0x1F000] =	vst v63  }
0x13b: {  	s3 =	sadd.s32 @!p0 $0x4B, s22;
	s12 =	simm.s32 @!p0 $0x19F00  }
0x13c: {  	[tilespmem:s12], [sflag:$0x10] =	stream.linear.gather @!p0 [hbm4b:s3+s15], $0x28, $0x38;
	[tilespmem:$0x1F000] =	vst v63  }
0x13d: {  	s3 =	simm.s32 @!p0 $0x8  }
0x13e: {  	_ =	swait.ge @!p0 [sflag:s3], $0x1400  }
0x13f: {  	[sflag:s3] =	ssyncset.done @!p0 $0x0  }
0x140: {  	[sflag:s3] =	ssyncadd.s32 @!p0 $0xFFFFEC00;
	s3 =	simm.s32 @!p0 $0xD  }
0x141: {  	_ =	swait.ge @!p0 [sflag:s3], $0x28  }
0x142: {  	[sflag:s3] =	ssyncset.done @!p0 $0x0  }
0x143: {  	s12 =	simm.s32 @!p1 $0x16080;
	[sflag:s3] =	ssyncadd.s32 @!p0 $0xFFFFFFD8;
	s3 =	simm.s32 @!p1 $0x19D80  }
0x144: {  	[tilespmem:s12], [sflag:$0x3] =	stream.indirect.gather @!p1 [hbm4b:s4+s2], $0x80, s3, s2, $0xb8;
	[tilespmem:$0x1F000] =	vst v63  }
0x145: {  	s3 =	simm.s32 @!p4 $0x19D80;
	s12 =	simm.s32 @!p4 $0x16080  }
0x146: {  	[tilespmem:s12], [sflag:$0x3] =	stream.indirect.gather @!p4 [hbm4b:s6+s26], $0x80, s3, s26, $0xb8;
	[tilespmem:$0x1F000] =	vst v63  }
0x147: {  	s3 =	simm.s32 @!p0 $0x4  }
0x148: {  	_ =	swait.ge @!p0 [sflag:s3], $0x1400  }
0x149: {  	[sflag:s3] =	ssyncset.done @!p0 $0x0  }
0x14a: {  	s12 =	simm.s32 @!p0 $0x17480;
	[sflag:s3] =	ssyncadd.s32 @!p0 $0xFFFFEC00;
	s3 =	sadd.s32 @!p0 $0x78, s9  }
0x14b: {  	[spmem:s1] =	stream.indirect.scatter.add.f32 @!p0 [tilespmem:s12], [sflag:$0x9], $0x80, s3, s18, $0xb8;
	[tilespmem:$0x1F000] =	vst v63  }
0x14c: {  	s3 =	sadd.s32 @!p0 $0x50, s22;
	s12 =	simm.s32 @!p0 $0x19F80  }
0x14d: {  	[tilespmem:s12], [sflag:$0x11] =	stream.linear.gather @!p0 [hbm4b:s3+s15], $0x28, $0x38;
	[tilespmem:$0x1F000] =	vst v63  }
0x14e: {  	s3 =	simm.s32 @!p0 $0x9  }
0x14f: {  	_ =	swait.ge @!p0 [sflag:s3], $0x1400  }
0x150: {  	[sflag:s3] =	ssyncset.done @!p0 $0x0  }
0x151: {  	[sflag:s3] =	ssyncadd.s32 @!p0 $0xFFFFEC00;
	s3 =	simm.s32 @!p0 $0xE  }
0x152: {  	_ =	swait.ge @!p0 [sflag:s3], $0x28  }
0x153: {  	[sflag:s3] =	ssyncset.done @!p0 $0x0  }
0x154: {  	s12 =	simm.s32 @!p1 $0x17480;
	[sflag:s3] =	ssyncadd.s32 @!p0 $0xFFFFFFD8;
	s3 =	simm.s32 @!p1 $0x19E00  }
0x155: {  	[tilespmem:s12], [sflag:$0x4] =	stream.indirect.gather @!p1 [hbm4b:s4+s2], $0x80, s3, s2, $0xb8;
	[tilespmem:$0x1F000] =	vst v63  }
0x156: {  	s2 =	simm.s32 @!p4 $0x19E00;
	s3 =	simm.s32 @!p4 $0x17480  }
0x157: {  	[tilespmem:s3], [sflag:$0x4] =	stream.indirect.gather @!p4 [hbm4b:s6+s26], $0x80, s2, s26, $0xb8;
	[tilespmem:$0x1F000] =	vst v63  }
.Ltmp6:
0x158: {  	_ = 	snop;
	(pc) =	sbr.rel @p0 .LBB2_9-.Ltmp6, $4  }
0x159: {  	_ =	swait.ge [sflag:s30], $0x1400  }
0x15a: {  	[sflag:s30] =	ssyncset.done $0x0  }
0x15b: {  	s26 =	sadd.s32 $0xA0, s9;
	[sflag:s30] =	ssyncadd.s32 $0xFFFFEC00  }
0x15c: {  	[spmem:s1] =	stream.indirect.scatter.add.f32 [tilespmem:s0], [sflag:$0xA], $0x80, s26, s7, $0xb8;
	[tilespmem:$0x1F000] =	vst v63  }
.Ltmp7:
0x15d: {  	(pc) =	sbr.rel .LBB2_7-.Ltmp7, $4  }
0x15e: {  	_ = 	snop  }
0x15f: {  	s2 =	sadd.s32 $0x55, s16;
	s3 =	simm.s32 $0x1A000  }
0x160: {  	[tilespmem:s3], [sflag:$0x12] =	stream.linear.gather [hbm4b:s2+s24], $0x28, $0x38;
	[tilespmem:$0x1F000] =	vst v63  }
0x161: {  	s5 =	sadd.s32 $0x32, s5;
	s9 =	sadd.s32 $0x190, s9;
	s3 =	simm.s32 $0x0  }
.LBB2_10:
0x162: {  	_ =	sfence.sel $0x180000  }
0x163: {  	[bflag:$0x0] =	sbarrier.arrive $0xFFFF  }
0x164: {  	_ =	strace $0x90000047  }
0x165: {  	[bflag:$0x2] =	sbarrier.arrive $0xFFFF  }
0x166: {  	p0 =	sne.s32 s15, $0x0;
	s0 =	rddreg [dreg:$0x2]  }
0x167: {  	s0 =	sadd.s32 @!p0 $0x100000, s0  }
0x168: {  	[sflag:s0] =	ssyncadd.tile.s32 @!p0 $0x1;
	_ =	shalt  }
.Lfunc_end2:
_tile_overlayer_lowered:
.L_overlay_start_2:
0x169: {  	(tag) =	ssettag $0x2  }
0x16a: {  	s0 =	rddreg [dreg:$0x0];
	s2 =	stileid.u32  }
0x16b: {  	s1 =	rddreg [dreg:$0x1];
	p0 =	sne.s32 s2, $0x0  }
0x16c: {  	s3 =	rddreg [dreg:$0x2];
	[bflag:$0x3] =	sbarrier.arrive $0xFFFF;
	s2 =	simm.s32 @!p0 $0x1C16  }
0x16d: {  	[timem:s3], [sflag:s2] =	dma.local @!p0 [hbm:s0], s1  }
0x16e: {  	s0 =	simm.s32 @!p0 $0x16  }
0x16f: {  	_ =	swait.ge @!p0 [sflag:s0], s1  }
0x170: {  	s1 =	ssub.s32 @!p0 $0x0, s1;
	[sflag:s0] =	ssyncset.done @!p0 $0x0  }
0x171: {  	[sflag:s0] =	ssyncadd.s32 @!p0 s1  }
0x172: {  	[bflag:$0x3] =	sbarrier.arrive $0xFFFF  }
0x173: {  	_ =	shalt  }

</sc_bundles>
